<compile_context>
chip_gen: v7x
topology: tpu7x:2x2x1
jax: 0.10.2.dev20260603
libtpu: 0.0.44.dev20260713+nightly
codegen_flags: <defaults>
</compile_context>

<pallas_src>
import jax
import jax.numpy as jnp
from jax import lax
from jax.experimental import pallas as pl
from jax.experimental.pallas import tpu as pltpu
from jax.experimental.pallas import tpu_sc as plsc

_C = 1000
_EPS = 1e-07
_B = 16384
_TB = 2048
_NT = 16
_EPT = _B // _NT
_LANES = 16
_HR = 32


def _argmax_kernel(yp_ref, out_ref):
    x = yp_ref[...]
    m = jnp.max(x, axis=1, keepdims=True)
    cls = lax.broadcasted_iota(jnp.int32, x.shape, 1)
    pred = jnp.min(jnp.where(x == m, cls, _C), axis=1)
    out_ref[...] = pred.reshape(1, 1, _TB)


def _sc_hist_f1(yt_hbm, pr_hbm, out_hbm, tvm, pvm, hist, idxr, outv, shared):
    sid = lax.axis_index("s")
    base = sid * _EPT
    pltpu.sync_copy(yt_hbm.at[pl.ds(base, _EPT)], tvm)
    pltpu.sync_copy(pr_hbm.at[pl.ds(base, _EPT)], pvm)

    zero16 = jnp.zeros((_LANES,), jnp.float32)
    for r in range(_HR):
        for k in range(8):
            hist[r, pl.ds(k * _LANES, _LANES)] = zero16
    iota16 = lax.iota(jnp.int32, _LANES)
    idxr[pl.ds(0, _LANES)] = iota16
    idxr[pl.ds(_LANES, _LANES)] = iota16 + _LANES

    @pl.when(sid == 0)
    def _zero_shared():
        pltpu.sync_copy(hist, shared)

    plsc.subcore_barrier()

    ones = jnp.ones((_LANES,), jnp.float32)
    for j in range(_EPT // _LANES):
        t = tvm[pl.ds(j * _LANES, _LANES)]
        p = pvm[pl.ds(j * _LANES, _LANES)]
        trow = lax.shift_right_logical(t, 7)
        prow = lax.shift_right_logical(p, 7)
        tcol = lax.bitwise_and(t, 127)
        pcol = lax.bitwise_and(p, 127)
        plsc.addupdate_scatter(hist, [trow, tcol], ones)
        plsc.addupdate_scatter(hist, [prow + 8, pcol], ones)
        plsc.addupdate_scatter(hist, [prow + 16, pcol], ones, mask=t == p)

    pltpu.sync_copy(hist, shared.at[idxr], add=True)
    plsc.subcore_barrier()

    @pl.when(sid == 0)
    def _final():
        pltpu.sync_copy(shared, hist)
        s_acc = jnp.zeros((_LANES,), jnp.float32)
        p_acc = jnp.zeros((_LANES,), jnp.float32)
        for r in range(8):
            for k in range(8):
                ht = hist[r, pl.ds(k * _LANES, _LANES)]
                hp = hist[8 + r, pl.ds(k * _LANES, _LANES)]
                tp = hist[16 + r, pl.ds(k * _LANES, _LANES)]
                s_acc = s_acc + tp / (hp + _EPS)
                p_acc = p_acc + tp / (ht + _EPS)
        sens = jnp.broadcast_to(jnp.sum(s_acc), (_LANES,)) / _C
        prec = jnp.broadcast_to(jnp.sum(p_acc), (_LANES,)) / _C
        outv[...] = 2.0 * prec * sens / (prec + sens + _EPS)
        pltpu.sync_copy(outv, out_hbm)


_sc_call = pl.kernel(
    _sc_hist_f1,
    out_type=jax.ShapeDtypeStruct((_LANES,), jnp.float32),
    mesh=plsc.VectorSubcoreMesh(
        core_axis_name="c", subcore_axis_name="s", num_cores=1, num_subcores=_NT
    ),
    scratch_types=[
        pltpu.VMEM((_EPT,), jnp.int32),
        pltpu.VMEM((_EPT,), jnp.int32),
        pltpu.VMEM((_HR, 128), jnp.float32),
        pltpu.VMEM((_HR,), jnp.int32),
        pltpu.VMEM((_LANES,), jnp.float32),
        pltpu.VMEM_SHARED((_HR, 128), jnp.float32),
    ],
    compiler_params=pltpu.CompilerParams(needs_layout_passes=False),
)


def kernel(y_pred, y_true):
    nb = _B // _TB
    pred3 = pl.pallas_call(
        _argmax_kernel,
        grid=(nb,),
        in_specs=[pl.BlockSpec((_TB, _C), lambda i: (i, 0))],
        out_specs=pl.BlockSpec((1, 1, _TB), lambda i: (i, 0, 0)),
        out_shape=jax.ShapeDtypeStruct((nb, 1, _TB), jnp.int32),
    )(y_pred)
    f1v = _sc_call(y_true, pred3.reshape(_B))
    return f1v[0]

# --- scband reference (transcript-rebuilt; emitter-appended) ---
"""Pipeline reference for scband-f1-66365834657892 (READ-ONLY COPY).

The authoritative reference and input builder live on the scoring server;
editing this copy changes nothing except your own understanding.
"""

import jax, jax.numpy as jnp
import numpy as np

CLASSES = 1000
EPS = 1e-07
BATCH = 16384


def setup_inputs(seed: int = 0) -> dict:
    key = jax.random.key(seed)
    k1, k2 = jax.random.split(key)
    y_pred = jax.random.normal(k1, (BATCH, CLASSES), dtype=jnp.float32)
    y_true = jax.random.randint(k2, (BATCH,), 0, CLASSES, dtype=jnp.int32)
    return {"y_pred": y_pred, "y_true": y_true}


def reference(y_pred, y_true):
    # argmax over class dim (same as torch.argmax(y_pred, 1))
    pred = jnp.argmax(y_pred, axis=1)
    # confusion matrix via scatter-add: conf[t, p] += 1
    conf = jnp.zeros((CLASSES, CLASSES), dtype=jnp.float32).at[y_true, pred].add(1.0)
    TP = jnp.diag(conf)
    # Original loop: FP = conf[label, idx].sum() -> row sum excluding diagonal
    #                FN = conf[idx, label].sum() -> column sum excluding diagonal
    row_sums = jnp.sum(conf, axis=1)
    col_sums = jnp.sum(conf, axis=0)
    FP = row_sums - TP
    FN = col_sums - TP
    sensitivity = jnp.sum(TP / (TP + FN + EPS)) / CLASSES
    precision = jnp.sum(TP / (TP + FP + EPS)) / CLASSES
    f1_score = 2.0 * (precision * sensitivity / (precision + sensitivity + EPS))
    return f1_score

if __name__ == "__main__":
    import jax
    _d = setup_inputs()
    print(jax.jit(kernel)(*tuple(_d.values())))

</pallas_src>

<mosaic_0001>
#map = affine_map<(d0, d1) -> (0)>
module attributes {stable_mosaic.version = 14 : i64} {
  func.func @_sc_hist_f1(%arg0: i32, %arg1: i32, %arg2: memref<16384xi32, #tpu.memory_space<hbm>>, %arg3: memref<16384xi32, #tpu.memory_space<hbm>>, %arg4: memref<16xf32, #tpu.memory_space<hbm>>, %arg5: memref<1024xi32, #tpu.memory_space<vmem>>, %arg6: memref<1024xi32, #tpu.memory_space<vmem>>, %arg7: memref<32x128xf32, #tpu.memory_space<vmem>>, %arg8: memref<32xi32, #tpu.memory_space<vmem>>, %arg9: memref<16xf32, #tpu.memory_space<vmem>>, %arg10: memref<32x128xf32, #tpu.memory_space<vmem_shared>>) attributes {dimension_semantics = [#tpu.dimension_semantics<core_parallel>, #tpu.dimension_semantics<subcore_parallel>], iteration_bounds = array<i64: 1, 16>, scalar_prefetch = 0 : i64, scratch_operands = 6 : i64, tpu.core_type = #tpu.core_type<sc_vector_subcore>, window_params = [{transform_indices = #map}, {transform_indices = #map}, {transform_indices = #map}]} {
    %mul3A = arith.constant 1024 : i32
    %mul3A_0 = arith.muli %arg1, %mul3A : i32
    "tpu.region"() ({
      %run_scoped3A = tpu.sem_alloc : memref<!tpu.dma_semaphore, #tpu.memory_space<semaphore_mem>>
      %dma_start3A = tpu.memref_slice %arg2[%mul3A_0] : memref<16384xi32, #tpu.memory_space<hbm>> -> memref<1024xi32, #tpu.memory_space<hbm>>
      %dma_start3A_2510 = tpu.memref_slice %arg2[%mul3A_0] : memref<16384xi32, #tpu.memory_space<hbm>> -> memref<1024xi32, #tpu.memory_space<hbm>>
      tpu.enqueue_dma source(%dma_start3A_2510 : memref<1024xi32, #tpu.memory_space<hbm>>) target(%arg5 : memref<1024xi32, #tpu.memory_space<vmem>>) target_semaphore(%run_scoped3A : memref<!tpu.dma_semaphore, #tpu.memory_space<semaphore_mem>>)
      %dma_wait3A = tpu.memref_slice %arg2[%mul3A_0] : memref<16384xi32, #tpu.memory_space<hbm>> -> memref<1024xi32, #tpu.memory_space<hbm>>
      %dma_wait3A_2511 = tpu.memref_slice %arg2[%mul3A_0] : memref<16384xi32, #tpu.memory_space<hbm>> -> memref<1024xi32, #tpu.memory_space<hbm>>
      tpu.wait_dma2 semaphore(%run_scoped3A : memref<!tpu.dma_semaphore, #tpu.memory_space<semaphore_mem>>) src(%dma_wait3A_2511 : memref<1024xi32, #tpu.memory_space<hbm>>) dst(%arg5 : memref<1024xi32, #tpu.memory_space<vmem>>)
      tpu.yield
    }) : () -> ()
    "tpu.region"() ({
      %run_scoped3A = tpu.sem_alloc : memref<!tpu.dma_semaphore, #tpu.memory_space<semaphore_mem>>
      %dma_start3A = tpu.memref_slice %arg3[%mul3A_0] : memref<16384xi32, #tpu.memory_space<hbm>> -> memref<1024xi32, #tpu.memory_space<hbm>>
      %dma_start3A_2510 = tpu.memref_slice %arg3[%mul3A_0] : memref<16384xi32, #tpu.memory_space<hbm>> -> memref<1024xi32, #tpu.memory_space<hbm>>
      tpu.enqueue_dma source(%dma_start3A_2510 : memref<1024xi32, #tpu.memory_space<hbm>>) target(%arg6 : memref<1024xi32, #tpu.memory_space<vmem>>) target_semaphore(%run_scoped3A : memref<!tpu.dma_semaphore, #tpu.memory_space<semaphore_mem>>)
      %dma_wait3A = tpu.memref_slice %arg3[%mul3A_0] : memref<16384xi32, #tpu.memory_space<hbm>> -> memref<1024xi32, #tpu.memory_space<hbm>>
      %dma_wait3A_2511 = tpu.memref_slice %arg3[%mul3A_0] : memref<16384xi32, #tpu.memory_space<hbm>> -> memref<1024xi32, #tpu.memory_space<hbm>>
      tpu.wait_dma2 semaphore(%run_scoped3A : memref<!tpu.dma_semaphore, #tpu.memory_space<semaphore_mem>>) src(%dma_wait3A_2511 : memref<1024xi32, #tpu.memory_space<hbm>>) dst(%arg6 : memref<1024xi32, #tpu.memory_space<vmem>>)
      tpu.yield
    }) : () -> ()
    %broadcast_in_dim3A = arith.constant 0.000000e+00 : f32
    %broadcast_in_dim3A_1 = vector.broadcast %broadcast_in_dim3A : f32 to vector<16xf32>
    %swap3A = arith.constant 0 : i32
    %swap3A_2 = arith.index_cast %swap3A : i32 to index
    %swap3A_3 = arith.constant 0 : index
    %swap3A_4 = tpu.vector_load %arg7[%swap3A_2, %swap3A_3] {strides = array<i32>} : memref<32x128xf32, #tpu.memory_space<vmem>>, vector<16xf32>,
    tpu.vector_store %arg7[%swap3A_2, %swap3A_3], %broadcast_in_dim3A_1 {strides = array<i32>} : memref<32x128xf32, #tpu.memory_space<vmem>>, vector<16xf32>,
    %swap3A_5 = arith.constant 0 : i32
    %swap3A_6 = arith.index_cast %swap3A_5 : i32 to index
    %swap3A_7 = arith.constant 16 : index
    %swap3A_8 = tpu.vector_load %arg7[%swap3A_6, %swap3A_7] {strides = array<i32>} : memref<32x128xf32, #tpu.memory_space<vmem>>, vector<16xf32>,
    tpu.vector_store %arg7[%swap3A_6, %swap3A_7], %broadcast_in_dim3A_1 {strides = array<i32>} : memref<32x128xf32, #tpu.memory_space<vmem>>, vector<16xf32>,
    %swap3A_9 = arith.constant 0 : i32
    %swap3A_10 = arith.index_cast %swap3A_9 : i32 to index
    %swap3A_11 = arith.constant 32 : index
    %swap3A_12 = tpu.vector_load %arg7[%swap3A_10, %swap3A_11] {strides = array<i32>} : memref<32x128xf32, #tpu.memory_space<vmem>>, vector<16xf32>,
    tpu.vector_store %arg7[%swap3A_10, %swap3A_11], %broadcast_in_dim3A_1 {strides = array<i32>} : memref<32x128xf32, #tpu.memory_space<vmem>>, vector<16xf32>,
    %swap3A_13 = arith.constant 0 : i32
    %swap3A_14 = arith.index_cast %swap3A_13 : i32 to index
    %swap3A_15 = arith.constant 48 : index
    %swap3A_16 = tpu.vector_load %arg7[%swap3A_14, %swap3A_15] {strides = array<i32>} : memref<32x128xf32, #tpu.memory_space<vmem>>, vector<16xf32>,
    tpu.vector_store %arg7[%swap3A_14, %swap3A_15], %broadcast_in_dim3A_1 {strides = array<i32>} : memref<32x128xf32, #tpu.memory_space<vmem>>, vector<16xf32>,
    %swap3A_17 = arith.constant 0 : i32
    %swap3A_18 = arith.index_cast %swap3A_17 : i32 to index
    %swap3A_19 = arith.constant 64 : index
    %swap3A_20 = tpu.vector_load %arg7[%swap3A_18, %swap3A_19] {strides = array<i32>} : memref<32x128xf32, #tpu.memory_space<vmem>>, vector<16xf32>,
    tpu.vector_store %arg7[%swap3A_18, %swap3A_19], %broadcast_in_dim3A_1 {strides = array<i32>} : memref<32x128xf32, #tpu.memory_space<vmem>>, vector<16xf32>,
    %swap3A_21 = arith.constant 0 : i32
    %swap3A_22 = arith.index_cast %swap3A_21 : i32 to index
    %swap3A_23 = arith.constant 80 : index
    %swap3A_24 = tpu.vector_load %arg7[%swap3A_22, %swap3A_23] {strides = array<i32>} : memref<32x128xf32, #tpu.memory_space<vmem>>, vector<16xf32>,
    tpu.vector_store %arg7[%swap3A_22, %swap3A_23], %broadcast_in_dim3A_1 {strides = array<i32>} : memref<32x128xf32, #tpu.memory_space<vmem>>, vector<16xf32>,
    %swap3A_25 = arith.constant 0 : i32
    %swap3A_26 = arith.index_cast %swap3A_25 : i32 to index
    %swap3A_27 = arith.constant 96 : index
    %swap3A_28 = tpu.vector_load %arg7[%swap3A_26, %swap3A_27] {strides = array<i32>} : memref<32x128xf32, #tpu.memory_space<vmem>>, vector<16xf32>,
    tpu.vector_store %arg7[%swap3A_26, %swap3A_27], %broadcast_in_dim3A_1 {strides = array<i32>} : memref<32x128xf32, #tpu.memory_space<vmem>>, vector<16xf32>,
    %swap3A_29 = arith.constant 0 : i32
    %swap3A_30 = arith.index_cast %swap3A_29 : i32 to index
    %swap3A_31 = arith.constant 112 : index
    %swap3A_32 = tpu.vector_load %arg7[%swap3A_30, %swap3A_31] {strides = array<i32>} : memref<32x128xf32, #tpu.memory_space<vmem>>, vector<16xf32>,
    tpu.vector_store %arg7[%swap3A_30, %swap3A_31], %broadcast_in_dim3A_1 {strides = array<i32>} : memref<32x128xf32, #tpu.memory_space<vmem>>, vector<16xf32>,
    %swap3A_33 = arith.constant 1 : i32
    %swap3A_34 = arith.index_cast %swap3A_33 : i32 to index
    %swap3A_35 = arith.constant 0 : index
    %swap3A_36 = tpu.vector_load %arg7[%swap3A_34, %swap3A_35] {strides = array<i32>} : memref<32x128xf32, #tpu.memory_space<vmem>>, vector<16xf32>,
    tpu.vector_store %arg7[%swap3A_34, %swap3A_35], %broadcast_in_dim3A_1 {strides = array<i32>} : memref<32x128xf32, #tpu.memory_space<vmem>>, vector<16xf32>,
    %swap3A_37 = arith.constant 1 : i32
    %swap3A_38 = arith.index_cast %swap3A_37 : i32 to index
    %swap3A_39 = arith.constant 16 : index
    %swap3A_40 = tpu.vector_load %arg7[%swap3A_38, %swap3A_39] {strides = array<i32>} : memref<32x128xf32, #tpu.memory_space<vmem>>, vector<16xf32>,
    tpu.vector_store %arg7[%swap3A_38, %swap3A_39], %broadcast_in_dim3A_1 {strides = array<i32>} : memref<32x128xf32, #tpu.memory_space<vmem>>, vector<16xf32>,
    %swap3A_41 = arith.constant 1 : i32
    %swap3A_42 = arith.index_cast %swap3A_41 : i32 to index
    %swap3A_43 = arith.constant 32 : index
    %swap3A_44 = tpu.vector_load %arg7[%swap3A_42, %swap3A_43] {strides = array<i32>} : memref<32x128xf32, #tpu.memory_space<vmem>>, vector<16xf32>,
    tpu.vector_store %arg7[%swap3A_42, %swap3A_43], %broadcast_in_dim3A_1 {strides = array<i32>} : memref<32x128xf32, #tpu.memory_space<vmem>>, vector<16xf32>,
    %swap3A_45 = arith.constant 1 : i32
    %swap3A_46 = arith.index_cast %swap3A_45 : i32 to index
    %swap3A_47 = arith.constant 48 : index
    %swap3A_48 = tpu.vector_load %arg7[%swap3A_46, %swap3A_47] {strides = array<i32>} : memref<32x128xf32, #tpu.memory_space<vmem>>, vector<16xf32>,
    tpu.vector_store %arg7[%swap3A_46, %swap3A_47], %broadcast_in_dim3A_1 {strides = array<i32>} : memref<32x128xf32, #tpu.memory_space<vmem>>, vector<16xf32>,
    %swap3A_49 = arith.constant 1 : i32
    %swap3A_50 = arith.index_cast %swap3A_49 : i32 to index
    %swap3A_51 = arith.constant 64 : index
    %swap3A_52 = tpu.vector_load %arg7[%swap3A_50, %swap3A_51] {strides = array<i32>} : memref<32x128xf32, #tpu.memory_space<vmem>>, vector<16xf32>,
    tpu.vector_store %arg7[%swap3A_50, %swap3A_51], %broadcast_in_dim3A_1 {strides = array<i32>} : memref<32x128xf32, #tpu.memory_space<vmem>>, vector<16xf32>,
    %swap3A_53 = arith.constant 1 : i32
    %swap3A_54 = arith.index_cast %swap3A_53 : i32 to index
    %swap3A_55 = arith.constant 80 : index
    %swap3A_56 = tpu.vector_load %arg7[%swap3A_54, %swap3A_55] {strides = array<i32>} : memref<32x128xf32, #tpu.memory_space<vmem>>, vector<16xf32>,
    tpu.vector_store %arg7[%swap3A_54, %swap3A_55], %broadcast_in_dim3A_1 {strides = array<i32>} : memref<32x128xf32, #tpu.memory_space<vmem>>, vector<16xf32>,
    %swap3A_57 = arith.constant 1 : i32
    %swap3A_58 = arith.index_cast %swap3A_57 : i32 to index
    %swap3A_59 = arith.constant 96 : index
    %swap3A_60 = tpu.vector_load %arg7[%swap3A_58, %swap3A_59] {strides = array<i32>} : memref<32x128xf32, #tpu.memory_space<vmem>>, vector<16xf32>,
    tpu.vector_store %arg7[%swap3A_58, %swap3A_59], %broadcast_in_dim3A_1 {strides = array<i32>} : memref<32x128xf32, #tpu.memory_space<vmem>>, vector<16xf32>,
    %swap3A_61 = arith.constant 1 : i32
    %swap3A_62 = arith.index_cast %swap3A_61 : i32 to index
    %swap3A_63 = arith.constant 112 : index
    %swap3A_64 = tpu.vector_load %arg7[%swap3A_62, %swap3A_63] {strides = array<i32>} : memref<32x128xf32, #tpu.memory_space<vmem>>, vector<16xf32>,
    tpu.vector_store %arg7[%swap3A_62, %swap3A_63], %broadcast_in_dim3A_1 {strides = array<i32>} : memref<32x128xf32, #tpu.memory_space<vmem>>, vector<16xf32>,
    %swap3A_65 = arith.constant 2 : i32
    %swap3A_66 = arith.index_cast %swap3A_65 : i32 to index
    %swap3A_67 = arith.constant 0 : index
    %swap3A_68 = tpu.vector_load %arg7[%swap3A_66, %swap3A_67] {strides = array<i32>} : memref<32x128xf32, #tpu.memory_space<vmem>>, vector<16xf32>,
    tpu.vector_store %arg7[%swap3A_66, %swap3A_67], %broadcast_in_dim3A_1 {strides = array<i32>} : memref<32x128xf32, #tpu.memory_space<vmem>>, vector<16xf32>,
    %swap3A_69 = arith.constant 2 : i32
    %swap3A_70 = arith.index_cast %swap3A_69 : i32 to index
    %swap3A_71 = arith.constant 16 : index
    %swap3A_72 = tpu.vector_load %arg7[%swap3A_70, %swap3A_71] {strides = array<i32>} : memref<32x128xf32, #tpu.memory_space<vmem>>, vector<16xf32>,
    tpu.vector_store %arg7[%swap3A_70, %swap3A_71], %broadcast_in_dim3A_1 {strides = array<i32>} : memref<32x128xf32, #tpu.memory_space<vmem>>, vector<16xf32>,
    %swap3A_73 = arith.constant 2 : i32
    %swap3A_74 = arith.index_cast %swap3A_73 : i32 to index
    %swap3A_75 = arith.constant 32 : index
    %swap3A_76 = tpu.vector_load %arg7[%swap3A_74, %swap3A_75] {strides = array<i32>} : memref<32x128xf32, #tpu.memory_space<vmem>>, vector<16xf32>,
    tpu.vector_store %arg7[%swap3A_74, %swap3A_75], %broadcast_in_dim3A_1 {strides = array<i32>} : memref<32x128xf32, #tpu.memory_space<vmem>>, vector<16xf32>,
    %swap3A_77 = arith.constant 2 : i32
    %swap3A_78 = arith.index_cast %swap3A_77 : i32 to index
    %swap3A_79 = arith.constant 48 : index
    %swap3A_80 = tpu.vector_load %arg7[%swap3A_78, %swap3A_79] {strides = array<i32>} : memref<32x128xf32, #tpu.memory_space<vmem>>, vector<16xf32>,
    tpu.vector_store %arg7[%swap3A_78, %swap3A_79], %broadcast_in_dim3A_1 {strides = array<i32>} : memref<32x128xf32, #tpu.memory_space<vmem>>, vector<16xf32>,
    %swap3A_81 = arith.constant 2 : i32
    %swap3A_82 = arith.index_cast %swap3A_81 : i32 to index
    %swap3A_83 = arith.constant 64 : index
    %swap3A_84 = tpu.vector_load %arg7[%swap3A_82, %swap3A_83] {strides = array<i32>} : memref<32x128xf32, #tpu.memory_space<vmem>>, vector<16xf32>,
    tpu.vector_store %arg7[%swap3A_82, %swap3A_83], %broadcast_in_dim3A_1 {strides = array<i32>} : memref<32x128xf32, #tpu.memory_space<vmem>>, vector<16xf32>,
    %swap3A_85 = arith.constant 2 : i32
    %swap3A_86 = arith.index_cast %swap3A_85 : i32 to index
    %swap3A_87 = arith.constant 80 : index
    %swap3A_88 = tpu.vector_load %arg7[%swap3A_86, %swap3A_87] {strides = array<i32>} : memref<32x128xf32, #tpu.memory_space<vmem>>, vector<16xf32>,
    tpu.vector_store %arg7[%swap3A_86, %swap3A_87], %broadcast_in_dim3A_1 {strides = array<i32>} : memref<32x128xf32, #tpu.memory_space<vmem>>, vector<16xf32>,
    %swap3A_89 = arith.constant 2 : i32
    %swap3A_90 = arith.index_cast %swap3A_89 : i32 to index
    %swap3A_91 = arith.constant 96 : index
    %swap3A_92 = tpu.vector_load %arg7[%swap3A_90, %swap3A_91] {strides = array<i32>} : memref<32x128xf32, #tpu.memory_space<vmem>>, vector<16xf32>,
    tpu.vector_store %arg7[%swap3A_90, %swap3A_91], %broadcast_in_dim3A_1 {strides = array<i32>} : memref<32x128xf32, #tpu.memory_space<vmem>>, vector<16xf32>,
    %swap3A_93 = arith.constant 2 : i32
    %swap3A_94 = arith.index_cast %swap3A_93 : i32 to index
    %swap3A_95 = arith.constant 112 : index
    %swap3A_96 = tpu.vector_load %arg7[%swap3A_94, %swap3A_95] {strides = array<i32>} : memref<32x128xf32, #tpu.memory_space<vmem>>, vector<16xf32>,
    tpu.vector_store %arg7[%swap3A_94, %swap3A_95], %broadcast_in_dim3A_1 {strides = array<i32>} : memref<32x128xf32, #tpu.memory_space<vmem>>, vector<16xf32>,
    %swap3A_97 = arith.constant 3 : i32
    %swap3A_98 = arith.index_cast %swap3A_97 : i32 to index
    %swap3A_99 = arith.constant 0 : index
    %swap3A_100 = tpu.vector_load %arg7[%swap3A_98, %swap3A_99] {strides = array<i32>} : memref<32x128xf32, #tpu.memory_space<vmem>>, vector<16xf32>,
    tpu.vector_store %arg7[%swap3A_98, %swap3A_99], %broadcast_in_dim3A_1 {strides = array<i32>} : memref<32x128xf32, #tpu.memory_space<vmem>>, vector<16xf32>,
    %swap3A_101 = arith.constant 3 : i32
    %swap3A_102 = arith.index_cast %swap3A_101 : i32 to index
    %swap3A_103 = arith.constant 16 : index
    %swap3A_104 = tpu.vector_load %arg7[%swap3A_102, %swap3A_103] {strides = array<i32>} : memref<32x128xf32, #tpu.memory_space<vmem>>, vector<16xf32>,
    tpu.vector_store %arg7[%swap3A_102, %swap3A_103], %broadcast_in_dim3A_1 {strides = array<i32>} : memref<32x128xf32, #tpu.memory_space<vmem>>, vector<16xf32>,
    %swap3A_105 = arith.constant 3 : i32
    %swap3A_106 = arith.index_cast %swap3A_105 : i32 to index
    %swap3A_107 = arith.constant 32 : index
    %swap3A_108 = tpu.vector_load %arg7[%swap3A_106, %swap3A_107] {strides = array<i32>} : memref<32x128xf32, #tpu.memory_space<vmem>>, vector<16xf32>,
    tpu.vector_store %arg7[%swap3A_106, %swap3A_107], %broadcast_in_dim3A_1 {strides = array<i32>} : memref<32x128xf32, #tpu.memory_space<vmem>>, vector<16xf32>,
    %swap3A_109 = arith.constant 3 : i32
    %swap3A_110 = arith.index_cast %swap3A_109 : i32 to index
    %swap3A_111 = arith.constant 48 : index
    %swap3A_112 = tpu.vector_load %arg7[%swap3A_110, %swap3A_111] {strides = array<i32>} : memref<32x128xf32, #tpu.memory_space<vmem>>, vector<16xf32>,
    tpu.vector_store %arg7[%swap3A_110, %swap3A_111], %broadcast_in_dim3A_1 {strides = array<i32>} : memref<32x128xf32, #tpu.memory_space<vmem>>, vector<16xf32>,
    %swap3A_113 = arith.constant 3 : i32
    %swap3A_114 = arith.index_cast %swap3A_113 : i32 to index
    %swap3A_115 = arith.constant 64 : index
    %swap3A_116 = tpu.vector_load %arg7[%swap3A_114, %swap3A_115] {strides = array<i32>} : memref<32x128xf32, #tpu.memory_space<vmem>>, vector<16xf32>,
    tpu.vector_store %arg7[%swap3A_114, %swap3A_115], %broadcast_in_dim3A_1 {strides = array<i32>} : memref<32x128xf32, #tpu.memory_space<vmem>>, vector<16xf32>,
    %swap3A_117 = arith.constant 3 : i32
    %swap3A_118 = arith.index_cast %swap3A_117 : i32 to index
    %swap3A_119 = arith.constant 80 : index
    %swap3A_120 = tpu.vector_load %arg7[%swap3A_118, %swap3A_119] {strides = array<i32>} : memref<32x128xf32, #tpu.memory_space<vmem>>, vector<16xf32>,
    tpu.vector_store %arg7[%swap3A_118, %swap3A_119], %broadcast_in_dim3A_1 {strides = array<i32>} : memref<32x128xf32, #tpu.memory_space<vmem>>, vector<16xf32>,
    %swap3A_121 = arith.constant 3 : i32
    %swap3A_122 = arith.index_cast %swap3A_121 : i32 to index
    %swap3A_123 = arith.constant 96 : index
    %swap3A_124 = tpu.vector_load %arg7[%swap3A_122, %swap3A_123] {strides = array<i32>} : memref<32x128xf32, #tpu.memory_space<vmem>>, vector<16xf32>,
    tpu.vector_store %arg7[%swap3A_122, %swap3A_123], %broadcast_in_dim3A_1 {strides = array<i32>} : memref<32x128xf32, #tpu.memory_space<vmem>>, vector<16xf32>,
    %swap3A_125 = arith.constant 3 : i32
    %swap3A_126 = arith.index_cast %swap3A_125 : i32 to index
    %swap3A_127 = arith.constant 112 : index
    %swap3A_128 = tpu.vector_load %arg7[%swap3A_126, %swap3A_127] {strides = array<i32>} : memref<32x128xf32, #tpu.memory_space<vmem>>, vector<16xf32>,
    tpu.vector_store %arg7[%swap3A_126, %swap3A_127], %broadcast_in_dim3A_1 {strides = array<i32>} : memref<32x128xf32, #tpu.memory_space<vmem>>, vector<16xf32>,
    %swap3A_129 = arith.constant 4 : i32
    %swap3A_130 = arith.index_cast %swap3A_129 : i32 to index
    %swap3A_131 = arith.constant 0 : index
    %swap3A_132 = tpu.vector_load %arg7[%swap3A_130, %swap3A_131] {strides = array<i32>} : memref<32x128xf32, #tpu.memory_space<vmem>>, vector<16xf32>,
    tpu.vector_store %arg7[%swap3A_130, %swap3A_131], %broadcast_in_dim3A_1 {strides = array<i32>} : memref<32x128xf32, #tpu.memory_space<vmem>>, vector<16xf32>,
    %swap3A_133 = arith.constant 4 : i32
    %swap3A_134 = arith.index_cast %swap3A_133 : i32 to index
    %swap3A_135 = arith.constant 16 : index
    %swap3A_136 = tpu.vector_load %arg7[%swap3A_134, %swap3A_135] {strides = array<i32>} : memref<32x128xf32, #tpu.memory_space<vmem>>, vector<16xf32>,
    tpu.vector_store %arg7[%swap3A_134, %swap3A_135], %broadcast_in_dim3A_1 {strides = array<i32>} : memref<32x128xf32, #tpu.memory_space<vmem>>, vector<16xf32>,
    %swap3A_137 = arith.constant 4 : i32
    %swap3A_138 = arith.index_cast %swap3A_137 : i32 to index
    %swap3A_139 = arith.constant 32 : index
    %swap3A_140 = tpu.vector_load %arg7[%swap3A_138, %swap3A_139] {strides = array<i32>} : memref<32x128xf32, #tpu.memory_space<vmem>>, vector<16xf32>,
    tpu.vector_store %arg7[%swap3A_138, %swap3A_139], %broadcast_in_dim3A_1 {strides = array<i32>} : memref<32x128xf32, #tpu.memory_space<vmem>>, vector<16xf32>,
    %swap3A_141 = arith.constant 4 : i32
    %swap3A_142 = arith.index_cast %swap3A_141 : i32 to index
    %swap3A_143 = arith.constant 48 : index
    %swap3A_144 = tpu.vector_load %arg7[%swap3A_142, %swap3A_143] {strides = array<i32>} : memref<32x128xf32, #tpu.memory_space<vmem>>, vector<16xf32>,
    tpu.vector_store %arg7[%swap3A_142, %swap3A_143], %broadcast_in_dim3A_1 {strides = array<i32>} : memref<32x128xf32, #tpu.memory_space<vmem>>, vector<16xf32>,
    %swap3A_145 = arith.constant 4 : i32
    %swap3A_146 = arith.index_cast %swap3A_145 : i32 to index
    %swap3A_147 = arith.constant 64 : index
    %swap3A_148 = tpu.vector_load %arg7[%swap3A_146, %swap3A_147] {strides = array<i32>} : memref<32x128xf32, #tpu.memory_space<vmem>>, vector<16xf32>,
    tpu.vector_store %arg7[%swap3A_146, %swap3A_147], %broadcast_in_dim3A_1 {strides = array<i32>} : memref<32x128xf32, #tpu.memory_space<vmem>>, vector<16xf32>,
    %swap3A_149 = arith.constant 4 : i32
    %swap3A_150 = arith.index_cast %swap3A_149 : i32 to index
    %swap3A_151 = arith.constant 80 : index
    %swap3A_152 = tpu.vector_load %arg7[%swap3A_150, %swap3A_151] {strides = array<i32>} : memref<32x128xf32, #tpu.memory_space<vmem>>, vector<16xf32>,
    tpu.vector_store %arg7[%swap3A_150, %swap3A_151], %broadcast_in_dim3A_1 {strides = array<i32>} : memref<32x128xf32, #tpu.memory_space<vmem>>, vector<16xf32>,
    %swap3A_153 = arith.constant 4 : i32
    %swap3A_154 = arith.index_cast %swap3A_153 : i32 to index
    %swap3A_155 = arith.constant 96 : index
    %swap3A_156 = tpu.vector_load %arg7[%swap3A_154, %swap3A_155] {strides = array<i32>} : memref<32x128xf32, #tpu.memory_space<vmem>>, vector<16xf32>,
    tpu.vector_store %arg7[%swap3A_154, %swap3A_155], %broadcast_in_dim3A_1 {strides = array<i32>} : memref<32x128xf32, #tpu.memory_space<vmem>>, vector<16xf32>,
    %swap3A_157 = arith.constant 4 : i32
    %swap3A_158 = arith.index_cast %swap3A_157 : i32 to index
    %swap3A_159 = arith.constant 112 : index
    %swap3A_160 = tpu.vector_load %arg7[%swap3A_158, %swap3A_159] {strides = array<i32>} : memref<32x128xf32, #tpu.memory_space<vmem>>, vector<16xf32>,
    tpu.vector_store %arg7[%swap3A_158, %swap3A_159], %broadcast_in_dim3A_1 {strides = array<i32>} : memref<32x128xf32, #tpu.memory_space<vmem>>, vector<16xf32>,
    %swap3A_161 = arith.constant 5 : i32
    %swap3A_162 = arith.index_cast %swap3A_161 : i32 to index
    %swap3A_163 = arith.constant 0 : index
    %swap3A_164 = tpu.vector_load %arg7[%swap3A_162, %swap3A_163] {strides = array<i32>} : memref<32x128xf32, #tpu.memory_space<vmem>>, vector<16xf32>,
    tpu.vector_store %arg7[%swap3A_162, %swap3A_163], %broadcast_in_dim3A_1 {strides = array<i32>} : memref<32x128xf32, #tpu.memory_space<vmem>>, vector<16xf32>,
    %swap3A_165 = arith.constant 5 : i32
    %swap3A_166 = arith.index_cast %swap3A_165 : i32 to index
    %swap3A_167 = arith.constant 16 : index
    %swap3A_168 = tpu.vector_load %arg7[%swap3A_166, %swap3A_167] {strides = array<i32>} : memref<32x128xf32, #tpu.memory_space<vmem>>, vector<16xf32>,
    tpu.vector_store %arg7[%swap3A_166, %swap3A_167], %broadcast_in_dim3A_1 {strides = array<i32>} : memref<32x128xf32, #tpu.memory_space<vmem>>, vector<16xf32>,
    %swap3A_169 = arith.constant 5 : i32
    %swap3A_170 = arith.index_cast %swap3A_169 : i32 to index
    %swap3A_171 = arith.constant 32 : index
    %swap3A_172 = tpu.vector_load %arg7[%swap3A_170, %swap3A_171] {strides = array<i32>} : memref<32x128xf32, #tpu.memory_space<vmem>>, vector<16xf32>,
    tpu.vector_store %arg7[%swap3A_170, %swap3A_171], %broadcast_in_dim3A_1 {strides = array<i32>} : memref<32x128xf32, #tpu.memory_space<vmem>>, vector<16xf32>,
    %swap3A_173 = arith.constant 5 : i32
    %swap3A_174 = arith.index_cast %swap3A_173 : i32 to index
    %swap3A_175 = arith.constant 48 : index
    %swap3A_176 = tpu.vector_load %arg7[%swap3A_174, %swap3A_175] {strides = array<i32>} : memref<32x128xf32, #tpu.memory_space<vmem>>, vector<16xf32>,
    tpu.vector_store %arg7[%swap3A_174, %swap3A_175], %broadcast_in_dim3A_1 {strides = array<i32>} : memref<32x128xf32, #tpu.memory_space<vmem>>, vector<16xf32>,
    %swap3A_177 = arith.constant 5 : i32
    %swap3A_178 = arith.index_cast %swap3A_177 : i32 to index
    %swap3A_179 = arith.constant 64 : index
    %swap3A_180 = tpu.vector_load %arg7[%swap3A_178, %swap3A_179] {strides = array<i32>} : memref<32x128xf32, #tpu.memory_space<vmem>>, vector<16xf32>,
    tpu.vector_store %arg7[%swap3A_178, %swap3A_179], %broadcast_in_dim3A_1 {strides = array<i32>} : memref<32x128xf32, #tpu.memory_space<vmem>>, vector<16xf32>,
    %swap3A_181 = arith.constant 5 : i32
    %swap3A_182 = arith.index_cast %swap3A_181 : i32 to index
    %swap3A_183 = arith.constant 80 : index
    %swap3A_184 = tpu.vector_load %arg7[%swap3A_182, %swap3A_183] {strides = array<i32>} : memref<32x128xf32, #tpu.memory_space<vmem>>, vector<16xf32>,
    tpu.vector_store %arg7[%swap3A_182, %swap3A_183], %broadcast_in_dim3A_1 {strides = array<i32>} : memref<32x128xf32, #tpu.memory_space<vmem>>, vector<16xf32>,
    %swap3A_185 = arith.constant 5 : i32
    %swap3A_186 = arith.index_cast %swap3A_185 : i32 to index
    %swap3A_187 = arith.constant 96 : index
    %swap3A_188 = tpu.vector_load %arg7[%swap3A_186, %swap3A_187] {strides = array<i32>} : memref<32x128xf32, #tpu.memory_space<vmem>>, vector<16xf32>,
    tpu.vector_store %arg7[%swap3A_186, %swap3A_187], %broadcast_in_dim3A_1 {strides = array<i32>} : memref<32x128xf32, #tpu.memory_space<vmem>>, vector<16xf32>,
    %swap3A_189 = arith.constant 5 : i32
    %swap3A_190 = arith.index_cast %swap3A_189 : i32 to index
    %swap3A_191 = arith.constant 112 : index
    %swap3A_192 = tpu.vector_load %arg7[%swap3A_190, %swap3A_191] {strides = array<i32>} : memref<32x128xf32, #tpu.memory_space<vmem>>, vector<16xf32>,
    tpu.vector_store %arg7[%swap3A_190, %swap3A_191], %broadcast_in_dim3A_1 {strides = array<i32>} : memref<32x128xf32, #tpu.memory_space<vmem>>, vector<16xf32>,
    %swap3A_193 = arith.constant 6 : i32
    %swap3A_194 = arith.index_cast %swap3A_193 : i32 to index
    %swap3A_195 = arith.constant 0 : index
    %swap3A_196 = tpu.vector_load %arg7[%swap3A_194, %swap3A_195] {strides = array<i32>} : memref<32x128xf32, #tpu.memory_space<vmem>>, vector<16xf32>,
    tpu.vector_store %arg7[%swap3A_194, %swap3A_195], %broadcast_in_dim3A_1 {strides = array<i32>} : memref<32x128xf32, #tpu.memory_space<vmem>>, vector<16xf32>,
    %swap3A_197 = arith.constant 6 : i32
    %swap3A_198 = arith.index_cast %swap3A_197 : i32 to index
    %swap3A_199 = arith.constant 16 : index
    %swap3A_200 = tpu.vector_load %arg7[%swap3A_198, %swap3A_199] {strides = array<i32>} : memref<32x128xf32, #tpu.memory_space<vmem>>, vector<16xf32>,
    tpu.vector_store %arg7[%swap3A_198, %swap3A_199], %broadcast_in_dim3A_1 {strides = array<i32>} : memref<32x128xf32, #tpu.memory_space<vmem>>, vector<16xf32>,
    %swap3A_201 = arith.constant 6 : i32
    %swap3A_202 = arith.index_cast %swap3A_201 : i32 to index
    %swap3A_203 = arith.constant 32 : index
    %swap3A_204 = tpu.vector_load %arg7[%swap3A_202, %swap3A_203] {strides = array<i32>} : memref<32x128xf32, #tpu.memory_space<vmem>>, vector<16xf32>,
    tpu.vector_store %arg7[%swap3A_202, %swap3A_203], %broadcast_in_dim3A_1 {strides = array<i32>} : memref<32x128xf32, #tpu.memory_space<vmem>>, vector<16xf32>,
    %swap3A_205 = arith.constant 6 : i32
    %swap3A_206 = arith.index_cast %swap3A_205 : i32 to index
    %swap3A_207 = arith.constant 48 : index
    %swap3A_208 = tpu.vector_load %arg7[%swap3A_206, %swap3A_207] {strides = array<i32>} : memref<32x128xf32, #tpu.memory_space<vmem>>, vector<16xf32>,
    tpu.vector_store %arg7[%swap3A_206, %swap3A_207], %broadcast_in_dim3A_1 {strides = array<i32>} : memref<32x128xf32, #tpu.memory_space<vmem>>, vector<16xf32>,
    %swap3A_209 = arith.constant 6 : i32
    %swap3A_210 = arith.index_cast %swap3A_209 : i32 to index
    %swap3A_211 = arith.constant 64 : index
    %swap3A_212 = tpu.vector_load %arg7[%swap3A_210, %swap3A_211] {strides = array<i32>} : memref<32x128xf32, #tpu.memory_space<vmem>>, vector<16xf32>,
    tpu.vector_store %arg7[%swap3A_210, %swap3A_211], %broadcast_in_dim3A_1 {strides = array<i32>} : memref<32x128xf32, #tpu.memory_space<vmem>>, vector<16xf32>,
    %swap3A_213 = arith.constant 6 : i32
    %swap3A_214 = arith.index_cast %swap3A_213 : i32 to index
    %swap3A_215 = arith.constant 80 : index
    %swap3A_216 = tpu.vector_load %arg7[%swap3A_214, %swap3A_215] {strides = array<i32>} : memref<32x128xf32, #tpu.memory_space<vmem>>, vector<16xf32>,
    tpu.vector_store %arg7[%swap3A_214, %swap3A_215], %broadcast_in_dim3A_1 {strides = array<i32>} : memref<32x128xf32, #tpu.memory_space<vmem>>, vector<16xf32>,
    %swap3A_217 = arith.constant 6 : i32
    %swap3A_218 = arith.index_cast %swap3A_217 : i32 to index
    %swap3A_219 = arith.constant 96 : index
    %swap3A_220 = tpu.vector_load %arg7[%swap3A_218, %swap3A_219] {strides = array<i32>} : memref<32x128xf32, #tpu.memory_space<vmem>>, vector<16xf32>,
    tpu.vector_store %arg7[%swap3A_218, %swap3A_219], %broadcast_in_dim3A_1 {strides = array<i32>} : memref<32x128xf32, #tpu.memory_space<vmem>>, vector<16xf32>,
    %swap3A_221 = arith.constant 6 : i32
    %swap3A_222 = arith.index_cast %swap3A_221 : i32 to index
    %swap3A_223 = arith.constant 112 : index
    %swap3A_224 = tpu.vector_load %arg7[%swap3A_222, %swap3A_223] {strides = array<i32>} : memref<32x128xf32, #tpu.memory_space<vmem>>, vector<16xf32>,
    tpu.vector_store %arg7[%swap3A_222, %swap3A_223], %broadcast_in_dim3A_1 {strides = array<i32>} : memref<32x128xf32, #tpu.memory_space<vmem>>, vector<16xf32>,
    %swap3A_225 = arith.constant 7 : i32
    %swap3A_226 = arith.index_cast %swap3A_225 : i32 to index
    %swap3A_227 = arith.constant 0 : index
    %swap3A_228 = tpu.vector_load %arg7[%swap3A_226, %swap3A_227] {strides = array<i32>} : memref<32x128xf32, #tpu.memory_space<vmem>>, vector<16xf32>,
    tpu.vector_store %arg7[%swap3A_226, %swap3A_227], %broadcast_in_dim3A_1 {strides = array<i32>} : memref<32x128xf32, #tpu.memory_space<vmem>>, vector<16xf32>,
    %swap3A_229 = arith.constant 7 : i32
    %swap3A_230 = arith.index_cast %swap3A_229 : i32 to index
    %swap3A_231 = arith.constant 16 : index
    %swap3A_232 = tpu.vector_load %arg7[%swap3A_230, %swap3A_231] {strides = array<i32>} : memref<32x128xf32, #tpu.memory_space<vmem>>, vector<16xf32>,
    tpu.vector_store %arg7[%swap3A_230, %swap3A_231], %broadcast_in_dim3A_1 {strides = array<i32>} : memref<32x128xf32, #tpu.memory_space<vmem>>, vector<16xf32>,
    %swap3A_233 = arith.constant 7 : i32
    %swap3A_234 = arith.index_cast %swap3A_233 : i32 to index
    %swap3A_235 = arith.constant 32 : index
    %swap3A_236 = tpu.vector_load %arg7[%swap3A_234, %swap3A_235] {strides = array<i32>} : memref<32x128xf32, #tpu.memory_space<vmem>>, vector<16xf32>,
    tpu.vector_store %arg7[%swap3A_234, %swap3A_235], %broadcast_in_dim3A_1 {strides = array<i32>} : memref<32x128xf32, #tpu.memory_space<vmem>>, vector<16xf32>,
    %swap3A_237 = arith.constant 7 : i32
    %swap3A_238 = arith.index_cast %swap3A_237 : i32 to index
    %swap3A_239 = arith.constant 48 : index
    %swap3A_240 = tpu.vector_load %arg7[%swap3A_238, %swap3A_239] {strides = array<i32>} : memref<32x128xf32, #tpu.memory_space<vmem>>, vector<16xf32>,
    tpu.vector_store %arg7[%swap3A_238, %swap3A_239], %broadcast_in_dim3A_1 {strides = array<i32>} : memref<32x128xf32, #tpu.memory_space<vmem>>, vector<16xf32>,
    %swap3A_241 = arith.constant 7 : i32
    %swap3A_242 = arith.index_cast %swap3A_241 : i32 to index
    %swap3A_243 = arith.constant 64 : index
    %swap3A_244 = tpu.vector_load %arg7[%swap3A_242, %swap3A_243] {strides = array<i32>} : memref<32x128xf32, #tpu.memory_space<vmem>>, vector<16xf32>,
    tpu.vector_store %arg7[%swap3A_242, %swap3A_243], %broadcast_in_dim3A_1 {strides = array<i32>} : memref<32x128xf32, #tpu.memory_space<vmem>>, vector<16xf32>,
    %swap3A_245 = arith.constant 7 : i32
    %swap3A_246 = arith.index_cast %swap3A_245 : i32 to index
    %swap3A_247 = arith.constant 80 : index
    %swap3A_248 = tpu.vector_load %arg7[%swap3A_246, %swap3A_247] {strides = array<i32>} : memref<32x128xf32, #tpu.memory_space<vmem>>, vector<16xf32>,
    tpu.vector_store %arg7[%swap3A_246, %swap3A_247], %broadcast_in_dim3A_1 {strides = array<i32>} : memref<32x128xf32, #tpu.memory_space<vmem>>, vector<16xf32>,
    %swap3A_249 = arith.constant 7 : i32
    %swap3A_250 = arith.index_cast %swap3A_249 : i32 to index
    %swap3A_251 = arith.constant 96 : index
    %swap3A_252 = tpu.vector_load %arg7[%swap3A_250, %swap3A_251] {strides = array<i32>} : memref<32x128xf32, #tpu.memory_space<vmem>>, vector<16xf32>,
    tpu.vector_store %arg7[%swap3A_250, %swap3A_251], %broadcast_in_dim3A_1 {strides = array<i32>} : memref<32x128xf32, #tpu.memory_space<vmem>>, vector<16xf32>,
    %swap3A_253 = arith.constant 7 : i32
    %swap3A_254 = arith.index_cast %swap3A_253 : i32 to index
    %swap3A_255 = arith.constant 112 : index
    %swap3A_256 = tpu.vector_load %arg7[%swap3A_254, %swap3A_255] {strides = array<i32>} : memref<32x128xf32, #tpu.memory_space<vmem>>, vector<16xf32>,
    tpu.vector_store %arg7[%swap3A_254, %swap3A_255], %broadcast_in_dim3A_1 {strides = array<i32>} : memref<32x128xf32, #tpu.memory_space<vmem>>, vector<16xf32>,
    %swap3A_257 = arith.constant 8 : i32
    %swap3A_258 = arith.index_cast %swap3A_257 : i32 to index
    %swap3A_259 = arith.constant 0 : index
    %swap3A_260 = tpu.vector_load %arg7[%swap3A_258, %swap3A_259] {strides = array<i32>} : memref<32x128xf32, #tpu.memory_space<vmem>>, vector<16xf32>,
    tpu.vector_store %arg7[%swap3A_258, %swap3A_259], %broadcast_in_dim3A_1 {strides = array<i32>} : memref<32x128xf32, #tpu.memory_space<vmem>>, vector<16xf32>,
    %swap3A_261 = arith.constant 8 : i32
    %swap3A_262 = arith.index_cast %swap3A_261 : i32 to index
    %swap3A_263 = arith.constant 16 : index
    %swap3A_264 = tpu.vector_load %arg7[%swap3A_262, %swap3A_263] {strides = array<i32>} : memref<32x128xf32, #tpu.memory_space<vmem>>, vector<16xf32>,
    tpu.vector_store %arg7[%swap3A_262, %swap3A_263], %broadcast_in_dim3A_1 {strides = array<i32>} : memref<32x128xf32, #tpu.memory_space<vmem>>, vector<16xf32>,
    %swap3A_265 = arith.constant 8 : i32
    %swap3A_266 = arith.index_cast %swap3A_265 : i32 to index
    %swap3A_267 = arith.constant 32 : index
    %swap3A_268 = tpu.vector_load %arg7[%swap3A_266, %swap3A_267] {strides = array<i32>} : memref<32x128xf32, #tpu.memory_space<vmem>>, vector<16xf32>,
    tpu.vector_store %arg7[%swap3A_266, %swap3A_267], %broadcast_in_dim3A_1 {strides = array<i32>} : memref<32x128xf32, #tpu.memory_space<vmem>>, vector<16xf32>,
    %swap3A_269 = arith.constant 8 : i32
    %swap3A_270 = arith.index_cast %swap3A_269 : i32 to index
    %swap3A_271 = arith.constant 48 : index
    %swap3A_272 = tpu.vector_load %arg7[%swap3A_270, %swap3A_271] {strides = array<i32>} : memref<32x128xf32, #tpu.memory_space<vmem>>, vector<16xf32>,
    tpu.vector_store %arg7[%swap3A_270, %swap3A_271], %broadcast_in_dim3A_1 {strides = array<i32>} : memref<32x128xf32, #tpu.memory_space<vmem>>, vector<16xf32>,
    %swap3A_273 = arith.constant 8 : i32
    %swap3A_274 = arith.index_cast %swap3A_273 : i32 to index
    %swap3A_275 = arith.constant 64 : index
    %swap3A_276 = tpu.vector_load %arg7[%swap3A_274, %swap3A_275] {strides = array<i32>} : memref<32x128xf32, #tpu.memory_space<vmem>>, vector<16xf32>,
    tpu.vector_store %arg7[%swap3A_274, %swap3A_275], %broadcast_in_dim3A_1 {strides = array<i32>} : memref<32x128xf32, #tpu.memory_space<vmem>>, vector<16xf32>,
    %swap3A_277 = arith.constant 8 : i32
    %swap3A_278 = arith.index_cast %swap3A_277 : i32 to index
    %swap3A_279 = arith.constant 80 : index
    %swap3A_280 = tpu.vector_load %arg7[%swap3A_278, %swap3A_279] {strides = array<i32>} : memref<32x128xf32, #tpu.memory_space<vmem>>, vector<16xf32>,
    tpu.vector_store %arg7[%swap3A_278, %swap3A_279], %broadcast_in_dim3A_1 {strides = array<i32>} : memref<32x128xf32, #tpu.memory_space<vmem>>, vector<16xf32>,
    %swap3A_281 = arith.constant 8 : i32
    %swap3A_282 = arith.index_cast %swap3A_281 : i32 to index
    %swap3A_283 = arith.constant 96 : index
    %swap3A_284 = tpu.vector_load %arg7[%swap3A_282, %swap3A_283] {strides = array<i32>} : memref<32x128xf32, #tpu.memory_space<vmem>>, vector<16xf32>,
    tpu.vector_store %arg7[%swap3A_282, %swap3A_283], %broadcast_in_dim3A_1 {strides = array<i32>} : memref<32x128xf32, #tpu.memory_space<vmem>>, vector<16xf32>,
    %swap3A_285 = arith.constant 8 : i32
    %swap3A_286 = arith.index_cast %swap3A_285 : i32 to index
    %swap3A_287 = arith.constant 112 : index
    %swap3A_288 = tpu.vector_load %arg7[%swap3A_286, %swap3A_287] {strides = array<i32>} : memref<32x128xf32, #tpu.memory_space<vmem>>, vector<16xf32>,
    tpu.vector_store %arg7[%swap3A_286, %swap3A_287], %broadcast_in_dim3A_1 {strides = array<i32>} : memref<32x128xf32, #tpu.memory_space<vmem>>, vector<16xf32>,
    %swap3A_289 = arith.constant 9 : i32
    %swap3A_290 = arith.index_cast %swap3A_289 : i32 to index
    %swap3A_291 = arith.constant 0 : index
    %swap3A_292 = tpu.vector_load %arg7[%swap3A_290, %swap3A_291] {strides = array<i32>} : memref<32x128xf32, #tpu.memory_space<vmem>>, vector<16xf32>,
    tpu.vector_store %arg7[%swap3A_290, %swap3A_291], %broadcast_in_dim3A_1 {strides = array<i32>} : memref<32x128xf32, #tpu.memory_space<vmem>>, vector<16xf32>,
    %swap3A_293 = arith.constant 9 : i32
    %swap3A_294 = arith.index_cast %swap3A_293 : i32 to index
    %swap3A_295 = arith.constant 16 : index
    %swap3A_296 = tpu.vector_load %arg7[%swap3A_294, %swap3A_295] {strides = array<i32>} : memref<32x128xf32, #tpu.memory_space<vmem>>, vector<16xf32>,
    tpu.vector_store %arg7[%swap3A_294, %swap3A_295], %broadcast_in_dim3A_1 {strides = array<i32>} : memref<32x128xf32, #tpu.memory_space<vmem>>, vector<16xf32>,
    %swap3A_297 = arith.constant 9 : i32
    %swap3A_298 = arith.index_cast %swap3A_297 : i32 to index
    %swap3A_299 = arith.constant 32 : index
    %swap3A_300 = tpu.vector_load %arg7[%swap3A_298, %swap3A_299] {strides = array<i32>} : memref<32x128xf32, #tpu.memory_space<vmem>>, vector<16xf32>,
    tpu.vector_store %arg7[%swap3A_298, %swap3A_299], %broadcast_in_dim3A_1 {strides = array<i32>} : memref<32x128xf32, #tpu.memory_space<vmem>>, vector<16xf32>,
    %swap3A_301 = arith.constant 9 : i32
    %swap3A_302 = arith.index_cast %swap3A_301 : i32 to index
    %swap3A_303 = arith.constant 48 : index
    %swap3A_304 = tpu.vector_load %arg7[%swap3A_302, %swap3A_303] {strides = array<i32>} : memref<32x128xf32, #tpu.memory_space<vmem>>, vector<16xf32>,
    tpu.vector_store %arg7[%swap3A_302, %swap3A_303], %broadcast_in_dim3A_1 {strides = array<i32>} : memref<32x128xf32, #tpu.memory_space<vmem>>, vector<16xf32>,
    %swap3A_305 = arith.constant 9 : i32
    %swap3A_306 = arith.index_cast %swap3A_305 : i32 to index
    %swap3A_307 = arith.constant 64 : index
    %swap3A_308 = tpu.vector_load %arg7[%swap3A_306, %swap3A_307] {strides = array<i32>} : memref<32x128xf32, #tpu.memory_space<vmem>>, vector<16xf32>,
    tpu.vector_store %arg7[%swap3A_306, %swap3A_307], %broadcast_in_dim3A_1 {strides = array<i32>} : memref<32x128xf32, #tpu.memory_space<vmem>>, vector<16xf32>,
    %swap3A_309 = arith.constant 9 : i32
    %swap3A_310 = arith.index_cast %swap3A_309 : i32 to index
    %swap3A_311 = arith.constant 80 : index
    %swap3A_312 = tpu.vector_load %arg7[%swap3A_310, %swap3A_311] {strides = array<i32>} : memref<32x128xf32, #tpu.memory_space<vmem>>, vector<16xf32>,
    tpu.vector_store %arg7[%swap3A_310, %swap3A_311], %broadcast_in_dim3A_1 {strides = array<i32>} : memref<32x128xf32, #tpu.memory_space<vmem>>, vector<16xf32>,
    %swap3A_313 = arith.constant 9 : i32
    %swap3A_314 = arith.index_cast %swap3A_313 : i32 to index
    %swap3A_315 = arith.constant 96 : index
    %swap3A_316 = tpu.vector_load %arg7[%swap3A_314, %swap3A_315] {strides = array<i32>} : memref<32x128xf32, #tpu.memory_space<vmem>>, vector<16xf32>,
    tpu.vector_store %arg7[%swap3A_314, %swap3A_315], %broadcast_in_dim3A_1 {strides = array<i32>} : memref<32x128xf32, #tpu.memory_space<vmem>>, vector<16xf32>,
    %swap3A_317 = arith.constant 9 : i32
    %swap3A_318 = arith.index_cast %swap3A_317 : i32 to index
    %swap3A_319 = arith.constant 112 : index
    %swap3A_320 = tpu.vector_load %arg7[%swap3A_318, %swap3A_319] {strides = array<i32>} : memref<32x128xf32, #tpu.memory_space<vmem>>, vector<16xf32>,
    tpu.vector_store %arg7[%swap3A_318, %swap3A_319], %broadcast_in_dim3A_1 {strides = array<i32>} : memref<32x128xf32, #tpu.memory_space<vmem>>, vector<16xf32>,
    %swap3A_321 = arith.constant 10 : i32
    %swap3A_322 = arith.index_cast %swap3A_321 : i32 to index
    %swap3A_323 = arith.constant 0 : index
    %swap3A_324 = tpu.vector_load %arg7[%swap3A_322, %swap3A_323] {strides = array<i32>} : memref<32x128xf32, #tpu.memory_space<vmem>>, vector<16xf32>,
    tpu.vector_store %arg7[%swap3A_322, %swap3A_323], %broadcast_in_dim3A_1 {strides = array<i32>} : memref<32x128xf32, #tpu.memory_space<vmem>>, vector<16xf32>,
    %swap3A_325 = arith.constant 10 : i32
    %swap3A_326 = arith.index_cast %swap3A_325 : i32 to index
    %swap3A_327 = arith.constant 16 : index
    %swap3A_328 = tpu.vector_load %arg7[%swap3A_326, %swap3A_327] {strides = array<i32>} : memref<32x128xf32, #tpu.memory_space<vmem>>, vector<16xf32>,
    tpu.vector_store %arg7[%swap3A_326, %swap3A_327], %broadcast_in_dim3A_1 {strides = array<i32>} : memref<32x128xf32, #tpu.memory_space<vmem>>, vector<16xf32>,
    %swap3A_329 = arith.constant 10 : i32
    %swap3A_330 = arith.index_cast %swap3A_329 : i32 to index
    %swap3A_331 = arith.constant 32 : index
    %swap3A_332 = tpu.vector_load %arg7[%swap3A_330, %swap3A_331] {strides = array<i32>} : memref<32x128xf32, #tpu.memory_space<vmem>>, vector<16xf32>,
    tpu.vector_store %arg7[%swap3A_330, %swap3A_331], %broadcast_in_dim3A_1 {strides = array<i32>} : memref<32x128xf32, #tpu.memory_space<vmem>>, vector<16xf32>,
    %swap3A_333 = arith.constant 10 : i32
    %swap3A_334 = arith.index_cast %swap3A_333 : i32 to index
    %swap3A_335 = arith.constant 48 : index
    %swap3A_336 = tpu.vector_load %arg7[%swap3A_334, %swap3A_335] {strides = array<i32>} : memref<32x128xf32, #tpu.memory_space<vmem>>, vector<16xf32>,
    tpu.vector_store %arg7[%swap3A_334, %swap3A_335], %broadcast_in_dim3A_1 {strides = array<i32>} : memref<32x128xf32, #tpu.memory_space<vmem>>, vector<16xf32>,
    %swap3A_337 = arith.constant 10 : i32
    %swap3A_338 = arith.index_cast %swap3A_337 : i32 to index
    %swap3A_339 = arith.constant 64 : index
    %swap3A_340 = tpu.vector_load %arg7[%swap3A_338, %swap3A_339] {strides = array<i32>} : memref<32x128xf32, #tpu.memory_space<vmem>>, vector<16xf32>,
    tpu.vector_store %arg7[%swap3A_338, %swap3A_339], %broadcast_in_dim3A_1 {strides = array<i32>} : memref<32x128xf32, #tpu.memory_space<vmem>>, vector<16xf32>,
    %swap3A_341 = arith.constant 10 : i32
    %swap3A_342 = arith.index_cast %swap3A_341 : i32 to index
    %swap3A_343 = arith.constant 80 : index
    %swap3A_344 = tpu.vector_load %arg7[%swap3A_342, %swap3A_343] {strides = array<i32>} : memref<32x128xf32, #tpu.memory_space<vmem>>, vector<16xf32>,
    tpu.vector_store %arg7[%swap3A_342, %swap3A_343], %broadcast_in_dim3A_1 {strides = array<i32>} : memref<32x128xf32, #tpu.memory_space<vmem>>, vector<16xf32>,
    %swap3A_345 = arith.constant 10 : i32
    %swap3A_346 = arith.index_cast %swap3A_345 : i32 to index
    %swap3A_347 = arith.constant 96 : index
    %swap3A_348 = tpu.vector_load %arg7[%swap3A_346, %swap3A_347] {strides = array<i32>} : memref<32x128xf32, #tpu.memory_space<vmem>>, vector<16xf32>,
    tpu.vector_store %arg7[%swap3A_346, %swap3A_347], %broadcast_in_dim3A_1 {strides = array<i32>} : memref<32x128xf32, #tpu.memory_space<vmem>>, vector<16xf32>,
    %swap3A_349 = arith.constant 10 : i32
    %swap3A_350 = arith.index_cast %swap3A_349 : i32 to index
    %swap3A_351 = arith.constant 112 : index
    %swap3A_352 = tpu.vector_load %arg7[%swap3A_350, %swap3A_351] {strides = array<i32>} : memref<32x128xf32, #tpu.memory_space<vmem>>, vector<16xf32>,
    tpu.vector_store %arg7[%swap3A_350, %swap3A_351], %broadcast_in_dim3A_1 {strides = array<i32>} : memref<32x128xf32, #tpu.memory_space<vmem>>, vector<16xf32>,
    %swap3A_353 = arith.constant 11 : i32
    %swap3A_354 = arith.index_cast %swap3A_353 : i32 to index
    %swap3A_355 = arith.constant 0 : index
    %swap3A_356 = tpu.vector_load %arg7[%swap3A_354, %swap3A_355] {strides = array<i32>} : memref<32x128xf32, #tpu.memory_space<vmem>>, vector<16xf32>,
    tpu.vector_store %arg7[%swap3A_354, %swap3A_355], %broadcast_in_dim3A_1 {strides = array<i32>} : memref<32x128xf32, #tpu.memory_space<vmem>>, vector<16xf32>,
    %swap3A_357 = arith.constant 11 : i32
    %swap3A_358 = arith.index_cast %swap3A_357 : i32 to index
    %swap3A_359 = arith.constant 16 : index
    %swap3A_360 = tpu.vector_load %arg7[%swap3A_358, %swap3A_359] {strides = array<i32>} : memref<32x128xf32, #tpu.memory_space<vmem>>, vector<16xf32>,
    tpu.vector_store %arg7[%swap3A_358, %swap3A_359], %broadcast_in_dim3A_1 {strides = array<i32>} : memref<32x128xf32, #tpu.memory_space<vmem>>, vector<16xf32>,
    %swap3A_361 = arith.constant 11 : i32
    %swap3A_362 = arith.index_cast %swap3A_361 : i32 to index
    %swap3A_363 = arith.constant 32 : index
    %swap3A_364 = tpu.vector_load %arg7[%swap3A_362, %swap3A_363] {strides = array<i32>} : memref<32x128xf32, #tpu.memory_space<vmem>>, vector<16xf32>,
    tpu.vector_store %arg7[%swap3A_362, %swap3A_363], %broadcast_in_dim3A_1 {strides = array<i32>} : memref<32x128xf32, #tpu.memory_space<vmem>>, vector<16xf32>,
    %swap3A_365 = arith.constant 11 : i32
    %swap3A_366 = arith.index_cast %swap3A_365 : i32 to index
    %swap3A_367 = arith.constant 48 : index
    %swap3A_368 = tpu.vector_load %arg7[%swap3A_366, %swap3A_367] {strides = array<i32>} : memref<32x128xf32, #tpu.memory_space<vmem>>, vector<16xf32>,
    tpu.vector_store %arg7[%swap3A_366, %swap3A_367], %broadcast_in_dim3A_1 {strides = array<i32>} : memref<32x128xf32, #tpu.memory_space<vmem>>, vector<16xf32>,
    %swap3A_369 = arith.constant 11 : i32
    %swap3A_370 = arith.index_cast %swap3A_369 : i32 to index
    %swap3A_371 = arith.constant 64 : index
    %swap3A_372 = tpu.vector_load %arg7[%swap3A_370, %swap3A_371] {strides = array<i32>} : memref<32x128xf32, #tpu.memory_space<vmem>>, vector<16xf32>,
    tpu.vector_store %arg7[%swap3A_370, %swap3A_371], %broadcast_in_dim3A_1 {strides = array<i32>} : memref<32x128xf32, #tpu.memory_space<vmem>>, vector<16xf32>,
    %swap3A_373 = arith.constant 11 : i32
    %swap3A_374 = arith.index_cast %swap3A_373 : i32 to index
    %swap3A_375 = arith.constant 80 : index
    %swap3A_376 = tpu.vector_load %arg7[%swap3A_374, %swap3A_375] {strides = array<i32>} : memref<32x128xf32, #tpu.memory_space<vmem>>, vector<16xf32>,
    tpu.vector_store %arg7[%swap3A_374, %swap3A_375], %broadcast_in_dim3A_1 {strides = array<i32>} : memref<32x128xf32, #tpu.memory_space<vmem>>, vector<16xf32>,
    %swap3A_377 = arith.constant 11 : i32
    %swap3A_378 = arith.index_cast %swap3A_377 : i32 to index
    %swap3A_379 = arith.constant 96 : index
    %swap3A_380 = tpu.vector_load %arg7[%swap3A_378, %swap3A_379] {strides = array<i32>} : memref<32x128xf32, #tpu.memory_space<vmem>>, vector<16xf32>,
    tpu.vector_store %arg7[%swap3A_378, %swap3A_379], %broadcast_in_dim3A_1 {strides = array<i32>} : memref<32x128xf32, #tpu.memory_space<vmem>>, vector<16xf32>,
    %swap3A_381 = arith.constant 11 : i32
    %swap3A_382 = arith.index_cast %swap3A_381 : i32 to index
    %swap3A_383 = arith.constant 112 : index
    %swap3A_384 = tpu.vector_load %arg7[%swap3A_382, %swap3A_383] {strides = array<i32>} : memref<32x128xf32, #tpu.memory_space<vmem>>, vector<16xf32>,
    tpu.vector_store %arg7[%swap3A_382, %swap3A_383], %broadcast_in_dim3A_1 {strides = array<i32>} : memref<32x128xf32, #tpu.memory_space<vmem>>, vector<16xf32>,
    %swap3A_385 = arith.constant 12 : i32
    %swap3A_386 = arith.index_cast %swap3A_385 : i32 to index
    %swap3A_387 = arith.constant 0 : index
    %swap3A_388 = tpu.vector_load %arg7[%swap3A_386, %swap3A_387] {strides = array<i32>} : memref<32x128xf32, #tpu.memory_space<vmem>>, vector<16xf32>,
    tpu.vector_store %arg7[%swap3A_386, %swap3A_387], %broadcast_in_dim3A_1 {strides = array<i32>} : memref<32x128xf32, #tpu.memory_space<vmem>>, vector<16xf32>,
    %swap3A_389 = arith.constant 12 : i32
    %swap3A_390 = arith.index_cast %swap3A_389 : i32 to index
    %swap3A_391 = arith.constant 16 : index
    %swap3A_392 = tpu.vector_load %arg7[%swap3A_390, %swap3A_391] {strides = array<i32>} : memref<32x128xf32, #tpu.memory_space<vmem>>, vector<16xf32>,
    tpu.vector_store %arg7[%swap3A_390, %swap3A_391], %broadcast_in_dim3A_1 {strides = array<i32>} : memref<32x128xf32, #tpu.memory_space<vmem>>, vector<16xf32>,
    %swap3A_393 = arith.constant 12 : i32
    %swap3A_394 = arith.index_cast %swap3A_393 : i32 to index
    %swap3A_395 = arith.constant 32 : index
    %swap3A_396 = tpu.vector_load %arg7[%swap3A_394, %swap3A_395] {strides = array<i32>} : memref<32x128xf32, #tpu.memory_space<vmem>>, vector<16xf32>,
    tpu.vector_store %arg7[%swap3A_394, %swap3A_395], %broadcast_in_dim3A_1 {strides = array<i32>} : memref<32x128xf32, #tpu.memory_space<vmem>>, vector<16xf32>,
    %swap3A_397 = arith.constant 12 : i32
    %swap3A_398 = arith.index_cast %swap3A_397 : i32 to index
    %swap3A_399 = arith.constant 48 : index
    %swap3A_400 = tpu.vector_load %arg7[%swap3A_398, %swap3A_399] {strides = array<i32>} : memref<32x128xf32, #tpu.memory_space<vmem>>, vector<16xf32>,
    tpu.vector_store %arg7[%swap3A_398, %swap3A_399], %broadcast_in_dim3A_1 {strides = array<i32>} : memref<32x128xf32, #tpu.memory_space<vmem>>, vector<16xf32>,
    %swap3A_401 = arith.constant 12 : i32
    %swap3A_402 = arith.index_cast %swap3A_401 : i32 to index
    %swap3A_403 = arith.constant 64 : index
    %swap3A_404 = tpu.vector_load %arg7[%swap3A_402, %swap3A_403] {strides = array<i32>} : memref<32x128xf32, #tpu.memory_space<vmem>>, vector<16xf32>,
    tpu.vector_store %arg7[%swap3A_402, %swap3A_403], %broadcast_in_dim3A_1 {strides = array<i32>} : memref<32x128xf32, #tpu.memory_space<vmem>>, vector<16xf32>,
    %swap3A_405 = arith.constant 12 : i32
    %swap3A_406 = arith.index_cast %swap3A_405 : i32 to index
    %swap3A_407 = arith.constant 80 : index
    %swap3A_408 = tpu.vector_load %arg7[%swap3A_406, %swap3A_407] {strides = array<i32>} : memref<32x128xf32, #tpu.memory_space<vmem>>, vector<16xf32>,
    tpu.vector_store %arg7[%swap3A_406, %swap3A_407], %broadcast_in_dim3A_1 {strides = array<i32>} : memref<32x128xf32, #tpu.memory_space<vmem>>, vector<16xf32>,
    %swap3A_409 = arith.constant 12 : i32
    %swap3A_410 = arith.index_cast %swap3A_409 : i32 to index
    %swap3A_411 = arith.constant 96 : index
    %swap3A_412 = tpu.vector_load %arg7[%swap3A_410, %swap3A_411] {strides = array<i32>} : memref<32x128xf32, #tpu.memory_space<vmem>>, vector<16xf32>,
    tpu.vector_store %arg7[%swap3A_410, %swap3A_411], %broadcast_in_dim3A_1 {strides = array<i32>} : memref<32x128xf32, #tpu.memory_space<vmem>>, vector<16xf32>,
    %swap3A_413 = arith.constant 12 : i32
    %swap3A_414 = arith.index_cast %swap3A_413 : i32 to index
    %swap3A_415 = arith.constant 112 : index
    %swap3A_416 = tpu.vector_load %arg7[%swap3A_414, %swap3A_415] {strides = array<i32>} : memref<32x128xf32, #tpu.memory_space<vmem>>, vector<16xf32>,
    tpu.vector_store %arg7[%swap3A_414, %swap3A_415], %broadcast_in_dim3A_1 {strides = array<i32>} : memref<32x128xf32, #tpu.memory_space<vmem>>, vector<16xf32>,
    %swap3A_417 = arith.constant 13 : i32
    %swap3A_418 = arith.index_cast %swap3A_417 : i32 to index
    %swap3A_419 = arith.constant 0 : index
    %swap3A_420 = tpu.vector_load %arg7[%swap3A_418, %swap3A_419] {strides = array<i32>} : memref<32x128xf32, #tpu.memory_space<vmem>>, vector<16xf32>,
    tpu.vector_store %arg7[%swap3A_418, %swap3A_419], %broadcast_in_dim3A_1 {strides = array<i32>} : memref<32x128xf32, #tpu.memory_space<vmem>>, vector<16xf32>,
    %swap3A_421 = arith.constant 13 : i32
    %swap3A_422 = arith.index_cast %swap3A_421 : i32 to index
    %swap3A_423 = arith.constant 16 : index
    %swap3A_424 = tpu.vector_load %arg7[%swap3A_422, %swap3A_423] {strides = array<i32>} : memref<32x128xf32, #tpu.memory_space<vmem>>, vector<16xf32>,
    tpu.vector_store %arg7[%swap3A_422, %swap3A_423], %broadcast_in_dim3A_1 {strides = array<i32>} : memref<32x128xf32, #tpu.memory_space<vmem>>, vector<16xf32>,
    %swap3A_425 = arith.constant 13 : i32
    %swap3A_426 = arith.index_cast %swap3A_425 : i32 to index
    %swap3A_427 = arith.constant 32 : index
    %swap3A_428 = tpu.vector_load %arg7[%swap3A_426, %swap3A_427] {strides = array<i32>} : memref<32x128xf32, #tpu.memory_space<vmem>>, vector<16xf32>,
    tpu.vector_store %arg7[%swap3A_426, %swap3A_427], %broadcast_in_dim3A_1 {strides = array<i32>} : memref<32x128xf32, #tpu.memory_space<vmem>>, vector<16xf32>,
    %swap3A_429 = arith.constant 13 : i32
    %swap3A_430 = arith.index_cast %swap3A_429 : i32 to index
    %swap3A_431 = arith.constant 48 : index
    %swap3A_432 = tpu.vector_load %arg7[%swap3A_430, %swap3A_431] {strides = array<i32>} : memref<32x128xf32, #tpu.memory_space<vmem>>, vector<16xf32>,
    tpu.vector_store %arg7[%swap3A_430, %swap3A_431], %broadcast_in_dim3A_1 {strides = array<i32>} : memref<32x128xf32, #tpu.memory_space<vmem>>, vector<16xf32>,
    %swap3A_433 = arith.constant 13 : i32
    %swap3A_434 = arith.index_cast %swap3A_433 : i32 to index
    %swap3A_435 = arith.constant 64 : index
    %swap3A_436 = tpu.vector_load %arg7[%swap3A_434, %swap3A_435] {strides = array<i32>} : memref<32x128xf32, #tpu.memory_space<vmem>>, vector<16xf32>,
    tpu.vector_store %arg7[%swap3A_434, %swap3A_435], %broadcast_in_dim3A_1 {strides = array<i32>} : memref<32x128xf32, #tpu.memory_space<vmem>>, vector<16xf32>,
    %swap3A_437 = arith.constant 13 : i32
    %swap3A_438 = arith.index_cast %swap3A_437 : i32 to index
    %swap3A_439 = arith.constant 80 : index
    %swap3A_440 = tpu.vector_load %arg7[%swap3A_438, %swap3A_439] {strides = array<i32>} : memref<32x128xf32, #tpu.memory_space<vmem>>, vector<16xf32>,
    tpu.vector_store %arg7[%swap3A_438, %swap3A_439], %broadcast_in_dim3A_1 {strides = array<i32>} : memref<32x128xf32, #tpu.memory_space<vmem>>, vector<16xf32>,
    %swap3A_441 = arith.constant 13 : i32
    %swap3A_442 = arith.index_cast %swap3A_441 : i32 to index
    %swap3A_443 = arith.constant 96 : index
    %swap3A_444 = tpu.vector_load %arg7[%swap3A_442, %swap3A_443] {strides = array<i32>} : memref<32x128xf32, #tpu.memory_space<vmem>>, vector<16xf32>,
    tpu.vector_store %arg7[%swap3A_442, %swap3A_443], %broadcast_in_dim3A_1 {strides = array<i32>} : memref<32x128xf32, #tpu.memory_space<vmem>>, vector<16xf32>,
    %swap3A_445 = arith.constant 13 : i32
    %swap3A_446 = arith.index_cast %swap3A_445 : i32 to index
    %swap3A_447 = arith.constant 112 : index
    %swap3A_448 = tpu.vector_load %arg7[%swap3A_446, %swap3A_447] {strides = array<i32>} : memref<32x128xf32, #tpu.memory_space<vmem>>, vector<16xf32>,
    tpu.vector_store %arg7[%swap3A_446, %swap3A_447], %broadcast_in_dim3A_1 {strides = array<i32>} : memref<32x128xf32, #tpu.memory_space<vmem>>, vector<16xf32>,
    %swap3A_449 = arith.constant 14 : i32
    %swap3A_450 = arith.index_cast %swap3A_449 : i32 to index
    %swap3A_451 = arith.constant 0 : index
    %swap3A_452 = tpu.vector_load %arg7[%swap3A_450, %swap3A_451] {strides = array<i32>} : memref<32x128xf32, #tpu.memory_space<vmem>>, vector<16xf32>,
    tpu.vector_store %arg7[%swap3A_450, %swap3A_451], %broadcast_in_dim3A_1 {strides = array<i32>} : memref<32x128xf32, #tpu.memory_space<vmem>>, vector<16xf32>,
    %swap3A_453 = arith.constant 14 : i32
    %swap3A_454 = arith.index_cast %swap3A_453 : i32 to index
    %swap3A_455 = arith.constant 16 : index
    %swap3A_456 = tpu.vector_load %arg7[%swap3A_454, %swap3A_455] {strides = array<i32>} : memref<32x128xf32, #tpu.memory_space<vmem>>, vector<16xf32>,
    tpu.vector_store %arg7[%swap3A_454, %swap3A_455], %broadcast_in_dim3A_1 {strides = array<i32>} : memref<32x128xf32, #tpu.memory_space<vmem>>, vector<16xf32>,
    %swap3A_457 = arith.constant 14 : i32
    %swap3A_458 = arith.index_cast %swap3A_457 : i32 to index
    %swap3A_459 = arith.constant 32 : index
    %swap3A_460 = tpu.vector_load %arg7[%swap3A_458, %swap3A_459] {strides = array<i32>} : memref<32x128xf32, #tpu.memory_space<vmem>>, vector<16xf32>,
    tpu.vector_store %arg7[%swap3A_458, %swap3A_459], %broadcast_in_dim3A_1 {strides = array<i32>} : memref<32x128xf32, #tpu.memory_space<vmem>>, vector<16xf32>,
    %swap3A_461 = arith.constant 14 : i32
    %swap3A_462 = arith.index_cast %swap3A_461 : i32 to index
    %swap3A_463 = arith.constant 48 : index
    %swap3A_464 = tpu.vector_load %arg7[%swap3A_462, %swap3A_463] {strides = array<i32>} : memref<32x128xf32, #tpu.memory_space<vmem>>, vector<16xf32>,
    tpu.vector_store %arg7[%swap3A_462, %swap3A_463], %broadcast_in_dim3A_1 {strides = array<i32>} : memref<32x128xf32, #tpu.memory_space<vmem>>, vector<16xf32>,
    %swap3A_465 = arith.constant 14 : i32
    %swap3A_466 = arith.index_cast %swap3A_465 : i32 to index
    %swap3A_467 = arith.constant 64 : index
    %swap3A_468 = tpu.vector_load %arg7[%swap3A_466, %swap3A_467] {strides = array<i32>} : memref<32x128xf32, #tpu.memory_space<vmem>>, vector<16xf32>,
    tpu.vector_store %arg7[%swap3A_466, %swap3A_467], %broadcast_in_dim3A_1 {strides = array<i32>} : memref<32x128xf32, #tpu.memory_space<vmem>>, vector<16xf32>,
    %swap3A_469 = arith.constant 14 : i32
    %swap3A_470 = arith.index_cast %swap3A_469 : i32 to index
    %swap3A_471 = arith.constant 80 : index
    %swap3A_472 = tpu.vector_load %arg7[%swap3A_470, %swap3A_471] {strides = array<i32>} : memref<32x128xf32, #tpu.memory_space<vmem>>, vector<16xf32>,
    tpu.vector_store %arg7[%swap3A_470, %swap3A_471], %broadcast_in_dim3A_1 {strides = array<i32>} : memref<32x128xf32, #tpu.memory_space<vmem>>, vector<16xf32>,
    %swap3A_473 = arith.constant 14 : i32
    %swap3A_474 = arith.index_cast %swap3A_473 : i32 to index
    %swap3A_475 = arith.constant 96 : index
    %swap3A_476 = tpu.vector_load %arg7[%swap3A_474, %swap3A_475] {strides = array<i32>} : memref<32x128xf32, #tpu.memory_space<vmem>>, vector<16xf32>,
    tpu.vector_store %arg7[%swap3A_474, %swap3A_475], %broadcast_in_dim3A_1 {strides = array<i32>} : memref<32x128xf32, #tpu.memory_space<vmem>>, vector<16xf32>,
    %swap3A_477 = arith.constant 14 : i32
    %swap3A_478 = arith.index_cast %swap3A_477 : i32 to index
    %swap3A_479 = arith.constant 112 : index
    %swap3A_480 = tpu.vector_load %arg7[%swap3A_478, %swap3A_479] {strides = array<i32>} : memref<32x128xf32, #tpu.memory_space<vmem>>, vector<16xf32>,
    tpu.vector_store %arg7[%swap3A_478, %swap3A_479], %broadcast_in_dim3A_1 {strides = array<i32>} : memref<32x128xf32, #tpu.memory_space<vmem>>, vector<16xf32>,
    %swap3A_481 = arith.constant 15 : i32
    %swap3A_482 = arith.index_cast %swap3A_481 : i32 to index
    %swap3A_483 = arith.constant 0 : index
    %swap3A_484 = tpu.vector_load %arg7[%swap3A_482, %swap3A_483] {strides = array<i32>} : memref<32x128xf32, #tpu.memory_space<vmem>>, vector<16xf32>,
    tpu.vector_store %arg7[%swap3A_482, %swap3A_483], %broadcast_in_dim3A_1 {strides = array<i32>} : memref<32x128xf32, #tpu.memory_space<vmem>>, vector<16xf32>,
    %swap3A_485 = arith.constant 15 : i32
    %swap3A_486 = arith.index_cast %swap3A_485 : i32 to index
    %swap3A_487 = arith.constant 16 : index
    %swap3A_488 = tpu.vector_load %arg7[%swap3A_486, %swap3A_487] {strides = array<i32>} : memref<32x128xf32, #tpu.memory_space<vmem>>, vector<16xf32>,
    tpu.vector_store %arg7[%swap3A_486, %swap3A_487], %broadcast_in_dim3A_1 {strides = array<i32>} : memref<32x128xf32, #tpu.memory_space<vmem>>, vector<16xf32>,
    %swap3A_489 = arith.constant 15 : i32
    %swap3A_490 = arith.index_cast %swap3A_489 : i32 to index
    %swap3A_491 = arith.constant 32 : index
    %swap3A_492 = tpu.vector_load %arg7[%swap3A_490, %swap3A_491] {strides = array<i32>} : memref<32x128xf32, #tpu.memory_space<vmem>>, vector<16xf32>,
    tpu.vector_store %arg7[%swap3A_490, %swap3A_491], %broadcast_in_dim3A_1 {strides = array<i32>} : memref<32x128xf32, #tpu.memory_space<vmem>>, vector<16xf32>,
    %swap3A_493 = arith.constant 15 : i32
    %swap3A_494 = arith.index_cast %swap3A_493 : i32 to index
    %swap3A_495 = arith.constant 48 : index
    %swap3A_496 = tpu.vector_load %arg7[%swap3A_494, %swap3A_495] {strides = array<i32>} : memref<32x128xf32, #tpu.memory_space<vmem>>, vector<16xf32>,
    tpu.vector_store %arg7[%swap3A_494, %swap3A_495], %broadcast_in_dim3A_1 {strides = array<i32>} : memref<32x128xf32, #tpu.memory_space<vmem>>, vector<16xf32>,
    %swap3A_497 = arith.constant 15 : i32
    %swap3A_498 = arith.index_cast %swap3A_497 : i32 to index
    %swap3A_499 = arith.constant 64 : index
    %swap3A_500 = tpu.vector_load %arg7[%swap3A_498, %swap3A_499] {strides = array<i32>} : memref<32x128xf32, #tpu.memory_space<vmem>>, vector<16xf32>,
    tpu.vector_store %arg7[%swap3A_498, %swap3A_499], %broadcast_in_dim3A_1 {strides = array<i32>} : memref<32x128xf32, #tpu.memory_space<vmem>>, vector<16xf32>,
    %swap3A_501 = arith.constant 15 : i32
    %swap3A_502 = arith.index_cast %swap3A_501 : i32 to index
    %swap3A_503 = arith.constant 80 : index
    %swap3A_504 = tpu.vector_load %arg7[%swap3A_502, %swap3A_503] {strides = array<i32>} : memref<32x128xf32, #tpu.memory_space<vmem>>, vector<16xf32>,
    tpu.vector_store %arg7[%swap3A_502, %swap3A_503], %broadcast_in_dim3A_1 {strides = array<i32>} : memref<32x128xf32, #tpu.memory_space<vmem>>, vector<16xf32>,
    %swap3A_505 = arith.constant 15 : i32
    %swap3A_506 = arith.index_cast %swap3A_505 : i32 to index
    %swap3A_507 = arith.constant 96 : index
    %swap3A_508 = tpu.vector_load %arg7[%swap3A_506, %swap3A_507] {strides = array<i32>} : memref<32x128xf32, #tpu.memory_space<vmem>>, vector<16xf32>,
    tpu.vector_store %arg7[%swap3A_506, %swap3A_507], %broadcast_in_dim3A_1 {strides = array<i32>} : memref<32x128xf32, #tpu.memory_space<vmem>>, vector<16xf32>,
    %swap3A_509 = arith.constant 15 : i32
    %swap3A_510 = arith.index_cast %swap3A_509 : i32 to index
    %swap3A_511 = arith.constant 112 : index
    %swap3A_512 = tpu.vector_load %arg7[%swap3A_510, %swap3A_511] {strides = array<i32>} : memref<32x128xf32, #tpu.memory_space<vmem>>, vector<16xf32>,
    tpu.vector_store %arg7[%swap3A_510, %swap3A_511], %broadcast_in_dim3A_1 {strides = array<i32>} : memref<32x128xf32, #tpu.memory_space<vmem>>, vector<16xf32>,
    %swap3A_513 = arith.constant 16 : i32
    %swap3A_514 = arith.index_cast %swap3A_513 : i32 to index
    %swap3A_515 = arith.constant 0 : index
    %swap3A_516 = tpu.vector_load %arg7[%swap3A_514, %swap3A_515] {strides = array<i32>} : memref<32x128xf32, #tpu.memory_space<vmem>>, vector<16xf32>,
    tpu.vector_store %arg7[%swap3A_514, %swap3A_515], %broadcast_in_dim3A_1 {strides = array<i32>} : memref<32x128xf32, #tpu.memory_space<vmem>>, vector<16xf32>,
    %swap3A_517 = arith.constant 16 : i32
    %swap3A_518 = arith.index_cast %swap3A_517 : i32 to index
    %swap3A_519 = arith.constant 16 : index
    %swap3A_520 = tpu.vector_load %arg7[%swap3A_518, %swap3A_519] {strides = array<i32>} : memref<32x128xf32, #tpu.memory_space<vmem>>, vector<16xf32>,
    tpu.vector_store %arg7[%swap3A_518, %swap3A_519], %broadcast_in_dim3A_1 {strides = array<i32>} : memref<32x128xf32, #tpu.memory_space<vmem>>, vector<16xf32>,
    %swap3A_521 = arith.constant 16 : i32
    %swap3A_522 = arith.index_cast %swap3A_521 : i32 to index
    %swap3A_523 = arith.constant 32 : index
    %swap3A_524 = tpu.vector_load %arg7[%swap3A_522, %swap3A_523] {strides = array<i32>} : memref<32x128xf32, #tpu.memory_space<vmem>>, vector<16xf32>,
    tpu.vector_store %arg7[%swap3A_522, %swap3A_523], %broadcast_in_dim3A_1 {strides = array<i32>} : memref<32x128xf32, #tpu.memory_space<vmem>>, vector<16xf32>,
    %swap3A_525 = arith.constant 16 : i32
    %swap3A_526 = arith.index_cast %swap3A_525 : i32 to index
    %swap3A_527 = arith.constant 48 : index
    %swap3A_528 = tpu.vector_load %arg7[%swap3A_526, %swap3A_527] {strides = array<i32>} : memref<32x128xf32, #tpu.memory_space<vmem>>, vector<16xf32>,
    tpu.vector_store %arg7[%swap3A_526, %swap3A_527], %broadcast_in_dim3A_1 {strides = array<i32>} : memref<32x128xf32, #tpu.memory_space<vmem>>, vector<16xf32>,
    %swap3A_529 = arith.constant 16 : i32
    %swap3A_530 = arith.index_cast %swap3A_529 : i32 to index
    %swap3A_531 = arith.constant 64 : index
    %swap3A_532 = tpu.vector_load %arg7[%swap3A_530, %swap3A_531] {strides = array<i32>} : memref<32x128xf32, #tpu.memory_space<vmem>>, vector<16xf32>,
    tpu.vector_store %arg7[%swap3A_530, %swap3A_531], %broadcast_in_dim3A_1 {strides = array<i32>} : memref<32x128xf32, #tpu.memory_space<vmem>>, vector<16xf32>,
    %swap3A_533 = arith.constant 16 : i32
    %swap3A_534 = arith.index_cast %swap3A_533 : i32 to index
    %swap3A_535 = arith.constant 80 : index
    %swap3A_536 = tpu.vector_load %arg7[%swap3A_534, %swap3A_535] {strides = array<i32>} : memref<32x128xf32, #tpu.memory_space<vmem>>, vector<16xf32>,
    tpu.vector_store %arg7[%swap3A_534, %swap3A_535], %broadcast_in_dim3A_1 {strides = array<i32>} : memref<32x128xf32, #tpu.memory_space<vmem>>, vector<16xf32>,
    %swap3A_537 = arith.constant 16 : i32
    %swap3A_538 = arith.index_cast %swap3A_537 : i32 to index
    %swap3A_539 = arith.constant 96 : index
    %swap3A_540 = tpu.vector_load %arg7[%swap3A_538, %swap3A_539] {strides = array<i32>} : memref<32x128xf32, #tpu.memory_space<vmem>>, vector<16xf32>,
    tpu.vector_store %arg7[%swap3A_538, %swap3A_539], %broadcast_in_dim3A_1 {strides = array<i32>} : memref<32x128xf32, #tpu.memory_space<vmem>>, vector<16xf32>,
    %swap3A_541 = arith.constant 16 : i32
    %swap3A_542 = arith.index_cast %swap3A_541 : i32 to index
    %swap3A_543 = arith.constant 112 : index
    %swap3A_544 = tpu.vector_load %arg7[%swap3A_542, %swap3A_543] {strides = array<i32>} : memref<32x128xf32, #tpu.memory_space<vmem>>, vector<16xf32>,
    tpu.vector_store %arg7[%swap3A_542, %swap3A_543], %broadcast_in_dim3A_1 {strides = array<i32>} : memref<32x128xf32, #tpu.memory_space<vmem>>, vector<16xf32>,
    %swap3A_545 = arith.constant 17 : i32
    %swap3A_546 = arith.index_cast %swap3A_545 : i32 to index
    %swap3A_547 = arith.constant 0 : index
    %swap3A_548 = tpu.vector_load %arg7[%swap3A_546, %swap3A_547] {strides = array<i32>} : memref<32x128xf32, #tpu.memory_space<vmem>>, vector<16xf32>,
    tpu.vector_store %arg7[%swap3A_546, %swap3A_547], %broadcast_in_dim3A_1 {strides = array<i32>} : memref<32x128xf32, #tpu.memory_space<vmem>>, vector<16xf32>,
    %swap3A_549 = arith.constant 17 : i32
    %swap3A_550 = arith.index_cast %swap3A_549 : i32 to index
    %swap3A_551 = arith.constant 16 : index
    %swap3A_552 = tpu.vector_load %arg7[%swap3A_550, %swap3A_551] {strides = array<i32>} : memref<32x128xf32, #tpu.memory_space<vmem>>, vector<16xf32>,
    tpu.vector_store %arg7[%swap3A_550, %swap3A_551], %broadcast_in_dim3A_1 {strides = array<i32>} : memref<32x128xf32, #tpu.memory_space<vmem>>, vector<16xf32>,
    %swap3A_553 = arith.constant 17 : i32
    %swap3A_554 = arith.index_cast %swap3A_553 : i32 to index
    %swap3A_555 = arith.constant 32 : index
    %swap3A_556 = tpu.vector_load %arg7[%swap3A_554, %swap3A_555] {strides = array<i32>} : memref<32x128xf32, #tpu.memory_space<vmem>>, vector<16xf32>,
    tpu.vector_store %arg7[%swap3A_554, %swap3A_555], %broadcast_in_dim3A_1 {strides = array<i32>} : memref<32x128xf32, #tpu.memory_space<vmem>>, vector<16xf32>,
    %swap3A_557 = arith.constant 17 : i32
    %swap3A_558 = arith.index_cast %swap3A_557 : i32 to index
    %swap3A_559 = arith.constant 48 : index
    %swap3A_560 = tpu.vector_load %arg7[%swap3A_558, %swap3A_559] {strides = array<i32>} : memref<32x128xf32, #tpu.memory_space<vmem>>, vector<16xf32>,
    tpu.vector_store %arg7[%swap3A_558, %swap3A_559], %broadcast_in_dim3A_1 {strides = array<i32>} : memref<32x128xf32, #tpu.memory_space<vmem>>, vector<16xf32>,
    %swap3A_561 = arith.constant 17 : i32
    %swap3A_562 = arith.index_cast %swap3A_561 : i32 to index
    %swap3A_563 = arith.constant 64 : index
    %swap3A_564 = tpu.vector_load %arg7[%swap3A_562, %swap3A_563] {strides = array<i32>} : memref<32x128xf32, #tpu.memory_space<vmem>>, vector<16xf32>,
    tpu.vector_store %arg7[%swap3A_562, %swap3A_563], %broadcast_in_dim3A_1 {strides = array<i32>} : memref<32x128xf32, #tpu.memory_space<vmem>>, vector<16xf32>,
    %swap3A_565 = arith.constant 17 : i32
    %swap3A_566 = arith.index_cast %swap3A_565 : i32 to index
    %swap3A_567 = arith.constant 80 : index
    %swap3A_568 = tpu.vector_load %arg7[%swap3A_566, %swap3A_567] {strides = array<i32>} : memref<32x128xf32, #tpu.memory_space<vmem>>, vector<16xf32>,
    tpu.vector_store %arg7[%swap3A_566, %swap3A_567], %broadcast_in_dim3A_1 {strides = array<i32>} : memref<32x128xf32, #tpu.memory_space<vmem>>, vector<16xf32>,
    %swap3A_569 = arith.constant 17 : i32
    %swap3A_570 = arith.index_cast %swap3A_569 : i32 to index
    %swap3A_571 = arith.constant 96 : index
    %swap3A_572 = tpu.vector_load %arg7[%swap3A_570, %swap3A_571] {strides = array<i32>} : memref<32x128xf32, #tpu.memory_space<vmem>>, vector<16xf32>,
    tpu.vector_store %arg7[%swap3A_570, %swap3A_571], %broadcast_in_dim3A_1 {strides = array<i32>} : memref<32x128xf32, #tpu.memory_space<vmem>>, vector<16xf32>,
    %swap3A_573 = arith.constant 17 : i32
    %swap3A_574 = arith.index_cast %swap3A_573 : i32 to index
    %swap3A_575 = arith.constant 112 : index
    %swap3A_576 = tpu.vector_load %arg7[%swap3A_574, %swap3A_575] {strides = array<i32>} : memref<32x128xf32, #tpu.memory_space<vmem>>, vector<16xf32>,
    tpu.vector_store %arg7[%swap3A_574, %swap3A_575], %broadcast_in_dim3A_1 {strides = array<i32>} : memref<32x128xf32, #tpu.memory_space<vmem>>, vector<16xf32>,
    %swap3A_577 = arith.constant 18 : i32
    %swap3A_578 = arith.index_cast %swap3A_577 : i32 to index
    %swap3A_579 = arith.constant 0 : index
    %swap3A_580 = tpu.vector_load %arg7[%swap3A_578, %swap3A_579] {strides = array<i32>} : memref<32x128xf32, #tpu.memory_space<vmem>>, vector<16xf32>,
    tpu.vector_store %arg7[%swap3A_578, %swap3A_579], %broadcast_in_dim3A_1 {strides = array<i32>} : memref<32x128xf32, #tpu.memory_space<vmem>>, vector<16xf32>,
    %swap3A_581 = arith.constant 18 : i32
    %swap3A_582 = arith.index_cast %swap3A_581 : i32 to index
    %swap3A_583 = arith.constant 16 : index
    %swap3A_584 = tpu.vector_load %arg7[%swap3A_582, %swap3A_583] {strides = array<i32>} : memref<32x128xf32, #tpu.memory_space<vmem>>, vector<16xf32>,
    tpu.vector_store %arg7[%swap3A_582, %swap3A_583], %broadcast_in_dim3A_1 {strides = array<i32>} : memref<32x128xf32, #tpu.memory_space<vmem>>, vector<16xf32>,
    %swap3A_585 = arith.constant 18 : i32
    %swap3A_586 = arith.index_cast %swap3A_585 : i32 to index
    %swap3A_587 = arith.constant 32 : index
    %swap3A_588 = tpu.vector_load %arg7[%swap3A_586, %swap3A_587] {strides = array<i32>} : memref<32x128xf32, #tpu.memory_space<vmem>>, vector<16xf32>,
    tpu.vector_store %arg7[%swap3A_586, %swap3A_587], %broadcast_in_dim3A_1 {strides = array<i32>} : memref<32x128xf32, #tpu.memory_space<vmem>>, vector<16xf32>,
    %swap3A_589 = arith.constant 18 : i32
    %swap3A_590 = arith.index_cast %swap3A_589 : i32 to index
    %swap3A_591 = arith.constant 48 : index
    %swap3A_592 = tpu.vector_load %arg7[%swap3A_590, %swap3A_591] {strides = array<i32>} : memref<32x128xf32, #tpu.memory_space<vmem>>, vector<16xf32>,
    tpu.vector_store %arg7[%swap3A_590, %swap3A_591], %broadcast_in_dim3A_1 {strides = array<i32>} : memref<32x128xf32, #tpu.memory_space<vmem>>, vector<16xf32>,
    %swap3A_593 = arith.constant 18 : i32
    %swap3A_594 = arith.index_cast %swap3A_593 : i32 to index
    %swap3A_595 = arith.constant 64 : index
    %swap3A_596 = tpu.vector_load %arg7[%swap3A_594, %swap3A_595] {strides = array<i32>} : memref<32x128xf32, #tpu.memory_space<vmem>>, vector<16xf32>,
    tpu.vector_store %arg7[%swap3A_594, %swap3A_595], %broadcast_in_dim3A_1 {strides = array<i32>} : memref<32x128xf32, #tpu.memory_space<vmem>>, vector<16xf32>,
    %swap3A_597 = arith.constant 18 : i32
    %swap3A_598 = arith.index_cast %swap3A_597 : i32 to index
    %swap3A_599 = arith.constant 80 : index
    %swap3A_600 = tpu.vector_load %arg7[%swap3A_598, %swap3A_599] {strides = array<i32>} : memref<32x128xf32, #tpu.memory_space<vmem>>, vector<16xf32>,
    tpu.vector_store %arg7[%swap3A_598, %swap3A_599], %broadcast_in_dim3A_1 {strides = array<i32>} : memref<32x128xf32, #tpu.memory_space<vmem>>, vector<16xf32>,
    %swap3A_601 = arith.constant 18 : i32
    %swap3A_602 = arith.index_cast %swap3A_601 : i32 to index
    %swap3A_603 = arith.constant 96 : index
    %swap3A_604 = tpu.vector_load %arg7[%swap3A_602, %swap3A_603] {strides = array<i32>} : memref<32x128xf32, #tpu.memory_space<vmem>>, vector<16xf32>,
    tpu.vector_store %arg7[%swap3A_602, %swap3A_603], %broadcast_in_dim3A_1 {strides = array<i32>} : memref<32x128xf32, #tpu.memory_space<vmem>>, vector<16xf32>,
    %swap3A_605 = arith.constant 18 : i32
    %swap3A_606 = arith.index_cast %swap3A_605 : i32 to index
    %swap3A_607 = arith.constant 112 : index
    %swap3A_608 = tpu.vector_load %arg7[%swap3A_606, %swap3A_607] {strides = array<i32>} : memref<32x128xf32, #tpu.memory_space<vmem>>, vector<16xf32>,
    tpu.vector_store %arg7[%swap3A_606, %swap3A_607], %broadcast_in_dim3A_1 {strides = array<i32>} : memref<32x128xf32, #tpu.memory_space<vmem>>, vector<16xf32>,
    %swap3A_609 = arith.constant 19 : i32
    %swap3A_610 = arith.index_cast %swap3A_609 : i32 to index
    %swap3A_611 = arith.constant 0 : index
    %swap3A_612 = tpu.vector_load %arg7[%swap3A_610, %swap3A_611] {strides = array<i32>} : memref<32x128xf32, #tpu.memory_space<vmem>>, vector<16xf32>,
    tpu.vector_store %arg7[%swap3A_610, %swap3A_611], %broadcast_in_dim3A_1 {strides = array<i32>} : memref<32x128xf32, #tpu.memory_space<vmem>>, vector<16xf32>,
    %swap3A_613 = arith.constant 19 : i32
    %swap3A_614 = arith.index_cast %swap3A_613 : i32 to index
    %swap3A_615 = arith.constant 16 : index
    %swap3A_616 = tpu.vector_load %arg7[%swap3A_614, %swap3A_615] {strides = array<i32>} : memref<32x128xf32, #tpu.memory_space<vmem>>, vector<16xf32>,
    tpu.vector_store %arg7[%swap3A_614, %swap3A_615], %broadcast_in_dim3A_1 {strides = array<i32>} : memref<32x128xf32, #tpu.memory_space<vmem>>, vector<16xf32>,
    %swap3A_617 = arith.constant 19 : i32
    %swap3A_618 = arith.index_cast %swap3A_617 : i32 to index
    %swap3A_619 = arith.constant 32 : index
    %swap3A_620 = tpu.vector_load %arg7[%swap3A_618, %swap3A_619] {strides = array<i32>} : memref<32x128xf32, #tpu.memory_space<vmem>>, vector<16xf32>,
    tpu.vector_store %arg7[%swap3A_618, %swap3A_619], %broadcast_in_dim3A_1 {strides = array<i32>} : memref<32x128xf32, #tpu.memory_space<vmem>>, vector<16xf32>,
    %swap3A_621 = arith.constant 19 : i32
    %swap3A_622 = arith.index_cast %swap3A_621 : i32 to index
    %swap3A_623 = arith.constant 48 : index
    %swap3A_624 = tpu.vector_load %arg7[%swap3A_622, %swap3A_623] {strides = array<i32>} : memref<32x128xf32, #tpu.memory_space<vmem>>, vector<16xf32>,
    tpu.vector_store %arg7[%swap3A_622, %swap3A_623], %broadcast_in_dim3A_1 {strides = array<i32>} : memref<32x128xf32, #tpu.memory_space<vmem>>, vector<16xf32>,
    %swap3A_625 = arith.constant 19 : i32
    %swap3A_626 = arith.index_cast %swap3A_625 : i32 to index
    %swap3A_627 = arith.constant 64 : index
    %swap3A_628 = tpu.vector_load %arg7[%swap3A_626, %swap3A_627] {strides = array<i32>} : memref<32x128xf32, #tpu.memory_space<vmem>>, vector<16xf32>,
    tpu.vector_store %arg7[%swap3A_626, %swap3A_627], %broadcast_in_dim3A_1 {strides = array<i32>} : memref<32x128xf32, #tpu.memory_space<vmem>>, vector<16xf32>,
    %swap3A_629 = arith.constant 19 : i32
    %swap3A_630 = arith.index_cast %swap3A_629 : i32 to index
    %swap3A_631 = arith.constant 80 : index
    %swap3A_632 = tpu.vector_load %arg7[%swap3A_630, %swap3A_631] {strides = array<i32>} : memref<32x128xf32, #tpu.memory_space<vmem>>, vector<16xf32>,
    tpu.vector_store %arg7[%swap3A_630, %swap3A_631], %broadcast_in_dim3A_1 {strides = array<i32>} : memref<32x128xf32, #tpu.memory_space<vmem>>, vector<16xf32>,
    %swap3A_633 = arith.constant 19 : i32
    %swap3A_634 = arith.index_cast %swap3A_633 : i32 to index
    %swap3A_635 = arith.constant 96 : index
    %swap3A_636 = tpu.vector_load %arg7[%swap3A_634, %swap3A_635] {strides = array<i32>} : memref<32x128xf32, #tpu.memory_space<vmem>>, vector<16xf32>,
    tpu.vector_store %arg7[%swap3A_634, %swap3A_635], %broadcast_in_dim3A_1 {strides = array<i32>} : memref<32x128xf32, #tpu.memory_space<vmem>>, vector<16xf32>,
    %swap3A_637 = arith.constant 19 : i32
    %swap3A_638 = arith.index_cast %swap3A_637 : i32 to index
    %swap3A_639 = arith.constant 112 : index
    %swap3A_640 = tpu.vector_load %arg7[%swap3A_638, %swap3A_639] {strides = array<i32>} : memref<32x128xf32, #tpu.memory_space<vmem>>, vector<16xf32>,
    tpu.vector_store %arg7[%swap3A_638, %swap3A_639], %broadcast_in_dim3A_1 {strides = array<i32>} : memref<32x128xf32, #tpu.memory_space<vmem>>, vector<16xf32>,
    %swap3A_641 = arith.constant 20 : i32
    %swap3A_642 = arith.index_cast %swap3A_641 : i32 to index
    %swap3A_643 = arith.constant 0 : index
    %swap3A_644 = tpu.vector_load %arg7[%swap3A_642, %swap3A_643] {strides = array<i32>} : memref<32x128xf32, #tpu.memory_space<vmem>>, vector<16xf32>,
    tpu.vector_store %arg7[%swap3A_642, %swap3A_643], %broadcast_in_dim3A_1 {strides = array<i32>} : memref<32x128xf32, #tpu.memory_space<vmem>>, vector<16xf32>,
    %swap3A_645 = arith.constant 20 : i32
    %swap3A_646 = arith.index_cast %swap3A_645 : i32 to index
    %swap3A_647 = arith.constant 16 : index
    %swap3A_648 = tpu.vector_load %arg7[%swap3A_646, %swap3A_647] {strides = array<i32>} : memref<32x128xf32, #tpu.memory_space<vmem>>, vector<16xf32>,
    tpu.vector_store %arg7[%swap3A_646, %swap3A_647], %broadcast_in_dim3A_1 {strides = array<i32>} : memref<32x128xf32, #tpu.memory_space<vmem>>, vector<16xf32>,
    %swap3A_649 = arith.constant 20 : i32
    %swap3A_650 = arith.index_cast %swap3A_649 : i32 to index
    %swap3A_651 = arith.constant 32 : index
    %swap3A_652 = tpu.vector_load %arg7[%swap3A_650, %swap3A_651] {strides = array<i32>} : memref<32x128xf32, #tpu.memory_space<vmem>>, vector<16xf32>,
    tpu.vector_store %arg7[%swap3A_650, %swap3A_651], %broadcast_in_dim3A_1 {strides = array<i32>} : memref<32x128xf32, #tpu.memory_space<vmem>>, vector<16xf32>,
    %swap3A_653 = arith.constant 20 : i32
    %swap3A_654 = arith.index_cast %swap3A_653 : i32 to index
    %swap3A_655 = arith.constant 48 : index
    %swap3A_656 = tpu.vector_load %arg7[%swap3A_654, %swap3A_655] {strides = array<i32>} : memref<32x128xf32, #tpu.memory_space<vmem>>, vector<16xf32>,
    tpu.vector_store %arg7[%swap3A_654, %swap3A_655], %broadcast_in_dim3A_1 {strides = array<i32>} : memref<32x128xf32, #tpu.memory_space<vmem>>, vector<16xf32>,
    %swap3A_657 = arith.constant 20 : i32
    %swap3A_658 = arith.index_cast %swap3A_657 : i32 to index
    %swap3A_659 = arith.constant 64 : index
    %swap3A_660 = tpu.vector_load %arg7[%swap3A_658, %swap3A_659] {strides = array<i32>} : memref<32x128xf32, #tpu.memory_space<vmem>>, vector<16xf32>,
    tpu.vector_store %arg7[%swap3A_658, %swap3A_659], %broadcast_in_dim3A_1 {strides = array<i32>} : memref<32x128xf32, #tpu.memory_space<vmem>>, vector<16xf32>,
    %swap3A_661 = arith.constant 20 : i32
    %swap3A_662 = arith.index_cast %swap3A_661 : i32 to index
    %swap3A_663 = arith.constant 80 : index
    %swap3A_664 = tpu.vector_load %arg7[%swap3A_662, %swap3A_663] {strides = array<i32>} : memref<32x128xf32, #tpu.memory_space<vmem>>, vector<16xf32>,
    tpu.vector_store %arg7[%swap3A_662, %swap3A_663], %broadcast_in_dim3A_1 {strides = array<i32>} : memref<32x128xf32, #tpu.memory_space<vmem>>, vector<16xf32>,
    %swap3A_665 = arith.constant 20 : i32
    %swap3A_666 = arith.index_cast %swap3A_665 : i32 to index
    %swap3A_667 = arith.constant 96 : index
    %swap3A_668 = tpu.vector_load %arg7[%swap3A_666, %swap3A_667] {strides = array<i32>} : memref<32x128xf32, #tpu.memory_space<vmem>>, vector<16xf32>,
    tpu.vector_store %arg7[%swap3A_666, %swap3A_667], %broadcast_in_dim3A_1 {strides = array<i32>} : memref<32x128xf32, #tpu.memory_space<vmem>>, vector<16xf32>,
    %swap3A_669 = arith.constant 20 : i32
    %swap3A_670 = arith.index_cast %swap3A_669 : i32 to index
    %swap3A_671 = arith.constant 112 : index
    %swap3A_672 = tpu.vector_load %arg7[%swap3A_670, %swap3A_671] {strides = array<i32>} : memref<32x128xf32, #tpu.memory_space<vmem>>, vector<16xf32>,
    tpu.vector_store %arg7[%swap3A_670, %swap3A_671], %broadcast_in_dim3A_1 {strides = array<i32>} : memref<32x128xf32, #tpu.memory_space<vmem>>, vector<16xf32>,
    %swap3A_673 = arith.constant 21 : i32
    %swap3A_674 = arith.index_cast %swap3A_673 : i32 to index
    %swap3A_675 = arith.constant 0 : index
    %swap3A_676 = tpu.vector_load %arg7[%swap3A_674, %swap3A_675] {strides = array<i32>} : memref<32x128xf32, #tpu.memory_space<vmem>>, vector<16xf32>,
    tpu.vector_store %arg7[%swap3A_674, %swap3A_675], %broadcast_in_dim3A_1 {strides = array<i32>} : memref<32x128xf32, #tpu.memory_space<vmem>>, vector<16xf32>,
    %swap3A_677 = arith.constant 21 : i32
    %swap3A_678 = arith.index_cast %swap3A_677 : i32 to index
    %swap3A_679 = arith.constant 16 : index
    %swap3A_680 = tpu.vector_load %arg7[%swap3A_678, %swap3A_679] {strides = array<i32>} : memref<32x128xf32, #tpu.memory_space<vmem>>, vector<16xf32>,
    tpu.vector_store %arg7[%swap3A_678, %swap3A_679], %broadcast_in_dim3A_1 {strides = array<i32>} : memref<32x128xf32, #tpu.memory_space<vmem>>, vector<16xf32>,
    %swap3A_681 = arith.constant 21 : i32
    %swap3A_682 = arith.index_cast %swap3A_681 : i32 to index
    %swap3A_683 = arith.constant 32 : index
    %swap3A_684 = tpu.vector_load %arg7[%swap3A_682, %swap3A_683] {strides = array<i32>} : memref<32x128xf32, #tpu.memory_space<vmem>>, vector<16xf32>,
    tpu.vector_store %arg7[%swap3A_682, %swap3A_683], %broadcast_in_dim3A_1 {strides = array<i32>} : memref<32x128xf32, #tpu.memory_space<vmem>>, vector<16xf32>,
    %swap3A_685 = arith.constant 21 : i32
    %swap3A_686 = arith.index_cast %swap3A_685 : i32 to index
    %swap3A_687 = arith.constant 48 : index
    %swap3A_688 = tpu.vector_load %arg7[%swap3A_686, %swap3A_687] {strides = array<i32>} : memref<32x128xf32, #tpu.memory_space<vmem>>, vector<16xf32>,
    tpu.vector_store %arg7[%swap3A_686, %swap3A_687], %broadcast_in_dim3A_1 {strides = array<i32>} : memref<32x128xf32, #tpu.memory_space<vmem>>, vector<16xf32>,
    %swap3A_689 = arith.constant 21 : i32
    %swap3A_690 = arith.index_cast %swap3A_689 : i32 to index
    %swap3A_691 = arith.constant 64 : index
    %swap3A_692 = tpu.vector_load %arg7[%swap3A_690, %swap3A_691] {strides = array<i32>} : memref<32x128xf32, #tpu.memory_space<vmem>>, vector<16xf32>,
    tpu.vector_store %arg7[%swap3A_690, %swap3A_691], %broadcast_in_dim3A_1 {strides = array<i32>} : memref<32x128xf32, #tpu.memory_space<vmem>>, vector<16xf32>,
    %swap3A_693 = arith.constant 21 : i32
    %swap3A_694 = arith.index_cast %swap3A_693 : i32 to index
    %swap3A_695 = arith.constant 80 : index
    %swap3A_696 = tpu.vector_load %arg7[%swap3A_694, %swap3A_695] {strides = array<i32>} : memref<32x128xf32, #tpu.memory_space<vmem>>, vector<16xf32>,
    tpu.vector_store %arg7[%swap3A_694, %swap3A_695], %broadcast_in_dim3A_1 {strides = array<i32>} : memref<32x128xf32, #tpu.memory_space<vmem>>, vector<16xf32>,
    %swap3A_697 = arith.constant 21 : i32
    %swap3A_698 = arith.index_cast %swap3A_697 : i32 to index
    %swap3A_699 = arith.constant 96 : index
    %swap3A_700 = tpu.vector_load %arg7[%swap3A_698, %swap3A_699] {strides = array<i32>} : memref<32x128xf32, #tpu.memory_space<vmem>>, vector<16xf32>,
    tpu.vector_store %arg7[%swap3A_698, %swap3A_699], %broadcast_in_dim3A_1 {strides = array<i32>} : memref<32x128xf32, #tpu.memory_space<vmem>>, vector<16xf32>,
    %swap3A_701 = arith.constant 21 : i32
    %swap3A_702 = arith.index_cast %swap3A_701 : i32 to index
    %swap3A_703 = arith.constant 112 : index
    %swap3A_704 = tpu.vector_load %arg7[%swap3A_702, %swap3A_703] {strides = array<i32>} : memref<32x128xf32, #tpu.memory_space<vmem>>, vector<16xf32>,
    tpu.vector_store %arg7[%swap3A_702, %swap3A_703], %broadcast_in_dim3A_1 {strides = array<i32>} : memref<32x128xf32, #tpu.memory_space<vmem>>, vector<16xf32>,
    %swap3A_705 = arith.constant 22 : i32
    %swap3A_706 = arith.index_cast %swap3A_705 : i32 to index
    %swap3A_707 = arith.constant 0 : index
    %swap3A_708 = tpu.vector_load %arg7[%swap3A_706, %swap3A_707] {strides = array<i32>} : memref<32x128xf32, #tpu.memory_space<vmem>>, vector<16xf32>,
    tpu.vector_store %arg7[%swap3A_706, %swap3A_707], %broadcast_in_dim3A_1 {strides = array<i32>} : memref<32x128xf32, #tpu.memory_space<vmem>>, vector<16xf32>,
    %swap3A_709 = arith.constant 22 : i32
    %swap3A_710 = arith.index_cast %swap3A_709 : i32 to index
    %swap3A_711 = arith.constant 16 : index
    %swap3A_712 = tpu.vector_load %arg7[%swap3A_710, %swap3A_711] {strides = array<i32>} : memref<32x128xf32, #tpu.memory_space<vmem>>, vector<16xf32>,
    tpu.vector_store %arg7[%swap3A_710, %swap3A_711], %broadcast_in_dim3A_1 {strides = array<i32>} : memref<32x128xf32, #tpu.memory_space<vmem>>, vector<16xf32>,
    %swap3A_713 = arith.constant 22 : i32
    %swap3A_714 = arith.index_cast %swap3A_713 : i32 to index
    %swap3A_715 = arith.constant 32 : index
    %swap3A_716 = tpu.vector_load %arg7[%swap3A_714, %swap3A_715] {strides = array<i32>} : memref<32x128xf32, #tpu.memory_space<vmem>>, vector<16xf32>,
    tpu.vector_store %arg7[%swap3A_714, %swap3A_715], %broadcast_in_dim3A_1 {strides = array<i32>} : memref<32x128xf32, #tpu.memory_space<vmem>>, vector<16xf32>,
    %swap3A_717 = arith.constant 22 : i32
    %swap3A_718 = arith.index_cast %swap3A_717 : i32 to index
    %swap3A_719 = arith.constant 48 : index
    %swap3A_720 = tpu.vector_load %arg7[%swap3A_718, %swap3A_719] {strides = array<i32>} : memref<32x128xf32, #tpu.memory_space<vmem>>, vector<16xf32>,
    tpu.vector_store %arg7[%swap3A_718, %swap3A_719], %broadcast_in_dim3A_1 {strides = array<i32>} : memref<32x128xf32, #tpu.memory_space<vmem>>, vector<16xf32>,
    %swap3A_721 = arith.constant 22 : i32
    %swap3A_722 = arith.index_cast %swap3A_721 : i32 to index
    %swap3A_723 = arith.constant 64 : index
    %swap3A_724 = tpu.vector_load %arg7[%swap3A_722, %swap3A_723] {strides = array<i32>} : memref<32x128xf32, #tpu.memory_space<vmem>>, vector<16xf32>,
    tpu.vector_store %arg7[%swap3A_722, %swap3A_723], %broadcast_in_dim3A_1 {strides = array<i32>} : memref<32x128xf32, #tpu.memory_space<vmem>>, vector<16xf32>,
    %swap3A_725 = arith.constant 22 : i32
    %swap3A_726 = arith.index_cast %swap3A_725 : i32 to index
    %swap3A_727 = arith.constant 80 : index
    %swap3A_728 = tpu.vector_load %arg7[%swap3A_726, %swap3A_727] {strides = array<i32>} : memref<32x128xf32, #tpu.memory_space<vmem>>, vector<16xf32>,
    tpu.vector_store %arg7[%swap3A_726, %swap3A_727], %broadcast_in_dim3A_1 {strides = array<i32>} : memref<32x128xf32, #tpu.memory_space<vmem>>, vector<16xf32>,
    %swap3A_729 = arith.constant 22 : i32
    %swap3A_730 = arith.index_cast %swap3A_729 : i32 to index
    %swap3A_731 = arith.constant 96 : index
    %swap3A_732 = tpu.vector_load %arg7[%swap3A_730, %swap3A_731] {strides = array<i32>} : memref<32x128xf32, #tpu.memory_space<vmem>>, vector<16xf32>,
    tpu.vector_store %arg7[%swap3A_730, %swap3A_731], %broadcast_in_dim3A_1 {strides = array<i32>} : memref<32x128xf32, #tpu.memory_space<vmem>>, vector<16xf32>,
    %swap3A_733 = arith.constant 22 : i32
    %swap3A_734 = arith.index_cast %swap3A_733 : i32 to index
    %swap3A_735 = arith.constant 112 : index
    %swap3A_736 = tpu.vector_load %arg7[%swap3A_734, %swap3A_735] {strides = array<i32>} : memref<32x128xf32, #tpu.memory_space<vmem>>, vector<16xf32>,
    tpu.vector_store %arg7[%swap3A_734, %swap3A_735], %broadcast_in_dim3A_1 {strides = array<i32>} : memref<32x128xf32, #tpu.memory_space<vmem>>, vector<16xf32>,
    %swap3A_737 = arith.constant 23 : i32
    %swap3A_738 = arith.index_cast %swap3A_737 : i32 to index
    %swap3A_739 = arith.constant 0 : index
    %swap3A_740 = tpu.vector_load %arg7[%swap3A_738, %swap3A_739] {strides = array<i32>} : memref<32x128xf32, #tpu.memory_space<vmem>>, vector<16xf32>,
    tpu.vector_store %arg7[%swap3A_738, %swap3A_739], %broadcast_in_dim3A_1 {strides = array<i32>} : memref<32x128xf32, #tpu.memory_space<vmem>>, vector<16xf32>,
    %swap3A_741 = arith.constant 23 : i32
    %swap3A_742 = arith.index_cast %swap3A_741 : i32 to index
    %swap3A_743 = arith.constant 16 : index
    %swap3A_744 = tpu.vector_load %arg7[%swap3A_742, %swap3A_743] {strides = array<i32>} : memref<32x128xf32, #tpu.memory_space<vmem>>, vector<16xf32>,
    tpu.vector_store %arg7[%swap3A_742, %swap3A_743], %broadcast_in_dim3A_1 {strides = array<i32>} : memref<32x128xf32, #tpu.memory_space<vmem>>, vector<16xf32>,
    %swap3A_745 = arith.constant 23 : i32
    %swap3A_746 = arith.index_cast %swap3A_745 : i32 to index
    %swap3A_747 = arith.constant 32 : index
    %swap3A_748 = tpu.vector_load %arg7[%swap3A_746, %swap3A_747] {strides = array<i32>} : memref<32x128xf32, #tpu.memory_space<vmem>>, vector<16xf32>,
    tpu.vector_store %arg7[%swap3A_746, %swap3A_747], %broadcast_in_dim3A_1 {strides = array<i32>} : memref<32x128xf32, #tpu.memory_space<vmem>>, vector<16xf32>,
    %swap3A_749 = arith.constant 23 : i32
    %swap3A_750 = arith.index_cast %swap3A_749 : i32 to index
    %swap3A_751 = arith.constant 48 : index
    %swap3A_752 = tpu.vector_load %arg7[%swap3A_750, %swap3A_751] {strides = array<i32>} : memref<32x128xf32, #tpu.memory_space<vmem>>, vector<16xf32>,
    tpu.vector_store %arg7[%swap3A_750, %swap3A_751], %broadcast_in_dim3A_1 {strides = array<i32>} : memref<32x128xf32, #tpu.memory_space<vmem>>, vector<16xf32>,
    %swap3A_753 = arith.constant 23 : i32
    %swap3A_754 = arith.index_cast %swap3A_753 : i32 to index
    %swap3A_755 = arith.constant 64 : index
    %swap3A_756 = tpu.vector_load %arg7[%swap3A_754, %swap3A_755] {strides = array<i32>} : memref<32x128xf32, #tpu.memory_space<vmem>>, vector<16xf32>,
    tpu.vector_store %arg7[%swap3A_754, %swap3A_755], %broadcast_in_dim3A_1 {strides = array<i32>} : memref<32x128xf32, #tpu.memory_space<vmem>>, vector<16xf32>,
    %swap3A_757 = arith.constant 23 : i32
    %swap3A_758 = arith.index_cast %swap3A_757 : i32 to index
    %swap3A_759 = arith.constant 80 : index
    %swap3A_760 = tpu.vector_load %arg7[%swap3A_758, %swap3A_759] {strides = array<i32>} : memref<32x128xf32, #tpu.memory_space<vmem>>, vector<16xf32>,
    tpu.vector_store %arg7[%swap3A_758, %swap3A_759], %broadcast_in_dim3A_1 {strides = array<i32>} : memref<32x128xf32, #tpu.memory_space<vmem>>, vector<16xf32>,
    %swap3A_761 = arith.constant 23 : i32
    %swap3A_762 = arith.index_cast %swap3A_761 : i32 to index
    %swap3A_763 = arith.constant 96 : index
    %swap3A_764 = tpu.vector_load %arg7[%swap3A_762, %swap3A_763] {strides = array<i32>} : memref<32x128xf32, #tpu.memory_space<vmem>>, vector<16xf32>,
    tpu.vector_store %arg7[%swap3A_762, %swap3A_763], %broadcast_in_dim3A_1 {strides = array<i32>} : memref<32x128xf32, #tpu.memory_space<vmem>>, vector<16xf32>,
    %swap3A_765 = arith.constant 23 : i32
    %swap3A_766 = arith.index_cast %swap3A_765 : i32 to index
    %swap3A_767 = arith.constant 112 : index
    %swap3A_768 = tpu.vector_load %arg7[%swap3A_766, %swap3A_767] {strides = array<i32>} : memref<32x128xf32, #tpu.memory_space<vmem>>, vector<16xf32>,
    tpu.vector_store %arg7[%swap3A_766, %swap3A_767], %broadcast_in_dim3A_1 {strides = array<i32>} : memref<32x128xf32, #tpu.memory_space<vmem>>, vector<16xf32>,
    %swap3A_769 = arith.constant 24 : i32
    %swap3A_770 = arith.index_cast %swap3A_769 : i32 to index
    %swap3A_771 = arith.constant 0 : index
    %swap3A_772 = tpu.vector_load %arg7[%swap3A_770, %swap3A_771] {strides = array<i32>} : memref<32x128xf32, #tpu.memory_space<vmem>>, vector<16xf32>,
    tpu.vector_store %arg7[%swap3A_770, %swap3A_771], %broadcast_in_dim3A_1 {strides = array<i32>} : memref<32x128xf32, #tpu.memory_space<vmem>>, vector<16xf32>,
    %swap3A_773 = arith.constant 24 : i32
    %swap3A_774 = arith.index_cast %swap3A_773 : i32 to index
    %swap3A_775 = arith.constant 16 : index
    %swap3A_776 = tpu.vector_load %arg7[%swap3A_774, %swap3A_775] {strides = array<i32>} : memref<32x128xf32, #tpu.memory_space<vmem>>, vector<16xf32>,
    tpu.vector_store %arg7[%swap3A_774, %swap3A_775], %broadcast_in_dim3A_1 {strides = array<i32>} : memref<32x128xf32, #tpu.memory_space<vmem>>, vector<16xf32>,
    %swap3A_777 = arith.constant 24 : i32
    %swap3A_778 = arith.index_cast %swap3A_777 : i32 to index
    %swap3A_779 = arith.constant 32 : index
    %swap3A_780 = tpu.vector_load %arg7[%swap3A_778, %swap3A_779] {strides = array<i32>} : memref<32x128xf32, #tpu.memory_space<vmem>>, vector<16xf32>,
    tpu.vector_store %arg7[%swap3A_778, %swap3A_779], %broadcast_in_dim3A_1 {strides = array<i32>} : memref<32x128xf32, #tpu.memory_space<vmem>>, vector<16xf32>,
    %swap3A_781 = arith.constant 24 : i32
    %swap3A_782 = arith.index_cast %swap3A_781 : i32 to index
    %swap3A_783 = arith.constant 48 : index
    %swap3A_784 = tpu.vector_load %arg7[%swap3A_782, %swap3A_783] {strides = array<i32>} : memref<32x128xf32, #tpu.memory_space<vmem>>, vector<16xf32>,
    tpu.vector_store %arg7[%swap3A_782, %swap3A_783], %broadcast_in_dim3A_1 {strides = array<i32>} : memref<32x128xf32, #tpu.memory_space<vmem>>, vector<16xf32>,
    %swap3A_785 = arith.constant 24 : i32
    %swap3A_786 = arith.index_cast %swap3A_785 : i32 to index
    %swap3A_787 = arith.constant 64 : index
    %swap3A_788 = tpu.vector_load %arg7[%swap3A_786, %swap3A_787] {strides = array<i32>} : memref<32x128xf32, #tpu.memory_space<vmem>>, vector<16xf32>,
    tpu.vector_store %arg7[%swap3A_786, %swap3A_787], %broadcast_in_dim3A_1 {strides = array<i32>} : memref<32x128xf32, #tpu.memory_space<vmem>>, vector<16xf32>,
    %swap3A_789 = arith.constant 24 : i32
    %swap3A_790 = arith.index_cast %swap3A_789 : i32 to index
    %swap3A_791 = arith.constant 80 : index
    %swap3A_792 = tpu.vector_load %arg7[%swap3A_790, %swap3A_791] {strides = array<i32>} : memref<32x128xf32, #tpu.memory_space<vmem>>, vector<16xf32>,
    tpu.vector_store %arg7[%swap3A_790, %swap3A_791], %broadcast_in_dim3A_1 {strides = array<i32>} : memref<32x128xf32, #tpu.memory_space<vmem>>, vector<16xf32>,
    %swap3A_793 = arith.constant 24 : i32
    %swap3A_794 = arith.index_cast %swap3A_793 : i32 to index
    %swap3A_795 = arith.constant 96 : index
    %swap3A_796 = tpu.vector_load %arg7[%swap3A_794, %swap3A_795] {strides = array<i32>} : memref<32x128xf32, #tpu.memory_space<vmem>>, vector<16xf32>,
    tpu.vector_store %arg7[%swap3A_794, %swap3A_795], %broadcast_in_dim3A_1 {strides = array<i32>} : memref<32x128xf32, #tpu.memory_space<vmem>>, vector<16xf32>,
    %swap3A_797 = arith.constant 24 : i32
    %swap3A_798 = arith.index_cast %swap3A_797 : i32 to index
    %swap3A_799 = arith.constant 112 : index
    %swap3A_800 = tpu.vector_load %arg7[%swap3A_798, %swap3A_799] {strides = array<i32>} : memref<32x128xf32, #tpu.memory_space<vmem>>, vector<16xf32>,
    tpu.vector_store %arg7[%swap3A_798, %swap3A_799], %broadcast_in_dim3A_1 {strides = array<i32>} : memref<32x128xf32, #tpu.memory_space<vmem>>, vector<16xf32>,
    %swap3A_801 = arith.constant 25 : i32
    %swap3A_802 = arith.index_cast %swap3A_801 : i32 to index
    %swap3A_803 = arith.constant 0 : index
    %swap3A_804 = tpu.vector_load %arg7[%swap3A_802, %swap3A_803] {strides = array<i32>} : memref<32x128xf32, #tpu.memory_space<vmem>>, vector<16xf32>,
    tpu.vector_store %arg7[%swap3A_802, %swap3A_803], %broadcast_in_dim3A_1 {strides = array<i32>} : memref<32x128xf32, #tpu.memory_space<vmem>>, vector<16xf32>,
    %swap3A_805 = arith.constant 25 : i32
    %swap3A_806 = arith.index_cast %swap3A_805 : i32 to index
    %swap3A_807 = arith.constant 16 : index
    %swap3A_808 = tpu.vector_load %arg7[%swap3A_806, %swap3A_807] {strides = array<i32>} : memref<32x128xf32, #tpu.memory_space<vmem>>, vector<16xf32>,
    tpu.vector_store %arg7[%swap3A_806, %swap3A_807], %broadcast_in_dim3A_1 {strides = array<i32>} : memref<32x128xf32, #tpu.memory_space<vmem>>, vector<16xf32>,
    %swap3A_809 = arith.constant 25 : i32
    %swap3A_810 = arith.index_cast %swap3A_809 : i32 to index
    %swap3A_811 = arith.constant 32 : index
    %swap3A_812 = tpu.vector_load %arg7[%swap3A_810, %swap3A_811] {strides = array<i32>} : memref<32x128xf32, #tpu.memory_space<vmem>>, vector<16xf32>,
    tpu.vector_store %arg7[%swap3A_810, %swap3A_811], %broadcast_in_dim3A_1 {strides = array<i32>} : memref<32x128xf32, #tpu.memory_space<vmem>>, vector<16xf32>,
    %swap3A_813 = arith.constant 25 : i32
    %swap3A_814 = arith.index_cast %swap3A_813 : i32 to index
    %swap3A_815 = arith.constant 48 : index
    %swap3A_816 = tpu.vector_load %arg7[%swap3A_814, %swap3A_815] {strides = array<i32>} : memref<32x128xf32, #tpu.memory_space<vmem>>, vector<16xf32>,
    tpu.vector_store %arg7[%swap3A_814, %swap3A_815], %broadcast_in_dim3A_1 {strides = array<i32>} : memref<32x128xf32, #tpu.memory_space<vmem>>, vector<16xf32>,
    %swap3A_817 = arith.constant 25 : i32
    %swap3A_818 = arith.index_cast %swap3A_817 : i32 to index
    %swap3A_819 = arith.constant 64 : index
    %swap3A_820 = tpu.vector_load %arg7[%swap3A_818, %swap3A_819] {strides = array<i32>} : memref<32x128xf32, #tpu.memory_space<vmem>>, vector<16xf32>,
    tpu.vector_store %arg7[%swap3A_818, %swap3A_819], %broadcast_in_dim3A_1 {strides = array<i32>} : memref<32x128xf32, #tpu.memory_space<vmem>>, vector<16xf32>,
    %swap3A_821 = arith.constant 25 : i32
    %swap3A_822 = arith.index_cast %swap3A_821 : i32 to index
    %swap3A_823 = arith.constant 80 : index
    %swap3A_824 = tpu.vector_load %arg7[%swap3A_822, %swap3A_823] {strides = array<i32>} : memref<32x128xf32, #tpu.memory_space<vmem>>, vector<16xf32>,
    tpu.vector_store %arg7[%swap3A_822, %swap3A_823], %broadcast_in_dim3A_1 {strides = array<i32>} : memref<32x128xf32, #tpu.memory_space<vmem>>, vector<16xf32>,
    %swap3A_825 = arith.constant 25 : i32
    %swap3A_826 = arith.index_cast %swap3A_825 : i32 to index
    %swap3A_827 = arith.constant 96 : index
    %swap3A_828 = tpu.vector_load %arg7[%swap3A_826, %swap3A_827] {strides = array<i32>} : memref<32x128xf32, #tpu.memory_space<vmem>>, vector<16xf32>,
    tpu.vector_store %arg7[%swap3A_826, %swap3A_827], %broadcast_in_dim3A_1 {strides = array<i32>} : memref<32x128xf32, #tpu.memory_space<vmem>>, vector<16xf32>,
    %swap3A_829 = arith.constant 25 : i32
    %swap3A_830 = arith.index_cast %swap3A_829 : i32 to index
    %swap3A_831 = arith.constant 112 : index
    %swap3A_832 = tpu.vector_load %arg7[%swap3A_830, %swap3A_831] {strides = array<i32>} : memref<32x128xf32, #tpu.memory_space<vmem>>, vector<16xf32>,
    tpu.vector_store %arg7[%swap3A_830, %swap3A_831], %broadcast_in_dim3A_1 {strides = array<i32>} : memref<32x128xf32, #tpu.memory_space<vmem>>, vector<16xf32>,
    %swap3A_833 = arith.constant 26 : i32
    %swap3A_834 = arith.index_cast %swap3A_833 : i32 to index
    %swap3A_835 = arith.constant 0 : index
    %swap3A_836 = tpu.vector_load %arg7[%swap3A_834, %swap3A_835] {strides = array<i32>} : memref<32x128xf32, #tpu.memory_space<vmem>>, vector<16xf32>,
    tpu.vector_store %arg7[%swap3A_834, %swap3A_835], %broadcast_in_dim3A_1 {strides = array<i32>} : memref<32x128xf32, #tpu.memory_space<vmem>>, vector<16xf32>,
    %swap3A_837 = arith.constant 26 : i32
    %swap3A_838 = arith.index_cast %swap3A_837 : i32 to index
    %swap3A_839 = arith.constant 16 : index
    %swap3A_840 = tpu.vector_load %arg7[%swap3A_838, %swap3A_839] {strides = array<i32>} : memref<32x128xf32, #tpu.memory_space<vmem>>, vector<16xf32>,
    tpu.vector_store %arg7[%swap3A_838, %swap3A_839], %broadcast_in_dim3A_1 {strides = array<i32>} : memref<32x128xf32, #tpu.memory_space<vmem>>, vector<16xf32>,
    %swap3A_841 = arith.constant 26 : i32
    %swap3A_842 = arith.index_cast %swap3A_841 : i32 to index
    %swap3A_843 = arith.constant 32 : index
    %swap3A_844 = tpu.vector_load %arg7[%swap3A_842, %swap3A_843] {strides = array<i32>} : memref<32x128xf32, #tpu.memory_space<vmem>>, vector<16xf32>,
    tpu.vector_store %arg7[%swap3A_842, %swap3A_843], %broadcast_in_dim3A_1 {strides = array<i32>} : memref<32x128xf32, #tpu.memory_space<vmem>>, vector<16xf32>,
    %swap3A_845 = arith.constant 26 : i32
    %swap3A_846 = arith.index_cast %swap3A_845 : i32 to index
    %swap3A_847 = arith.constant 48 : index
    %swap3A_848 = tpu.vector_load %arg7[%swap3A_846, %swap3A_847] {strides = array<i32>} : memref<32x128xf32, #tpu.memory_space<vmem>>, vector<16xf32>,
    tpu.vector_store %arg7[%swap3A_846, %swap3A_847], %broadcast_in_dim3A_1 {strides = array<i32>} : memref<32x128xf32, #tpu.memory_space<vmem>>, vector<16xf32>,
    %swap3A_849 = arith.constant 26 : i32
    %swap3A_850 = arith.index_cast %swap3A_849 : i32 to index
    %swap3A_851 = arith.constant 64 : index
    %swap3A_852 = tpu.vector_load %arg7[%swap3A_850, %swap3A_851] {strides = array<i32>} : memref<32x128xf32, #tpu.memory_space<vmem>>, vector<16xf32>,
    tpu.vector_store %arg7[%swap3A_850, %swap3A_851], %broadcast_in_dim3A_1 {strides = array<i32>} : memref<32x128xf32, #tpu.memory_space<vmem>>, vector<16xf32>,
    %swap3A_853 = arith.constant 26 : i32
    %swap3A_854 = arith.index_cast %swap3A_853 : i32 to index
    %swap3A_855 = arith.constant 80 : index
    %swap3A_856 = tpu.vector_load %arg7[%swap3A_854, %swap3A_855] {strides = array<i32>} : memref<32x128xf32, #tpu.memory_space<vmem>>, vector<16xf32>,
    tpu.vector_store %arg7[%swap3A_854, %swap3A_855], %broadcast_in_dim3A_1 {strides = array<i32>} : memref<32x128xf32, #tpu.memory_space<vmem>>, vector<16xf32>,
    %swap3A_857 = arith.constant 26 : i32
    %swap3A_858 = arith.index_cast %swap3A_857 : i32 to index
    %swap3A_859 = arith.constant 96 : index
    %swap3A_860 = tpu.vector_load %arg7[%swap3A_858, %swap3A_859] {strides = array<i32>} : memref<32x128xf32, #tpu.memory_space<vmem>>, vector<16xf32>,
    tpu.vector_store %arg7[%swap3A_858, %swap3A_859], %broadcast_in_dim3A_1 {strides = array<i32>} : memref<32x128xf32, #tpu.memory_space<vmem>>, vector<16xf32>,
    %swap3A_861 = arith.constant 26 : i32
    %swap3A_862 = arith.index_cast %swap3A_861 : i32 to index
    %swap3A_863 = arith.constant 112 : index
    %swap3A_864 = tpu.vector_load %arg7[%swap3A_862, %swap3A_863] {strides = array<i32>} : memref<32x128xf32, #tpu.memory_space<vmem>>, vector<16xf32>,
    tpu.vector_store %arg7[%swap3A_862, %swap3A_863], %broadcast_in_dim3A_1 {strides = array<i32>} : memref<32x128xf32, #tpu.memory_space<vmem>>, vector<16xf32>,
    %swap3A_865 = arith.constant 27 : i32
    %swap3A_866 = arith.index_cast %swap3A_865 : i32 to index
    %swap3A_867 = arith.constant 0 : index
    %swap3A_868 = tpu.vector_load %arg7[%swap3A_866, %swap3A_867] {strides = array<i32>} : memref<32x128xf32, #tpu.memory_space<vmem>>, vector<16xf32>,
    tpu.vector_store %arg7[%swap3A_866, %swap3A_867], %broadcast_in_dim3A_1 {strides = array<i32>} : memref<32x128xf32, #tpu.memory_space<vmem>>, vector<16xf32>,
    %swap3A_869 = arith.constant 27 : i32
    %swap3A_870 = arith.index_cast %swap3A_869 : i32 to index
    %swap3A_871 = arith.constant 16 : index
    %swap3A_872 = tpu.vector_load %arg7[%swap3A_870, %swap3A_871] {strides = array<i32>} : memref<32x128xf32, #tpu.memory_space<vmem>>, vector<16xf32>,
    tpu.vector_store %arg7[%swap3A_870, %swap3A_871], %broadcast_in_dim3A_1 {strides = array<i32>} : memref<32x128xf32, #tpu.memory_space<vmem>>, vector<16xf32>,
    %swap3A_873 = arith.constant 27 : i32
    %swap3A_874 = arith.index_cast %swap3A_873 : i32 to index
    %swap3A_875 = arith.constant 32 : index
    %swap3A_876 = tpu.vector_load %arg7[%swap3A_874, %swap3A_875] {strides = array<i32>} : memref<32x128xf32, #tpu.memory_space<vmem>>, vector<16xf32>,
    tpu.vector_store %arg7[%swap3A_874, %swap3A_875], %broadcast_in_dim3A_1 {strides = array<i32>} : memref<32x128xf32, #tpu.memory_space<vmem>>, vector<16xf32>,
    %swap3A_877 = arith.constant 27 : i32
    %swap3A_878 = arith.index_cast %swap3A_877 : i32 to index
    %swap3A_879 = arith.constant 48 : index
    %swap3A_880 = tpu.vector_load %arg7[%swap3A_878, %swap3A_879] {strides = array<i32>} : memref<32x128xf32, #tpu.memory_space<vmem>>, vector<16xf32>,
    tpu.vector_store %arg7[%swap3A_878, %swap3A_879], %broadcast_in_dim3A_1 {strides = array<i32>} : memref<32x128xf32, #tpu.memory_space<vmem>>, vector<16xf32>,
    %swap3A_881 = arith.constant 27 : i32
    %swap3A_882 = arith.index_cast %swap3A_881 : i32 to index
    %swap3A_883 = arith.constant 64 : index
    %swap3A_884 = tpu.vector_load %arg7[%swap3A_882, %swap3A_883] {strides = array<i32>} : memref<32x128xf32, #tpu.memory_space<vmem>>, vector<16xf32>,
    tpu.vector_store %arg7[%swap3A_882, %swap3A_883], %broadcast_in_dim3A_1 {strides = array<i32>} : memref<32x128xf32, #tpu.memory_space<vmem>>, vector<16xf32>,
    %swap3A_885 = arith.constant 27 : i32
    %swap3A_886 = arith.index_cast %swap3A_885 : i32 to index
    %swap3A_887 = arith.constant 80 : index
    %swap3A_888 = tpu.vector_load %arg7[%swap3A_886, %swap3A_887] {strides = array<i32>} : memref<32x128xf32, #tpu.memory_space<vmem>>, vector<16xf32>,
    tpu.vector_store %arg7[%swap3A_886, %swap3A_887], %broadcast_in_dim3A_1 {strides = array<i32>} : memref<32x128xf32, #tpu.memory_space<vmem>>, vector<16xf32>,
    %swap3A_889 = arith.constant 27 : i32
    %swap3A_890 = arith.index_cast %swap3A_889 : i32 to index
    %swap3A_891 = arith.constant 96 : index
    %swap3A_892 = tpu.vector_load %arg7[%swap3A_890, %swap3A_891] {strides = array<i32>} : memref<32x128xf32, #tpu.memory_space<vmem>>, vector<16xf32>,
    tpu.vector_store %arg7[%swap3A_890, %swap3A_891], %broadcast_in_dim3A_1 {strides = array<i32>} : memref<32x128xf32, #tpu.memory_space<vmem>>, vector<16xf32>,
    %swap3A_893 = arith.constant 27 : i32
    %swap3A_894 = arith.index_cast %swap3A_893 : i32 to index
    %swap3A_895 = arith.constant 112 : index
    %swap3A_896 = tpu.vector_load %arg7[%swap3A_894, %swap3A_895] {strides = array<i32>} : memref<32x128xf32, #tpu.memory_space<vmem>>, vector<16xf32>,
    tpu.vector_store %arg7[%swap3A_894, %swap3A_895], %broadcast_in_dim3A_1 {strides = array<i32>} : memref<32x128xf32, #tpu.memory_space<vmem>>, vector<16xf32>,
    %swap3A_897 = arith.constant 28 : i32
    %swap3A_898 = arith.index_cast %swap3A_897 : i32 to index
    %swap3A_899 = arith.constant 0 : index
    %swap3A_900 = tpu.vector_load %arg7[%swap3A_898, %swap3A_899] {strides = array<i32>} : memref<32x128xf32, #tpu.memory_space<vmem>>, vector<16xf32>,
    tpu.vector_store %arg7[%swap3A_898, %swap3A_899], %broadcast_in_dim3A_1 {strides = array<i32>} : memref<32x128xf32, #tpu.memory_space<vmem>>, vector<16xf32>,
    %swap3A_901 = arith.constant 28 : i32
    %swap3A_902 = arith.index_cast %swap3A_901 : i32 to index
    %swap3A_903 = arith.constant 16 : index
    %swap3A_904 = tpu.vector_load %arg7[%swap3A_902, %swap3A_903] {strides = array<i32>} : memref<32x128xf32, #tpu.memory_space<vmem>>, vector<16xf32>,
    tpu.vector_store %arg7[%swap3A_902, %swap3A_903], %broadcast_in_dim3A_1 {strides = array<i32>} : memref<32x128xf32, #tpu.memory_space<vmem>>, vector<16xf32>,
    %swap3A_905 = arith.constant 28 : i32
    %swap3A_906 = arith.index_cast %swap3A_905 : i32 to index
    %swap3A_907 = arith.constant 32 : index
    %swap3A_908 = tpu.vector_load %arg7[%swap3A_906, %swap3A_907] {strides = array<i32>} : memref<32x128xf32, #tpu.memory_space<vmem>>, vector<16xf32>,
    tpu.vector_store %arg7[%swap3A_906, %swap3A_907], %broadcast_in_dim3A_1 {strides = array<i32>} : memref<32x128xf32, #tpu.memory_space<vmem>>, vector<16xf32>,
    %swap3A_909 = arith.constant 28 : i32
    %swap3A_910 = arith.index_cast %swap3A_909 : i32 to index
    %swap3A_911 = arith.constant 48 : index
    %swap3A_912 = tpu.vector_load %arg7[%swap3A_910, %swap3A_911] {strides = array<i32>} : memref<32x128xf32, #tpu.memory_space<vmem>>, vector<16xf32>,
    tpu.vector_store %arg7[%swap3A_910, %swap3A_911], %broadcast_in_dim3A_1 {strides = array<i32>} : memref<32x128xf32, #tpu.memory_space<vmem>>, vector<16xf32>,
    %swap3A_913 = arith.constant 28 : i32
    %swap3A_914 = arith.index_cast %swap3A_913 : i32 to index
    %swap3A_915 = arith.constant 64 : index
    %swap3A_916 = tpu.vector_load %arg7[%swap3A_914, %swap3A_915] {strides = array<i32>} : memref<32x128xf32, #tpu.memory_space<vmem>>, vector<16xf32>,
    tpu.vector_store %arg7[%swap3A_914, %swap3A_915], %broadcast_in_dim3A_1 {strides = array<i32>} : memref<32x128xf32, #tpu.memory_space<vmem>>, vector<16xf32>,
    %swap3A_917 = arith.constant 28 : i32
    %swap3A_918 = arith.index_cast %swap3A_917 : i32 to index
    %swap3A_919 = arith.constant 80 : index
    %swap3A_920 = tpu.vector_load %arg7[%swap3A_918, %swap3A_919] {strides = array<i32>} : memref<32x128xf32, #tpu.memory_space<vmem>>, vector<16xf32>,
    tpu.vector_store %arg7[%swap3A_918, %swap3A_919], %broadcast_in_dim3A_1 {strides = array<i32>} : memref<32x128xf32, #tpu.memory_space<vmem>>, vector<16xf32>,
    %swap3A_921 = arith.constant 28 : i32
    %swap3A_922 = arith.index_cast %swap3A_921 : i32 to index
    %swap3A_923 = arith.constant 96 : index
    %swap3A_924 = tpu.vector_load %arg7[%swap3A_922, %swap3A_923] {strides = array<i32>} : memref<32x128xf32, #tpu.memory_space<vmem>>, vector<16xf32>,
    tpu.vector_store %arg7[%swap3A_922, %swap3A_923], %broadcast_in_dim3A_1 {strides = array<i32>} : memref<32x128xf32, #tpu.memory_space<vmem>>, vector<16xf32>,
    %swap3A_925 = arith.constant 28 : i32
    %swap3A_926 = arith.index_cast %swap3A_925 : i32 to index
    %swap3A_927 = arith.constant 112 : index
    %swap3A_928 = tpu.vector_load %arg7[%swap3A_926, %swap3A_927] {strides = array<i32>} : memref<32x128xf32, #tpu.memory_space<vmem>>, vector<16xf32>,
    tpu.vector_store %arg7[%swap3A_926, %swap3A_927], %broadcast_in_dim3A_1 {strides = array<i32>} : memref<32x128xf32, #tpu.memory_space<vmem>>, vector<16xf32>,
    %swap3A_929 = arith.constant 29 : i32
    %swap3A_930 = arith.index_cast %swap3A_929 : i32 to index
    %swap3A_931 = arith.constant 0 : index
    %swap3A_932 = tpu.vector_load %arg7[%swap3A_930, %swap3A_931] {strides = array<i32>} : memref<32x128xf32, #tpu.memory_space<vmem>>, vector<16xf32>,
    tpu.vector_store %arg7[%swap3A_930, %swap3A_931], %broadcast_in_dim3A_1 {strides = array<i32>} : memref<32x128xf32, #tpu.memory_space<vmem>>, vector<16xf32>,
    %swap3A_933 = arith.constant 29 : i32
    %swap3A_934 = arith.index_cast %swap3A_933 : i32 to index
    %swap3A_935 = arith.constant 16 : index
    %swap3A_936 = tpu.vector_load %arg7[%swap3A_934, %swap3A_935] {strides = array<i32>} : memref<32x128xf32, #tpu.memory_space<vmem>>, vector<16xf32>,
    tpu.vector_store %arg7[%swap3A_934, %swap3A_935], %broadcast_in_dim3A_1 {strides = array<i32>} : memref<32x128xf32, #tpu.memory_space<vmem>>, vector<16xf32>,
    %swap3A_937 = arith.constant 29 : i32
    %swap3A_938 = arith.index_cast %swap3A_937 : i32 to index
    %swap3A_939 = arith.constant 32 : index
    %swap3A_940 = tpu.vector_load %arg7[%swap3A_938, %swap3A_939] {strides = array<i32>} : memref<32x128xf32, #tpu.memory_space<vmem>>, vector<16xf32>,
    tpu.vector_store %arg7[%swap3A_938, %swap3A_939], %broadcast_in_dim3A_1 {strides = array<i32>} : memref<32x128xf32, #tpu.memory_space<vmem>>, vector<16xf32>,
    %swap3A_941 = arith.constant 29 : i32
    %swap3A_942 = arith.index_cast %swap3A_941 : i32 to index
    %swap3A_943 = arith.constant 48 : index
    %swap3A_944 = tpu.vector_load %arg7[%swap3A_942, %swap3A_943] {strides = array<i32>} : memref<32x128xf32, #tpu.memory_space<vmem>>, vector<16xf32>,
    tpu.vector_store %arg7[%swap3A_942, %swap3A_943], %broadcast_in_dim3A_1 {strides = array<i32>} : memref<32x128xf32, #tpu.memory_space<vmem>>, vector<16xf32>,
    %swap3A_945 = arith.constant 29 : i32
    %swap3A_946 = arith.index_cast %swap3A_945 : i32 to index
    %swap3A_947 = arith.constant 64 : index
    %swap3A_948 = tpu.vector_load %arg7[%swap3A_946, %swap3A_947] {strides = array<i32>} : memref<32x128xf32, #tpu.memory_space<vmem>>, vector<16xf32>,
    tpu.vector_store %arg7[%swap3A_946, %swap3A_947], %broadcast_in_dim3A_1 {strides = array<i32>} : memref<32x128xf32, #tpu.memory_space<vmem>>, vector<16xf32>,
    %swap3A_949 = arith.constant 29 : i32
    %swap3A_950 = arith.index_cast %swap3A_949 : i32 to index
    %swap3A_951 = arith.constant 80 : index
    %swap3A_952 = tpu.vector_load %arg7[%swap3A_950, %swap3A_951] {strides = array<i32>} : memref<32x128xf32, #tpu.memory_space<vmem>>, vector<16xf32>,
    tpu.vector_store %arg7[%swap3A_950, %swap3A_951], %broadcast_in_dim3A_1 {strides = array<i32>} : memref<32x128xf32, #tpu.memory_space<vmem>>, vector<16xf32>,
    %swap3A_953 = arith.constant 29 : i32
    %swap3A_954 = arith.index_cast %swap3A_953 : i32 to index
    %swap3A_955 = arith.constant 96 : index
    %swap3A_956 = tpu.vector_load %arg7[%swap3A_954, %swap3A_955] {strides = array<i32>} : memref<32x128xf32, #tpu.memory_space<vmem>>, vector<16xf32>,
    tpu.vector_store %arg7[%swap3A_954, %swap3A_955], %broadcast_in_dim3A_1 {strides = array<i32>} : memref<32x128xf32, #tpu.memory_space<vmem>>, vector<16xf32>,
    %swap3A_957 = arith.constant 29 : i32
    %swap3A_958 = arith.index_cast %swap3A_957 : i32 to index
    %swap3A_959 = arith.constant 112 : index
    %swap3A_960 = tpu.vector_load %arg7[%swap3A_958, %swap3A_959] {strides = array<i32>} : memref<32x128xf32, #tpu.memory_space<vmem>>, vector<16xf32>,
    tpu.vector_store %arg7[%swap3A_958, %swap3A_959], %broadcast_in_dim3A_1 {strides = array<i32>} : memref<32x128xf32, #tpu.memory_space<vmem>>, vector<16xf32>,
    %swap3A_961 = arith.constant 30 : i32
    %swap3A_962 = arith.index_cast %swap3A_961 : i32 to index
    %swap3A_963 = arith.constant 0 : index
    %swap3A_964 = tpu.vector_load %arg7[%swap3A_962, %swap3A_963] {strides = array<i32>} : memref<32x128xf32, #tpu.memory_space<vmem>>, vector<16xf32>,
    tpu.vector_store %arg7[%swap3A_962, %swap3A_963], %broadcast_in_dim3A_1 {strides = array<i32>} : memref<32x128xf32, #tpu.memory_space<vmem>>, vector<16xf32>,
    %swap3A_965 = arith.constant 30 : i32
    %swap3A_966 = arith.index_cast %swap3A_965 : i32 to index
    %swap3A_967 = arith.constant 16 : index
    %swap3A_968 = tpu.vector_load %arg7[%swap3A_966, %swap3A_967] {strides = array<i32>} : memref<32x128xf32, #tpu.memory_space<vmem>>, vector<16xf32>,
    tpu.vector_store %arg7[%swap3A_966, %swap3A_967], %broadcast_in_dim3A_1 {strides = array<i32>} : memref<32x128xf32, #tpu.memory_space<vmem>>, vector<16xf32>,
    %swap3A_969 = arith.constant 30 : i32
    %swap3A_970 = arith.index_cast %swap3A_969 : i32 to index
    %swap3A_971 = arith.constant 32 : index
    %swap3A_972 = tpu.vector_load %arg7[%swap3A_970, %swap3A_971] {strides = array<i32>} : memref<32x128xf32, #tpu.memory_space<vmem>>, vector<16xf32>,
    tpu.vector_store %arg7[%swap3A_970, %swap3A_971], %broadcast_in_dim3A_1 {strides = array<i32>} : memref<32x128xf32, #tpu.memory_space<vmem>>, vector<16xf32>,
    %swap3A_973 = arith.constant 30 : i32
    %swap3A_974 = arith.index_cast %swap3A_973 : i32 to index
    %swap3A_975 = arith.constant 48 : index
    %swap3A_976 = tpu.vector_load %arg7[%swap3A_974, %swap3A_975] {strides = array<i32>} : memref<32x128xf32, #tpu.memory_space<vmem>>, vector<16xf32>,
    tpu.vector_store %arg7[%swap3A_974, %swap3A_975], %broadcast_in_dim3A_1 {strides = array<i32>} : memref<32x128xf32, #tpu.memory_space<vmem>>, vector<16xf32>,
    %swap3A_977 = arith.constant 30 : i32
    %swap3A_978 = arith.index_cast %swap3A_977 : i32 to index
    %swap3A_979 = arith.constant 64 : index
    %swap3A_980 = tpu.vector_load %arg7[%swap3A_978, %swap3A_979] {strides = array<i32>} : memref<32x128xf32, #tpu.memory_space<vmem>>, vector<16xf32>,
    tpu.vector_store %arg7[%swap3A_978, %swap3A_979], %broadcast_in_dim3A_1 {strides = array<i32>} : memref<32x128xf32, #tpu.memory_space<vmem>>, vector<16xf32>,
    %swap3A_981 = arith.constant 30 : i32
    %swap3A_982 = arith.index_cast %swap3A_981 : i32 to index
    %swap3A_983 = arith.constant 80 : index
    %swap3A_984 = tpu.vector_load %arg7[%swap3A_982, %swap3A_983] {strides = array<i32>} : memref<32x128xf32, #tpu.memory_space<vmem>>, vector<16xf32>,
    tpu.vector_store %arg7[%swap3A_982, %swap3A_983], %broadcast_in_dim3A_1 {strides = array<i32>} : memref<32x128xf32, #tpu.memory_space<vmem>>, vector<16xf32>,
    %swap3A_985 = arith.constant 30 : i32
    %swap3A_986 = arith.index_cast %swap3A_985 : i32 to index
    %swap3A_987 = arith.constant 96 : index
    %swap3A_988 = tpu.vector_load %arg7[%swap3A_986, %swap3A_987] {strides = array<i32>} : memref<32x128xf32, #tpu.memory_space<vmem>>, vector<16xf32>,
    tpu.vector_store %arg7[%swap3A_986, %swap3A_987], %broadcast_in_dim3A_1 {strides = array<i32>} : memref<32x128xf32, #tpu.memory_space<vmem>>, vector<16xf32>,
    %swap3A_989 = arith.constant 30 : i32
    %swap3A_990 = arith.index_cast %swap3A_989 : i32 to index
    %swap3A_991 = arith.constant 112 : index
    %swap3A_992 = tpu.vector_load %arg7[%swap3A_990, %swap3A_991] {strides = array<i32>} : memref<32x128xf32, #tpu.memory_space<vmem>>, vector<16xf32>,
    tpu.vector_store %arg7[%swap3A_990, %swap3A_991], %broadcast_in_dim3A_1 {strides = array<i32>} : memref<32x128xf32, #tpu.memory_space<vmem>>, vector<16xf32>,
    %swap3A_993 = arith.constant 31 : i32
    %swap3A_994 = arith.index_cast %swap3A_993 : i32 to index
    %swap3A_995 = arith.constant 0 : index
    %swap3A_996 = tpu.vector_load %arg7[%swap3A_994, %swap3A_995] {strides = array<i32>} : memref<32x128xf32, #tpu.memory_space<vmem>>, vector<16xf32>,
    tpu.vector_store %arg7[%swap3A_994, %swap3A_995], %broadcast_in_dim3A_1 {strides = array<i32>} : memref<32x128xf32, #tpu.memory_space<vmem>>, vector<16xf32>,
    %swap3A_997 = arith.constant 31 : i32
    %swap3A_998 = arith.index_cast %swap3A_997 : i32 to index
    %swap3A_999 = arith.constant 16 : index
    %swap3A_1000 = tpu.vector_load %arg7[%swap3A_998, %swap3A_999] {strides = array<i32>} : memref<32x128xf32, #tpu.memory_space<vmem>>, vector<16xf32>,
    tpu.vector_store %arg7[%swap3A_998, %swap3A_999], %broadcast_in_dim3A_1 {strides = array<i32>} : memref<32x128xf32, #tpu.memory_space<vmem>>, vector<16xf32>,
    %swap3A_1001 = arith.constant 31 : i32
    %swap3A_1002 = arith.index_cast %swap3A_1001 : i32 to index
    %swap3A_1003 = arith.constant 32 : index
    %swap3A_1004 = tpu.vector_load %arg7[%swap3A_1002, %swap3A_1003] {strides = array<i32>} : memref<32x128xf32, #tpu.memory_space<vmem>>, vector<16xf32>,
    tpu.vector_store %arg7[%swap3A_1002, %swap3A_1003], %broadcast_in_dim3A_1 {strides = array<i32>} : memref<32x128xf32, #tpu.memory_space<vmem>>, vector<16xf32>,
    %swap3A_1005 = arith.constant 31 : i32
    %swap3A_1006 = arith.index_cast %swap3A_1005 : i32 to index
    %swap3A_1007 = arith.constant 48 : index
    %swap3A_1008 = tpu.vector_load %arg7[%swap3A_1006, %swap3A_1007] {strides = array<i32>} : memref<32x128xf32, #tpu.memory_space<vmem>>, vector<16xf32>,
    tpu.vector_store %arg7[%swap3A_1006, %swap3A_1007], %broadcast_in_dim3A_1 {strides = array<i32>} : memref<32x128xf32, #tpu.memory_space<vmem>>, vector<16xf32>,
    %swap3A_1009 = arith.constant 31 : i32
    %swap3A_1010 = arith.index_cast %swap3A_1009 : i32 to index
    %swap3A_1011 = arith.constant 64 : index
    %swap3A_1012 = tpu.vector_load %arg7[%swap3A_1010, %swap3A_1011] {strides = array<i32>} : memref<32x128xf32, #tpu.memory_space<vmem>>, vector<16xf32>,
    tpu.vector_store %arg7[%swap3A_1010, %swap3A_1011], %broadcast_in_dim3A_1 {strides = array<i32>} : memref<32x128xf32, #tpu.memory_space<vmem>>, vector<16xf32>,
    %swap3A_1013 = arith.constant 31 : i32
    %swap3A_1014 = arith.index_cast %swap3A_1013 : i32 to index
    %swap3A_1015 = arith.constant 80 : index
    %swap3A_1016 = tpu.vector_load %arg7[%swap3A_1014, %swap3A_1015] {strides = array<i32>} : memref<32x128xf32, #tpu.memory_space<vmem>>, vector<16xf32>,
    tpu.vector_store %arg7[%swap3A_1014, %swap3A_1015], %broadcast_in_dim3A_1 {strides = array<i32>} : memref<32x128xf32, #tpu.memory_space<vmem>>, vector<16xf32>,
    %swap3A_1017 = arith.constant 31 : i32
    %swap3A_1018 = arith.index_cast %swap3A_1017 : i32 to index
    %swap3A_1019 = arith.constant 96 : index
    %swap3A_1020 = tpu.vector_load %arg7[%swap3A_1018, %swap3A_1019] {strides = array<i32>} : memref<32x128xf32, #tpu.memory_space<vmem>>, vector<16xf32>,
    tpu.vector_store %arg7[%swap3A_1018, %swap3A_1019], %broadcast_in_dim3A_1 {strides = array<i32>} : memref<32x128xf32, #tpu.memory_space<vmem>>, vector<16xf32>,
    %swap3A_1021 = arith.constant 31 : i32
    %swap3A_1022 = arith.index_cast %swap3A_1021 : i32 to index
    %swap3A_1023 = arith.constant 112 : index
    %swap3A_1024 = tpu.vector_load %arg7[%swap3A_1022, %swap3A_1023] {strides = array<i32>} : memref<32x128xf32, #tpu.memory_space<vmem>>, vector<16xf32>,
    tpu.vector_store %arg7[%swap3A_1022, %swap3A_1023], %broadcast_in_dim3A_1 {strides = array<i32>} : memref<32x128xf32, #tpu.memory_space<vmem>>, vector<16xf32>,
    %iota3A = tpu.iota {dimensions = array<i32: 0>} : vector<16xi32>
    %swap3A_1025 = arith.constant 0 : index
    %swap3A_1026 = tpu.vector_load %arg8[%swap3A_1025] {strides = array<i32>} : memref<32xi32, #tpu.memory_space<vmem>>, vector<16xi32>,
    tpu.vector_store %arg8[%swap3A_1025], %iota3A {strides = array<i32>} : memref<32xi32, #tpu.memory_space<vmem>>, vector<16xi32>,
    %add3A = arith.constant 16 : i32
    %add3A_1027 = vector.broadcast %add3A : i32 to vector<16xi32>
    %add3A_1028 = arith.addi %iota3A, %add3A_1027 : vector<16xi32>
    %swap3A_1029 = arith.constant 16 : index
    %swap3A_1030 = tpu.vector_load %arg8[%swap3A_1029] {strides = array<i32>} : memref<32xi32, #tpu.memory_space<vmem>>, vector<16xi32>,
    tpu.vector_store %arg8[%swap3A_1029], %add3A_1028 {strides = array<i32>} : memref<32xi32, #tpu.memory_space<vmem>>, vector<16xi32>,
    %eq3A = arith.constant 0 : i32
    %eq3A_1031 = arith.cmpi eq, %arg1, %eq3A : i32
    %convert_element_type3A = arith.extui %eq3A_1031 : i1 to i32
    %cond3A = arith.constant 0 : i32
    %cond3A_1032 = arith.cmpi ne, %convert_element_type3A, %cond3A : i32
    scf.if %cond3A_1032 {
      "tpu.region"() ({
        %run_scoped3A = tpu.sem_alloc : memref<!tpu.dma_semaphore, #tpu.memory_space<semaphore_mem>>
        tpu.enqueue_dma source(%arg7 : memref<32x128xf32, #tpu.memory_space<vmem>>) target(%arg10 : memref<32x128xf32, #tpu.memory_space<vmem_shared>>) target_semaphore(%run_scoped3A : memref<!tpu.dma_semaphore, #tpu.memory_space<semaphore_mem>>)
        tpu.wait_dma2 semaphore(%run_scoped3A : memref<!tpu.dma_semaphore, #tpu.memory_space<semaphore_mem>>) src(%arg7 : memref<32x128xf32, #tpu.memory_space<vmem>>) dst(%arg10 : memref<32x128xf32, #tpu.memory_space<vmem_shared>>)
        tpu.yield
      }) : () -> ()
    } else {
    }
    %barrier3A = arith.constant 0 : index
    tpu.barrier barrier_id(%barrier3A)
    %broadcast_in_dim3A_1033 = arith.constant 1.000000e+00 : f32
    %broadcast_in_dim3A_1034 = vector.broadcast %broadcast_in_dim3A_1033 : f32 to vector<16xf32>
    %get3A = arith.constant 0 : index
    %get3A_1035 = tpu.vector_load %arg5[%get3A] {strides = array<i32>} : memref<1024xi32, #tpu.memory_space<vmem>>, vector<16xi32>,
    %get3A_1036 = arith.constant 0 : index
    %get3A_1037 = tpu.vector_load %arg6[%get3A_1036] {strides = array<i32>} : memref<1024xi32, #tpu.memory_space<vmem>>, vector<16xi32>,
    %shift_right_logical3A = arith.constant 7 : i32
    %shift_right_logical3A_1038 = vector.broadcast %shift_right_logical3A : i32 to vector<16xi32>
    %shift_right_logical3A_1039 = arith.shrui %get3A_1035, %shift_right_logical3A_1038 : vector<16xi32>
    %shift_right_logical3A_1040 = arith.constant 7 : i32
    %shift_right_logical3A_1041 = vector.broadcast %shift_right_logical3A_1040 : i32 to vector<16xi32>
    %shift_right_logical3A_1042 = arith.shrui %get3A_1037, %shift_right_logical3A_1041 : vector<16xi32>
    %and3A = arith.constant 127 : i32
    %and3A_1043 = vector.broadcast %and3A : i32 to vector<16xi32>
    %and3A_1044 = arith.andi %get3A_1035, %and3A_1043 : vector<16xi32>
    %and3A_1045 = arith.constant 127 : i32
    %and3A_1046 = vector.broadcast %and3A_1045 : i32 to vector<16xi32>
    %and3A_1047 = arith.andi %get3A_1037, %and3A_1046 : vector<16xi32>
    tpu.vector_store_idx %arg7[%shift_right_logical3A_1039, %and3A_1044], %broadcast_in_dim3A_1034 {add = true} : memref<32x128xf32, #tpu.memory_space<vmem>>[vector<16xi32>, vector<16xi32>], vector<16xf32>,
    %add3A_1048 = arith.constant 8 : i32
    %add3A_1049 = vector.broadcast %add3A_1048 : i32 to vector<16xi32>
    %add3A_1050 = arith.addi %shift_right_logical3A_1042, %add3A_1049 : vector<16xi32>
    tpu.vector_store_idx %arg7[%add3A_1050, %and3A_1047], %broadcast_in_dim3A_1034 {add = true} : memref<32x128xf32, #tpu.memory_space<vmem>>[vector<16xi32>, vector<16xi32>], vector<16xf32>,
    %add3A_1051 = arith.constant 16 : i32
    %add3A_1052 = vector.broadcast %add3A_1051 : i32 to vector<16xi32>
    %add3A_1053 = arith.addi %shift_right_logical3A_1042, %add3A_1052 : vector<16xi32>
    %eq3A_1054 = arith.cmpi eq, %get3A_1035, %get3A_1037 : vector<16xi32>
    tpu.vector_store_idx %arg7[%add3A_1053, %and3A_1047], %broadcast_in_dim3A_1034 masked %eq3A_1054 {add = true} : memref<32x128xf32, #tpu.memory_space<vmem>>[vector<16xi32>, vector<16xi32>], vector<16xf32>, vector<16xi1>
    %get3A_1055 = arith.constant 16 : index
    %get3A_1056 = tpu.vector_load %arg5[%get3A_1055] {strides = array<i32>} : memref<1024xi32, #tpu.memory_space<vmem>>, vector<16xi32>,
    %get3A_1057 = arith.constant 16 : index
    %get3A_1058 = tpu.vector_load %arg6[%get3A_1057] {strides = array<i32>} : memref<1024xi32, #tpu.memory_space<vmem>>, vector<16xi32>,
    %shift_right_logical3A_1059 = arith.constant 7 : i32
    %shift_right_logical3A_1060 = vector.broadcast %shift_right_logical3A_1059 : i32 to vector<16xi32>
    %shift_right_logical3A_1061 = arith.shrui %get3A_1056, %shift_right_logical3A_1060 : vector<16xi32>
    %shift_right_logical3A_1062 = arith.constant 7 : i32
    %shift_right_logical3A_1063 = vector.broadcast %shift_right_logical3A_1062 : i32 to vector<16xi32>
    %shift_right_logical3A_1064 = arith.shrui %get3A_1058, %shift_right_logical3A_1063 : vector<16xi32>
    %and3A_1065 = arith.constant 127 : i32
    %and3A_1066 = vector.broadcast %and3A_1065 : i32 to vector<16xi32>
    %and3A_1067 = arith.andi %get3A_1056, %and3A_1066 : vector<16xi32>
    %and3A_1068 = arith.constant 127 : i32
    %and3A_1069 = vector.broadcast %and3A_1068 : i32 to vector<16xi32>
    %and3A_1070 = arith.andi %get3A_1058, %and3A_1069 : vector<16xi32>
    tpu.vector_store_idx %arg7[%shift_right_logical3A_1061, %and3A_1067], %broadcast_in_dim3A_1034 {add = true} : memref<32x128xf32, #tpu.memory_space<vmem>>[vector<16xi32>, vector<16xi32>], vector<16xf32>,
    %add3A_1071 = arith.constant 8 : i32
    %add3A_1072 = vector.broadcast %add3A_1071 : i32 to vector<16xi32>
    %add3A_1073 = arith.addi %shift_right_logical3A_1064, %add3A_1072 : vector<16xi32>
    tpu.vector_store_idx %arg7[%add3A_1073, %and3A_1070], %broadcast_in_dim3A_1034 {add = true} : memref<32x128xf32, #tpu.memory_space<vmem>>[vector<16xi32>, vector<16xi32>], vector<16xf32>,
    %add3A_1074 = arith.constant 16 : i32
    %add3A_1075 = vector.broadcast %add3A_1074 : i32 to vector<16xi32>
    %add3A_1076 = arith.addi %shift_right_logical3A_1064, %add3A_1075 : vector<16xi32>
    %eq3A_1077 = arith.cmpi eq, %get3A_1056, %get3A_1058 : vector<16xi32>
    tpu.vector_store_idx %arg7[%add3A_1076, %and3A_1070], %broadcast_in_dim3A_1034 masked %eq3A_1077 {add = true} : memref<32x128xf32, #tpu.memory_space<vmem>>[vector<16xi32>, vector<16xi32>], vector<16xf32>, vector<16xi1>
    %get3A_1078 = arith.constant 32 : index
    %get3A_1079 = tpu.vector_load %arg5[%get3A_1078] {strides = array<i32>} : memref<1024xi32, #tpu.memory_space<vmem>>, vector<16xi32>,
    %get3A_1080 = arith.constant 32 : index
    %get3A_1081 = tpu.vector_load %arg6[%get3A_1080] {strides = array<i32>} : memref<1024xi32, #tpu.memory_space<vmem>>, vector<16xi32>,
    %shift_right_logical3A_1082 = arith.constant 7 : i32
    %shift_right_logical3A_1083 = vector.broadcast %shift_right_logical3A_1082 : i32 to vector<16xi32>
    %shift_right_logical3A_1084 = arith.shrui %get3A_1079, %shift_right_logical3A_1083 : vector<16xi32>
    %shift_right_logical3A_1085 = arith.constant 7 : i32
    %shift_right_logical3A_1086 = vector.broadcast %shift_right_logical3A_1085 : i32 to vector<16xi32>
    %shift_right_logical3A_1087 = arith.shrui %get3A_1081, %shift_right_logical3A_1086 : vector<16xi32>
    %and3A_1088 = arith.constant 127 : i32
    %and3A_1089 = vector.broadcast %and3A_1088 : i32 to vector<16xi32>
    %and3A_1090 = arith.andi %get3A_1079, %and3A_1089 : vector<16xi32>
    %and3A_1091 = arith.constant 127 : i32
    %and3A_1092 = vector.broadcast %and3A_1091 : i32 to vector<16xi32>
    %and3A_1093 = arith.andi %get3A_1081, %and3A_1092 : vector<16xi32>
    tpu.vector_store_idx %arg7[%shift_right_logical3A_1084, %and3A_1090], %broadcast_in_dim3A_1034 {add = true} : memref<32x128xf32, #tpu.memory_space<vmem>>[vector<16xi32>, vector<16xi32>], vector<16xf32>,
    %add3A_1094 = arith.constant 8 : i32
    %add3A_1095 = vector.broadcast %add3A_1094 : i32 to vector<16xi32>
    %add3A_1096 = arith.addi %shift_right_logical3A_1087, %add3A_1095 : vector<16xi32>
    tpu.vector_store_idx %arg7[%add3A_1096, %and3A_1093], %broadcast_in_dim3A_1034 {add = true} : memref<32x128xf32, #tpu.memory_space<vmem>>[vector<16xi32>, vector<16xi32>], vector<16xf32>,
    %add3A_1097 = arith.constant 16 : i32
    %add3A_1098 = vector.broadcast %add3A_1097 : i32 to vector<16xi32>
    %add3A_1099 = arith.addi %shift_right_logical3A_1087, %add3A_1098 : vector<16xi32>
    %eq3A_1100 = arith.cmpi eq, %get3A_1079, %get3A_1081 : vector<16xi32>
    tpu.vector_store_idx %arg7[%add3A_1099, %and3A_1093], %broadcast_in_dim3A_1034 masked %eq3A_1100 {add = true} : memref<32x128xf32, #tpu.memory_space<vmem>>[vector<16xi32>, vector<16xi32>], vector<16xf32>, vector<16xi1>
    %get3A_1101 = arith.constant 48 : index
    %get3A_1102 = tpu.vector_load %arg5[%get3A_1101] {strides = array<i32>} : memref<1024xi32, #tpu.memory_space<vmem>>, vector<16xi32>,
    %get3A_1103 = arith.constant 48 : index
    %get3A_1104 = tpu.vector_load %arg6[%get3A_1103] {strides = array<i32>} : memref<1024xi32, #tpu.memory_space<vmem>>, vector<16xi32>,
    %shift_right_logical3A_1105 = arith.constant 7 : i32
    %shift_right_logical3A_1106 = vector.broadcast %shift_right_logical3A_1105 : i32 to vector<16xi32>
    %shift_right_logical3A_1107 = arith.shrui %get3A_1102, %shift_right_logical3A_1106 : vector<16xi32>
    %shift_right_logical3A_1108 = arith.constant 7 : i32
    %shift_right_logical3A_1109 = vector.broadcast %shift_right_logical3A_1108 : i32 to vector<16xi32>
    %shift_right_logical3A_1110 = arith.shrui %get3A_1104, %shift_right_logical3A_1109 : vector<16xi32>
    %and3A_1111 = arith.constant 127 : i32
    %and3A_1112 = vector.broadcast %and3A_1111 : i32 to vector<16xi32>
    %and3A_1113 = arith.andi %get3A_1102, %and3A_1112 : vector<16xi32>
    %and3A_1114 = arith.constant 127 : i32
    %and3A_1115 = vector.broadcast %and3A_1114 : i32 to vector<16xi32>
    %and3A_1116 = arith.andi %get3A_1104, %and3A_1115 : vector<16xi32>
    tpu.vector_store_idx %arg7[%shift_right_logical3A_1107, %and3A_1113], %broadcast_in_dim3A_1034 {add = true} : memref<32x128xf32, #tpu.memory_space<vmem>>[vector<16xi32>, vector<16xi32>], vector<16xf32>,
    %add3A_1117 = arith.constant 8 : i32
    %add3A_1118 = vector.broadcast %add3A_1117 : i32 to vector<16xi32>
    %add3A_1119 = arith.addi %shift_right_logical3A_1110, %add3A_1118 : vector<16xi32>
    tpu.vector_store_idx %arg7[%add3A_1119, %and3A_1116], %broadcast_in_dim3A_1034 {add = true} : memref<32x128xf32, #tpu.memory_space<vmem>>[vector<16xi32>, vector<16xi32>], vector<16xf32>,
    %add3A_1120 = arith.constant 16 : i32
    %add3A_1121 = vector.broadcast %add3A_1120 : i32 to vector<16xi32>
    %add3A_1122 = arith.addi %shift_right_logical3A_1110, %add3A_1121 : vector<16xi32>
    %eq3A_1123 = arith.cmpi eq, %get3A_1102, %get3A_1104 : vector<16xi32>
    tpu.vector_store_idx %arg7[%add3A_1122, %and3A_1116], %broadcast_in_dim3A_1034 masked %eq3A_1123 {add = true} : memref<32x128xf32, #tpu.memory_space<vmem>>[vector<16xi32>, vector<16xi32>], vector<16xf32>, vector<16xi1>
    %get3A_1124 = arith.constant 64 : index
    %get3A_1125 = tpu.vector_load %arg5[%get3A_1124] {strides = array<i32>} : memref<1024xi32, #tpu.memory_space<vmem>>, vector<16xi32>,
    %get3A_1126 = arith.constant 64 : index
    %get3A_1127 = tpu.vector_load %arg6[%get3A_1126] {strides = array<i32>} : memref<1024xi32, #tpu.memory_space<vmem>>, vector<16xi32>,
    %shift_right_logical3A_1128 = arith.constant 7 : i32
    %shift_right_logical3A_1129 = vector.broadcast %shift_right_logical3A_1128 : i32 to vector<16xi32>
    %shift_right_logical3A_1130 = arith.shrui %get3A_1125, %shift_right_logical3A_1129 : vector<16xi32>
    %shift_right_logical3A_1131 = arith.constant 7 : i32
    %shift_right_logical3A_1132 = vector.broadcast %shift_right_logical3A_1131 : i32 to vector<16xi32>
    %shift_right_logical3A_1133 = arith.shrui %get3A_1127, %shift_right_logical3A_1132 : vector<16xi32>
    %and3A_1134 = arith.constant 127 : i32
    %and3A_1135 = vector.broadcast %and3A_1134 : i32 to vector<16xi32>
    %and3A_1136 = arith.andi %get3A_1125, %and3A_1135 : vector<16xi32>
    %and3A_1137 = arith.constant 127 : i32
    %and3A_1138 = vector.broadcast %and3A_1137 : i32 to vector<16xi32>
    %and3A_1139 = arith.andi %get3A_1127, %and3A_1138 : vector<16xi32>
    tpu.vector_store_idx %arg7[%shift_right_logical3A_1130, %and3A_1136], %broadcast_in_dim3A_1034 {add = true} : memref<32x128xf32, #tpu.memory_space<vmem>>[vector<16xi32>, vector<16xi32>], vector<16xf32>,
    %add3A_1140 = arith.constant 8 : i32
    %add3A_1141 = vector.broadcast %add3A_1140 : i32 to vector<16xi32>
    %add3A_1142 = arith.addi %shift_right_logical3A_1133, %add3A_1141 : vector<16xi32>
    tpu.vector_store_idx %arg7[%add3A_1142, %and3A_1139], %broadcast_in_dim3A_1034 {add = true} : memref<32x128xf32, #tpu.memory_space<vmem>>[vector<16xi32>, vector<16xi32>], vector<16xf32>,
    %add3A_1143 = arith.constant 16 : i32
    %add3A_1144 = vector.broadcast %add3A_1143 : i32 to vector<16xi32>
    %add3A_1145 = arith.addi %shift_right_logical3A_1133, %add3A_1144 : vector<16xi32>
    %eq3A_1146 = arith.cmpi eq, %get3A_1125, %get3A_1127 : vector<16xi32>
    tpu.vector_store_idx %arg7[%add3A_1145, %and3A_1139], %broadcast_in_dim3A_1034 masked %eq3A_1146 {add = true} : memref<32x128xf32, #tpu.memory_space<vmem>>[vector<16xi32>, vector<16xi32>], vector<16xf32>, vector<16xi1>
    %get3A_1147 = arith.constant 80 : index
    %get3A_1148 = tpu.vector_load %arg5[%get3A_1147] {strides = array<i32>} : memref<1024xi32, #tpu.memory_space<vmem>>, vector<16xi32>,
    %get3A_1149 = arith.constant 80 : index
    %get3A_1150 = tpu.vector_load %arg6[%get3A_1149] {strides = array<i32>} : memref<1024xi32, #tpu.memory_space<vmem>>, vector<16xi32>,
    %shift_right_logical3A_1151 = arith.constant 7 : i32
    %shift_right_logical3A_1152 = vector.broadcast %shift_right_logical3A_1151 : i32 to vector<16xi32>
    %shift_right_logical3A_1153 = arith.shrui %get3A_1148, %shift_right_logical3A_1152 : vector<16xi32>
    %shift_right_logical3A_1154 = arith.constant 7 : i32
    %shift_right_logical3A_1155 = vector.broadcast %shift_right_logical3A_1154 : i32 to vector<16xi32>
    %shift_right_logical3A_1156 = arith.shrui %get3A_1150, %shift_right_logical3A_1155 : vector<16xi32>
    %and3A_1157 = arith.constant 127 : i32
    %and3A_1158 = vector.broadcast %and3A_1157 : i32 to vector<16xi32>
    %and3A_1159 = arith.andi %get3A_1148, %and3A_1158 : vector<16xi32>
    %and3A_1160 = arith.constant 127 : i32
    %and3A_1161 = vector.broadcast %and3A_1160 : i32 to vector<16xi32>
    %and3A_1162 = arith.andi %get3A_1150, %and3A_1161 : vector<16xi32>
    tpu.vector_store_idx %arg7[%shift_right_logical3A_1153, %and3A_1159], %broadcast_in_dim3A_1034 {add = true} : memref<32x128xf32, #tpu.memory_space<vmem>>[vector<16xi32>, vector<16xi32>], vector<16xf32>,
    %add3A_1163 = arith.constant 8 : i32
    %add3A_1164 = vector.broadcast %add3A_1163 : i32 to vector<16xi32>
    %add3A_1165 = arith.addi %shift_right_logical3A_1156, %add3A_1164 : vector<16xi32>
    tpu.vector_store_idx %arg7[%add3A_1165, %and3A_1162], %broadcast_in_dim3A_1034 {add = true} : memref<32x128xf32, #tpu.memory_space<vmem>>[vector<16xi32>, vector<16xi32>], vector<16xf32>,
    %add3A_1166 = arith.constant 16 : i32
    %add3A_1167 = vector.broadcast %add3A_1166 : i32 to vector<16xi32>
    %add3A_1168 = arith.addi %shift_right_logical3A_1156, %add3A_1167 : vector<16xi32>
    %eq3A_1169 = arith.cmpi eq, %get3A_1148, %get3A_1150 : vector<16xi32>
    tpu.vector_store_idx %arg7[%add3A_1168, %and3A_1162], %broadcast_in_dim3A_1034 masked %eq3A_1169 {add = true} : memref<32x128xf32, #tpu.memory_space<vmem>>[vector<16xi32>, vector<16xi32>], vector<16xf32>, vector<16xi1>
    %get3A_1170 = arith.constant 96 : index
    %get3A_1171 = tpu.vector_load %arg5[%get3A_1170] {strides = array<i32>} : memref<1024xi32, #tpu.memory_space<vmem>>, vector<16xi32>,
    %get3A_1172 = arith.constant 96 : index
    %get3A_1173 = tpu.vector_load %arg6[%get3A_1172] {strides = array<i32>} : memref<1024xi32, #tpu.memory_space<vmem>>, vector<16xi32>,
    %shift_right_logical3A_1174 = arith.constant 7 : i32
    %shift_right_logical3A_1175 = vector.broadcast %shift_right_logical3A_1174 : i32 to vector<16xi32>
    %shift_right_logical3A_1176 = arith.shrui %get3A_1171, %shift_right_logical3A_1175 : vector<16xi32>
    %shift_right_logical3A_1177 = arith.constant 7 : i32
    %shift_right_logical3A_1178 = vector.broadcast %shift_right_logical3A_1177 : i32 to vector<16xi32>
    %shift_right_logical3A_1179 = arith.shrui %get3A_1173, %shift_right_logical3A_1178 : vector<16xi32>
    %and3A_1180 = arith.constant 127 : i32
    %and3A_1181 = vector.broadcast %and3A_1180 : i32 to vector<16xi32>
    %and3A_1182 = arith.andi %get3A_1171, %and3A_1181 : vector<16xi32>
    %and3A_1183 = arith.constant 127 : i32
    %and3A_1184 = vector.broadcast %and3A_1183 : i32 to vector<16xi32>
    %and3A_1185 = arith.andi %get3A_1173, %and3A_1184 : vector<16xi32>
    tpu.vector_store_idx %arg7[%shift_right_logical3A_1176, %and3A_1182], %broadcast_in_dim3A_1034 {add = true} : memref<32x128xf32, #tpu.memory_space<vmem>>[vector<16xi32>, vector<16xi32>], vector<16xf32>,
    %add3A_1186 = arith.constant 8 : i32
    %add3A_1187 = vector.broadcast %add3A_1186 : i32 to vector<16xi32>
    %add3A_1188 = arith.addi %shift_right_logical3A_1179, %add3A_1187 : vector<16xi32>
    tpu.vector_store_idx %arg7[%add3A_1188, %and3A_1185], %broadcast_in_dim3A_1034 {add = true} : memref<32x128xf32, #tpu.memory_space<vmem>>[vector<16xi32>, vector<16xi32>], vector<16xf32>,
    %add3A_1189 = arith.constant 16 : i32
    %add3A_1190 = vector.broadcast %add3A_1189 : i32 to vector<16xi32>
    %add3A_1191 = arith.addi %shift_right_logical3A_1179, %add3A_1190 : vector<16xi32>
    %eq3A_1192 = arith.cmpi eq, %get3A_1171, %get3A_1173 : vector<16xi32>
    tpu.vector_store_idx %arg7[%add3A_1191, %and3A_1185], %broadcast_in_dim3A_1034 masked %eq3A_1192 {add = true} : memref<32x128xf32, #tpu.memory_space<vmem>>[vector<16xi32>, vector<16xi32>], vector<16xf32>, vector<16xi1>
    %get3A_1193 = arith.constant 112 : index
    %get3A_1194 = tpu.vector_load %arg5[%get3A_1193] {strides = array<i32>} : memref<1024xi32, #tpu.memory_space<vmem>>, vector<16xi32>,
    %get3A_1195 = arith.constant 112 : index
    %get3A_1196 = tpu.vector_load %arg6[%get3A_1195] {strides = array<i32>} : memref<1024xi32, #tpu.memory_space<vmem>>, vector<16xi32>,
    %shift_right_logical3A_1197 = arith.constant 7 : i32
    %shift_right_logical3A_1198 = vector.broadcast %shift_right_logical3A_1197 : i32 to vector<16xi32>
    %shift_right_logical3A_1199 = arith.shrui %get3A_1194, %shift_right_logical3A_1198 : vector<16xi32>
    %shift_right_logical3A_1200 = arith.constant 7 : i32
    %shift_right_logical3A_1201 = vector.broadcast %shift_right_logical3A_1200 : i32 to vector<16xi32>
    %shift_right_logical3A_1202 = arith.shrui %get3A_1196, %shift_right_logical3A_1201 : vector<16xi32>
    %and3A_1203 = arith.constant 127 : i32
    %and3A_1204 = vector.broadcast %and3A_1203 : i32 to vector<16xi32>
    %and3A_1205 = arith.andi %get3A_1194, %and3A_1204 : vector<16xi32>
    %and3A_1206 = arith.constant 127 : i32
    %and3A_1207 = vector.broadcast %and3A_1206 : i32 to vector<16xi32>
    %and3A_1208 = arith.andi %get3A_1196, %and3A_1207 : vector<16xi32>
    tpu.vector_store_idx %arg7[%shift_right_logical3A_1199, %and3A_1205], %broadcast_in_dim3A_1034 {add = true} : memref<32x128xf32, #tpu.memory_space<vmem>>[vector<16xi32>, vector<16xi32>], vector<16xf32>,
    %add3A_1209 = arith.constant 8 : i32
    %add3A_1210 = vector.broadcast %add3A_1209 : i32 to vector<16xi32>
    %add3A_1211 = arith.addi %shift_right_logical3A_1202, %add3A_1210 : vector<16xi32>
    tpu.vector_store_idx %arg7[%add3A_1211, %and3A_1208], %broadcast_in_dim3A_1034 {add = true} : memref<32x128xf32, #tpu.memory_space<vmem>>[vector<16xi32>, vector<16xi32>], vector<16xf32>,
    %add3A_1212 = arith.constant 16 : i32
    %add3A_1213 = vector.broadcast %add3A_1212 : i32 to vector<16xi32>
    %add3A_1214 = arith.addi %shift_right_logical3A_1202, %add3A_1213 : vector<16xi32>
    %eq3A_1215 = arith.cmpi eq, %get3A_1194, %get3A_1196 : vector<16xi32>
    tpu.vector_store_idx %arg7[%add3A_1214, %and3A_1208], %broadcast_in_dim3A_1034 masked %eq3A_1215 {add = true} : memref<32x128xf32, #tpu.memory_space<vmem>>[vector<16xi32>, vector<16xi32>], vector<16xf32>, vector<16xi1>
    %get3A_1216 = arith.constant 128 : index
    %get3A_1217 = tpu.vector_load %arg5[%get3A_1216] {strides = array<i32>} : memref<1024xi32, #tpu.memory_space<vmem>>, vector<16xi32>,
    %get3A_1218 = arith.constant 128 : index
    %get3A_1219 = tpu.vector_load %arg6[%get3A_1218] {strides = array<i32>} : memref<1024xi32, #tpu.memory_space<vmem>>, vector<16xi32>,
    %shift_right_logical3A_1220 = arith.constant 7 : i32
    %shift_right_logical3A_1221 = vector.broadcast %shift_right_logical3A_1220 : i32 to vector<16xi32>
    %shift_right_logical3A_1222 = arith.shrui %get3A_1217, %shift_right_logical3A_1221 : vector<16xi32>
    %shift_right_logical3A_1223 = arith.constant 7 : i32
    %shift_right_logical3A_1224 = vector.broadcast %shift_right_logical3A_1223 : i32 to vector<16xi32>
    %shift_right_logical3A_1225 = arith.shrui %get3A_1219, %shift_right_logical3A_1224 : vector<16xi32>
    %and3A_1226 = arith.constant 127 : i32
    %and3A_1227 = vector.broadcast %and3A_1226 : i32 to vector<16xi32>
    %and3A_1228 = arith.andi %get3A_1217, %and3A_1227 : vector<16xi32>
    %and3A_1229 = arith.constant 127 : i32
    %and3A_1230 = vector.broadcast %and3A_1229 : i32 to vector<16xi32>
    %and3A_1231 = arith.andi %get3A_1219, %and3A_1230 : vector<16xi32>
    tpu.vector_store_idx %arg7[%shift_right_logical3A_1222, %and3A_1228], %broadcast_in_dim3A_1034 {add = true} : memref<32x128xf32, #tpu.memory_space<vmem>>[vector<16xi32>, vector<16xi32>], vector<16xf32>,
    %add3A_1232 = arith.constant 8 : i32
    %add3A_1233 = vector.broadcast %add3A_1232 : i32 to vector<16xi32>
    %add3A_1234 = arith.addi %shift_right_logical3A_1225, %add3A_1233 : vector<16xi32>
    tpu.vector_store_idx %arg7[%add3A_1234, %and3A_1231], %broadcast_in_dim3A_1034 {add = true} : memref<32x128xf32, #tpu.memory_space<vmem>>[vector<16xi32>, vector<16xi32>], vector<16xf32>,
    %add3A_1235 = arith.constant 16 : i32
    %add3A_1236 = vector.broadcast %add3A_1235 : i32 to vector<16xi32>
    %add3A_1237 = arith.addi %shift_right_logical3A_1225, %add3A_1236 : vector<16xi32>
    %eq3A_1238 = arith.cmpi eq, %get3A_1217, %get3A_1219 : vector<16xi32>
    tpu.vector_store_idx %arg7[%add3A_1237, %and3A_1231], %broadcast_in_dim3A_1034 masked %eq3A_1238 {add = true} : memref<32x128xf32, #tpu.memory_space<vmem>>[vector<16xi32>, vector<16xi32>], vector<16xf32>, vector<16xi1>
    %get3A_1239 = arith.constant 144 : index
    %get3A_1240 = tpu.vector_load %arg5[%get3A_1239] {strides = array<i32>} : memref<1024xi32, #tpu.memory_space<vmem>>, vector<16xi32>,
    %get3A_1241 = arith.constant 144 : index
    %get3A_1242 = tpu.vector_load %arg6[%get3A_1241] {strides = array<i32>} : memref<1024xi32, #tpu.memory_space<vmem>>, vector<16xi32>,
    %shift_right_logical3A_1243 = arith.constant 7 : i32
    %shift_right_logical3A_1244 = vector.broadcast %shift_right_logical3A_1243 : i32 to vector<16xi32>
    %shift_right_logical3A_1245 = arith.shrui %get3A_1240, %shift_right_logical3A_1244 : vector<16xi32>
    %shift_right_logical3A_1246 = arith.constant 7 : i32
    %shift_right_logical3A_1247 = vector.broadcast %shift_right_logical3A_1246 : i32 to vector<16xi32>
    %shift_right_logical3A_1248 = arith.shrui %get3A_1242, %shift_right_logical3A_1247 : vector<16xi32>
    %and3A_1249 = arith.constant 127 : i32
    %and3A_1250 = vector.broadcast %and3A_1249 : i32 to vector<16xi32>
    %and3A_1251 = arith.andi %get3A_1240, %and3A_1250 : vector<16xi32>
    %and3A_1252 = arith.constant 127 : i32
    %and3A_1253 = vector.broadcast %and3A_1252 : i32 to vector<16xi32>
    %and3A_1254 = arith.andi %get3A_1242, %and3A_1253 : vector<16xi32>
    tpu.vector_store_idx %arg7[%shift_right_logical3A_1245, %and3A_1251], %broadcast_in_dim3A_1034 {add = true} : memref<32x128xf32, #tpu.memory_space<vmem>>[vector<16xi32>, vector<16xi32>], vector<16xf32>,
    %add3A_1255 = arith.constant 8 : i32
    %add3A_1256 = vector.broadcast %add3A_1255 : i32 to vector<16xi32>
    %add3A_1257 = arith.addi %shift_right_logical3A_1248, %add3A_1256 : vector<16xi32>
    tpu.vector_store_idx %arg7[%add3A_1257, %and3A_1254], %broadcast_in_dim3A_1034 {add = true} : memref<32x128xf32, #tpu.memory_space<vmem>>[vector<16xi32>, vector<16xi32>], vector<16xf32>,
    %add3A_1258 = arith.constant 16 : i32
    %add3A_1259 = vector.broadcast %add3A_1258 : i32 to vector<16xi32>
    %add3A_1260 = arith.addi %shift_right_logical3A_1248, %add3A_1259 : vector<16xi32>
    %eq3A_1261 = arith.cmpi eq, %get3A_1240, %get3A_1242 : vector<16xi32>
    tpu.vector_store_idx %arg7[%add3A_1260, %and3A_1254], %broadcast_in_dim3A_1034 masked %eq3A_1261 {add = true} : memref<32x128xf32, #tpu.memory_space<vmem>>[vector<16xi32>, vector<16xi32>], vector<16xf32>, vector<16xi1>
    %get3A_1262 = arith.constant 160 : index
    %get3A_1263 = tpu.vector_load %arg5[%get3A_1262] {strides = array<i32>} : memref<1024xi32, #tpu.memory_space<vmem>>, vector<16xi32>,
    %get3A_1264 = arith.constant 160 : index
    %get3A_1265 = tpu.vector_load %arg6[%get3A_1264] {strides = array<i32>} : memref<1024xi32, #tpu.memory_space<vmem>>, vector<16xi32>,
    %shift_right_logical3A_1266 = arith.constant 7 : i32
    %shift_right_logical3A_1267 = vector.broadcast %shift_right_logical3A_1266 : i32 to vector<16xi32>
    %shift_right_logical3A_1268 = arith.shrui %get3A_1263, %shift_right_logical3A_1267 : vector<16xi32>
    %shift_right_logical3A_1269 = arith.constant 7 : i32
    %shift_right_logical3A_1270 = vector.broadcast %shift_right_logical3A_1269 : i32 to vector<16xi32>
    %shift_right_logical3A_1271 = arith.shrui %get3A_1265, %shift_right_logical3A_1270 : vector<16xi32>
    %and3A_1272 = arith.constant 127 : i32
    %and3A_1273 = vector.broadcast %and3A_1272 : i32 to vector<16xi32>
    %and3A_1274 = arith.andi %get3A_1263, %and3A_1273 : vector<16xi32>
    %and3A_1275 = arith.constant 127 : i32
    %and3A_1276 = vector.broadcast %and3A_1275 : i32 to vector<16xi32>
    %and3A_1277 = arith.andi %get3A_1265, %and3A_1276 : vector<16xi32>
    tpu.vector_store_idx %arg7[%shift_right_logical3A_1268, %and3A_1274], %broadcast_in_dim3A_1034 {add = true} : memref<32x128xf32, #tpu.memory_space<vmem>>[vector<16xi32>, vector<16xi32>], vector<16xf32>,
    %add3A_1278 = arith.constant 8 : i32
    %add3A_1279 = vector.broadcast %add3A_1278 : i32 to vector<16xi32>
    %add3A_1280 = arith.addi %shift_right_logical3A_1271, %add3A_1279 : vector<16xi32>
    tpu.vector_store_idx %arg7[%add3A_1280, %and3A_1277], %broadcast_in_dim3A_1034 {add = true} : memref<32x128xf32, #tpu.memory_space<vmem>>[vector<16xi32>, vector<16xi32>], vector<16xf32>,
    %add3A_1281 = arith.constant 16 : i32
    %add3A_1282 = vector.broadcast %add3A_1281 : i32 to vector<16xi32>
    %add3A_1283 = arith.addi %shift_right_logical3A_1271, %add3A_1282 : vector<16xi32>
    %eq3A_1284 = arith.cmpi eq, %get3A_1263, %get3A_1265 : vector<16xi32>
    tpu.vector_store_idx %arg7[%add3A_1283, %and3A_1277], %broadcast_in_dim3A_1034 masked %eq3A_1284 {add = true} : memref<32x128xf32, #tpu.memory_space<vmem>>[vector<16xi32>, vector<16xi32>], vector<16xf32>, vector<16xi1>
    %get3A_1285 = arith.constant 176 : index
    %get3A_1286 = tpu.vector_load %arg5[%get3A_1285] {strides = array<i32>} : memref<1024xi32, #tpu.memory_space<vmem>>, vector<16xi32>,
    %get3A_1287 = arith.constant 176 : index
    %get3A_1288 = tpu.vector_load %arg6[%get3A_1287] {strides = array<i32>} : memref<1024xi32, #tpu.memory_space<vmem>>, vector<16xi32>,
    %shift_right_logical3A_1289 = arith.constant 7 : i32
    %shift_right_logical3A_1290 = vector.broadcast %shift_right_logical3A_1289 : i32 to vector<16xi32>
    %shift_right_logical3A_1291 = arith.shrui %get3A_1286, %shift_right_logical3A_1290 : vector<16xi32>
    %shift_right_logical3A_1292 = arith.constant 7 : i32
    %shift_right_logical3A_1293 = vector.broadcast %shift_right_logical3A_1292 : i32 to vector<16xi32>
    %shift_right_logical3A_1294 = arith.shrui %get3A_1288, %shift_right_logical3A_1293 : vector<16xi32>
    %and3A_1295 = arith.constant 127 : i32
    %and3A_1296 = vector.broadcast %and3A_1295 : i32 to vector<16xi32>
    %and3A_1297 = arith.andi %get3A_1286, %and3A_1296 : vector<16xi32>
    %and3A_1298 = arith.constant 127 : i32
    %and3A_1299 = vector.broadcast %and3A_1298 : i32 to vector<16xi32>
    %and3A_1300 = arith.andi %get3A_1288, %and3A_1299 : vector<16xi32>
    tpu.vector_store_idx %arg7[%shift_right_logical3A_1291, %and3A_1297], %broadcast_in_dim3A_1034 {add = true} : memref<32x128xf32, #tpu.memory_space<vmem>>[vector<16xi32>, vector<16xi32>], vector<16xf32>,
    %add3A_1301 = arith.constant 8 : i32
    %add3A_1302 = vector.broadcast %add3A_1301 : i32 to vector<16xi32>
    %add3A_1303 = arith.addi %shift_right_logical3A_1294, %add3A_1302 : vector<16xi32>
    tpu.vector_store_idx %arg7[%add3A_1303, %and3A_1300], %broadcast_in_dim3A_1034 {add = true} : memref<32x128xf32, #tpu.memory_space<vmem>>[vector<16xi32>, vector<16xi32>], vector<16xf32>,
    %add3A_1304 = arith.constant 16 : i32
    %add3A_1305 = vector.broadcast %add3A_1304 : i32 to vector<16xi32>
    %add3A_1306 = arith.addi %shift_right_logical3A_1294, %add3A_1305 : vector<16xi32>
    %eq3A_1307 = arith.cmpi eq, %get3A_1286, %get3A_1288 : vector<16xi32>
    tpu.vector_store_idx %arg7[%add3A_1306, %and3A_1300], %broadcast_in_dim3A_1034 masked %eq3A_1307 {add = true} : memref<32x128xf32, #tpu.memory_space<vmem>>[vector<16xi32>, vector<16xi32>], vector<16xf32>, vector<16xi1>
    %get3A_1308 = arith.constant 192 : index
    %get3A_1309 = tpu.vector_load %arg5[%get3A_1308] {strides = array<i32>} : memref<1024xi32, #tpu.memory_space<vmem>>, vector<16xi32>,
    %get3A_1310 = arith.constant 192 : index
    %get3A_1311 = tpu.vector_load %arg6[%get3A_1310] {strides = array<i32>} : memref<1024xi32, #tpu.memory_space<vmem>>, vector<16xi32>,
    %shift_right_logical3A_1312 = arith.constant 7 : i32
    %shift_right_logical3A_1313 = vector.broadcast %shift_right_logical3A_1312 : i32 to vector<16xi32>
    %shift_right_logical3A_1314 = arith.shrui %get3A_1309, %shift_right_logical3A_1313 : vector<16xi32>
    %shift_right_logical3A_1315 = arith.constant 7 : i32
    %shift_right_logical3A_1316 = vector.broadcast %shift_right_logical3A_1315 : i32 to vector<16xi32>
    %shift_right_logical3A_1317 = arith.shrui %get3A_1311, %shift_right_logical3A_1316 : vector<16xi32>
    %and3A_1318 = arith.constant 127 : i32
    %and3A_1319 = vector.broadcast %and3A_1318 : i32 to vector<16xi32>
    %and3A_1320 = arith.andi %get3A_1309, %and3A_1319 : vector<16xi32>
    %and3A_1321 = arith.constant 127 : i32
    %and3A_1322 = vector.broadcast %and3A_1321 : i32 to vector<16xi32>
    %and3A_1323 = arith.andi %get3A_1311, %and3A_1322 : vector<16xi32>
    tpu.vector_store_idx %arg7[%shift_right_logical3A_1314, %and3A_1320], %broadcast_in_dim3A_1034 {add = true} : memref<32x128xf32, #tpu.memory_space<vmem>>[vector<16xi32>, vector<16xi32>], vector<16xf32>,
    %add3A_1324 = arith.constant 8 : i32
    %add3A_1325 = vector.broadcast %add3A_1324 : i32 to vector<16xi32>
    %add3A_1326 = arith.addi %shift_right_logical3A_1317, %add3A_1325 : vector<16xi32>
    tpu.vector_store_idx %arg7[%add3A_1326, %and3A_1323], %broadcast_in_dim3A_1034 {add = true} : memref<32x128xf32, #tpu.memory_space<vmem>>[vector<16xi32>, vector<16xi32>], vector<16xf32>,
    %add3A_1327 = arith.constant 16 : i32
    %add3A_1328 = vector.broadcast %add3A_1327 : i32 to vector<16xi32>
    %add3A_1329 = arith.addi %shift_right_logical3A_1317, %add3A_1328 : vector<16xi32>
    %eq3A_1330 = arith.cmpi eq, %get3A_1309, %get3A_1311 : vector<16xi32>
    tpu.vector_store_idx %arg7[%add3A_1329, %and3A_1323], %broadcast_in_dim3A_1034 masked %eq3A_1330 {add = true} : memref<32x128xf32, #tpu.memory_space<vmem>>[vector<16xi32>, vector<16xi32>], vector<16xf32>, vector<16xi1>
    %get3A_1331 = arith.constant 208 : index
    %get3A_1332 = tpu.vector_load %arg5[%get3A_1331] {strides = array<i32>} : memref<1024xi32, #tpu.memory_space<vmem>>, vector<16xi32>,
    %get3A_1333 = arith.constant 208 : index
    %get3A_1334 = tpu.vector_load %arg6[%get3A_1333] {strides = array<i32>} : memref<1024xi32, #tpu.memory_space<vmem>>, vector<16xi32>,
    %shift_right_logical3A_1335 = arith.constant 7 : i32
    %shift_right_logical3A_1336 = vector.broadcast %shift_right_logical3A_1335 : i32 to vector<16xi32>
    %shift_right_logical3A_1337 = arith.shrui %get3A_1332, %shift_right_logical3A_1336 : vector<16xi32>
    %shift_right_logical3A_1338 = arith.constant 7 : i32
    %shift_right_logical3A_1339 = vector.broadcast %shift_right_logical3A_1338 : i32 to vector<16xi32>
    %shift_right_logical3A_1340 = arith.shrui %get3A_1334, %shift_right_logical3A_1339 : vector<16xi32>
    %and3A_1341 = arith.constant 127 : i32
    %and3A_1342 = vector.broadcast %and3A_1341 : i32 to vector<16xi32>
    %and3A_1343 = arith.andi %get3A_1332, %and3A_1342 : vector<16xi32>
    %and3A_1344 = arith.constant 127 : i32
    %and3A_1345 = vector.broadcast %and3A_1344 : i32 to vector<16xi32>
    %and3A_1346 = arith.andi %get3A_1334, %and3A_1345 : vector<16xi32>
    tpu.vector_store_idx %arg7[%shift_right_logical3A_1337, %and3A_1343], %broadcast_in_dim3A_1034 {add = true} : memref<32x128xf32, #tpu.memory_space<vmem>>[vector<16xi32>, vector<16xi32>], vector<16xf32>,
    %add3A_1347 = arith.constant 8 : i32
    %add3A_1348 = vector.broadcast %add3A_1347 : i32 to vector<16xi32>
    %add3A_1349 = arith.addi %shift_right_logical3A_1340, %add3A_1348 : vector<16xi32>
    tpu.vector_store_idx %arg7[%add3A_1349, %and3A_1346], %broadcast_in_dim3A_1034 {add = true} : memref<32x128xf32, #tpu.memory_space<vmem>>[vector<16xi32>, vector<16xi32>], vector<16xf32>,
    %add3A_1350 = arith.constant 16 : i32
    %add3A_1351 = vector.broadcast %add3A_1350 : i32 to vector<16xi32>
    %add3A_1352 = arith.addi %shift_right_logical3A_1340, %add3A_1351 : vector<16xi32>
    %eq3A_1353 = arith.cmpi eq, %get3A_1332, %get3A_1334 : vector<16xi32>
    tpu.vector_store_idx %arg7[%add3A_1352, %and3A_1346], %broadcast_in_dim3A_1034 masked %eq3A_1353 {add = true} : memref<32x128xf32, #tpu.memory_space<vmem>>[vector<16xi32>, vector<16xi32>], vector<16xf32>, vector<16xi1>
    %get3A_1354 = arith.constant 224 : index
    %get3A_1355 = tpu.vector_load %arg5[%get3A_1354] {strides = array<i32>} : memref<1024xi32, #tpu.memory_space<vmem>>, vector<16xi32>,
    %get3A_1356 = arith.constant 224 : index
    %get3A_1357 = tpu.vector_load %arg6[%get3A_1356] {strides = array<i32>} : memref<1024xi32, #tpu.memory_space<vmem>>, vector<16xi32>,
    %shift_right_logical3A_1358 = arith.constant 7 : i32
    %shift_right_logical3A_1359 = vector.broadcast %shift_right_logical3A_1358 : i32 to vector<16xi32>
    %shift_right_logical3A_1360 = arith.shrui %get3A_1355, %shift_right_logical3A_1359 : vector<16xi32>
    %shift_right_logical3A_1361 = arith.constant 7 : i32
    %shift_right_logical3A_1362 = vector.broadcast %shift_right_logical3A_1361 : i32 to vector<16xi32>
    %shift_right_logical3A_1363 = arith.shrui %get3A_1357, %shift_right_logical3A_1362 : vector<16xi32>
    %and3A_1364 = arith.constant 127 : i32
    %and3A_1365 = vector.broadcast %and3A_1364 : i32 to vector<16xi32>
    %and3A_1366 = arith.andi %get3A_1355, %and3A_1365 : vector<16xi32>
    %and3A_1367 = arith.constant 127 : i32
    %and3A_1368 = vector.broadcast %and3A_1367 : i32 to vector<16xi32>
    %and3A_1369 = arith.andi %get3A_1357, %and3A_1368 : vector<16xi32>
    tpu.vector_store_idx %arg7[%shift_right_logical3A_1360, %and3A_1366], %broadcast_in_dim3A_1034 {add = true} : memref<32x128xf32, #tpu.memory_space<vmem>>[vector<16xi32>, vector<16xi32>], vector<16xf32>,
    %add3A_1370 = arith.constant 8 : i32
    %add3A_1371 = vector.broadcast %add3A_1370 : i32 to vector<16xi32>
    %add3A_1372 = arith.addi %shift_right_logical3A_1363, %add3A_1371 : vector<16xi32>
    tpu.vector_store_idx %arg7[%add3A_1372, %and3A_1369], %broadcast_in_dim3A_1034 {add = true} : memref<32x128xf32, #tpu.memory_space<vmem>>[vector<16xi32>, vector<16xi32>], vector<16xf32>,
    %add3A_1373 = arith.constant 16 : i32
    %add3A_1374 = vector.broadcast %add3A_1373 : i32 to vector<16xi32>
    %add3A_1375 = arith.addi %shift_right_logical3A_1363, %add3A_1374 : vector<16xi32>
    %eq3A_1376 = arith.cmpi eq, %get3A_1355, %get3A_1357 : vector<16xi32>
    tpu.vector_store_idx %arg7[%add3A_1375, %and3A_1369], %broadcast_in_dim3A_1034 masked %eq3A_1376 {add = true} : memref<32x128xf32, #tpu.memory_space<vmem>>[vector<16xi32>, vector<16xi32>], vector<16xf32>, vector<16xi1>
    %get3A_1377 = arith.constant 240 : index
    %get3A_1378 = tpu.vector_load %arg5[%get3A_1377] {strides = array<i32>} : memref<1024xi32, #tpu.memory_space<vmem>>, vector<16xi32>,
    %get3A_1379 = arith.constant 240 : index
    %get3A_1380 = tpu.vector_load %arg6[%get3A_1379] {strides = array<i32>} : memref<1024xi32, #tpu.memory_space<vmem>>, vector<16xi32>,
    %shift_right_logical3A_1381 = arith.constant 7 : i32
    %shift_right_logical3A_1382 = vector.broadcast %shift_right_logical3A_1381 : i32 to vector<16xi32>
    %shift_right_logical3A_1383 = arith.shrui %get3A_1378, %shift_right_logical3A_1382 : vector<16xi32>
    %shift_right_logical3A_1384 = arith.constant 7 : i32
    %shift_right_logical3A_1385 = vector.broadcast %shift_right_logical3A_1384 : i32 to vector<16xi32>
    %shift_right_logical3A_1386 = arith.shrui %get3A_1380, %shift_right_logical3A_1385 : vector<16xi32>
    %and3A_1387 = arith.constant 127 : i32
    %and3A_1388 = vector.broadcast %and3A_1387 : i32 to vector<16xi32>
    %and3A_1389 = arith.andi %get3A_1378, %and3A_1388 : vector<16xi32>
    %and3A_1390 = arith.constant 127 : i32
    %and3A_1391 = vector.broadcast %and3A_1390 : i32 to vector<16xi32>
    %and3A_1392 = arith.andi %get3A_1380, %and3A_1391 : vector<16xi32>
    tpu.vector_store_idx %arg7[%shift_right_logical3A_1383, %and3A_1389], %broadcast_in_dim3A_1034 {add = true} : memref<32x128xf32, #tpu.memory_space<vmem>>[vector<16xi32>, vector<16xi32>], vector<16xf32>,
    %add3A_1393 = arith.constant 8 : i32
    %add3A_1394 = vector.broadcast %add3A_1393 : i32 to vector<16xi32>
    %add3A_1395 = arith.addi %shift_right_logical3A_1386, %add3A_1394 : vector<16xi32>
    tpu.vector_store_idx %arg7[%add3A_1395, %and3A_1392], %broadcast_in_dim3A_1034 {add = true} : memref<32x128xf32, #tpu.memory_space<vmem>>[vector<16xi32>, vector<16xi32>], vector<16xf32>,
    %add3A_1396 = arith.constant 16 : i32
    %add3A_1397 = vector.broadcast %add3A_1396 : i32 to vector<16xi32>
    %add3A_1398 = arith.addi %shift_right_logical3A_1386, %add3A_1397 : vector<16xi32>
    %eq3A_1399 = arith.cmpi eq, %get3A_1378, %get3A_1380 : vector<16xi32>
    tpu.vector_store_idx %arg7[%add3A_1398, %and3A_1392], %broadcast_in_dim3A_1034 masked %eq3A_1399 {add = true} : memref<32x128xf32, #tpu.memory_space<vmem>>[vector<16xi32>, vector<16xi32>], vector<16xf32>, vector<16xi1>
    %get3A_1400 = arith.constant 256 : index
    %get3A_1401 = tpu.vector_load %arg5[%get3A_1400] {strides = array<i32>} : memref<1024xi32, #tpu.memory_space<vmem>>, vector<16xi32>,
    %get3A_1402 = arith.constant 256 : index
    %get3A_1403 = tpu.vector_load %arg6[%get3A_1402] {strides = array<i32>} : memref<1024xi32, #tpu.memory_space<vmem>>, vector<16xi32>,
    %shift_right_logical3A_1404 = arith.constant 7 : i32
    %shift_right_logical3A_1405 = vector.broadcast %shift_right_logical3A_1404 : i32 to vector<16xi32>
    %shift_right_logical3A_1406 = arith.shrui %get3A_1401, %shift_right_logical3A_1405 : vector<16xi32>
    %shift_right_logical3A_1407 = arith.constant 7 : i32
    %shift_right_logical3A_1408 = vector.broadcast %shift_right_logical3A_1407 : i32 to vector<16xi32>
    %shift_right_logical3A_1409 = arith.shrui %get3A_1403, %shift_right_logical3A_1408 : vector<16xi32>
    %and3A_1410 = arith.constant 127 : i32
    %and3A_1411 = vector.broadcast %and3A_1410 : i32 to vector<16xi32>
    %and3A_1412 = arith.andi %get3A_1401, %and3A_1411 : vector<16xi32>
    %and3A_1413 = arith.constant 127 : i32
    %and3A_1414 = vector.broadcast %and3A_1413 : i32 to vector<16xi32>
    %and3A_1415 = arith.andi %get3A_1403, %and3A_1414 : vector<16xi32>
    tpu.vector_store_idx %arg7[%shift_right_logical3A_1406, %and3A_1412], %broadcast_in_dim3A_1034 {add = true} : memref<32x128xf32, #tpu.memory_space<vmem>>[vector<16xi32>, vector<16xi32>], vector<16xf32>,
    %add3A_1416 = arith.constant 8 : i32
    %add3A_1417 = vector.broadcast %add3A_1416 : i32 to vector<16xi32>
    %add3A_1418 = arith.addi %shift_right_logical3A_1409, %add3A_1417 : vector<16xi32>
    tpu.vector_store_idx %arg7[%add3A_1418, %and3A_1415], %broadcast_in_dim3A_1034 {add = true} : memref<32x128xf32, #tpu.memory_space<vmem>>[vector<16xi32>, vector<16xi32>], vector<16xf32>,
    %add3A_1419 = arith.constant 16 : i32
    %add3A_1420 = vector.broadcast %add3A_1419 : i32 to vector<16xi32>
    %add3A_1421 = arith.addi %shift_right_logical3A_1409, %add3A_1420 : vector<16xi32>
    %eq3A_1422 = arith.cmpi eq, %get3A_1401, %get3A_1403 : vector<16xi32>
    tpu.vector_store_idx %arg7[%add3A_1421, %and3A_1415], %broadcast_in_dim3A_1034 masked %eq3A_1422 {add = true} : memref<32x128xf32, #tpu.memory_space<vmem>>[vector<16xi32>, vector<16xi32>], vector<16xf32>, vector<16xi1>
    %get3A_1423 = arith.constant 272 : index
    %get3A_1424 = tpu.vector_load %arg5[%get3A_1423] {strides = array<i32>} : memref<1024xi32, #tpu.memory_space<vmem>>, vector<16xi32>,
    %get3A_1425 = arith.constant 272 : index
    %get3A_1426 = tpu.vector_load %arg6[%get3A_1425] {strides = array<i32>} : memref<1024xi32, #tpu.memory_space<vmem>>, vector<16xi32>,
    %shift_right_logical3A_1427 = arith.constant 7 : i32
    %shift_right_logical3A_1428 = vector.broadcast %shift_right_logical3A_1427 : i32 to vector<16xi32>
    %shift_right_logical3A_1429 = arith.shrui %get3A_1424, %shift_right_logical3A_1428 : vector<16xi32>
    %shift_right_logical3A_1430 = arith.constant 7 : i32
    %shift_right_logical3A_1431 = vector.broadcast %shift_right_logical3A_1430 : i32 to vector<16xi32>
    %shift_right_logical3A_1432 = arith.shrui %get3A_1426, %shift_right_logical3A_1431 : vector<16xi32>
    %and3A_1433 = arith.constant 127 : i32
    %and3A_1434 = vector.broadcast %and3A_1433 : i32 to vector<16xi32>
    %and3A_1435 = arith.andi %get3A_1424, %and3A_1434 : vector<16xi32>
    %and3A_1436 = arith.constant 127 : i32
    %and3A_1437 = vector.broadcast %and3A_1436 : i32 to vector<16xi32>
    %and3A_1438 = arith.andi %get3A_1426, %and3A_1437 : vector<16xi32>
    tpu.vector_store_idx %arg7[%shift_right_logical3A_1429, %and3A_1435], %broadcast_in_dim3A_1034 {add = true} : memref<32x128xf32, #tpu.memory_space<vmem>>[vector<16xi32>, vector<16xi32>], vector<16xf32>,
    %add3A_1439 = arith.constant 8 : i32
    %add3A_1440 = vector.broadcast %add3A_1439 : i32 to vector<16xi32>
    %add3A_1441 = arith.addi %shift_right_logical3A_1432, %add3A_1440 : vector<16xi32>
    tpu.vector_store_idx %arg7[%add3A_1441, %and3A_1438], %broadcast_in_dim3A_1034 {add = true} : memref<32x128xf32, #tpu.memory_space<vmem>>[vector<16xi32>, vector<16xi32>], vector<16xf32>,
    %add3A_1442 = arith.constant 16 : i32
    %add3A_1443 = vector.broadcast %add3A_1442 : i32 to vector<16xi32>
    %add3A_1444 = arith.addi %shift_right_logical3A_1432, %add3A_1443 : vector<16xi32>
    %eq3A_1445 = arith.cmpi eq, %get3A_1424, %get3A_1426 : vector<16xi32>
    tpu.vector_store_idx %arg7[%add3A_1444, %and3A_1438], %broadcast_in_dim3A_1034 masked %eq3A_1445 {add = true} : memref<32x128xf32, #tpu.memory_space<vmem>>[vector<16xi32>, vector<16xi32>], vector<16xf32>, vector<16xi1>
    %get3A_1446 = arith.constant 288 : index
    %get3A_1447 = tpu.vector_load %arg5[%get3A_1446] {strides = array<i32>} : memref<1024xi32, #tpu.memory_space<vmem>>, vector<16xi32>,
    %get3A_1448 = arith.constant 288 : index
    %get3A_1449 = tpu.vector_load %arg6[%get3A_1448] {strides = array<i32>} : memref<1024xi32, #tpu.memory_space<vmem>>, vector<16xi32>,
    %shift_right_logical3A_1450 = arith.constant 7 : i32
    %shift_right_logical3A_1451 = vector.broadcast %shift_right_logical3A_1450 : i32 to vector<16xi32>
    %shift_right_logical3A_1452 = arith.shrui %get3A_1447, %shift_right_logical3A_1451 : vector<16xi32>
    %shift_right_logical3A_1453 = arith.constant 7 : i32
    %shift_right_logical3A_1454 = vector.broadcast %shift_right_logical3A_1453 : i32 to vector<16xi32>
    %shift_right_logical3A_1455 = arith.shrui %get3A_1449, %shift_right_logical3A_1454 : vector<16xi32>
    %and3A_1456 = arith.constant 127 : i32
    %and3A_1457 = vector.broadcast %and3A_1456 : i32 to vector<16xi32>
    %and3A_1458 = arith.andi %get3A_1447, %and3A_1457 : vector<16xi32>
    %and3A_1459 = arith.constant 127 : i32
    %and3A_1460 = vector.broadcast %and3A_1459 : i32 to vector<16xi32>
    %and3A_1461 = arith.andi %get3A_1449, %and3A_1460 : vector<16xi32>
    tpu.vector_store_idx %arg7[%shift_right_logical3A_1452, %and3A_1458], %broadcast_in_dim3A_1034 {add = true} : memref<32x128xf32, #tpu.memory_space<vmem>>[vector<16xi32>, vector<16xi32>], vector<16xf32>,
    %add3A_1462 = arith.constant 8 : i32
    %add3A_1463 = vector.broadcast %add3A_1462 : i32 to vector<16xi32>
    %add3A_1464 = arith.addi %shift_right_logical3A_1455, %add3A_1463 : vector<16xi32>
    tpu.vector_store_idx %arg7[%add3A_1464, %and3A_1461], %broadcast_in_dim3A_1034 {add = true} : memref<32x128xf32, #tpu.memory_space<vmem>>[vector<16xi32>, vector<16xi32>], vector<16xf32>,
    %add3A_1465 = arith.constant 16 : i32
    %add3A_1466 = vector.broadcast %add3A_1465 : i32 to vector<16xi32>
    %add3A_1467 = arith.addi %shift_right_logical3A_1455, %add3A_1466 : vector<16xi32>
    %eq3A_1468 = arith.cmpi eq, %get3A_1447, %get3A_1449 : vector<16xi32>
    tpu.vector_store_idx %arg7[%add3A_1467, %and3A_1461], %broadcast_in_dim3A_1034 masked %eq3A_1468 {add = true} : memref<32x128xf32, #tpu.memory_space<vmem>>[vector<16xi32>, vector<16xi32>], vector<16xf32>, vector<16xi1>
    %get3A_1469 = arith.constant 304 : index
    %get3A_1470 = tpu.vector_load %arg5[%get3A_1469] {strides = array<i32>} : memref<1024xi32, #tpu.memory_space<vmem>>, vector<16xi32>,
    %get3A_1471 = arith.constant 304 : index
    %get3A_1472 = tpu.vector_load %arg6[%get3A_1471] {strides = array<i32>} : memref<1024xi32, #tpu.memory_space<vmem>>, vector<16xi32>,
    %shift_right_logical3A_1473 = arith.constant 7 : i32
    %shift_right_logical3A_1474 = vector.broadcast %shift_right_logical3A_1473 : i32 to vector<16xi32>
    %shift_right_logical3A_1475 = arith.shrui %get3A_1470, %shift_right_logical3A_1474 : vector<16xi32>
    %shift_right_logical3A_1476 = arith.constant 7 : i32
    %shift_right_logical3A_1477 = vector.broadcast %shift_right_logical3A_1476 : i32 to vector<16xi32>
    %shift_right_logical3A_1478 = arith.shrui %get3A_1472, %shift_right_logical3A_1477 : vector<16xi32>
    %and3A_1479 = arith.constant 127 : i32
    %and3A_1480 = vector.broadcast %and3A_1479 : i32 to vector<16xi32>
    %and3A_1481 = arith.andi %get3A_1470, %and3A_1480 : vector<16xi32>
    %and3A_1482 = arith.constant 127 : i32
    %and3A_1483 = vector.broadcast %and3A_1482 : i32 to vector<16xi32>
    %and3A_1484 = arith.andi %get3A_1472, %and3A_1483 : vector<16xi32>
    tpu.vector_store_idx %arg7[%shift_right_logical3A_1475, %and3A_1481], %broadcast_in_dim3A_1034 {add = true} : memref<32x128xf32, #tpu.memory_space<vmem>>[vector<16xi32>, vector<16xi32>], vector<16xf32>,
    %add3A_1485 = arith.constant 8 : i32
    %add3A_1486 = vector.broadcast %add3A_1485 : i32 to vector<16xi32>
    %add3A_1487 = arith.addi %shift_right_logical3A_1478, %add3A_1486 : vector<16xi32>
    tpu.vector_store_idx %arg7[%add3A_1487, %and3A_1484], %broadcast_in_dim3A_1034 {add = true} : memref<32x128xf32, #tpu.memory_space<vmem>>[vector<16xi32>, vector<16xi32>], vector<16xf32>,
    %add3A_1488 = arith.constant 16 : i32
    %add3A_1489 = vector.broadcast %add3A_1488 : i32 to vector<16xi32>
    %add3A_1490 = arith.addi %shift_right_logical3A_1478, %add3A_1489 : vector<16xi32>
    %eq3A_1491 = arith.cmpi eq, %get3A_1470, %get3A_1472 : vector<16xi32>
    tpu.vector_store_idx %arg7[%add3A_1490, %and3A_1484], %broadcast_in_dim3A_1034 masked %eq3A_1491 {add = true} : memref<32x128xf32, #tpu.memory_space<vmem>>[vector<16xi32>, vector<16xi32>], vector<16xf32>, vector<16xi1>
    %get3A_1492 = arith.constant 320 : index
    %get3A_1493 = tpu.vector_load %arg5[%get3A_1492] {strides = array<i32>} : memref<1024xi32, #tpu.memory_space<vmem>>, vector<16xi32>,
    %get3A_1494 = arith.constant 320 : index
    %get3A_1495 = tpu.vector_load %arg6[%get3A_1494] {strides = array<i32>} : memref<1024xi32, #tpu.memory_space<vmem>>, vector<16xi32>,
    %shift_right_logical3A_1496 = arith.constant 7 : i32
    %shift_right_logical3A_1497 = vector.broadcast %shift_right_logical3A_1496 : i32 to vector<16xi32>
    %shift_right_logical3A_1498 = arith.shrui %get3A_1493, %shift_right_logical3A_1497 : vector<16xi32>
    %shift_right_logical3A_1499 = arith.constant 7 : i32
    %shift_right_logical3A_1500 = vector.broadcast %shift_right_logical3A_1499 : i32 to vector<16xi32>
    %shift_right_logical3A_1501 = arith.shrui %get3A_1495, %shift_right_logical3A_1500 : vector<16xi32>
    %and3A_1502 = arith.constant 127 : i32
    %and3A_1503 = vector.broadcast %and3A_1502 : i32 to vector<16xi32>
    %and3A_1504 = arith.andi %get3A_1493, %and3A_1503 : vector<16xi32>
    %and3A_1505 = arith.constant 127 : i32
    %and3A_1506 = vector.broadcast %and3A_1505 : i32 to vector<16xi32>
    %and3A_1507 = arith.andi %get3A_1495, %and3A_1506 : vector<16xi32>
    tpu.vector_store_idx %arg7[%shift_right_logical3A_1498, %and3A_1504], %broadcast_in_dim3A_1034 {add = true} : memref<32x128xf32, #tpu.memory_space<vmem>>[vector<16xi32>, vector<16xi32>], vector<16xf32>,
    %add3A_1508 = arith.constant 8 : i32
    %add3A_1509 = vector.broadcast %add3A_1508 : i32 to vector<16xi32>
    %add3A_1510 = arith.addi %shift_right_logical3A_1501, %add3A_1509 : vector<16xi32>
    tpu.vector_store_idx %arg7[%add3A_1510, %and3A_1507], %broadcast_in_dim3A_1034 {add = true} : memref<32x128xf32, #tpu.memory_space<vmem>>[vector<16xi32>, vector<16xi32>], vector<16xf32>,
    %add3A_1511 = arith.constant 16 : i32
    %add3A_1512 = vector.broadcast %add3A_1511 : i32 to vector<16xi32>
    %add3A_1513 = arith.addi %shift_right_logical3A_1501, %add3A_1512 : vector<16xi32>
    %eq3A_1514 = arith.cmpi eq, %get3A_1493, %get3A_1495 : vector<16xi32>
    tpu.vector_store_idx %arg7[%add3A_1513, %and3A_1507], %broadcast_in_dim3A_1034 masked %eq3A_1514 {add = true} : memref<32x128xf32, #tpu.memory_space<vmem>>[vector<16xi32>, vector<16xi32>], vector<16xf32>, vector<16xi1>
    %get3A_1515 = arith.constant 336 : index
    %get3A_1516 = tpu.vector_load %arg5[%get3A_1515] {strides = array<i32>} : memref<1024xi32, #tpu.memory_space<vmem>>, vector<16xi32>,
    %get3A_1517 = arith.constant 336 : index
    %get3A_1518 = tpu.vector_load %arg6[%get3A_1517] {strides = array<i32>} : memref<1024xi32, #tpu.memory_space<vmem>>, vector<16xi32>,
    %shift_right_logical3A_1519 = arith.constant 7 : i32
    %shift_right_logical3A_1520 = vector.broadcast %shift_right_logical3A_1519 : i32 to vector<16xi32>
    %shift_right_logical3A_1521 = arith.shrui %get3A_1516, %shift_right_logical3A_1520 : vector<16xi32>
    %shift_right_logical3A_1522 = arith.constant 7 : i32
    %shift_right_logical3A_1523 = vector.broadcast %shift_right_logical3A_1522 : i32 to vector<16xi32>
    %shift_right_logical3A_1524 = arith.shrui %get3A_1518, %shift_right_logical3A_1523 : vector<16xi32>
    %and3A_1525 = arith.constant 127 : i32
    %and3A_1526 = vector.broadcast %and3A_1525 : i32 to vector<16xi32>
    %and3A_1527 = arith.andi %get3A_1516, %and3A_1526 : vector<16xi32>
    %and3A_1528 = arith.constant 127 : i32
    %and3A_1529 = vector.broadcast %and3A_1528 : i32 to vector<16xi32>
    %and3A_1530 = arith.andi %get3A_1518, %and3A_1529 : vector<16xi32>
    tpu.vector_store_idx %arg7[%shift_right_logical3A_1521, %and3A_1527], %broadcast_in_dim3A_1034 {add = true} : memref<32x128xf32, #tpu.memory_space<vmem>>[vector<16xi32>, vector<16xi32>], vector<16xf32>,
    %add3A_1531 = arith.constant 8 : i32
    %add3A_1532 = vector.broadcast %add3A_1531 : i32 to vector<16xi32>
    %add3A_1533 = arith.addi %shift_right_logical3A_1524, %add3A_1532 : vector<16xi32>
    tpu.vector_store_idx %arg7[%add3A_1533, %and3A_1530], %broadcast_in_dim3A_1034 {add = true} : memref<32x128xf32, #tpu.memory_space<vmem>>[vector<16xi32>, vector<16xi32>], vector<16xf32>,
    %add3A_1534 = arith.constant 16 : i32
    %add3A_1535 = vector.broadcast %add3A_1534 : i32 to vector<16xi32>
    %add3A_1536 = arith.addi %shift_right_logical3A_1524, %add3A_1535 : vector<16xi32>
    %eq3A_1537 = arith.cmpi eq, %get3A_1516, %get3A_1518 : vector<16xi32>
    tpu.vector_store_idx %arg7[%add3A_1536, %and3A_1530], %broadcast_in_dim3A_1034 masked %eq3A_1537 {add = true} : memref<32x128xf32, #tpu.memory_space<vmem>>[vector<16xi32>, vector<16xi32>], vector<16xf32>, vector<16xi1>
    %get3A_1538 = arith.constant 352 : index
    %get3A_1539 = tpu.vector_load %arg5[%get3A_1538] {strides = array<i32>} : memref<1024xi32, #tpu.memory_space<vmem>>, vector<16xi32>,
    %get3A_1540 = arith.constant 352 : index
    %get3A_1541 = tpu.vector_load %arg6[%get3A_1540] {strides = array<i32>} : memref<1024xi32, #tpu.memory_space<vmem>>, vector<16xi32>,
    %shift_right_logical3A_1542 = arith.constant 7 : i32
    %shift_right_logical3A_1543 = vector.broadcast %shift_right_logical3A_1542 : i32 to vector<16xi32>
    %shift_right_logical3A_1544 = arith.shrui %get3A_1539, %shift_right_logical3A_1543 : vector<16xi32>
    %shift_right_logical3A_1545 = arith.constant 7 : i32
    %shift_right_logical3A_1546 = vector.broadcast %shift_right_logical3A_1545 : i32 to vector<16xi32>
    %shift_right_logical3A_1547 = arith.shrui %get3A_1541, %shift_right_logical3A_1546 : vector<16xi32>
    %and3A_1548 = arith.constant 127 : i32
    %and3A_1549 = vector.broadcast %and3A_1548 : i32 to vector<16xi32>
    %and3A_1550 = arith.andi %get3A_1539, %and3A_1549 : vector<16xi32>
    %and3A_1551 = arith.constant 127 : i32
    %and3A_1552 = vector.broadcast %and3A_1551 : i32 to vector<16xi32>
    %and3A_1553 = arith.andi %get3A_1541, %and3A_1552 : vector<16xi32>
    tpu.vector_store_idx %arg7[%shift_right_logical3A_1544, %and3A_1550], %broadcast_in_dim3A_1034 {add = true} : memref<32x128xf32, #tpu.memory_space<vmem>>[vector<16xi32>, vector<16xi32>], vector<16xf32>,
    %add3A_1554 = arith.constant 8 : i32
    %add3A_1555 = vector.broadcast %add3A_1554 : i32 to vector<16xi32>
    %add3A_1556 = arith.addi %shift_right_logical3A_1547, %add3A_1555 : vector<16xi32>
    tpu.vector_store_idx %arg7[%add3A_1556, %and3A_1553], %broadcast_in_dim3A_1034 {add = true} : memref<32x128xf32, #tpu.memory_space<vmem>>[vector<16xi32>, vector<16xi32>], vector<16xf32>,
    %add3A_1557 = arith.constant 16 : i32
    %add3A_1558 = vector.broadcast %add3A_1557 : i32 to vector<16xi32>
    %add3A_1559 = arith.addi %shift_right_logical3A_1547, %add3A_1558 : vector<16xi32>
    %eq3A_1560 = arith.cmpi eq, %get3A_1539, %get3A_1541 : vector<16xi32>
    tpu.vector_store_idx %arg7[%add3A_1559, %and3A_1553], %broadcast_in_dim3A_1034 masked %eq3A_1560 {add = true} : memref<32x128xf32, #tpu.memory_space<vmem>>[vector<16xi32>, vector<16xi32>], vector<16xf32>, vector<16xi1>
    %get3A_1561 = arith.constant 368 : index
    %get3A_1562 = tpu.vector_load %arg5[%get3A_1561] {strides = array<i32>} : memref<1024xi32, #tpu.memory_space<vmem>>, vector<16xi32>,
    %get3A_1563 = arith.constant 368 : index
    %get3A_1564 = tpu.vector_load %arg6[%get3A_1563] {strides = array<i32>} : memref<1024xi32, #tpu.memory_space<vmem>>, vector<16xi32>,
    %shift_right_logical3A_1565 = arith.constant 7 : i32
    %shift_right_logical3A_1566 = vector.broadcast %shift_right_logical3A_1565 : i32 to vector<16xi32>
    %shift_right_logical3A_1567 = arith.shrui %get3A_1562, %shift_right_logical3A_1566 : vector<16xi32>
    %shift_right_logical3A_1568 = arith.constant 7 : i32
    %shift_right_logical3A_1569 = vector.broadcast %shift_right_logical3A_1568 : i32 to vector<16xi32>
    %shift_right_logical3A_1570 = arith.shrui %get3A_1564, %shift_right_logical3A_1569 : vector<16xi32>
    %and3A_1571 = arith.constant 127 : i32
    %and3A_1572 = vector.broadcast %and3A_1571 : i32 to vector<16xi32>
    %and3A_1573 = arith.andi %get3A_1562, %and3A_1572 : vector<16xi32>
    %and3A_1574 = arith.constant 127 : i32
    %and3A_1575 = vector.broadcast %and3A_1574 : i32 to vector<16xi32>
    %and3A_1576 = arith.andi %get3A_1564, %and3A_1575 : vector<16xi32>
    tpu.vector_store_idx %arg7[%shift_right_logical3A_1567, %and3A_1573], %broadcast_in_dim3A_1034 {add = true} : memref<32x128xf32, #tpu.memory_space<vmem>>[vector<16xi32>, vector<16xi32>], vector<16xf32>,
    %add3A_1577 = arith.constant 8 : i32
    %add3A_1578 = vector.broadcast %add3A_1577 : i32 to vector<16xi32>
    %add3A_1579 = arith.addi %shift_right_logical3A_1570, %add3A_1578 : vector<16xi32>
    tpu.vector_store_idx %arg7[%add3A_1579, %and3A_1576], %broadcast_in_dim3A_1034 {add = true} : memref<32x128xf32, #tpu.memory_space<vmem>>[vector<16xi32>, vector<16xi32>], vector<16xf32>,
    %add3A_1580 = arith.constant 16 : i32
    %add3A_1581 = vector.broadcast %add3A_1580 : i32 to vector<16xi32>
    %add3A_1582 = arith.addi %shift_right_logical3A_1570, %add3A_1581 : vector<16xi32>
    %eq3A_1583 = arith.cmpi eq, %get3A_1562, %get3A_1564 : vector<16xi32>
    tpu.vector_store_idx %arg7[%add3A_1582, %and3A_1576], %broadcast_in_dim3A_1034 masked %eq3A_1583 {add = true} : memref<32x128xf32, #tpu.memory_space<vmem>>[vector<16xi32>, vector<16xi32>], vector<16xf32>, vector<16xi1>
    %get3A_1584 = arith.constant 384 : index
    %get3A_1585 = tpu.vector_load %arg5[%get3A_1584] {strides = array<i32>} : memref<1024xi32, #tpu.memory_space<vmem>>, vector<16xi32>,
    %get3A_1586 = arith.constant 384 : index
    %get3A_1587 = tpu.vector_load %arg6[%get3A_1586] {strides = array<i32>} : memref<1024xi32, #tpu.memory_space<vmem>>, vector<16xi32>,
    %shift_right_logical3A_1588 = arith.constant 7 : i32
    %shift_right_logical3A_1589 = vector.broadcast %shift_right_logical3A_1588 : i32 to vector<16xi32>
    %shift_right_logical3A_1590 = arith.shrui %get3A_1585, %shift_right_logical3A_1589 : vector<16xi32>
    %shift_right_logical3A_1591 = arith.constant 7 : i32
    %shift_right_logical3A_1592 = vector.broadcast %shift_right_logical3A_1591 : i32 to vector<16xi32>
    %shift_right_logical3A_1593 = arith.shrui %get3A_1587, %shift_right_logical3A_1592 : vector<16xi32>
    %and3A_1594 = arith.constant 127 : i32
    %and3A_1595 = vector.broadcast %and3A_1594 : i32 to vector<16xi32>
    %and3A_1596 = arith.andi %get3A_1585, %and3A_1595 : vector<16xi32>
    %and3A_1597 = arith.constant 127 : i32
    %and3A_1598 = vector.broadcast %and3A_1597 : i32 to vector<16xi32>
    %and3A_1599 = arith.andi %get3A_1587, %and3A_1598 : vector<16xi32>
    tpu.vector_store_idx %arg7[%shift_right_logical3A_1590, %and3A_1596], %broadcast_in_dim3A_1034 {add = true} : memref<32x128xf32, #tpu.memory_space<vmem>>[vector<16xi32>, vector<16xi32>], vector<16xf32>,
    %add3A_1600 = arith.constant 8 : i32
    %add3A_1601 = vector.broadcast %add3A_1600 : i32 to vector<16xi32>
    %add3A_1602 = arith.addi %shift_right_logical3A_1593, %add3A_1601 : vector<16xi32>
    tpu.vector_store_idx %arg7[%add3A_1602, %and3A_1599], %broadcast_in_dim3A_1034 {add = true} : memref<32x128xf32, #tpu.memory_space<vmem>>[vector<16xi32>, vector<16xi32>], vector<16xf32>,
    %add3A_1603 = arith.constant 16 : i32
    %add3A_1604 = vector.broadcast %add3A_1603 : i32 to vector<16xi32>
    %add3A_1605 = arith.addi %shift_right_logical3A_1593, %add3A_1604 : vector<16xi32>
    %eq3A_1606 = arith.cmpi eq, %get3A_1585, %get3A_1587 : vector<16xi32>
    tpu.vector_store_idx %arg7[%add3A_1605, %and3A_1599], %broadcast_in_dim3A_1034 masked %eq3A_1606 {add = true} : memref<32x128xf32, #tpu.memory_space<vmem>>[vector<16xi32>, vector<16xi32>], vector<16xf32>, vector<16xi1>
    %get3A_1607 = arith.constant 400 : index
    %get3A_1608 = tpu.vector_load %arg5[%get3A_1607] {strides = array<i32>} : memref<1024xi32, #tpu.memory_space<vmem>>, vector<16xi32>,
    %get3A_1609 = arith.constant 400 : index
    %get3A_1610 = tpu.vector_load %arg6[%get3A_1609] {strides = array<i32>} : memref<1024xi32, #tpu.memory_space<vmem>>, vector<16xi32>,
    %shift_right_logical3A_1611 = arith.constant 7 : i32
    %shift_right_logical3A_1612 = vector.broadcast %shift_right_logical3A_1611 : i32 to vector<16xi32>
    %shift_right_logical3A_1613 = arith.shrui %get3A_1608, %shift_right_logical3A_1612 : vector<16xi32>
    %shift_right_logical3A_1614 = arith.constant 7 : i32
    %shift_right_logical3A_1615 = vector.broadcast %shift_right_logical3A_1614 : i32 to vector<16xi32>
    %shift_right_logical3A_1616 = arith.shrui %get3A_1610, %shift_right_logical3A_1615 : vector<16xi32>
    %and3A_1617 = arith.constant 127 : i32
    %and3A_1618 = vector.broadcast %and3A_1617 : i32 to vector<16xi32>
    %and3A_1619 = arith.andi %get3A_1608, %and3A_1618 : vector<16xi32>
    %and3A_1620 = arith.constant 127 : i32
    %and3A_1621 = vector.broadcast %and3A_1620 : i32 to vector<16xi32>
    %and3A_1622 = arith.andi %get3A_1610, %and3A_1621 : vector<16xi32>
    tpu.vector_store_idx %arg7[%shift_right_logical3A_1613, %and3A_1619], %broadcast_in_dim3A_1034 {add = true} : memref<32x128xf32, #tpu.memory_space<vmem>>[vector<16xi32>, vector<16xi32>], vector<16xf32>,
    %add3A_1623 = arith.constant 8 : i32
    %add3A_1624 = vector.broadcast %add3A_1623 : i32 to vector<16xi32>
    %add3A_1625 = arith.addi %shift_right_logical3A_1616, %add3A_1624 : vector<16xi32>
    tpu.vector_store_idx %arg7[%add3A_1625, %and3A_1622], %broadcast_in_dim3A_1034 {add = true} : memref<32x128xf32, #tpu.memory_space<vmem>>[vector<16xi32>, vector<16xi32>], vector<16xf32>,
    %add3A_1626 = arith.constant 16 : i32
    %add3A_1627 = vector.broadcast %add3A_1626 : i32 to vector<16xi32>
    %add3A_1628 = arith.addi %shift_right_logical3A_1616, %add3A_1627 : vector<16xi32>
    %eq3A_1629 = arith.cmpi eq, %get3A_1608, %get3A_1610 : vector<16xi32>
    tpu.vector_store_idx %arg7[%add3A_1628, %and3A_1622], %broadcast_in_dim3A_1034 masked %eq3A_1629 {add = true} : memref<32x128xf32, #tpu.memory_space<vmem>>[vector<16xi32>, vector<16xi32>], vector<16xf32>, vector<16xi1>
    %get3A_1630 = arith.constant 416 : index
    %get3A_1631 = tpu.vector_load %arg5[%get3A_1630] {strides = array<i32>} : memref<1024xi32, #tpu.memory_space<vmem>>, vector<16xi32>,
    %get3A_1632 = arith.constant 416 : index
    %get3A_1633 = tpu.vector_load %arg6[%get3A_1632] {strides = array<i32>} : memref<1024xi32, #tpu.memory_space<vmem>>, vector<16xi32>,
    %shift_right_logical3A_1634 = arith.constant 7 : i32
    %shift_right_logical3A_1635 = vector.broadcast %shift_right_logical3A_1634 : i32 to vector<16xi32>
    %shift_right_logical3A_1636 = arith.shrui %get3A_1631, %shift_right_logical3A_1635 : vector<16xi32>
    %shift_right_logical3A_1637 = arith.constant 7 : i32
    %shift_right_logical3A_1638 = vector.broadcast %shift_right_logical3A_1637 : i32 to vector<16xi32>
    %shift_right_logical3A_1639 = arith.shrui %get3A_1633, %shift_right_logical3A_1638 : vector<16xi32>
    %and3A_1640 = arith.constant 127 : i32
    %and3A_1641 = vector.broadcast %and3A_1640 : i32 to vector<16xi32>
    %and3A_1642 = arith.andi %get3A_1631, %and3A_1641 : vector<16xi32>
    %and3A_1643 = arith.constant 127 : i32
    %and3A_1644 = vector.broadcast %and3A_1643 : i32 to vector<16xi32>
    %and3A_1645 = arith.andi %get3A_1633, %and3A_1644 : vector<16xi32>
    tpu.vector_store_idx %arg7[%shift_right_logical3A_1636, %and3A_1642], %broadcast_in_dim3A_1034 {add = true} : memref<32x128xf32, #tpu.memory_space<vmem>>[vector<16xi32>, vector<16xi32>], vector<16xf32>,
    %add3A_1646 = arith.constant 8 : i32
    %add3A_1647 = vector.broadcast %add3A_1646 : i32 to vector<16xi32>
    %add3A_1648 = arith.addi %shift_right_logical3A_1639, %add3A_1647 : vector<16xi32>
    tpu.vector_store_idx %arg7[%add3A_1648, %and3A_1645], %broadcast_in_dim3A_1034 {add = true} : memref<32x128xf32, #tpu.memory_space<vmem>>[vector<16xi32>, vector<16xi32>], vector<16xf32>,
    %add3A_1649 = arith.constant 16 : i32
    %add3A_1650 = vector.broadcast %add3A_1649 : i32 to vector<16xi32>
    %add3A_1651 = arith.addi %shift_right_logical3A_1639, %add3A_1650 : vector<16xi32>
    %eq3A_1652 = arith.cmpi eq, %get3A_1631, %get3A_1633 : vector<16xi32>
    tpu.vector_store_idx %arg7[%add3A_1651, %and3A_1645], %broadcast_in_dim3A_1034 masked %eq3A_1652 {add = true} : memref<32x128xf32, #tpu.memory_space<vmem>>[vector<16xi32>, vector<16xi32>], vector<16xf32>, vector<16xi1>
    %get3A_1653 = arith.constant 432 : index
    %get3A_1654 = tpu.vector_load %arg5[%get3A_1653] {strides = array<i32>} : memref<1024xi32, #tpu.memory_space<vmem>>, vector<16xi32>,
    %get3A_1655 = arith.constant 432 : index
    %get3A_1656 = tpu.vector_load %arg6[%get3A_1655] {strides = array<i32>} : memref<1024xi32, #tpu.memory_space<vmem>>, vector<16xi32>,
    %shift_right_logical3A_1657 = arith.constant 7 : i32
    %shift_right_logical3A_1658 = vector.broadcast %shift_right_logical3A_1657 : i32 to vector<16xi32>
    %shift_right_logical3A_1659 = arith.shrui %get3A_1654, %shift_right_logical3A_1658 : vector<16xi32>
    %shift_right_logical3A_1660 = arith.constant 7 : i32
    %shift_right_logical3A_1661 = vector.broadcast %shift_right_logical3A_1660 : i32 to vector<16xi32>
    %shift_right_logical3A_1662 = arith.shrui %get3A_1656, %shift_right_logical3A_1661 : vector<16xi32>
    %and3A_1663 = arith.constant 127 : i32
    %and3A_1664 = vector.broadcast %and3A_1663 : i32 to vector<16xi32>
    %and3A_1665 = arith.andi %get3A_1654, %and3A_1664 : vector<16xi32>
    %and3A_1666 = arith.constant 127 : i32
    %and3A_1667 = vector.broadcast %and3A_1666 : i32 to vector<16xi32>
    %and3A_1668 = arith.andi %get3A_1656, %and3A_1667 : vector<16xi32>
    tpu.vector_store_idx %arg7[%shift_right_logical3A_1659, %and3A_1665], %broadcast_in_dim3A_1034 {add = true} : memref<32x128xf32, #tpu.memory_space<vmem>>[vector<16xi32>, vector<16xi32>], vector<16xf32>,
    %add3A_1669 = arith.constant 8 : i32
    %add3A_1670 = vector.broadcast %add3A_1669 : i32 to vector<16xi32>
    %add3A_1671 = arith.addi %shift_right_logical3A_1662, %add3A_1670 : vector<16xi32>
    tpu.vector_store_idx %arg7[%add3A_1671, %and3A_1668], %broadcast_in_dim3A_1034 {add = true} : memref<32x128xf32, #tpu.memory_space<vmem>>[vector<16xi32>, vector<16xi32>], vector<16xf32>,
    %add3A_1672 = arith.constant 16 : i32
    %add3A_1673 = vector.broadcast %add3A_1672 : i32 to vector<16xi32>
    %add3A_1674 = arith.addi %shift_right_logical3A_1662, %add3A_1673 : vector<16xi32>
    %eq3A_1675 = arith.cmpi eq, %get3A_1654, %get3A_1656 : vector<16xi32>
    tpu.vector_store_idx %arg7[%add3A_1674, %and3A_1668], %broadcast_in_dim3A_1034 masked %eq3A_1675 {add = true} : memref<32x128xf32, #tpu.memory_space<vmem>>[vector<16xi32>, vector<16xi32>], vector<16xf32>, vector<16xi1>
    %get3A_1676 = arith.constant 448 : index
    %get3A_1677 = tpu.vector_load %arg5[%get3A_1676] {strides = array<i32>} : memref<1024xi32, #tpu.memory_space<vmem>>, vector<16xi32>,
    %get3A_1678 = arith.constant 448 : index
    %get3A_1679 = tpu.vector_load %arg6[%get3A_1678] {strides = array<i32>} : memref<1024xi32, #tpu.memory_space<vmem>>, vector<16xi32>,
    %shift_right_logical3A_1680 = arith.constant 7 : i32
    %shift_right_logical3A_1681 = vector.broadcast %shift_right_logical3A_1680 : i32 to vector<16xi32>
    %shift_right_logical3A_1682 = arith.shrui %get3A_1677, %shift_right_logical3A_1681 : vector<16xi32>
    %shift_right_logical3A_1683 = arith.constant 7 : i32
    %shift_right_logical3A_1684 = vector.broadcast %shift_right_logical3A_1683 : i32 to vector<16xi32>
    %shift_right_logical3A_1685 = arith.shrui %get3A_1679, %shift_right_logical3A_1684 : vector<16xi32>
    %and3A_1686 = arith.constant 127 : i32
    %and3A_1687 = vector.broadcast %and3A_1686 : i32 to vector<16xi32>
    %and3A_1688 = arith.andi %get3A_1677, %and3A_1687 : vector<16xi32>
    %and3A_1689 = arith.constant 127 : i32
    %and3A_1690 = vector.broadcast %and3A_1689 : i32 to vector<16xi32>
    %and3A_1691 = arith.andi %get3A_1679, %and3A_1690 : vector<16xi32>
    tpu.vector_store_idx %arg7[%shift_right_logical3A_1682, %and3A_1688], %broadcast_in_dim3A_1034 {add = true} : memref<32x128xf32, #tpu.memory_space<vmem>>[vector<16xi32>, vector<16xi32>], vector<16xf32>,
    %add3A_1692 = arith.constant 8 : i32
    %add3A_1693 = vector.broadcast %add3A_1692 : i32 to vector<16xi32>
    %add3A_1694 = arith.addi %shift_right_logical3A_1685, %add3A_1693 : vector<16xi32>
    tpu.vector_store_idx %arg7[%add3A_1694, %and3A_1691], %broadcast_in_dim3A_1034 {add = true} : memref<32x128xf32, #tpu.memory_space<vmem>>[vector<16xi32>, vector<16xi32>], vector<16xf32>,
    %add3A_1695 = arith.constant 16 : i32
    %add3A_1696 = vector.broadcast %add3A_1695 : i32 to vector<16xi32>
    %add3A_1697 = arith.addi %shift_right_logical3A_1685, %add3A_1696 : vector<16xi32>
    %eq3A_1698 = arith.cmpi eq, %get3A_1677, %get3A_1679 : vector<16xi32>
    tpu.vector_store_idx %arg7[%add3A_1697, %and3A_1691], %broadcast_in_dim3A_1034 masked %eq3A_1698 {add = true} : memref<32x128xf32, #tpu.memory_space<vmem>>[vector<16xi32>, vector<16xi32>], vector<16xf32>, vector<16xi1>
    %get3A_1699 = arith.constant 464 : index
    %get3A_1700 = tpu.vector_load %arg5[%get3A_1699] {strides = array<i32>} : memref<1024xi32, #tpu.memory_space<vmem>>, vector<16xi32>,
    %get3A_1701 = arith.constant 464 : index
    %get3A_1702 = tpu.vector_load %arg6[%get3A_1701] {strides = array<i32>} : memref<1024xi32, #tpu.memory_space<vmem>>, vector<16xi32>,
    %shift_right_logical3A_1703 = arith.constant 7 : i32
    %shift_right_logical3A_1704 = vector.broadcast %shift_right_logical3A_1703 : i32 to vector<16xi32>
    %shift_right_logical3A_1705 = arith.shrui %get3A_1700, %shift_right_logical3A_1704 : vector<16xi32>
    %shift_right_logical3A_1706 = arith.constant 7 : i32
    %shift_right_logical3A_1707 = vector.broadcast %shift_right_logical3A_1706 : i32 to vector<16xi32>
    %shift_right_logical3A_1708 = arith.shrui %get3A_1702, %shift_right_logical3A_1707 : vector<16xi32>
    %and3A_1709 = arith.constant 127 : i32
    %and3A_1710 = vector.broadcast %and3A_1709 : i32 to vector<16xi32>
    %and3A_1711 = arith.andi %get3A_1700, %and3A_1710 : vector<16xi32>
    %and3A_1712 = arith.constant 127 : i32
    %and3A_1713 = vector.broadcast %and3A_1712 : i32 to vector<16xi32>
    %and3A_1714 = arith.andi %get3A_1702, %and3A_1713 : vector<16xi32>
    tpu.vector_store_idx %arg7[%shift_right_logical3A_1705, %and3A_1711], %broadcast_in_dim3A_1034 {add = true} : memref<32x128xf32, #tpu.memory_space<vmem>>[vector<16xi32>, vector<16xi32>], vector<16xf32>,
    %add3A_1715 = arith.constant 8 : i32
    %add3A_1716 = vector.broadcast %add3A_1715 : i32 to vector<16xi32>
    %add3A_1717 = arith.addi %shift_right_logical3A_1708, %add3A_1716 : vector<16xi32>
    tpu.vector_store_idx %arg7[%add3A_1717, %and3A_1714], %broadcast_in_dim3A_1034 {add = true} : memref<32x128xf32, #tpu.memory_space<vmem>>[vector<16xi32>, vector<16xi32>], vector<16xf32>,
    %add3A_1718 = arith.constant 16 : i32
    %add3A_1719 = vector.broadcast %add3A_1718 : i32 to vector<16xi32>
    %add3A_1720 = arith.addi %shift_right_logical3A_1708, %add3A_1719 : vector<16xi32>
    %eq3A_1721 = arith.cmpi eq, %get3A_1700, %get3A_1702 : vector<16xi32>
    tpu.vector_store_idx %arg7[%add3A_1720, %and3A_1714], %broadcast_in_dim3A_1034 masked %eq3A_1721 {add = true} : memref<32x128xf32, #tpu.memory_space<vmem>>[vector<16xi32>, vector<16xi32>], vector<16xf32>, vector<16xi1>
    %get3A_1722 = arith.constant 480 : index
    %get3A_1723 = tpu.vector_load %arg5[%get3A_1722] {strides = array<i32>} : memref<1024xi32, #tpu.memory_space<vmem>>, vector<16xi32>,
    %get3A_1724 = arith.constant 480 : index
    %get3A_1725 = tpu.vector_load %arg6[%get3A_1724] {strides = array<i32>} : memref<1024xi32, #tpu.memory_space<vmem>>, vector<16xi32>,
    %shift_right_logical3A_1726 = arith.constant 7 : i32
    %shift_right_logical3A_1727 = vector.broadcast %shift_right_logical3A_1726 : i32 to vector<16xi32>
    %shift_right_logical3A_1728 = arith.shrui %get3A_1723, %shift_right_logical3A_1727 : vector<16xi32>
    %shift_right_logical3A_1729 = arith.constant 7 : i32
    %shift_right_logical3A_1730 = vector.broadcast %shift_right_logical3A_1729 : i32 to vector<16xi32>
    %shift_right_logical3A_1731 = arith.shrui %get3A_1725, %shift_right_logical3A_1730 : vector<16xi32>
    %and3A_1732 = arith.constant 127 : i32
    %and3A_1733 = vector.broadcast %and3A_1732 : i32 to vector<16xi32>
    %and3A_1734 = arith.andi %get3A_1723, %and3A_1733 : vector<16xi32>
    %and3A_1735 = arith.constant 127 : i32
    %and3A_1736 = vector.broadcast %and3A_1735 : i32 to vector<16xi32>
    %and3A_1737 = arith.andi %get3A_1725, %and3A_1736 : vector<16xi32>
    tpu.vector_store_idx %arg7[%shift_right_logical3A_1728, %and3A_1734], %broadcast_in_dim3A_1034 {add = true} : memref<32x128xf32, #tpu.memory_space<vmem>>[vector<16xi32>, vector<16xi32>], vector<16xf32>,
    %add3A_1738 = arith.constant 8 : i32
    %add3A_1739 = vector.broadcast %add3A_1738 : i32 to vector<16xi32>
    %add3A_1740 = arith.addi %shift_right_logical3A_1731, %add3A_1739 : vector<16xi32>
    tpu.vector_store_idx %arg7[%add3A_1740, %and3A_1737], %broadcast_in_dim3A_1034 {add = true} : memref<32x128xf32, #tpu.memory_space<vmem>>[vector<16xi32>, vector<16xi32>], vector<16xf32>,
    %add3A_1741 = arith.constant 16 : i32
    %add3A_1742 = vector.broadcast %add3A_1741 : i32 to vector<16xi32>
    %add3A_1743 = arith.addi %shift_right_logical3A_1731, %add3A_1742 : vector<16xi32>
    %eq3A_1744 = arith.cmpi eq, %get3A_1723, %get3A_1725 : vector<16xi32>
    tpu.vector_store_idx %arg7[%add3A_1743, %and3A_1737], %broadcast_in_dim3A_1034 masked %eq3A_1744 {add = true} : memref<32x128xf32, #tpu.memory_space<vmem>>[vector<16xi32>, vector<16xi32>], vector<16xf32>, vector<16xi1>
    %get3A_1745 = arith.constant 496 : index
    %get3A_1746 = tpu.vector_load %arg5[%get3A_1745] {strides = array<i32>} : memref<1024xi32, #tpu.memory_space<vmem>>, vector<16xi32>,
    %get3A_1747 = arith.constant 496 : index
    %get3A_1748 = tpu.vector_load %arg6[%get3A_1747] {strides = array<i32>} : memref<1024xi32, #tpu.memory_space<vmem>>, vector<16xi32>,
    %shift_right_logical3A_1749 = arith.constant 7 : i32
    %shift_right_logical3A_1750 = vector.broadcast %shift_right_logical3A_1749 : i32 to vector<16xi32>
    %shift_right_logical3A_1751 = arith.shrui %get3A_1746, %shift_right_logical3A_1750 : vector<16xi32>
    %shift_right_logical3A_1752 = arith.constant 7 : i32
    %shift_right_logical3A_1753 = vector.broadcast %shift_right_logical3A_1752 : i32 to vector<16xi32>
    %shift_right_logical3A_1754 = arith.shrui %get3A_1748, %shift_right_logical3A_1753 : vector<16xi32>
    %and3A_1755 = arith.constant 127 : i32
    %and3A_1756 = vector.broadcast %and3A_1755 : i32 to vector<16xi32>
    %and3A_1757 = arith.andi %get3A_1746, %and3A_1756 : vector<16xi32>
    %and3A_1758 = arith.constant 127 : i32
    %and3A_1759 = vector.broadcast %and3A_1758 : i32 to vector<16xi32>
    %and3A_1760 = arith.andi %get3A_1748, %and3A_1759 : vector<16xi32>
    tpu.vector_store_idx %arg7[%shift_right_logical3A_1751, %and3A_1757], %broadcast_in_dim3A_1034 {add = true} : memref<32x128xf32, #tpu.memory_space<vmem>>[vector<16xi32>, vector<16xi32>], vector<16xf32>,
    %add3A_1761 = arith.constant 8 : i32
    %add3A_1762 = vector.broadcast %add3A_1761 : i32 to vector<16xi32>
    %add3A_1763 = arith.addi %shift_right_logical3A_1754, %add3A_1762 : vector<16xi32>
    tpu.vector_store_idx %arg7[%add3A_1763, %and3A_1760], %broadcast_in_dim3A_1034 {add = true} : memref<32x128xf32, #tpu.memory_space<vmem>>[vector<16xi32>, vector<16xi32>], vector<16xf32>,
    %add3A_1764 = arith.constant 16 : i32
    %add3A_1765 = vector.broadcast %add3A_1764 : i32 to vector<16xi32>
    %add3A_1766 = arith.addi %shift_right_logical3A_1754, %add3A_1765 : vector<16xi32>
    %eq3A_1767 = arith.cmpi eq, %get3A_1746, %get3A_1748 : vector<16xi32>
    tpu.vector_store_idx %arg7[%add3A_1766, %and3A_1760], %broadcast_in_dim3A_1034 masked %eq3A_1767 {add = true} : memref<32x128xf32, #tpu.memory_space<vmem>>[vector<16xi32>, vector<16xi32>], vector<16xf32>, vector<16xi1>
    %get3A_1768 = arith.constant 512 : index
    %get3A_1769 = tpu.vector_load %arg5[%get3A_1768] {strides = array<i32>} : memref<1024xi32, #tpu.memory_space<vmem>>, vector<16xi32>,
    %get3A_1770 = arith.constant 512 : index
    %get3A_1771 = tpu.vector_load %arg6[%get3A_1770] {strides = array<i32>} : memref<1024xi32, #tpu.memory_space<vmem>>, vector<16xi32>,
    %shift_right_logical3A_1772 = arith.constant 7 : i32
    %shift_right_logical3A_1773 = vector.broadcast %shift_right_logical3A_1772 : i32 to vector<16xi32>
    %shift_right_logical3A_1774 = arith.shrui %get3A_1769, %shift_right_logical3A_1773 : vector<16xi32>
    %shift_right_logical3A_1775 = arith.constant 7 : i32
    %shift_right_logical3A_1776 = vector.broadcast %shift_right_logical3A_1775 : i32 to vector<16xi32>
    %shift_right_logical3A_1777 = arith.shrui %get3A_1771, %shift_right_logical3A_1776 : vector<16xi32>
    %and3A_1778 = arith.constant 127 : i32
    %and3A_1779 = vector.broadcast %and3A_1778 : i32 to vector<16xi32>
    %and3A_1780 = arith.andi %get3A_1769, %and3A_1779 : vector<16xi32>
    %and3A_1781 = arith.constant 127 : i32
    %and3A_1782 = vector.broadcast %and3A_1781 : i32 to vector<16xi32>
    %and3A_1783 = arith.andi %get3A_1771, %and3A_1782 : vector<16xi32>
    tpu.vector_store_idx %arg7[%shift_right_logical3A_1774, %and3A_1780], %broadcast_in_dim3A_1034 {add = true} : memref<32x128xf32, #tpu.memory_space<vmem>>[vector<16xi32>, vector<16xi32>], vector<16xf32>,
    %add3A_1784 = arith.constant 8 : i32
    %add3A_1785 = vector.broadcast %add3A_1784 : i32 to vector<16xi32>
    %add3A_1786 = arith.addi %shift_right_logical3A_1777, %add3A_1785 : vector<16xi32>
    tpu.vector_store_idx %arg7[%add3A_1786, %and3A_1783], %broadcast_in_dim3A_1034 {add = true} : memref<32x128xf32, #tpu.memory_space<vmem>>[vector<16xi32>, vector<16xi32>], vector<16xf32>,
    %add3A_1787 = arith.constant 16 : i32
    %add3A_1788 = vector.broadcast %add3A_1787 : i32 to vector<16xi32>
    %add3A_1789 = arith.addi %shift_right_logical3A_1777, %add3A_1788 : vector<16xi32>
    %eq3A_1790 = arith.cmpi eq, %get3A_1769, %get3A_1771 : vector<16xi32>
    tpu.vector_store_idx %arg7[%add3A_1789, %and3A_1783], %broadcast_in_dim3A_1034 masked %eq3A_1790 {add = true} : memref<32x128xf32, #tpu.memory_space<vmem>>[vector<16xi32>, vector<16xi32>], vector<16xf32>, vector<16xi1>
    %get3A_1791 = arith.constant 528 : index
    %get3A_1792 = tpu.vector_load %arg5[%get3A_1791] {strides = array<i32>} : memref<1024xi32, #tpu.memory_space<vmem>>, vector<16xi32>,
    %get3A_1793 = arith.constant 528 : index
    %get3A_1794 = tpu.vector_load %arg6[%get3A_1793] {strides = array<i32>} : memref<1024xi32, #tpu.memory_space<vmem>>, vector<16xi32>,
    %shift_right_logical3A_1795 = arith.constant 7 : i32
    %shift_right_logical3A_1796 = vector.broadcast %shift_right_logical3A_1795 : i32 to vector<16xi32>
    %shift_right_logical3A_1797 = arith.shrui %get3A_1792, %shift_right_logical3A_1796 : vector<16xi32>
    %shift_right_logical3A_1798 = arith.constant 7 : i32
    %shift_right_logical3A_1799 = vector.broadcast %shift_right_logical3A_1798 : i32 to vector<16xi32>
    %shift_right_logical3A_1800 = arith.shrui %get3A_1794, %shift_right_logical3A_1799 : vector<16xi32>
    %and3A_1801 = arith.constant 127 : i32
    %and3A_1802 = vector.broadcast %and3A_1801 : i32 to vector<16xi32>
    %and3A_1803 = arith.andi %get3A_1792, %and3A_1802 : vector<16xi32>
    %and3A_1804 = arith.constant 127 : i32
    %and3A_1805 = vector.broadcast %and3A_1804 : i32 to vector<16xi32>
    %and3A_1806 = arith.andi %get3A_1794, %and3A_1805 : vector<16xi32>
    tpu.vector_store_idx %arg7[%shift_right_logical3A_1797, %and3A_1803], %broadcast_in_dim3A_1034 {add = true} : memref<32x128xf32, #tpu.memory_space<vmem>>[vector<16xi32>, vector<16xi32>], vector<16xf32>,
    %add3A_1807 = arith.constant 8 : i32
    %add3A_1808 = vector.broadcast %add3A_1807 : i32 to vector<16xi32>
    %add3A_1809 = arith.addi %shift_right_logical3A_1800, %add3A_1808 : vector<16xi32>
    tpu.vector_store_idx %arg7[%add3A_1809, %and3A_1806], %broadcast_in_dim3A_1034 {add = true} : memref<32x128xf32, #tpu.memory_space<vmem>>[vector<16xi32>, vector<16xi32>], vector<16xf32>,
    %add3A_1810 = arith.constant 16 : i32
    %add3A_1811 = vector.broadcast %add3A_1810 : i32 to vector<16xi32>
    %add3A_1812 = arith.addi %shift_right_logical3A_1800, %add3A_1811 : vector<16xi32>
    %eq3A_1813 = arith.cmpi eq, %get3A_1792, %get3A_1794 : vector<16xi32>
    tpu.vector_store_idx %arg7[%add3A_1812, %and3A_1806], %broadcast_in_dim3A_1034 masked %eq3A_1813 {add = true} : memref<32x128xf32, #tpu.memory_space<vmem>>[vector<16xi32>, vector<16xi32>], vector<16xf32>, vector<16xi1>
    %get3A_1814 = arith.constant 544 : index
    %get3A_1815 = tpu.vector_load %arg5[%get3A_1814] {strides = array<i32>} : memref<1024xi32, #tpu.memory_space<vmem>>, vector<16xi32>,
    %get3A_1816 = arith.constant 544 : index
    %get3A_1817 = tpu.vector_load %arg6[%get3A_1816] {strides = array<i32>} : memref<1024xi32, #tpu.memory_space<vmem>>, vector<16xi32>,
    %shift_right_logical3A_1818 = arith.constant 7 : i32
    %shift_right_logical3A_1819 = vector.broadcast %shift_right_logical3A_1818 : i32 to vector<16xi32>
    %shift_right_logical3A_1820 = arith.shrui %get3A_1815, %shift_right_logical3A_1819 : vector<16xi32>
    %shift_right_logical3A_1821 = arith.constant 7 : i32
    %shift_right_logical3A_1822 = vector.broadcast %shift_right_logical3A_1821 : i32 to vector<16xi32>
    %shift_right_logical3A_1823 = arith.shrui %get3A_1817, %shift_right_logical3A_1822 : vector<16xi32>
    %and3A_1824 = arith.constant 127 : i32
    %and3A_1825 = vector.broadcast %and3A_1824 : i32 to vector<16xi32>
    %and3A_1826 = arith.andi %get3A_1815, %and3A_1825 : vector<16xi32>
    %and3A_1827 = arith.constant 127 : i32
    %and3A_1828 = vector.broadcast %and3A_1827 : i32 to vector<16xi32>
    %and3A_1829 = arith.andi %get3A_1817, %and3A_1828 : vector<16xi32>
    tpu.vector_store_idx %arg7[%shift_right_logical3A_1820, %and3A_1826], %broadcast_in_dim3A_1034 {add = true} : memref<32x128xf32, #tpu.memory_space<vmem>>[vector<16xi32>, vector<16xi32>], vector<16xf32>,
    %add3A_1830 = arith.constant 8 : i32
    %add3A_1831 = vector.broadcast %add3A_1830 : i32 to vector<16xi32>
    %add3A_1832 = arith.addi %shift_right_logical3A_1823, %add3A_1831 : vector<16xi32>
    tpu.vector_store_idx %arg7[%add3A_1832, %and3A_1829], %broadcast_in_dim3A_1034 {add = true} : memref<32x128xf32, #tpu.memory_space<vmem>>[vector<16xi32>, vector<16xi32>], vector<16xf32>,
    %add3A_1833 = arith.constant 16 : i32
    %add3A_1834 = vector.broadcast %add3A_1833 : i32 to vector<16xi32>
    %add3A_1835 = arith.addi %shift_right_logical3A_1823, %add3A_1834 : vector<16xi32>
    %eq3A_1836 = arith.cmpi eq, %get3A_1815, %get3A_1817 : vector<16xi32>
    tpu.vector_store_idx %arg7[%add3A_1835, %and3A_1829], %broadcast_in_dim3A_1034 masked %eq3A_1836 {add = true} : memref<32x128xf32, #tpu.memory_space<vmem>>[vector<16xi32>, vector<16xi32>], vector<16xf32>, vector<16xi1>
    %get3A_1837 = arith.constant 560 : index
    %get3A_1838 = tpu.vector_load %arg5[%get3A_1837] {strides = array<i32>} : memref<1024xi32, #tpu.memory_space<vmem>>, vector<16xi32>,
    %get3A_1839 = arith.constant 560 : index
    %get3A_1840 = tpu.vector_load %arg6[%get3A_1839] {strides = array<i32>} : memref<1024xi32, #tpu.memory_space<vmem>>, vector<16xi32>,
    %shift_right_logical3A_1841 = arith.constant 7 : i32
    %shift_right_logical3A_1842 = vector.broadcast %shift_right_logical3A_1841 : i32 to vector<16xi32>
    %shift_right_logical3A_1843 = arith.shrui %get3A_1838, %shift_right_logical3A_1842 : vector<16xi32>
    %shift_right_logical3A_1844 = arith.constant 7 : i32
    %shift_right_logical3A_1845 = vector.broadcast %shift_right_logical3A_1844 : i32 to vector<16xi32>
    %shift_right_logical3A_1846 = arith.shrui %get3A_1840, %shift_right_logical3A_1845 : vector<16xi32>
    %and3A_1847 = arith.constant 127 : i32
    %and3A_1848 = vector.broadcast %and3A_1847 : i32 to vector<16xi32>
    %and3A_1849 = arith.andi %get3A_1838, %and3A_1848 : vector<16xi32>
    %and3A_1850 = arith.constant 127 : i32
    %and3A_1851 = vector.broadcast %and3A_1850 : i32 to vector<16xi32>
    %and3A_1852 = arith.andi %get3A_1840, %and3A_1851 : vector<16xi32>
    tpu.vector_store_idx %arg7[%shift_right_logical3A_1843, %and3A_1849], %broadcast_in_dim3A_1034 {add = true} : memref<32x128xf32, #tpu.memory_space<vmem>>[vector<16xi32>, vector<16xi32>], vector<16xf32>,
    %add3A_1853 = arith.constant 8 : i32
    %add3A_1854 = vector.broadcast %add3A_1853 : i32 to vector<16xi32>
    %add3A_1855 = arith.addi %shift_right_logical3A_1846, %add3A_1854 : vector<16xi32>
    tpu.vector_store_idx %arg7[%add3A_1855, %and3A_1852], %broadcast_in_dim3A_1034 {add = true} : memref<32x128xf32, #tpu.memory_space<vmem>>[vector<16xi32>, vector<16xi32>], vector<16xf32>,
    %add3A_1856 = arith.constant 16 : i32
    %add3A_1857 = vector.broadcast %add3A_1856 : i32 to vector<16xi32>
    %add3A_1858 = arith.addi %shift_right_logical3A_1846, %add3A_1857 : vector<16xi32>
    %eq3A_1859 = arith.cmpi eq, %get3A_1838, %get3A_1840 : vector<16xi32>
    tpu.vector_store_idx %arg7[%add3A_1858, %and3A_1852], %broadcast_in_dim3A_1034 masked %eq3A_1859 {add = true} : memref<32x128xf32, #tpu.memory_space<vmem>>[vector<16xi32>, vector<16xi32>], vector<16xf32>, vector<16xi1>
    %get3A_1860 = arith.constant 576 : index
    %get3A_1861 = tpu.vector_load %arg5[%get3A_1860] {strides = array<i32>} : memref<1024xi32, #tpu.memory_space<vmem>>, vector<16xi32>,
    %get3A_1862 = arith.constant 576 : index
    %get3A_1863 = tpu.vector_load %arg6[%get3A_1862] {strides = array<i32>} : memref<1024xi32, #tpu.memory_space<vmem>>, vector<16xi32>,
    %shift_right_logical3A_1864 = arith.constant 7 : i32
    %shift_right_logical3A_1865 = vector.broadcast %shift_right_logical3A_1864 : i32 to vector<16xi32>
    %shift_right_logical3A_1866 = arith.shrui %get3A_1861, %shift_right_logical3A_1865 : vector<16xi32>
    %shift_right_logical3A_1867 = arith.constant 7 : i32
    %shift_right_logical3A_1868 = vector.broadcast %shift_right_logical3A_1867 : i32 to vector<16xi32>
    %shift_right_logical3A_1869 = arith.shrui %get3A_1863, %shift_right_logical3A_1868 : vector<16xi32>
    %and3A_1870 = arith.constant 127 : i32
    %and3A_1871 = vector.broadcast %and3A_1870 : i32 to vector<16xi32>
    %and3A_1872 = arith.andi %get3A_1861, %and3A_1871 : vector<16xi32>
    %and3A_1873 = arith.constant 127 : i32
    %and3A_1874 = vector.broadcast %and3A_1873 : i32 to vector<16xi32>
    %and3A_1875 = arith.andi %get3A_1863, %and3A_1874 : vector<16xi32>
    tpu.vector_store_idx %arg7[%shift_right_logical3A_1866, %and3A_1872], %broadcast_in_dim3A_1034 {add = true} : memref<32x128xf32, #tpu.memory_space<vmem>>[vector<16xi32>, vector<16xi32>], vector<16xf32>,
    %add3A_1876 = arith.constant 8 : i32
    %add3A_1877 = vector.broadcast %add3A_1876 : i32 to vector<16xi32>
    %add3A_1878 = arith.addi %shift_right_logical3A_1869, %add3A_1877 : vector<16xi32>
    tpu.vector_store_idx %arg7[%add3A_1878, %and3A_1875], %broadcast_in_dim3A_1034 {add = true} : memref<32x128xf32, #tpu.memory_space<vmem>>[vector<16xi32>, vector<16xi32>], vector<16xf32>,
    %add3A_1879 = arith.constant 16 : i32
    %add3A_1880 = vector.broadcast %add3A_1879 : i32 to vector<16xi32>
    %add3A_1881 = arith.addi %shift_right_logical3A_1869, %add3A_1880 : vector<16xi32>
    %eq3A_1882 = arith.cmpi eq, %get3A_1861, %get3A_1863 : vector<16xi32>
    tpu.vector_store_idx %arg7[%add3A_1881, %and3A_1875], %broadcast_in_dim3A_1034 masked %eq3A_1882 {add = true} : memref<32x128xf32, #tpu.memory_space<vmem>>[vector<16xi32>, vector<16xi32>], vector<16xf32>, vector<16xi1>
    %get3A_1883 = arith.constant 592 : index
    %get3A_1884 = tpu.vector_load %arg5[%get3A_1883] {strides = array<i32>} : memref<1024xi32, #tpu.memory_space<vmem>>, vector<16xi32>,
    %get3A_1885 = arith.constant 592 : index
    %get3A_1886 = tpu.vector_load %arg6[%get3A_1885] {strides = array<i32>} : memref<1024xi32, #tpu.memory_space<vmem>>, vector<16xi32>,
    %shift_right_logical3A_1887 = arith.constant 7 : i32
    %shift_right_logical3A_1888 = vector.broadcast %shift_right_logical3A_1887 : i32 to vector<16xi32>
    %shift_right_logical3A_1889 = arith.shrui %get3A_1884, %shift_right_logical3A_1888 : vector<16xi32>
    %shift_right_logical3A_1890 = arith.constant 7 : i32
    %shift_right_logical3A_1891 = vector.broadcast %shift_right_logical3A_1890 : i32 to vector<16xi32>
    %shift_right_logical3A_1892 = arith.shrui %get3A_1886, %shift_right_logical3A_1891 : vector<16xi32>
    %and3A_1893 = arith.constant 127 : i32
    %and3A_1894 = vector.broadcast %and3A_1893 : i32 to vector<16xi32>
    %and3A_1895 = arith.andi %get3A_1884, %and3A_1894 : vector<16xi32>
    %and3A_1896 = arith.constant 127 : i32
    %and3A_1897 = vector.broadcast %and3A_1896 : i32 to vector<16xi32>
    %and3A_1898 = arith.andi %get3A_1886, %and3A_1897 : vector<16xi32>
    tpu.vector_store_idx %arg7[%shift_right_logical3A_1889, %and3A_1895], %broadcast_in_dim3A_1034 {add = true} : memref<32x128xf32, #tpu.memory_space<vmem>>[vector<16xi32>, vector<16xi32>], vector<16xf32>,
    %add3A_1899 = arith.constant 8 : i32
    %add3A_1900 = vector.broadcast %add3A_1899 : i32 to vector<16xi32>
    %add3A_1901 = arith.addi %shift_right_logical3A_1892, %add3A_1900 : vector<16xi32>
    tpu.vector_store_idx %arg7[%add3A_1901, %and3A_1898], %broadcast_in_dim3A_1034 {add = true} : memref<32x128xf32, #tpu.memory_space<vmem>>[vector<16xi32>, vector<16xi32>], vector<16xf32>,
    %add3A_1902 = arith.constant 16 : i32
    %add3A_1903 = vector.broadcast %add3A_1902 : i32 to vector<16xi32>
    %add3A_1904 = arith.addi %shift_right_logical3A_1892, %add3A_1903 : vector<16xi32>
    %eq3A_1905 = arith.cmpi eq, %get3A_1884, %get3A_1886 : vector<16xi32>
    tpu.vector_store_idx %arg7[%add3A_1904, %and3A_1898], %broadcast_in_dim3A_1034 masked %eq3A_1905 {add = true} : memref<32x128xf32, #tpu.memory_space<vmem>>[vector<16xi32>, vector<16xi32>], vector<16xf32>, vector<16xi1>
    %get3A_1906 = arith.constant 608 : index
    %get3A_1907 = tpu.vector_load %arg5[%get3A_1906] {strides = array<i32>} : memref<1024xi32, #tpu.memory_space<vmem>>, vector<16xi32>,
    %get3A_1908 = arith.constant 608 : index
    %get3A_1909 = tpu.vector_load %arg6[%get3A_1908] {strides = array<i32>} : memref<1024xi32, #tpu.memory_space<vmem>>, vector<16xi32>,
    %shift_right_logical3A_1910 = arith.constant 7 : i32
    %shift_right_logical3A_1911 = vector.broadcast %shift_right_logical3A_1910 : i32 to vector<16xi32>
    %shift_right_logical3A_1912 = arith.shrui %get3A_1907, %shift_right_logical3A_1911 : vector<16xi32>
    %shift_right_logical3A_1913 = arith.constant 7 : i32
    %shift_right_logical3A_1914 = vector.broadcast %shift_right_logical3A_1913 : i32 to vector<16xi32>
    %shift_right_logical3A_1915 = arith.shrui %get3A_1909, %shift_right_logical3A_1914 : vector<16xi32>
    %and3A_1916 = arith.constant 127 : i32
    %and3A_1917 = vector.broadcast %and3A_1916 : i32 to vector<16xi32>
    %and3A_1918 = arith.andi %get3A_1907, %and3A_1917 : vector<16xi32>
    %and3A_1919 = arith.constant 127 : i32
    %and3A_1920 = vector.broadcast %and3A_1919 : i32 to vector<16xi32>
    %and3A_1921 = arith.andi %get3A_1909, %and3A_1920 : vector<16xi32>
    tpu.vector_store_idx %arg7[%shift_right_logical3A_1912, %and3A_1918], %broadcast_in_dim3A_1034 {add = true} : memref<32x128xf32, #tpu.memory_space<vmem>>[vector<16xi32>, vector<16xi32>], vector<16xf32>,
    %add3A_1922 = arith.constant 8 : i32
    %add3A_1923 = vector.broadcast %add3A_1922 : i32 to vector<16xi32>
    %add3A_1924 = arith.addi %shift_right_logical3A_1915, %add3A_1923 : vector<16xi32>
    tpu.vector_store_idx %arg7[%add3A_1924, %and3A_1921], %broadcast_in_dim3A_1034 {add = true} : memref<32x128xf32, #tpu.memory_space<vmem>>[vector<16xi32>, vector<16xi32>], vector<16xf32>,
    %add3A_1925 = arith.constant 16 : i32
    %add3A_1926 = vector.broadcast %add3A_1925 : i32 to vector<16xi32>
    %add3A_1927 = arith.addi %shift_right_logical3A_1915, %add3A_1926 : vector<16xi32>
    %eq3A_1928 = arith.cmpi eq, %get3A_1907, %get3A_1909 : vector<16xi32>
    tpu.vector_store_idx %arg7[%add3A_1927, %and3A_1921], %broadcast_in_dim3A_1034 masked %eq3A_1928 {add = true} : memref<32x128xf32, #tpu.memory_space<vmem>>[vector<16xi32>, vector<16xi32>], vector<16xf32>, vector<16xi1>
    %get3A_1929 = arith.constant 624 : index
    %get3A_1930 = tpu.vector_load %arg5[%get3A_1929] {strides = array<i32>} : memref<1024xi32, #tpu.memory_space<vmem>>, vector<16xi32>,
    %get3A_1931 = arith.constant 624 : index
    %get3A_1932 = tpu.vector_load %arg6[%get3A_1931] {strides = array<i32>} : memref<1024xi32, #tpu.memory_space<vmem>>, vector<16xi32>,
    %shift_right_logical3A_1933 = arith.constant 7 : i32
    %shift_right_logical3A_1934 = vector.broadcast %shift_right_logical3A_1933 : i32 to vector<16xi32>
    %shift_right_logical3A_1935 = arith.shrui %get3A_1930, %shift_right_logical3A_1934 : vector<16xi32>
    %shift_right_logical3A_1936 = arith.constant 7 : i32
    %shift_right_logical3A_1937 = vector.broadcast %shift_right_logical3A_1936 : i32 to vector<16xi32>
    %shift_right_logical3A_1938 = arith.shrui %get3A_1932, %shift_right_logical3A_1937 : vector<16xi32>
    %and3A_1939 = arith.constant 127 : i32
    %and3A_1940 = vector.broadcast %and3A_1939 : i32 to vector<16xi32>
    %and3A_1941 = arith.andi %get3A_1930, %and3A_1940 : vector<16xi32>
    %and3A_1942 = arith.constant 127 : i32
    %and3A_1943 = vector.broadcast %and3A_1942 : i32 to vector<16xi32>
    %and3A_1944 = arith.andi %get3A_1932, %and3A_1943 : vector<16xi32>
    tpu.vector_store_idx %arg7[%shift_right_logical3A_1935, %and3A_1941], %broadcast_in_dim3A_1034 {add = true} : memref<32x128xf32, #tpu.memory_space<vmem>>[vector<16xi32>, vector<16xi32>], vector<16xf32>,
    %add3A_1945 = arith.constant 8 : i32
    %add3A_1946 = vector.broadcast %add3A_1945 : i32 to vector<16xi32>
    %add3A_1947 = arith.addi %shift_right_logical3A_1938, %add3A_1946 : vector<16xi32>
    tpu.vector_store_idx %arg7[%add3A_1947, %and3A_1944], %broadcast_in_dim3A_1034 {add = true} : memref<32x128xf32, #tpu.memory_space<vmem>>[vector<16xi32>, vector<16xi32>], vector<16xf32>,
    %add3A_1948 = arith.constant 16 : i32
    %add3A_1949 = vector.broadcast %add3A_1948 : i32 to vector<16xi32>
    %add3A_1950 = arith.addi %shift_right_logical3A_1938, %add3A_1949 : vector<16xi32>
    %eq3A_1951 = arith.cmpi eq, %get3A_1930, %get3A_1932 : vector<16xi32>
    tpu.vector_store_idx %arg7[%add3A_1950, %and3A_1944], %broadcast_in_dim3A_1034 masked %eq3A_1951 {add = true} : memref<32x128xf32, #tpu.memory_space<vmem>>[vector<16xi32>, vector<16xi32>], vector<16xf32>, vector<16xi1>
    %get3A_1952 = arith.constant 640 : index
    %get3A_1953 = tpu.vector_load %arg5[%get3A_1952] {strides = array<i32>} : memref<1024xi32, #tpu.memory_space<vmem>>, vector<16xi32>,
    %get3A_1954 = arith.constant 640 : index
    %get3A_1955 = tpu.vector_load %arg6[%get3A_1954] {strides = array<i32>} : memref<1024xi32, #tpu.memory_space<vmem>>, vector<16xi32>,
    %shift_right_logical3A_1956 = arith.constant 7 : i32
    %shift_right_logical3A_1957 = vector.broadcast %shift_right_logical3A_1956 : i32 to vector<16xi32>
    %shift_right_logical3A_1958 = arith.shrui %get3A_1953, %shift_right_logical3A_1957 : vector<16xi32>
    %shift_right_logical3A_1959 = arith.constant 7 : i32
    %shift_right_logical3A_1960 = vector.broadcast %shift_right_logical3A_1959 : i32 to vector<16xi32>
    %shift_right_logical3A_1961 = arith.shrui %get3A_1955, %shift_right_logical3A_1960 : vector<16xi32>
    %and3A_1962 = arith.constant 127 : i32
    %and3A_1963 = vector.broadcast %and3A_1962 : i32 to vector<16xi32>
    %and3A_1964 = arith.andi %get3A_1953, %and3A_1963 : vector<16xi32>
    %and3A_1965 = arith.constant 127 : i32
    %and3A_1966 = vector.broadcast %and3A_1965 : i32 to vector<16xi32>
    %and3A_1967 = arith.andi %get3A_1955, %and3A_1966 : vector<16xi32>
    tpu.vector_store_idx %arg7[%shift_right_logical3A_1958, %and3A_1964], %broadcast_in_dim3A_1034 {add = true} : memref<32x128xf32, #tpu.memory_space<vmem>>[vector<16xi32>, vector<16xi32>], vector<16xf32>,
    %add3A_1968 = arith.constant 8 : i32
    %add3A_1969 = vector.broadcast %add3A_1968 : i32 to vector<16xi32>
    %add3A_1970 = arith.addi %shift_right_logical3A_1961, %add3A_1969 : vector<16xi32>
    tpu.vector_store_idx %arg7[%add3A_1970, %and3A_1967], %broadcast_in_dim3A_1034 {add = true} : memref<32x128xf32, #tpu.memory_space<vmem>>[vector<16xi32>, vector<16xi32>], vector<16xf32>,
    %add3A_1971 = arith.constant 16 : i32
    %add3A_1972 = vector.broadcast %add3A_1971 : i32 to vector<16xi32>
    %add3A_1973 = arith.addi %shift_right_logical3A_1961, %add3A_1972 : vector<16xi32>
    %eq3A_1974 = arith.cmpi eq, %get3A_1953, %get3A_1955 : vector<16xi32>
    tpu.vector_store_idx %arg7[%add3A_1973, %and3A_1967], %broadcast_in_dim3A_1034 masked %eq3A_1974 {add = true} : memref<32x128xf32, #tpu.memory_space<vmem>>[vector<16xi32>, vector<16xi32>], vector<16xf32>, vector<16xi1>
    %get3A_1975 = arith.constant 656 : index
    %get3A_1976 = tpu.vector_load %arg5[%get3A_1975] {strides = array<i32>} : memref<1024xi32, #tpu.memory_space<vmem>>, vector<16xi32>,
    %get3A_1977 = arith.constant 656 : index
    %get3A_1978 = tpu.vector_load %arg6[%get3A_1977] {strides = array<i32>} : memref<1024xi32, #tpu.memory_space<vmem>>, vector<16xi32>,
    %shift_right_logical3A_1979 = arith.constant 7 : i32
    %shift_right_logical3A_1980 = vector.broadcast %shift_right_logical3A_1979 : i32 to vector<16xi32>
    %shift_right_logical3A_1981 = arith.shrui %get3A_1976, %shift_right_logical3A_1980 : vector<16xi32>
    %shift_right_logical3A_1982 = arith.constant 7 : i32
    %shift_right_logical3A_1983 = vector.broadcast %shift_right_logical3A_1982 : i32 to vector<16xi32>
    %shift_right_logical3A_1984 = arith.shrui %get3A_1978, %shift_right_logical3A_1983 : vector<16xi32>
    %and3A_1985 = arith.constant 127 : i32
    %and3A_1986 = vector.broadcast %and3A_1985 : i32 to vector<16xi32>
    %and3A_1987 = arith.andi %get3A_1976, %and3A_1986 : vector<16xi32>
    %and3A_1988 = arith.constant 127 : i32
    %and3A_1989 = vector.broadcast %and3A_1988 : i32 to vector<16xi32>
    %and3A_1990 = arith.andi %get3A_1978, %and3A_1989 : vector<16xi32>
    tpu.vector_store_idx %arg7[%shift_right_logical3A_1981, %and3A_1987], %broadcast_in_dim3A_1034 {add = true} : memref<32x128xf32, #tpu.memory_space<vmem>>[vector<16xi32>, vector<16xi32>], vector<16xf32>,
    %add3A_1991 = arith.constant 8 : i32
    %add3A_1992 = vector.broadcast %add3A_1991 : i32 to vector<16xi32>
    %add3A_1993 = arith.addi %shift_right_logical3A_1984, %add3A_1992 : vector<16xi32>
    tpu.vector_store_idx %arg7[%add3A_1993, %and3A_1990], %broadcast_in_dim3A_1034 {add = true} : memref<32x128xf32, #tpu.memory_space<vmem>>[vector<16xi32>, vector<16xi32>], vector<16xf32>,
    %add3A_1994 = arith.constant 16 : i32
    %add3A_1995 = vector.broadcast %add3A_1994 : i32 to vector<16xi32>
    %add3A_1996 = arith.addi %shift_right_logical3A_1984, %add3A_1995 : vector<16xi32>
    %eq3A_1997 = arith.cmpi eq, %get3A_1976, %get3A_1978 : vector<16xi32>
    tpu.vector_store_idx %arg7[%add3A_1996, %and3A_1990], %broadcast_in_dim3A_1034 masked %eq3A_1997 {add = true} : memref<32x128xf32, #tpu.memory_space<vmem>>[vector<16xi32>, vector<16xi32>], vector<16xf32>, vector<16xi1>
    %get3A_1998 = arith.constant 672 : index
    %get3A_1999 = tpu.vector_load %arg5[%get3A_1998] {strides = array<i32>} : memref<1024xi32, #tpu.memory_space<vmem>>, vector<16xi32>,
    %get3A_2000 = arith.constant 672 : index
    %get3A_2001 = tpu.vector_load %arg6[%get3A_2000] {strides = array<i32>} : memref<1024xi32, #tpu.memory_space<vmem>>, vector<16xi32>,
    %shift_right_logical3A_2002 = arith.constant 7 : i32
    %shift_right_logical3A_2003 = vector.broadcast %shift_right_logical3A_2002 : i32 to vector<16xi32>
    %shift_right_logical3A_2004 = arith.shrui %get3A_1999, %shift_right_logical3A_2003 : vector<16xi32>
    %shift_right_logical3A_2005 = arith.constant 7 : i32
    %shift_right_logical3A_2006 = vector.broadcast %shift_right_logical3A_2005 : i32 to vector<16xi32>
    %shift_right_logical3A_2007 = arith.shrui %get3A_2001, %shift_right_logical3A_2006 : vector<16xi32>
    %and3A_2008 = arith.constant 127 : i32
    %and3A_2009 = vector.broadcast %and3A_2008 : i32 to vector<16xi32>
    %and3A_2010 = arith.andi %get3A_1999, %and3A_2009 : vector<16xi32>
    %and3A_2011 = arith.constant 127 : i32
    %and3A_2012 = vector.broadcast %and3A_2011 : i32 to vector<16xi32>
    %and3A_2013 = arith.andi %get3A_2001, %and3A_2012 : vector<16xi32>
    tpu.vector_store_idx %arg7[%shift_right_logical3A_2004, %and3A_2010], %broadcast_in_dim3A_1034 {add = true} : memref<32x128xf32, #tpu.memory_space<vmem>>[vector<16xi32>, vector<16xi32>], vector<16xf32>,
    %add3A_2014 = arith.constant 8 : i32
    %add3A_2015 = vector.broadcast %add3A_2014 : i32 to vector<16xi32>
    %add3A_2016 = arith.addi %shift_right_logical3A_2007, %add3A_2015 : vector<16xi32>
    tpu.vector_store_idx %arg7[%add3A_2016, %and3A_2013], %broadcast_in_dim3A_1034 {add = true} : memref<32x128xf32, #tpu.memory_space<vmem>>[vector<16xi32>, vector<16xi32>], vector<16xf32>,
    %add3A_2017 = arith.constant 16 : i32
    %add3A_2018 = vector.broadcast %add3A_2017 : i32 to vector<16xi32>
    %add3A_2019 = arith.addi %shift_right_logical3A_2007, %add3A_2018 : vector<16xi32>
    %eq3A_2020 = arith.cmpi eq, %get3A_1999, %get3A_2001 : vector<16xi32>
    tpu.vector_store_idx %arg7[%add3A_2019, %and3A_2013], %broadcast_in_dim3A_1034 masked %eq3A_2020 {add = true} : memref<32x128xf32, #tpu.memory_space<vmem>>[vector<16xi32>, vector<16xi32>], vector<16xf32>, vector<16xi1>
    %get3A_2021 = arith.constant 688 : index
    %get3A_2022 = tpu.vector_load %arg5[%get3A_2021] {strides = array<i32>} : memref<1024xi32, #tpu.memory_space<vmem>>, vector<16xi32>,
    %get3A_2023 = arith.constant 688 : index
    %get3A_2024 = tpu.vector_load %arg6[%get3A_2023] {strides = array<i32>} : memref<1024xi32, #tpu.memory_space<vmem>>, vector<16xi32>,
    %shift_right_logical3A_2025 = arith.constant 7 : i32
    %shift_right_logical3A_2026 = vector.broadcast %shift_right_logical3A_2025 : i32 to vector<16xi32>
    %shift_right_logical3A_2027 = arith.shrui %get3A_2022, %shift_right_logical3A_2026 : vector<16xi32>
    %shift_right_logical3A_2028 = arith.constant 7 : i32
    %shift_right_logical3A_2029 = vector.broadcast %shift_right_logical3A_2028 : i32 to vector<16xi32>
    %shift_right_logical3A_2030 = arith.shrui %get3A_2024, %shift_right_logical3A_2029 : vector<16xi32>
    %and3A_2031 = arith.constant 127 : i32
    %and3A_2032 = vector.broadcast %and3A_2031 : i32 to vector<16xi32>
    %and3A_2033 = arith.andi %get3A_2022, %and3A_2032 : vector<16xi32>
    %and3A_2034 = arith.constant 127 : i32
    %and3A_2035 = vector.broadcast %and3A_2034 : i32 to vector<16xi32>
    %and3A_2036 = arith.andi %get3A_2024, %and3A_2035 : vector<16xi32>
    tpu.vector_store_idx %arg7[%shift_right_logical3A_2027, %and3A_2033], %broadcast_in_dim3A_1034 {add = true} : memref<32x128xf32, #tpu.memory_space<vmem>>[vector<16xi32>, vector<16xi32>], vector<16xf32>,
    %add3A_2037 = arith.constant 8 : i32
    %add3A_2038 = vector.broadcast %add3A_2037 : i32 to vector<16xi32>
    %add3A_2039 = arith.addi %shift_right_logical3A_2030, %add3A_2038 : vector<16xi32>
    tpu.vector_store_idx %arg7[%add3A_2039, %and3A_2036], %broadcast_in_dim3A_1034 {add = true} : memref<32x128xf32, #tpu.memory_space<vmem>>[vector<16xi32>, vector<16xi32>], vector<16xf32>,
    %add3A_2040 = arith.constant 16 : i32
    %add3A_2041 = vector.broadcast %add3A_2040 : i32 to vector<16xi32>
    %add3A_2042 = arith.addi %shift_right_logical3A_2030, %add3A_2041 : vector<16xi32>
    %eq3A_2043 = arith.cmpi eq, %get3A_2022, %get3A_2024 : vector<16xi32>
    tpu.vector_store_idx %arg7[%add3A_2042, %and3A_2036], %broadcast_in_dim3A_1034 masked %eq3A_2043 {add = true} : memref<32x128xf32, #tpu.memory_space<vmem>>[vector<16xi32>, vector<16xi32>], vector<16xf32>, vector<16xi1>
    %get3A_2044 = arith.constant 704 : index
    %get3A_2045 = tpu.vector_load %arg5[%get3A_2044] {strides = array<i32>} : memref<1024xi32, #tpu.memory_space<vmem>>, vector<16xi32>,
    %get3A_2046 = arith.constant 704 : index
    %get3A_2047 = tpu.vector_load %arg6[%get3A_2046] {strides = array<i32>} : memref<1024xi32, #tpu.memory_space<vmem>>, vector<16xi32>,
    %shift_right_logical3A_2048 = arith.constant 7 : i32
    %shift_right_logical3A_2049 = vector.broadcast %shift_right_logical3A_2048 : i32 to vector<16xi32>
    %shift_right_logical3A_2050 = arith.shrui %get3A_2045, %shift_right_logical3A_2049 : vector<16xi32>
    %shift_right_logical3A_2051 = arith.constant 7 : i32
    %shift_right_logical3A_2052 = vector.broadcast %shift_right_logical3A_2051 : i32 to vector<16xi32>
    %shift_right_logical3A_2053 = arith.shrui %get3A_2047, %shift_right_logical3A_2052 : vector<16xi32>
    %and3A_2054 = arith.constant 127 : i32
    %and3A_2055 = vector.broadcast %and3A_2054 : i32 to vector<16xi32>
    %and3A_2056 = arith.andi %get3A_2045, %and3A_2055 : vector<16xi32>
    %and3A_2057 = arith.constant 127 : i32
    %and3A_2058 = vector.broadcast %and3A_2057 : i32 to vector<16xi32>
    %and3A_2059 = arith.andi %get3A_2047, %and3A_2058 : vector<16xi32>
    tpu.vector_store_idx %arg7[%shift_right_logical3A_2050, %and3A_2056], %broadcast_in_dim3A_1034 {add = true} : memref<32x128xf32, #tpu.memory_space<vmem>>[vector<16xi32>, vector<16xi32>], vector<16xf32>,
    %add3A_2060 = arith.constant 8 : i32
    %add3A_2061 = vector.broadcast %add3A_2060 : i32 to vector<16xi32>
    %add3A_2062 = arith.addi %shift_right_logical3A_2053, %add3A_2061 : vector<16xi32>
    tpu.vector_store_idx %arg7[%add3A_2062, %and3A_2059], %broadcast_in_dim3A_1034 {add = true} : memref<32x128xf32, #tpu.memory_space<vmem>>[vector<16xi32>, vector<16xi32>], vector<16xf32>,
    %add3A_2063 = arith.constant 16 : i32
    %add3A_2064 = vector.broadcast %add3A_2063 : i32 to vector<16xi32>
    %add3A_2065 = arith.addi %shift_right_logical3A_2053, %add3A_2064 : vector<16xi32>
    %eq3A_2066 = arith.cmpi eq, %get3A_2045, %get3A_2047 : vector<16xi32>
    tpu.vector_store_idx %arg7[%add3A_2065, %and3A_2059], %broadcast_in_dim3A_1034 masked %eq3A_2066 {add = true} : memref<32x128xf32, #tpu.memory_space<vmem>>[vector<16xi32>, vector<16xi32>], vector<16xf32>, vector<16xi1>
    %get3A_2067 = arith.constant 720 : index
    %get3A_2068 = tpu.vector_load %arg5[%get3A_2067] {strides = array<i32>} : memref<1024xi32, #tpu.memory_space<vmem>>, vector<16xi32>,
    %get3A_2069 = arith.constant 720 : index
    %get3A_2070 = tpu.vector_load %arg6[%get3A_2069] {strides = array<i32>} : memref<1024xi32, #tpu.memory_space<vmem>>, vector<16xi32>,
    %shift_right_logical3A_2071 = arith.constant 7 : i32
    %shift_right_logical3A_2072 = vector.broadcast %shift_right_logical3A_2071 : i32 to vector<16xi32>
    %shift_right_logical3A_2073 = arith.shrui %get3A_2068, %shift_right_logical3A_2072 : vector<16xi32>
    %shift_right_logical3A_2074 = arith.constant 7 : i32
    %shift_right_logical3A_2075 = vector.broadcast %shift_right_logical3A_2074 : i32 to vector<16xi32>
    %shift_right_logical3A_2076 = arith.shrui %get3A_2070, %shift_right_logical3A_2075 : vector<16xi32>
    %and3A_2077 = arith.constant 127 : i32
    %and3A_2078 = vector.broadcast %and3A_2077 : i32 to vector<16xi32>
    %and3A_2079 = arith.andi %get3A_2068, %and3A_2078 : vector<16xi32>
    %and3A_2080 = arith.constant 127 : i32
    %and3A_2081 = vector.broadcast %and3A_2080 : i32 to vector<16xi32>
    %and3A_2082 = arith.andi %get3A_2070, %and3A_2081 : vector<16xi32>
    tpu.vector_store_idx %arg7[%shift_right_logical3A_2073, %and3A_2079], %broadcast_in_dim3A_1034 {add = true} : memref<32x128xf32, #tpu.memory_space<vmem>>[vector<16xi32>, vector<16xi32>], vector<16xf32>,
    %add3A_2083 = arith.constant 8 : i32
    %add3A_2084 = vector.broadcast %add3A_2083 : i32 to vector<16xi32>
    %add3A_2085 = arith.addi %shift_right_logical3A_2076, %add3A_2084 : vector<16xi32>
    tpu.vector_store_idx %arg7[%add3A_2085, %and3A_2082], %broadcast_in_dim3A_1034 {add = true} : memref<32x128xf32, #tpu.memory_space<vmem>>[vector<16xi32>, vector<16xi32>], vector<16xf32>,
    %add3A_2086 = arith.constant 16 : i32
    %add3A_2087 = vector.broadcast %add3A_2086 : i32 to vector<16xi32>
    %add3A_2088 = arith.addi %shift_right_logical3A_2076, %add3A_2087 : vector<16xi32>
    %eq3A_2089 = arith.cmpi eq, %get3A_2068, %get3A_2070 : vector<16xi32>
    tpu.vector_store_idx %arg7[%add3A_2088, %and3A_2082], %broadcast_in_dim3A_1034 masked %eq3A_2089 {add = true} : memref<32x128xf32, #tpu.memory_space<vmem>>[vector<16xi32>, vector<16xi32>], vector<16xf32>, vector<16xi1>
    %get3A_2090 = arith.constant 736 : index
    %get3A_2091 = tpu.vector_load %arg5[%get3A_2090] {strides = array<i32>} : memref<1024xi32, #tpu.memory_space<vmem>>, vector<16xi32>,
    %get3A_2092 = arith.constant 736 : index
    %get3A_2093 = tpu.vector_load %arg6[%get3A_2092] {strides = array<i32>} : memref<1024xi32, #tpu.memory_space<vmem>>, vector<16xi32>,
    %shift_right_logical3A_2094 = arith.constant 7 : i32
    %shift_right_logical3A_2095 = vector.broadcast %shift_right_logical3A_2094 : i32 to vector<16xi32>
    %shift_right_logical3A_2096 = arith.shrui %get3A_2091, %shift_right_logical3A_2095 : vector<16xi32>
    %shift_right_logical3A_2097 = arith.constant 7 : i32
    %shift_right_logical3A_2098 = vector.broadcast %shift_right_logical3A_2097 : i32 to vector<16xi32>
    %shift_right_logical3A_2099 = arith.shrui %get3A_2093, %shift_right_logical3A_2098 : vector<16xi32>
    %and3A_2100 = arith.constant 127 : i32
    %and3A_2101 = vector.broadcast %and3A_2100 : i32 to vector<16xi32>
    %and3A_2102 = arith.andi %get3A_2091, %and3A_2101 : vector<16xi32>
    %and3A_2103 = arith.constant 127 : i32
    %and3A_2104 = vector.broadcast %and3A_2103 : i32 to vector<16xi32>
    %and3A_2105 = arith.andi %get3A_2093, %and3A_2104 : vector<16xi32>
    tpu.vector_store_idx %arg7[%shift_right_logical3A_2096, %and3A_2102], %broadcast_in_dim3A_1034 {add = true} : memref<32x128xf32, #tpu.memory_space<vmem>>[vector<16xi32>, vector<16xi32>], vector<16xf32>,
    %add3A_2106 = arith.constant 8 : i32
    %add3A_2107 = vector.broadcast %add3A_2106 : i32 to vector<16xi32>
    %add3A_2108 = arith.addi %shift_right_logical3A_2099, %add3A_2107 : vector<16xi32>
    tpu.vector_store_idx %arg7[%add3A_2108, %and3A_2105], %broadcast_in_dim3A_1034 {add = true} : memref<32x128xf32, #tpu.memory_space<vmem>>[vector<16xi32>, vector<16xi32>], vector<16xf32>,
    %add3A_2109 = arith.constant 16 : i32
    %add3A_2110 = vector.broadcast %add3A_2109 : i32 to vector<16xi32>
    %add3A_2111 = arith.addi %shift_right_logical3A_2099, %add3A_2110 : vector<16xi32>
    %eq3A_2112 = arith.cmpi eq, %get3A_2091, %get3A_2093 : vector<16xi32>
    tpu.vector_store_idx %arg7[%add3A_2111, %and3A_2105], %broadcast_in_dim3A_1034 masked %eq3A_2112 {add = true} : memref<32x128xf32, #tpu.memory_space<vmem>>[vector<16xi32>, vector<16xi32>], vector<16xf32>, vector<16xi1>
    %get3A_2113 = arith.constant 752 : index
    %get3A_2114 = tpu.vector_load %arg5[%get3A_2113] {strides = array<i32>} : memref<1024xi32, #tpu.memory_space<vmem>>, vector<16xi32>,
    %get3A_2115 = arith.constant 752 : index
    %get3A_2116 = tpu.vector_load %arg6[%get3A_2115] {strides = array<i32>} : memref<1024xi32, #tpu.memory_space<vmem>>, vector<16xi32>,
    %shift_right_logical3A_2117 = arith.constant 7 : i32
    %shift_right_logical3A_2118 = vector.broadcast %shift_right_logical3A_2117 : i32 to vector<16xi32>
    %shift_right_logical3A_2119 = arith.shrui %get3A_2114, %shift_right_logical3A_2118 : vector<16xi32>
    %shift_right_logical3A_2120 = arith.constant 7 : i32
    %shift_right_logical3A_2121 = vector.broadcast %shift_right_logical3A_2120 : i32 to vector<16xi32>
    %shift_right_logical3A_2122 = arith.shrui %get3A_2116, %shift_right_logical3A_2121 : vector<16xi32>
    %and3A_2123 = arith.constant 127 : i32
    %and3A_2124 = vector.broadcast %and3A_2123 : i32 to vector<16xi32>
    %and3A_2125 = arith.andi %get3A_2114, %and3A_2124 : vector<16xi32>
    %and3A_2126 = arith.constant 127 : i32
    %and3A_2127 = vector.broadcast %and3A_2126 : i32 to vector<16xi32>
    %and3A_2128 = arith.andi %get3A_2116, %and3A_2127 : vector<16xi32>
    tpu.vector_store_idx %arg7[%shift_right_logical3A_2119, %and3A_2125], %broadcast_in_dim3A_1034 {add = true} : memref<32x128xf32, #tpu.memory_space<vmem>>[vector<16xi32>, vector<16xi32>], vector<16xf32>,
    %add3A_2129 = arith.constant 8 : i32
    %add3A_2130 = vector.broadcast %add3A_2129 : i32 to vector<16xi32>
    %add3A_2131 = arith.addi %shift_right_logical3A_2122, %add3A_2130 : vector<16xi32>
    tpu.vector_store_idx %arg7[%add3A_2131, %and3A_2128], %broadcast_in_dim3A_1034 {add = true} : memref<32x128xf32, #tpu.memory_space<vmem>>[vector<16xi32>, vector<16xi32>], vector<16xf32>,
    %add3A_2132 = arith.constant 16 : i32
    %add3A_2133 = vector.broadcast %add3A_2132 : i32 to vector<16xi32>
    %add3A_2134 = arith.addi %shift_right_logical3A_2122, %add3A_2133 : vector<16xi32>
    %eq3A_2135 = arith.cmpi eq, %get3A_2114, %get3A_2116 : vector<16xi32>
    tpu.vector_store_idx %arg7[%add3A_2134, %and3A_2128], %broadcast_in_dim3A_1034 masked %eq3A_2135 {add = true} : memref<32x128xf32, #tpu.memory_space<vmem>>[vector<16xi32>, vector<16xi32>], vector<16xf32>, vector<16xi1>
    %get3A_2136 = arith.constant 768 : index
    %get3A_2137 = tpu.vector_load %arg5[%get3A_2136] {strides = array<i32>} : memref<1024xi32, #tpu.memory_space<vmem>>, vector<16xi32>,
    %get3A_2138 = arith.constant 768 : index
    %get3A_2139 = tpu.vector_load %arg6[%get3A_2138] {strides = array<i32>} : memref<1024xi32, #tpu.memory_space<vmem>>, vector<16xi32>,
    %shift_right_logical3A_2140 = arith.constant 7 : i32
    %shift_right_logical3A_2141 = vector.broadcast %shift_right_logical3A_2140 : i32 to vector<16xi32>
    %shift_right_logical3A_2142 = arith.shrui %get3A_2137, %shift_right_logical3A_2141 : vector<16xi32>
    %shift_right_logical3A_2143 = arith.constant 7 : i32
    %shift_right_logical3A_2144 = vector.broadcast %shift_right_logical3A_2143 : i32 to vector<16xi32>
    %shift_right_logical3A_2145 = arith.shrui %get3A_2139, %shift_right_logical3A_2144 : vector<16xi32>
    %and3A_2146 = arith.constant 127 : i32
    %and3A_2147 = vector.broadcast %and3A_2146 : i32 to vector<16xi32>
    %and3A_2148 = arith.andi %get3A_2137, %and3A_2147 : vector<16xi32>
    %and3A_2149 = arith.constant 127 : i32
    %and3A_2150 = vector.broadcast %and3A_2149 : i32 to vector<16xi32>
    %and3A_2151 = arith.andi %get3A_2139, %and3A_2150 : vector<16xi32>
    tpu.vector_store_idx %arg7[%shift_right_logical3A_2142, %and3A_2148], %broadcast_in_dim3A_1034 {add = true} : memref<32x128xf32, #tpu.memory_space<vmem>>[vector<16xi32>, vector<16xi32>], vector<16xf32>,
    %add3A_2152 = arith.constant 8 : i32
    %add3A_2153 = vector.broadcast %add3A_2152 : i32 to vector<16xi32>
    %add3A_2154 = arith.addi %shift_right_logical3A_2145, %add3A_2153 : vector<16xi32>
    tpu.vector_store_idx %arg7[%add3A_2154, %and3A_2151], %broadcast_in_dim3A_1034 {add = true} : memref<32x128xf32, #tpu.memory_space<vmem>>[vector<16xi32>, vector<16xi32>], vector<16xf32>,
    %add3A_2155 = arith.constant 16 : i32
    %add3A_2156 = vector.broadcast %add3A_2155 : i32 to vector<16xi32>
    %add3A_2157 = arith.addi %shift_right_logical3A_2145, %add3A_2156 : vector<16xi32>
    %eq3A_2158 = arith.cmpi eq, %get3A_2137, %get3A_2139 : vector<16xi32>
    tpu.vector_store_idx %arg7[%add3A_2157, %and3A_2151], %broadcast_in_dim3A_1034 masked %eq3A_2158 {add = true} : memref<32x128xf32, #tpu.memory_space<vmem>>[vector<16xi32>, vector<16xi32>], vector<16xf32>, vector<16xi1>
    %get3A_2159 = arith.constant 784 : index
    %get3A_2160 = tpu.vector_load %arg5[%get3A_2159] {strides = array<i32>} : memref<1024xi32, #tpu.memory_space<vmem>>, vector<16xi32>,
    %get3A_2161 = arith.constant 784 : index
    %get3A_2162 = tpu.vector_load %arg6[%get3A_2161] {strides = array<i32>} : memref<1024xi32, #tpu.memory_space<vmem>>, vector<16xi32>,
    %shift_right_logical3A_2163 = arith.constant 7 : i32
    %shift_right_logical3A_2164 = vector.broadcast %shift_right_logical3A_2163 : i32 to vector<16xi32>
    %shift_right_logical3A_2165 = arith.shrui %get3A_2160, %shift_right_logical3A_2164 : vector<16xi32>
    %shift_right_logical3A_2166 = arith.constant 7 : i32
    %shift_right_logical3A_2167 = vector.broadcast %shift_right_logical3A_2166 : i32 to vector<16xi32>
    %shift_right_logical3A_2168 = arith.shrui %get3A_2162, %shift_right_logical3A_2167 : vector<16xi32>
    %and3A_2169 = arith.constant 127 : i32
    %and3A_2170 = vector.broadcast %and3A_2169 : i32 to vector<16xi32>
    %and3A_2171 = arith.andi %get3A_2160, %and3A_2170 : vector<16xi32>
    %and3A_2172 = arith.constant 127 : i32
    %and3A_2173 = vector.broadcast %and3A_2172 : i32 to vector<16xi32>
    %and3A_2174 = arith.andi %get3A_2162, %and3A_2173 : vector<16xi32>
    tpu.vector_store_idx %arg7[%shift_right_logical3A_2165, %and3A_2171], %broadcast_in_dim3A_1034 {add = true} : memref<32x128xf32, #tpu.memory_space<vmem>>[vector<16xi32>, vector<16xi32>], vector<16xf32>,
    %add3A_2175 = arith.constant 8 : i32
    %add3A_2176 = vector.broadcast %add3A_2175 : i32 to vector<16xi32>
    %add3A_2177 = arith.addi %shift_right_logical3A_2168, %add3A_2176 : vector<16xi32>
    tpu.vector_store_idx %arg7[%add3A_2177, %and3A_2174], %broadcast_in_dim3A_1034 {add = true} : memref<32x128xf32, #tpu.memory_space<vmem>>[vector<16xi32>, vector<16xi32>], vector<16xf32>,
    %add3A_2178 = arith.constant 16 : i32
    %add3A_2179 = vector.broadcast %add3A_2178 : i32 to vector<16xi32>
    %add3A_2180 = arith.addi %shift_right_logical3A_2168, %add3A_2179 : vector<16xi32>
    %eq3A_2181 = arith.cmpi eq, %get3A_2160, %get3A_2162 : vector<16xi32>
    tpu.vector_store_idx %arg7[%add3A_2180, %and3A_2174], %broadcast_in_dim3A_1034 masked %eq3A_2181 {add = true} : memref<32x128xf32, #tpu.memory_space<vmem>>[vector<16xi32>, vector<16xi32>], vector<16xf32>, vector<16xi1>
    %get3A_2182 = arith.constant 800 : index
    %get3A_2183 = tpu.vector_load %arg5[%get3A_2182] {strides = array<i32>} : memref<1024xi32, #tpu.memory_space<vmem>>, vector<16xi32>,
    %get3A_2184 = arith.constant 800 : index
    %get3A_2185 = tpu.vector_load %arg6[%get3A_2184] {strides = array<i32>} : memref<1024xi32, #tpu.memory_space<vmem>>, vector<16xi32>,
    %shift_right_logical3A_2186 = arith.constant 7 : i32
    %shift_right_logical3A_2187 = vector.broadcast %shift_right_logical3A_2186 : i32 to vector<16xi32>
    %shift_right_logical3A_2188 = arith.shrui %get3A_2183, %shift_right_logical3A_2187 : vector<16xi32>
    %shift_right_logical3A_2189 = arith.constant 7 : i32
    %shift_right_logical3A_2190 = vector.broadcast %shift_right_logical3A_2189 : i32 to vector<16xi32>
    %shift_right_logical3A_2191 = arith.shrui %get3A_2185, %shift_right_logical3A_2190 : vector<16xi32>
    %and3A_2192 = arith.constant 127 : i32
    %and3A_2193 = vector.broadcast %and3A_2192 : i32 to vector<16xi32>
    %and3A_2194 = arith.andi %get3A_2183, %and3A_2193 : vector<16xi32>
    %and3A_2195 = arith.constant 127 : i32
    %and3A_2196 = vector.broadcast %and3A_2195 : i32 to vector<16xi32>
    %and3A_2197 = arith.andi %get3A_2185, %and3A_2196 : vector<16xi32>
    tpu.vector_store_idx %arg7[%shift_right_logical3A_2188, %and3A_2194], %broadcast_in_dim3A_1034 {add = true} : memref<32x128xf32, #tpu.memory_space<vmem>>[vector<16xi32>, vector<16xi32>], vector<16xf32>,
    %add3A_2198 = arith.constant 8 : i32
    %add3A_2199 = vector.broadcast %add3A_2198 : i32 to vector<16xi32>
    %add3A_2200 = arith.addi %shift_right_logical3A_2191, %add3A_2199 : vector<16xi32>
    tpu.vector_store_idx %arg7[%add3A_2200, %and3A_2197], %broadcast_in_dim3A_1034 {add = true} : memref<32x128xf32, #tpu.memory_space<vmem>>[vector<16xi32>, vector<16xi32>], vector<16xf32>,
    %add3A_2201 = arith.constant 16 : i32
    %add3A_2202 = vector.broadcast %add3A_2201 : i32 to vector<16xi32>
    %add3A_2203 = arith.addi %shift_right_logical3A_2191, %add3A_2202 : vector<16xi32>
    %eq3A_2204 = arith.cmpi eq, %get3A_2183, %get3A_2185 : vector<16xi32>
    tpu.vector_store_idx %arg7[%add3A_2203, %and3A_2197], %broadcast_in_dim3A_1034 masked %eq3A_2204 {add = true} : memref<32x128xf32, #tpu.memory_space<vmem>>[vector<16xi32>, vector<16xi32>], vector<16xf32>, vector<16xi1>
    %get3A_2205 = arith.constant 816 : index
    %get3A_2206 = tpu.vector_load %arg5[%get3A_2205] {strides = array<i32>} : memref<1024xi32, #tpu.memory_space<vmem>>, vector<16xi32>,
    %get3A_2207 = arith.constant 816 : index
    %get3A_2208 = tpu.vector_load %arg6[%get3A_2207] {strides = array<i32>} : memref<1024xi32, #tpu.memory_space<vmem>>, vector<16xi32>,
    %shift_right_logical3A_2209 = arith.constant 7 : i32
    %shift_right_logical3A_2210 = vector.broadcast %shift_right_logical3A_2209 : i32 to vector<16xi32>
    %shift_right_logical3A_2211 = arith.shrui %get3A_2206, %shift_right_logical3A_2210 : vector<16xi32>
    %shift_right_logical3A_2212 = arith.constant 7 : i32
    %shift_right_logical3A_2213 = vector.broadcast %shift_right_logical3A_2212 : i32 to vector<16xi32>
    %shift_right_logical3A_2214 = arith.shrui %get3A_2208, %shift_right_logical3A_2213 : vector<16xi32>
    %and3A_2215 = arith.constant 127 : i32
    %and3A_2216 = vector.broadcast %and3A_2215 : i32 to vector<16xi32>
    %and3A_2217 = arith.andi %get3A_2206, %and3A_2216 : vector<16xi32>
    %and3A_2218 = arith.constant 127 : i32
    %and3A_2219 = vector.broadcast %and3A_2218 : i32 to vector<16xi32>
    %and3A_2220 = arith.andi %get3A_2208, %and3A_2219 : vector<16xi32>
    tpu.vector_store_idx %arg7[%shift_right_logical3A_2211, %and3A_2217], %broadcast_in_dim3A_1034 {add = true} : memref<32x128xf32, #tpu.memory_space<vmem>>[vector<16xi32>, vector<16xi32>], vector<16xf32>,
    %add3A_2221 = arith.constant 8 : i32
    %add3A_2222 = vector.broadcast %add3A_2221 : i32 to vector<16xi32>
    %add3A_2223 = arith.addi %shift_right_logical3A_2214, %add3A_2222 : vector<16xi32>
    tpu.vector_store_idx %arg7[%add3A_2223, %and3A_2220], %broadcast_in_dim3A_1034 {add = true} : memref<32x128xf32, #tpu.memory_space<vmem>>[vector<16xi32>, vector<16xi32>], vector<16xf32>,
    %add3A_2224 = arith.constant 16 : i32
    %add3A_2225 = vector.broadcast %add3A_2224 : i32 to vector<16xi32>
    %add3A_2226 = arith.addi %shift_right_logical3A_2214, %add3A_2225 : vector<16xi32>
    %eq3A_2227 = arith.cmpi eq, %get3A_2206, %get3A_2208 : vector<16xi32>
    tpu.vector_store_idx %arg7[%add3A_2226, %and3A_2220], %broadcast_in_dim3A_1034 masked %eq3A_2227 {add = true} : memref<32x128xf32, #tpu.memory_space<vmem>>[vector<16xi32>, vector<16xi32>], vector<16xf32>, vector<16xi1>
    %get3A_2228 = arith.constant 832 : index
    %get3A_2229 = tpu.vector_load %arg5[%get3A_2228] {strides = array<i32>} : memref<1024xi32, #tpu.memory_space<vmem>>, vector<16xi32>,
    %get3A_2230 = arith.constant 832 : index
    %get3A_2231 = tpu.vector_load %arg6[%get3A_2230] {strides = array<i32>} : memref<1024xi32, #tpu.memory_space<vmem>>, vector<16xi32>,
    %shift_right_logical3A_2232 = arith.constant 7 : i32
    %shift_right_logical3A_2233 = vector.broadcast %shift_right_logical3A_2232 : i32 to vector<16xi32>
    %shift_right_logical3A_2234 = arith.shrui %get3A_2229, %shift_right_logical3A_2233 : vector<16xi32>
    %shift_right_logical3A_2235 = arith.constant 7 : i32
    %shift_right_logical3A_2236 = vector.broadcast %shift_right_logical3A_2235 : i32 to vector<16xi32>
    %shift_right_logical3A_2237 = arith.shrui %get3A_2231, %shift_right_logical3A_2236 : vector<16xi32>
    %and3A_2238 = arith.constant 127 : i32
    %and3A_2239 = vector.broadcast %and3A_2238 : i32 to vector<16xi32>
    %and3A_2240 = arith.andi %get3A_2229, %and3A_2239 : vector<16xi32>
    %and3A_2241 = arith.constant 127 : i32
    %and3A_2242 = vector.broadcast %and3A_2241 : i32 to vector<16xi32>
    %and3A_2243 = arith.andi %get3A_2231, %and3A_2242 : vector<16xi32>
    tpu.vector_store_idx %arg7[%shift_right_logical3A_2234, %and3A_2240], %broadcast_in_dim3A_1034 {add = true} : memref<32x128xf32, #tpu.memory_space<vmem>>[vector<16xi32>, vector<16xi32>], vector<16xf32>,
    %add3A_2244 = arith.constant 8 : i32
    %add3A_2245 = vector.broadcast %add3A_2244 : i32 to vector<16xi32>
    %add3A_2246 = arith.addi %shift_right_logical3A_2237, %add3A_2245 : vector<16xi32>
    tpu.vector_store_idx %arg7[%add3A_2246, %and3A_2243], %broadcast_in_dim3A_1034 {add = true} : memref<32x128xf32, #tpu.memory_space<vmem>>[vector<16xi32>, vector<16xi32>], vector<16xf32>,
    %add3A_2247 = arith.constant 16 : i32
    %add3A_2248 = vector.broadcast %add3A_2247 : i32 to vector<16xi32>
    %add3A_2249 = arith.addi %shift_right_logical3A_2237, %add3A_2248 : vector<16xi32>
    %eq3A_2250 = arith.cmpi eq, %get3A_2229, %get3A_2231 : vector<16xi32>
    tpu.vector_store_idx %arg7[%add3A_2249, %and3A_2243], %broadcast_in_dim3A_1034 masked %eq3A_2250 {add = true} : memref<32x128xf32, #tpu.memory_space<vmem>>[vector<16xi32>, vector<16xi32>], vector<16xf32>, vector<16xi1>
    %get3A_2251 = arith.constant 848 : index
    %get3A_2252 = tpu.vector_load %arg5[%get3A_2251] {strides = array<i32>} : memref<1024xi32, #tpu.memory_space<vmem>>, vector<16xi32>,
    %get3A_2253 = arith.constant 848 : index
    %get3A_2254 = tpu.vector_load %arg6[%get3A_2253] {strides = array<i32>} : memref<1024xi32, #tpu.memory_space<vmem>>, vector<16xi32>,
    %shift_right_logical3A_2255 = arith.constant 7 : i32
    %shift_right_logical3A_2256 = vector.broadcast %shift_right_logical3A_2255 : i32 to vector<16xi32>
    %shift_right_logical3A_2257 = arith.shrui %get3A_2252, %shift_right_logical3A_2256 : vector<16xi32>
    %shift_right_logical3A_2258 = arith.constant 7 : i32
    %shift_right_logical3A_2259 = vector.broadcast %shift_right_logical3A_2258 : i32 to vector<16xi32>
    %shift_right_logical3A_2260 = arith.shrui %get3A_2254, %shift_right_logical3A_2259 : vector<16xi32>
    %and3A_2261 = arith.constant 127 : i32
    %and3A_2262 = vector.broadcast %and3A_2261 : i32 to vector<16xi32>
    %and3A_2263 = arith.andi %get3A_2252, %and3A_2262 : vector<16xi32>
    %and3A_2264 = arith.constant 127 : i32
    %and3A_2265 = vector.broadcast %and3A_2264 : i32 to vector<16xi32>
    %and3A_2266 = arith.andi %get3A_2254, %and3A_2265 : vector<16xi32>
    tpu.vector_store_idx %arg7[%shift_right_logical3A_2257, %and3A_2263], %broadcast_in_dim3A_1034 {add = true} : memref<32x128xf32, #tpu.memory_space<vmem>>[vector<16xi32>, vector<16xi32>], vector<16xf32>,
    %add3A_2267 = arith.constant 8 : i32
    %add3A_2268 = vector.broadcast %add3A_2267 : i32 to vector<16xi32>
    %add3A_2269 = arith.addi %shift_right_logical3A_2260, %add3A_2268 : vector<16xi32>
    tpu.vector_store_idx %arg7[%add3A_2269, %and3A_2266], %broadcast_in_dim3A_1034 {add = true} : memref<32x128xf32, #tpu.memory_space<vmem>>[vector<16xi32>, vector<16xi32>], vector<16xf32>,
    %add3A_2270 = arith.constant 16 : i32
    %add3A_2271 = vector.broadcast %add3A_2270 : i32 to vector<16xi32>
    %add3A_2272 = arith.addi %shift_right_logical3A_2260, %add3A_2271 : vector<16xi32>
    %eq3A_2273 = arith.cmpi eq, %get3A_2252, %get3A_2254 : vector<16xi32>
    tpu.vector_store_idx %arg7[%add3A_2272, %and3A_2266], %broadcast_in_dim3A_1034 masked %eq3A_2273 {add = true} : memref<32x128xf32, #tpu.memory_space<vmem>>[vector<16xi32>, vector<16xi32>], vector<16xf32>, vector<16xi1>
    %get3A_2274 = arith.constant 864 : index
    %get3A_2275 = tpu.vector_load %arg5[%get3A_2274] {strides = array<i32>} : memref<1024xi32, #tpu.memory_space<vmem>>, vector<16xi32>,
    %get3A_2276 = arith.constant 864 : index
    %get3A_2277 = tpu.vector_load %arg6[%get3A_2276] {strides = array<i32>} : memref<1024xi32, #tpu.memory_space<vmem>>, vector<16xi32>,
    %shift_right_logical3A_2278 = arith.constant 7 : i32
    %shift_right_logical3A_2279 = vector.broadcast %shift_right_logical3A_2278 : i32 to vector<16xi32>
    %shift_right_logical3A_2280 = arith.shrui %get3A_2275, %shift_right_logical3A_2279 : vector<16xi32>
    %shift_right_logical3A_2281 = arith.constant 7 : i32
    %shift_right_logical3A_2282 = vector.broadcast %shift_right_logical3A_2281 : i32 to vector<16xi32>
    %shift_right_logical3A_2283 = arith.shrui %get3A_2277, %shift_right_logical3A_2282 : vector<16xi32>
    %and3A_2284 = arith.constant 127 : i32
    %and3A_2285 = vector.broadcast %and3A_2284 : i32 to vector<16xi32>
    %and3A_2286 = arith.andi %get3A_2275, %and3A_2285 : vector<16xi32>
    %and3A_2287 = arith.constant 127 : i32
    %and3A_2288 = vector.broadcast %and3A_2287 : i32 to vector<16xi32>
    %and3A_2289 = arith.andi %get3A_2277, %and3A_2288 : vector<16xi32>
    tpu.vector_store_idx %arg7[%shift_right_logical3A_2280, %and3A_2286], %broadcast_in_dim3A_1034 {add = true} : memref<32x128xf32, #tpu.memory_space<vmem>>[vector<16xi32>, vector<16xi32>], vector<16xf32>,
    %add3A_2290 = arith.constant 8 : i32
    %add3A_2291 = vector.broadcast %add3A_2290 : i32 to vector<16xi32>
    %add3A_2292 = arith.addi %shift_right_logical3A_2283, %add3A_2291 : vector<16xi32>
    tpu.vector_store_idx %arg7[%add3A_2292, %and3A_2289], %broadcast_in_dim3A_1034 {add = true} : memref<32x128xf32, #tpu.memory_space<vmem>>[vector<16xi32>, vector<16xi32>], vector<16xf32>,
    %add3A_2293 = arith.constant 16 : i32
    %add3A_2294 = vector.broadcast %add3A_2293 : i32 to vector<16xi32>
    %add3A_2295 = arith.addi %shift_right_logical3A_2283, %add3A_2294 : vector<16xi32>
    %eq3A_2296 = arith.cmpi eq, %get3A_2275, %get3A_2277 : vector<16xi32>
    tpu.vector_store_idx %arg7[%add3A_2295, %and3A_2289], %broadcast_in_dim3A_1034 masked %eq3A_2296 {add = true} : memref<32x128xf32, #tpu.memory_space<vmem>>[vector<16xi32>, vector<16xi32>], vector<16xf32>, vector<16xi1>
    %get3A_2297 = arith.constant 880 : index
    %get3A_2298 = tpu.vector_load %arg5[%get3A_2297] {strides = array<i32>} : memref<1024xi32, #tpu.memory_space<vmem>>, vector<16xi32>,
    %get3A_2299 = arith.constant 880 : index
    %get3A_2300 = tpu.vector_load %arg6[%get3A_2299] {strides = array<i32>} : memref<1024xi32, #tpu.memory_space<vmem>>, vector<16xi32>,
    %shift_right_logical3A_2301 = arith.constant 7 : i32
    %shift_right_logical3A_2302 = vector.broadcast %shift_right_logical3A_2301 : i32 to vector<16xi32>
    %shift_right_logical3A_2303 = arith.shrui %get3A_2298, %shift_right_logical3A_2302 : vector<16xi32>
    %shift_right_logical3A_2304 = arith.constant 7 : i32
    %shift_right_logical3A_2305 = vector.broadcast %shift_right_logical3A_2304 : i32 to vector<16xi32>
    %shift_right_logical3A_2306 = arith.shrui %get3A_2300, %shift_right_logical3A_2305 : vector<16xi32>
    %and3A_2307 = arith.constant 127 : i32
    %and3A_2308 = vector.broadcast %and3A_2307 : i32 to vector<16xi32>
    %and3A_2309 = arith.andi %get3A_2298, %and3A_2308 : vector<16xi32>
    %and3A_2310 = arith.constant 127 : i32
    %and3A_2311 = vector.broadcast %and3A_2310 : i32 to vector<16xi32>
    %and3A_2312 = arith.andi %get3A_2300, %and3A_2311 : vector<16xi32>
    tpu.vector_store_idx %arg7[%shift_right_logical3A_2303, %and3A_2309], %broadcast_in_dim3A_1034 {add = true} : memref<32x128xf32, #tpu.memory_space<vmem>>[vector<16xi32>, vector<16xi32>], vector<16xf32>,
    %add3A_2313 = arith.constant 8 : i32
    %add3A_2314 = vector.broadcast %add3A_2313 : i32 to vector<16xi32>
    %add3A_2315 = arith.addi %shift_right_logical3A_2306, %add3A_2314 : vector<16xi32>
    tpu.vector_store_idx %arg7[%add3A_2315, %and3A_2312], %broadcast_in_dim3A_1034 {add = true} : memref<32x128xf32, #tpu.memory_space<vmem>>[vector<16xi32>, vector<16xi32>], vector<16xf32>,
    %add3A_2316 = arith.constant 16 : i32
    %add3A_2317 = vector.broadcast %add3A_2316 : i32 to vector<16xi32>
    %add3A_2318 = arith.addi %shift_right_logical3A_2306, %add3A_2317 : vector<16xi32>
    %eq3A_2319 = arith.cmpi eq, %get3A_2298, %get3A_2300 : vector<16xi32>
    tpu.vector_store_idx %arg7[%add3A_2318, %and3A_2312], %broadcast_in_dim3A_1034 masked %eq3A_2319 {add = true} : memref<32x128xf32, #tpu.memory_space<vmem>>[vector<16xi32>, vector<16xi32>], vector<16xf32>, vector<16xi1>
    %get3A_2320 = arith.constant 896 : index
    %get3A_2321 = tpu.vector_load %arg5[%get3A_2320] {strides = array<i32>} : memref<1024xi32, #tpu.memory_space<vmem>>, vector<16xi32>,
    %get3A_2322 = arith.constant 896 : index
    %get3A_2323 = tpu.vector_load %arg6[%get3A_2322] {strides = array<i32>} : memref<1024xi32, #tpu.memory_space<vmem>>, vector<16xi32>,
    %shift_right_logical3A_2324 = arith.constant 7 : i32
    %shift_right_logical3A_2325 = vector.broadcast %shift_right_logical3A_2324 : i32 to vector<16xi32>
    %shift_right_logical3A_2326 = arith.shrui %get3A_2321, %shift_right_logical3A_2325 : vector<16xi32>
    %shift_right_logical3A_2327 = arith.constant 7 : i32
    %shift_right_logical3A_2328 = vector.broadcast %shift_right_logical3A_2327 : i32 to vector<16xi32>
    %shift_right_logical3A_2329 = arith.shrui %get3A_2323, %shift_right_logical3A_2328 : vector<16xi32>
    %and3A_2330 = arith.constant 127 : i32
    %and3A_2331 = vector.broadcast %and3A_2330 : i32 to vector<16xi32>
    %and3A_2332 = arith.andi %get3A_2321, %and3A_2331 : vector<16xi32>
    %and3A_2333 = arith.constant 127 : i32
    %and3A_2334 = vector.broadcast %and3A_2333 : i32 to vector<16xi32>
    %and3A_2335 = arith.andi %get3A_2323, %and3A_2334 : vector<16xi32>
    tpu.vector_store_idx %arg7[%shift_right_logical3A_2326, %and3A_2332], %broadcast_in_dim3A_1034 {add = true} : memref<32x128xf32, #tpu.memory_space<vmem>>[vector<16xi32>, vector<16xi32>], vector<16xf32>,
    %add3A_2336 = arith.constant 8 : i32
    %add3A_2337 = vector.broadcast %add3A_2336 : i32 to vector<16xi32>
    %add3A_2338 = arith.addi %shift_right_logical3A_2329, %add3A_2337 : vector<16xi32>
    tpu.vector_store_idx %arg7[%add3A_2338, %and3A_2335], %broadcast_in_dim3A_1034 {add = true} : memref<32x128xf32, #tpu.memory_space<vmem>>[vector<16xi32>, vector<16xi32>], vector<16xf32>,
    %add3A_2339 = arith.constant 16 : i32
    %add3A_2340 = vector.broadcast %add3A_2339 : i32 to vector<16xi32>
    %add3A_2341 = arith.addi %shift_right_logical3A_2329, %add3A_2340 : vector<16xi32>
    %eq3A_2342 = arith.cmpi eq, %get3A_2321, %get3A_2323 : vector<16xi32>
    tpu.vector_store_idx %arg7[%add3A_2341, %and3A_2335], %broadcast_in_dim3A_1034 masked %eq3A_2342 {add = true} : memref<32x128xf32, #tpu.memory_space<vmem>>[vector<16xi32>, vector<16xi32>], vector<16xf32>, vector<16xi1>
    %get3A_2343 = arith.constant 912 : index
    %get3A_2344 = tpu.vector_load %arg5[%get3A_2343] {strides = array<i32>} : memref<1024xi32, #tpu.memory_space<vmem>>, vector<16xi32>,
    %get3A_2345 = arith.constant 912 : index
    %get3A_2346 = tpu.vector_load %arg6[%get3A_2345] {strides = array<i32>} : memref<1024xi32, #tpu.memory_space<vmem>>, vector<16xi32>,
    %shift_right_logical3A_2347 = arith.constant 7 : i32
    %shift_right_logical3A_2348 = vector.broadcast %shift_right_logical3A_2347 : i32 to vector<16xi32>
    %shift_right_logical3A_2349 = arith.shrui %get3A_2344, %shift_right_logical3A_2348 : vector<16xi32>
    %shift_right_logical3A_2350 = arith.constant 7 : i32
    %shift_right_logical3A_2351 = vector.broadcast %shift_right_logical3A_2350 : i32 to vector<16xi32>
    %shift_right_logical3A_2352 = arith.shrui %get3A_2346, %shift_right_logical3A_2351 : vector<16xi32>
    %and3A_2353 = arith.constant 127 : i32
    %and3A_2354 = vector.broadcast %and3A_2353 : i32 to vector<16xi32>
    %and3A_2355 = arith.andi %get3A_2344, %and3A_2354 : vector<16xi32>
    %and3A_2356 = arith.constant 127 : i32
    %and3A_2357 = vector.broadcast %and3A_2356 : i32 to vector<16xi32>
    %and3A_2358 = arith.andi %get3A_2346, %and3A_2357 : vector<16xi32>
    tpu.vector_store_idx %arg7[%shift_right_logical3A_2349, %and3A_2355], %broadcast_in_dim3A_1034 {add = true} : memref<32x128xf32, #tpu.memory_space<vmem>>[vector<16xi32>, vector<16xi32>], vector<16xf32>,
    %add3A_2359 = arith.constant 8 : i32
    %add3A_2360 = vector.broadcast %add3A_2359 : i32 to vector<16xi32>
    %add3A_2361 = arith.addi %shift_right_logical3A_2352, %add3A_2360 : vector<16xi32>
    tpu.vector_store_idx %arg7[%add3A_2361, %and3A_2358], %broadcast_in_dim3A_1034 {add = true} : memref<32x128xf32, #tpu.memory_space<vmem>>[vector<16xi32>, vector<16xi32>], vector<16xf32>,
    %add3A_2362 = arith.constant 16 : i32
    %add3A_2363 = vector.broadcast %add3A_2362 : i32 to vector<16xi32>
    %add3A_2364 = arith.addi %shift_right_logical3A_2352, %add3A_2363 : vector<16xi32>
    %eq3A_2365 = arith.cmpi eq, %get3A_2344, %get3A_2346 : vector<16xi32>
    tpu.vector_store_idx %arg7[%add3A_2364, %and3A_2358], %broadcast_in_dim3A_1034 masked %eq3A_2365 {add = true} : memref<32x128xf32, #tpu.memory_space<vmem>>[vector<16xi32>, vector<16xi32>], vector<16xf32>, vector<16xi1>
    %get3A_2366 = arith.constant 928 : index
    %get3A_2367 = tpu.vector_load %arg5[%get3A_2366] {strides = array<i32>} : memref<1024xi32, #tpu.memory_space<vmem>>, vector<16xi32>,
    %get3A_2368 = arith.constant 928 : index
    %get3A_2369 = tpu.vector_load %arg6[%get3A_2368] {strides = array<i32>} : memref<1024xi32, #tpu.memory_space<vmem>>, vector<16xi32>,
    %shift_right_logical3A_2370 = arith.constant 7 : i32
    %shift_right_logical3A_2371 = vector.broadcast %shift_right_logical3A_2370 : i32 to vector<16xi32>
    %shift_right_logical3A_2372 = arith.shrui %get3A_2367, %shift_right_logical3A_2371 : vector<16xi32>
    %shift_right_logical3A_2373 = arith.constant 7 : i32
    %shift_right_logical3A_2374 = vector.broadcast %shift_right_logical3A_2373 : i32 to vector<16xi32>
    %shift_right_logical3A_2375 = arith.shrui %get3A_2369, %shift_right_logical3A_2374 : vector<16xi32>
    %and3A_2376 = arith.constant 127 : i32
    %and3A_2377 = vector.broadcast %and3A_2376 : i32 to vector<16xi32>
    %and3A_2378 = arith.andi %get3A_2367, %and3A_2377 : vector<16xi32>
    %and3A_2379 = arith.constant 127 : i32
    %and3A_2380 = vector.broadcast %and3A_2379 : i32 to vector<16xi32>
    %and3A_2381 = arith.andi %get3A_2369, %and3A_2380 : vector<16xi32>
    tpu.vector_store_idx %arg7[%shift_right_logical3A_2372, %and3A_2378], %broadcast_in_dim3A_1034 {add = true} : memref<32x128xf32, #tpu.memory_space<vmem>>[vector<16xi32>, vector<16xi32>], vector<16xf32>,
    %add3A_2382 = arith.constant 8 : i32
    %add3A_2383 = vector.broadcast %add3A_2382 : i32 to vector<16xi32>
    %add3A_2384 = arith.addi %shift_right_logical3A_2375, %add3A_2383 : vector<16xi32>
    tpu.vector_store_idx %arg7[%add3A_2384, %and3A_2381], %broadcast_in_dim3A_1034 {add = true} : memref<32x128xf32, #tpu.memory_space<vmem>>[vector<16xi32>, vector<16xi32>], vector<16xf32>,
    %add3A_2385 = arith.constant 16 : i32
    %add3A_2386 = vector.broadcast %add3A_2385 : i32 to vector<16xi32>
    %add3A_2387 = arith.addi %shift_right_logical3A_2375, %add3A_2386 : vector<16xi32>
    %eq3A_2388 = arith.cmpi eq, %get3A_2367, %get3A_2369 : vector<16xi32>
    tpu.vector_store_idx %arg7[%add3A_2387, %and3A_2381], %broadcast_in_dim3A_1034 masked %eq3A_2388 {add = true} : memref<32x128xf32, #tpu.memory_space<vmem>>[vector<16xi32>, vector<16xi32>], vector<16xf32>, vector<16xi1>
    %get3A_2389 = arith.constant 944 : index
    %get3A_2390 = tpu.vector_load %arg5[%get3A_2389] {strides = array<i32>} : memref<1024xi32, #tpu.memory_space<vmem>>, vector<16xi32>,
    %get3A_2391 = arith.constant 944 : index
    %get3A_2392 = tpu.vector_load %arg6[%get3A_2391] {strides = array<i32>} : memref<1024xi32, #tpu.memory_space<vmem>>, vector<16xi32>,
    %shift_right_logical3A_2393 = arith.constant 7 : i32
    %shift_right_logical3A_2394 = vector.broadcast %shift_right_logical3A_2393 : i32 to vector<16xi32>
    %shift_right_logical3A_2395 = arith.shrui %get3A_2390, %shift_right_logical3A_2394 : vector<16xi32>
    %shift_right_logical3A_2396 = arith.constant 7 : i32
    %shift_right_logical3A_2397 = vector.broadcast %shift_right_logical3A_2396 : i32 to vector<16xi32>
    %shift_right_logical3A_2398 = arith.shrui %get3A_2392, %shift_right_logical3A_2397 : vector<16xi32>
    %and3A_2399 = arith.constant 127 : i32
    %and3A_2400 = vector.broadcast %and3A_2399 : i32 to vector<16xi32>
    %and3A_2401 = arith.andi %get3A_2390, %and3A_2400 : vector<16xi32>
    %and3A_2402 = arith.constant 127 : i32
    %and3A_2403 = vector.broadcast %and3A_2402 : i32 to vector<16xi32>
    %and3A_2404 = arith.andi %get3A_2392, %and3A_2403 : vector<16xi32>
    tpu.vector_store_idx %arg7[%shift_right_logical3A_2395, %and3A_2401], %broadcast_in_dim3A_1034 {add = true} : memref<32x128xf32, #tpu.memory_space<vmem>>[vector<16xi32>, vector<16xi32>], vector<16xf32>,
    %add3A_2405 = arith.constant 8 : i32
    %add3A_2406 = vector.broadcast %add3A_2405 : i32 to vector<16xi32>
    %add3A_2407 = arith.addi %shift_right_logical3A_2398, %add3A_2406 : vector<16xi32>
    tpu.vector_store_idx %arg7[%add3A_2407, %and3A_2404], %broadcast_in_dim3A_1034 {add = true} : memref<32x128xf32, #tpu.memory_space<vmem>>[vector<16xi32>, vector<16xi32>], vector<16xf32>,
    %add3A_2408 = arith.constant 16 : i32
    %add3A_2409 = vector.broadcast %add3A_2408 : i32 to vector<16xi32>
    %add3A_2410 = arith.addi %shift_right_logical3A_2398, %add3A_2409 : vector<16xi32>
    %eq3A_2411 = arith.cmpi eq, %get3A_2390, %get3A_2392 : vector<16xi32>
    tpu.vector_store_idx %arg7[%add3A_2410, %and3A_2404], %broadcast_in_dim3A_1034 masked %eq3A_2411 {add = true} : memref<32x128xf32, #tpu.memory_space<vmem>>[vector<16xi32>, vector<16xi32>], vector<16xf32>, vector<16xi1>
    %get3A_2412 = arith.constant 960 : index
    %get3A_2413 = tpu.vector_load %arg5[%get3A_2412] {strides = array<i32>} : memref<1024xi32, #tpu.memory_space<vmem>>, vector<16xi32>,
    %get3A_2414 = arith.constant 960 : index
    %get3A_2415 = tpu.vector_load %arg6[%get3A_2414] {strides = array<i32>} : memref<1024xi32, #tpu.memory_space<vmem>>, vector<16xi32>,
    %shift_right_logical3A_2416 = arith.constant 7 : i32
    %shift_right_logical3A_2417 = vector.broadcast %shift_right_logical3A_2416 : i32 to vector<16xi32>
    %shift_right_logical3A_2418 = arith.shrui %get3A_2413, %shift_right_logical3A_2417 : vector<16xi32>
    %shift_right_logical3A_2419 = arith.constant 7 : i32
    %shift_right_logical3A_2420 = vector.broadcast %shift_right_logical3A_2419 : i32 to vector<16xi32>
    %shift_right_logical3A_2421 = arith.shrui %get3A_2415, %shift_right_logical3A_2420 : vector<16xi32>
    %and3A_2422 = arith.constant 127 : i32
    %and3A_2423 = vector.broadcast %and3A_2422 : i32 to vector<16xi32>
    %and3A_2424 = arith.andi %get3A_2413, %and3A_2423 : vector<16xi32>
    %and3A_2425 = arith.constant 127 : i32
    %and3A_2426 = vector.broadcast %and3A_2425 : i32 to vector<16xi32>
    %and3A_2427 = arith.andi %get3A_2415, %and3A_2426 : vector<16xi32>
    tpu.vector_store_idx %arg7[%shift_right_logical3A_2418, %and3A_2424], %broadcast_in_dim3A_1034 {add = true} : memref<32x128xf32, #tpu.memory_space<vmem>>[vector<16xi32>, vector<16xi32>], vector<16xf32>,
    %add3A_2428 = arith.constant 8 : i32
    %add3A_2429 = vector.broadcast %add3A_2428 : i32 to vector<16xi32>
    %add3A_2430 = arith.addi %shift_right_logical3A_2421, %add3A_2429 : vector<16xi32>
    tpu.vector_store_idx %arg7[%add3A_2430, %and3A_2427], %broadcast_in_dim3A_1034 {add = true} : memref<32x128xf32, #tpu.memory_space<vmem>>[vector<16xi32>, vector<16xi32>], vector<16xf32>,
    %add3A_2431 = arith.constant 16 : i32
    %add3A_2432 = vector.broadcast %add3A_2431 : i32 to vector<16xi32>
    %add3A_2433 = arith.addi %shift_right_logical3A_2421, %add3A_2432 : vector<16xi32>
    %eq3A_2434 = arith.cmpi eq, %get3A_2413, %get3A_2415 : vector<16xi32>
    tpu.vector_store_idx %arg7[%add3A_2433, %and3A_2427], %broadcast_in_dim3A_1034 masked %eq3A_2434 {add = true} : memref<32x128xf32, #tpu.memory_space<vmem>>[vector<16xi32>, vector<16xi32>], vector<16xf32>, vector<16xi1>
    %get3A_2435 = arith.constant 976 : index
    %get3A_2436 = tpu.vector_load %arg5[%get3A_2435] {strides = array<i32>} : memref<1024xi32, #tpu.memory_space<vmem>>, vector<16xi32>,
    %get3A_2437 = arith.constant 976 : index
    %get3A_2438 = tpu.vector_load %arg6[%get3A_2437] {strides = array<i32>} : memref<1024xi32, #tpu.memory_space<vmem>>, vector<16xi32>,
    %shift_right_logical3A_2439 = arith.constant 7 : i32
    %shift_right_logical3A_2440 = vector.broadcast %shift_right_logical3A_2439 : i32 to vector<16xi32>
    %shift_right_logical3A_2441 = arith.shrui %get3A_2436, %shift_right_logical3A_2440 : vector<16xi32>
    %shift_right_logical3A_2442 = arith.constant 7 : i32
    %shift_right_logical3A_2443 = vector.broadcast %shift_right_logical3A_2442 : i32 to vector<16xi32>
    %shift_right_logical3A_2444 = arith.shrui %get3A_2438, %shift_right_logical3A_2443 : vector<16xi32>
    %and3A_2445 = arith.constant 127 : i32
    %and3A_2446 = vector.broadcast %and3A_2445 : i32 to vector<16xi32>
    %and3A_2447 = arith.andi %get3A_2436, %and3A_2446 : vector<16xi32>
    %and3A_2448 = arith.constant 127 : i32
    %and3A_2449 = vector.broadcast %and3A_2448 : i32 to vector<16xi32>
    %and3A_2450 = arith.andi %get3A_2438, %and3A_2449 : vector<16xi32>
    tpu.vector_store_idx %arg7[%shift_right_logical3A_2441, %and3A_2447], %broadcast_in_dim3A_1034 {add = true} : memref<32x128xf32, #tpu.memory_space<vmem>>[vector<16xi32>, vector<16xi32>], vector<16xf32>,
    %add3A_2451 = arith.constant 8 : i32
    %add3A_2452 = vector.broadcast %add3A_2451 : i32 to vector<16xi32>
    %add3A_2453 = arith.addi %shift_right_logical3A_2444, %add3A_2452 : vector<16xi32>
    tpu.vector_store_idx %arg7[%add3A_2453, %and3A_2450], %broadcast_in_dim3A_1034 {add = true} : memref<32x128xf32, #tpu.memory_space<vmem>>[vector<16xi32>, vector<16xi32>], vector<16xf32>,
    %add3A_2454 = arith.constant 16 : i32
    %add3A_2455 = vector.broadcast %add3A_2454 : i32 to vector<16xi32>
    %add3A_2456 = arith.addi %shift_right_logical3A_2444, %add3A_2455 : vector<16xi32>
    %eq3A_2457 = arith.cmpi eq, %get3A_2436, %get3A_2438 : vector<16xi32>
    tpu.vector_store_idx %arg7[%add3A_2456, %and3A_2450], %broadcast_in_dim3A_1034 masked %eq3A_2457 {add = true} : memref<32x128xf32, #tpu.memory_space<vmem>>[vector<16xi32>, vector<16xi32>], vector<16xf32>, vector<16xi1>
    %get3A_2458 = arith.constant 992 : index
    %get3A_2459 = tpu.vector_load %arg5[%get3A_2458] {strides = array<i32>} : memref<1024xi32, #tpu.memory_space<vmem>>, vector<16xi32>,
    %get3A_2460 = arith.constant 992 : index
    %get3A_2461 = tpu.vector_load %arg6[%get3A_2460] {strides = array<i32>} : memref<1024xi32, #tpu.memory_space<vmem>>, vector<16xi32>,
    %shift_right_logical3A_2462 = arith.constant 7 : i32
    %shift_right_logical3A_2463 = vector.broadcast %shift_right_logical3A_2462 : i32 to vector<16xi32>
    %shift_right_logical3A_2464 = arith.shrui %get3A_2459, %shift_right_logical3A_2463 : vector<16xi32>
    %shift_right_logical3A_2465 = arith.constant 7 : i32
    %shift_right_logical3A_2466 = vector.broadcast %shift_right_logical3A_2465 : i32 to vector<16xi32>
    %shift_right_logical3A_2467 = arith.shrui %get3A_2461, %shift_right_logical3A_2466 : vector<16xi32>
    %and3A_2468 = arith.constant 127 : i32
    %and3A_2469 = vector.broadcast %and3A_2468 : i32 to vector<16xi32>
    %and3A_2470 = arith.andi %get3A_2459, %and3A_2469 : vector<16xi32>
    %and3A_2471 = arith.constant 127 : i32
    %and3A_2472 = vector.broadcast %and3A_2471 : i32 to vector<16xi32>
    %and3A_2473 = arith.andi %get3A_2461, %and3A_2472 : vector<16xi32>
    tpu.vector_store_idx %arg7[%shift_right_logical3A_2464, %and3A_2470], %broadcast_in_dim3A_1034 {add = true} : memref<32x128xf32, #tpu.memory_space<vmem>>[vector<16xi32>, vector<16xi32>], vector<16xf32>,
    %add3A_2474 = arith.constant 8 : i32
    %add3A_2475 = vector.broadcast %add3A_2474 : i32 to vector<16xi32>
    %add3A_2476 = arith.addi %shift_right_logical3A_2467, %add3A_2475 : vector<16xi32>
    tpu.vector_store_idx %arg7[%add3A_2476, %and3A_2473], %broadcast_in_dim3A_1034 {add = true} : memref<32x128xf32, #tpu.memory_space<vmem>>[vector<16xi32>, vector<16xi32>], vector<16xf32>,
    %add3A_2477 = arith.constant 16 : i32
    %add3A_2478 = vector.broadcast %add3A_2477 : i32 to vector<16xi32>
    %add3A_2479 = arith.addi %shift_right_logical3A_2467, %add3A_2478 : vector<16xi32>
    %eq3A_2480 = arith.cmpi eq, %get3A_2459, %get3A_2461 : vector<16xi32>
    tpu.vector_store_idx %arg7[%add3A_2479, %and3A_2473], %broadcast_in_dim3A_1034 masked %eq3A_2480 {add = true} : memref<32x128xf32, #tpu.memory_space<vmem>>[vector<16xi32>, vector<16xi32>], vector<16xf32>, vector<16xi1>
    %get3A_2481 = arith.constant 1008 : index
    %get3A_2482 = tpu.vector_load %arg5[%get3A_2481] {strides = array<i32>} : memref<1024xi32, #tpu.memory_space<vmem>>, vector<16xi32>,
    %get3A_2483 = arith.constant 1008 : index
    %get3A_2484 = tpu.vector_load %arg6[%get3A_2483] {strides = array<i32>} : memref<1024xi32, #tpu.memory_space<vmem>>, vector<16xi32>,
    %shift_right_logical3A_2485 = arith.constant 7 : i32
    %shift_right_logical3A_2486 = vector.broadcast %shift_right_logical3A_2485 : i32 to vector<16xi32>
    %shift_right_logical3A_2487 = arith.shrui %get3A_2482, %shift_right_logical3A_2486 : vector<16xi32>
    %shift_right_logical3A_2488 = arith.constant 7 : i32
    %shift_right_logical3A_2489 = vector.broadcast %shift_right_logical3A_2488 : i32 to vector<16xi32>
    %shift_right_logical3A_2490 = arith.shrui %get3A_2484, %shift_right_logical3A_2489 : vector<16xi32>
    %and3A_2491 = arith.constant 127 : i32
    %and3A_2492 = vector.broadcast %and3A_2491 : i32 to vector<16xi32>
    %and3A_2493 = arith.andi %get3A_2482, %and3A_2492 : vector<16xi32>
    %and3A_2494 = arith.constant 127 : i32
    %and3A_2495 = vector.broadcast %and3A_2494 : i32 to vector<16xi32>
    %and3A_2496 = arith.andi %get3A_2484, %and3A_2495 : vector<16xi32>
    tpu.vector_store_idx %arg7[%shift_right_logical3A_2487, %and3A_2493], %broadcast_in_dim3A_1034 {add = true} : memref<32x128xf32, #tpu.memory_space<vmem>>[vector<16xi32>, vector<16xi32>], vector<16xf32>,
    %add3A_2497 = arith.constant 8 : i32
    %add3A_2498 = vector.broadcast %add3A_2497 : i32 to vector<16xi32>
    %add3A_2499 = arith.addi %shift_right_logical3A_2490, %add3A_2498 : vector<16xi32>
    tpu.vector_store_idx %arg7[%add3A_2499, %and3A_2496], %broadcast_in_dim3A_1034 {add = true} : memref<32x128xf32, #tpu.memory_space<vmem>>[vector<16xi32>, vector<16xi32>], vector<16xf32>,
    %add3A_2500 = arith.constant 16 : i32
    %add3A_2501 = vector.broadcast %add3A_2500 : i32 to vector<16xi32>
    %add3A_2502 = arith.addi %shift_right_logical3A_2490, %add3A_2501 : vector<16xi32>
    %eq3A_2503 = arith.cmpi eq, %get3A_2482, %get3A_2484 : vector<16xi32>
    tpu.vector_store_idx %arg7[%add3A_2502, %and3A_2496], %broadcast_in_dim3A_1034 masked %eq3A_2503 {add = true} : memref<32x128xf32, #tpu.memory_space<vmem>>[vector<16xi32>, vector<16xi32>], vector<16xf32>, vector<16xi1>
    "tpu.region"() ({
      %run_scoped3A = tpu.sem_alloc : memref<!tpu.dma_semaphore, #tpu.memory_space<semaphore_mem>>
      %dma_start3A = arith.constant 0 : i32
      %dma_start3A_2510 = arith.constant 0 : i32
      %dma_start3A_2511 = tpu.memref_slice %arg10[%dma_start3A, %dma_start3A_2510] : memref<32x128xf32, #tpu.memory_space<vmem_shared>> -> memref<32x128xf32, #tpu.memory_space<vmem_shared>>
      tpu.enqueue_indirect_dma source(%arg7 : memref<32x128xf32, #tpu.memory_space<vmem>>) target(%dma_start3A_2511 : memref<32x128xf32, #tpu.memory_space<vmem_shared>>) offsets(%arg8 : memref<32xi32, #tpu.memory_space<vmem>>) semaphore(%run_scoped3A : memref<!tpu.dma_semaphore, #tpu.memory_space<semaphore_mem>>) {add = true}
      %dma_wait3A = arith.constant 0 : i32
      %dma_wait3A_2512 = arith.constant 0 : i32
      %dma_wait3A_2513 = tpu.memref_slice %arg10[%dma_wait3A, %dma_wait3A_2512] : memref<32x128xf32, #tpu.memory_space<vmem_shared>> -> memref<32x128xf32, #tpu.memory_space<vmem_shared>>
      tpu.wait_indirect_dma semaphore(%run_scoped3A : memref<!tpu.dma_semaphore, #tpu.memory_space<semaphore_mem>>) src(%arg7 : memref<32x128xf32, #tpu.memory_space<vmem>>) dst(%dma_wait3A_2513 : memref<32x128xf32, #tpu.memory_space<vmem_shared>>)
      tpu.yield
    }) : () -> ()
    %barrier3A_2504 = arith.constant 0 : index
    tpu.barrier barrier_id(%barrier3A_2504)
    %eq3A_2505 = arith.constant 0 : i32
    %eq3A_2506 = arith.cmpi eq, %arg1, %eq3A_2505 : i32
    %convert_element_type3A_2507 = arith.extui %eq3A_2506 : i1 to i32
    %cond3A_2508 = arith.constant 0 : i32
    %cond3A_2509 = arith.cmpi ne, %convert_element_type3A_2507, %cond3A_2508 : i32
    scf.if %cond3A_2509 {
      "tpu.region"() ({
        %run_scoped3A = tpu.sem_alloc : memref<!tpu.dma_semaphore, #tpu.memory_space<semaphore_mem>>
        tpu.enqueue_dma source(%arg10 : memref<32x128xf32, #tpu.memory_space<vmem_shared>>) target(%arg7 : memref<32x128xf32, #tpu.memory_space<vmem>>) target_semaphore(%run_scoped3A : memref<!tpu.dma_semaphore, #tpu.memory_space<semaphore_mem>>)
        tpu.wait_dma2 semaphore(%run_scoped3A : memref<!tpu.dma_semaphore, #tpu.memory_space<semaphore_mem>>) src(%arg10 : memref<32x128xf32, #tpu.memory_space<vmem_shared>>) dst(%arg7 : memref<32x128xf32, #tpu.memory_space<vmem>>)
        tpu.yield
      }) : () -> ()
      %broadcast_in_dim3A_2510 = arith.constant 0.000000e+00 : f32
      %broadcast_in_dim3A_2511 = vector.broadcast %broadcast_in_dim3A_2510 : f32 to vector<16xf32>
      %broadcast_in_dim3A_2512 = arith.constant 0.000000e+00 : f32
      %broadcast_in_dim3A_2513 = vector.broadcast %broadcast_in_dim3A_2512 : f32 to vector<16xf32>
      %get3A_2514 = arith.constant 0 : i32
      %get3A_2515 = arith.index_cast %get3A_2514 : i32 to index
      %get3A_2516 = arith.constant 0 : index
      %get3A_2517 = tpu.vector_load %arg7[%get3A_2515, %get3A_2516] {strides = array<i32>} : memref<32x128xf32, #tpu.memory_space<vmem>>, vector<16xf32>,
      %get3A_2518 = arith.constant 8 : i32
      %get3A_2519 = arith.index_cast %get3A_2518 : i32 to index
      %get3A_2520 = arith.constant 0 : index
      %get3A_2521 = tpu.vector_load %arg7[%get3A_2519, %get3A_2520] {strides = array<i32>} : memref<32x128xf32, #tpu.memory_space<vmem>>, vector<16xf32>,
      %get3A_2522 = arith.constant 16 : i32
      %get3A_2523 = arith.index_cast %get3A_2522 : i32 to index
      %get3A_2524 = arith.constant 0 : index
      %get3A_2525 = tpu.vector_load %arg7[%get3A_2523, %get3A_2524] {strides = array<i32>} : memref<32x128xf32, #tpu.memory_space<vmem>>, vector<16xf32>,
      %add3A_2526 = arith.constant 1.000000e-07 : f32
      %add3A_2527 = vector.broadcast %add3A_2526 : f32 to vector<16xf32>
      %add3A_2528 = arith.addf %get3A_2521, %add3A_2527 : vector<16xf32>
      %div3A = arith.divf %get3A_2525, %add3A_2528 : vector<16xf32>
      %add3A_2529 = arith.addf %broadcast_in_dim3A_2511, %div3A : vector<16xf32>
      %add3A_2530 = arith.constant 1.000000e-07 : f32
      %add3A_2531 = vector.broadcast %add3A_2530 : f32 to vector<16xf32>
      %add3A_2532 = arith.addf %get3A_2517, %add3A_2531 : vector<16xf32>
      %div3A_2533 = arith.divf %get3A_2525, %add3A_2532 : vector<16xf32>
      %add3A_2534 = arith.addf %broadcast_in_dim3A_2513, %div3A_2533 : vector<16xf32>
      %get3A_2535 = arith.constant 0 : i32
      %get3A_2536 = arith.index_cast %get3A_2535 : i32 to index
      %get3A_2537 = arith.constant 16 : index
      %get3A_2538 = tpu.vector_load %arg7[%get3A_2536, %get3A_2537] {strides = array<i32>} : memref<32x128xf32, #tpu.memory_space<vmem>>, vector<16xf32>,
      %get3A_2539 = arith.constant 8 : i32
      %get3A_2540 = arith.index_cast %get3A_2539 : i32 to index
      %get3A_2541 = arith.constant 16 : index
      %get3A_2542 = tpu.vector_load %arg7[%get3A_2540, %get3A_2541] {strides = array<i32>} : memref<32x128xf32, #tpu.memory_space<vmem>>, vector<16xf32>,
      %get3A_2543 = arith.constant 16 : i32
      %get3A_2544 = arith.index_cast %get3A_2543 : i32 to index
      %get3A_2545 = arith.constant 16 : index
      %get3A_2546 = tpu.vector_load %arg7[%get3A_2544, %get3A_2545] {strides = array<i32>} : memref<32x128xf32, #tpu.memory_space<vmem>>, vector<16xf32>,
      %add3A_2547 = arith.constant 1.000000e-07 : f32
      %add3A_2548 = vector.broadcast %add3A_2547 : f32 to vector<16xf32>
      %add3A_2549 = arith.addf %get3A_2542, %add3A_2548 : vector<16xf32>
      %div3A_2550 = arith.divf %get3A_2546, %add3A_2549 : vector<16xf32>
      %add3A_2551 = arith.addf %add3A_2529, %div3A_2550 : vector<16xf32>
      %add3A_2552 = arith.constant 1.000000e-07 : f32
      %add3A_2553 = vector.broadcast %add3A_2552 : f32 to vector<16xf32>
      %add3A_2554 = arith.addf %get3A_2538, %add3A_2553 : vector<16xf32>
      %div3A_2555 = arith.divf %get3A_2546, %add3A_2554 : vector<16xf32>
      %add3A_2556 = arith.addf %add3A_2534, %div3A_2555 : vector<16xf32>
      %get3A_2557 = arith.constant 0 : i32
      %get3A_2558 = arith.index_cast %get3A_2557 : i32 to index
      %get3A_2559 = arith.constant 32 : index
      %get3A_2560 = tpu.vector_load %arg7[%get3A_2558, %get3A_2559] {strides = array<i32>} : memref<32x128xf32, #tpu.memory_space<vmem>>, vector<16xf32>,
      %get3A_2561 = arith.constant 8 : i32
      %get3A_2562 = arith.index_cast %get3A_2561 : i32 to index
      %get3A_2563 = arith.constant 32 : index
      %get3A_2564 = tpu.vector_load %arg7[%get3A_2562, %get3A_2563] {strides = array<i32>} : memref<32x128xf32, #tpu.memory_space<vmem>>, vector<16xf32>,
      %get3A_2565 = arith.constant 16 : i32
      %get3A_2566 = arith.index_cast %get3A_2565 : i32 to index
      %get3A_2567 = arith.constant 32 : index
      %get3A_2568 = tpu.vector_load %arg7[%get3A_2566, %get3A_2567] {strides = array<i32>} : memref<32x128xf32, #tpu.memory_space<vmem>>, vector<16xf32>,
      %add3A_2569 = arith.constant 1.000000e-07 : f32
      %add3A_2570 = vector.broadcast %add3A_2569 : f32 to vector<16xf32>
      %add3A_2571 = arith.addf %get3A_2564, %add3A_2570 : vector<16xf32>
      %div3A_2572 = arith.divf %get3A_2568, %add3A_2571 : vector<16xf32>
      %add3A_2573 = arith.addf %add3A_2551, %div3A_2572 : vector<16xf32>
      %add3A_2574 = arith.constant 1.000000e-07 : f32
      %add3A_2575 = vector.broadcast %add3A_2574 : f32 to vector<16xf32>
      %add3A_2576 = arith.addf %get3A_2560, %add3A_2575 : vector<16xf32>
      %div3A_2577 = arith.divf %get3A_2568, %add3A_2576 : vector<16xf32>
      %add3A_2578 = arith.addf %add3A_2556, %div3A_2577 : vector<16xf32>
      %get3A_2579 = arith.constant 0 : i32
      %get3A_2580 = arith.index_cast %get3A_2579 : i32 to index
      %get3A_2581 = arith.constant 48 : index
      %get3A_2582 = tpu.vector_load %arg7[%get3A_2580, %get3A_2581] {strides = array<i32>} : memref<32x128xf32, #tpu.memory_space<vmem>>, vector<16xf32>,
      %get3A_2583 = arith.constant 8 : i32
      %get3A_2584 = arith.index_cast %get3A_2583 : i32 to index
      %get3A_2585 = arith.constant 48 : index
      %get3A_2586 = tpu.vector_load %arg7[%get3A_2584, %get3A_2585] {strides = array<i32>} : memref<32x128xf32, #tpu.memory_space<vmem>>, vector<16xf32>,
      %get3A_2587 = arith.constant 16 : i32
      %get3A_2588 = arith.index_cast %get3A_2587 : i32 to index
      %get3A_2589 = arith.constant 48 : index
      %get3A_2590 = tpu.vector_load %arg7[%get3A_2588, %get3A_2589] {strides = array<i32>} : memref<32x128xf32, #tpu.memory_space<vmem>>, vector<16xf32>,
      %add3A_2591 = arith.constant 1.000000e-07 : f32
      %add3A_2592 = vector.broadcast %add3A_2591 : f32 to vector<16xf32>
      %add3A_2593 = arith.addf %get3A_2586, %add3A_2592 : vector<16xf32>
      %div3A_2594 = arith.divf %get3A_2590, %add3A_2593 : vector<16xf32>
      %add3A_2595 = arith.addf %add3A_2573, %div3A_2594 : vector<16xf32>
      %add3A_2596 = arith.constant 1.000000e-07 : f32
      %add3A_2597 = vector.broadcast %add3A_2596 : f32 to vector<16xf32>
      %add3A_2598 = arith.addf %get3A_2582, %add3A_2597 : vector<16xf32>
      %div3A_2599 = arith.divf %get3A_2590, %add3A_2598 : vector<16xf32>
      %add3A_2600 = arith.addf %add3A_2578, %div3A_2599 : vector<16xf32>
      %get3A_2601 = arith.constant 0 : i32
      %get3A_2602 = arith.index_cast %get3A_2601 : i32 to index
      %get3A_2603 = arith.constant 64 : index
      %get3A_2604 = tpu.vector_load %arg7[%get3A_2602, %get3A_2603] {strides = array<i32>} : memref<32x128xf32, #tpu.memory_space<vmem>>, vector<16xf32>,
      %get3A_2605 = arith.constant 8 : i32
      %get3A_2606 = arith.index_cast %get3A_2605 : i32 to index
      %get3A_2607 = arith.constant 64 : index
      %get3A_2608 = tpu.vector_load %arg7[%get3A_2606, %get3A_2607] {strides = array<i32>} : memref<32x128xf32, #tpu.memory_space<vmem>>, vector<16xf32>,
      %get3A_2609 = arith.constant 16 : i32
      %get3A_2610 = arith.index_cast %get3A_2609 : i32 to index
      %get3A_2611 = arith.constant 64 : index
      %get3A_2612 = tpu.vector_load %arg7[%get3A_2610, %get3A_2611] {strides = array<i32>} : memref<32x128xf32, #tpu.memory_space<vmem>>, vector<16xf32>,
      %add3A_2613 = arith.constant 1.000000e-07 : f32
      %add3A_2614 = vector.broadcast %add3A_2613 : f32 to vector<16xf32>
      %add3A_2615 = arith.addf %get3A_2608, %add3A_2614 : vector<16xf32>
      %div3A_2616 = arith.divf %get3A_2612, %add3A_2615 : vector<16xf32>
      %add3A_2617 = arith.addf %add3A_2595, %div3A_2616 : vector<16xf32>
      %add3A_2618 = arith.constant 1.000000e-07 : f32
      %add3A_2619 = vector.broadcast %add3A_2618 : f32 to vector<16xf32>
      %add3A_2620 = arith.addf %get3A_2604, %add3A_2619 : vector<16xf32>
      %div3A_2621 = arith.divf %get3A_2612, %add3A_2620 : vector<16xf32>
      %add3A_2622 = arith.addf %add3A_2600, %div3A_2621 : vector<16xf32>
      %get3A_2623 = arith.constant 0 : i32
      %get3A_2624 = arith.index_cast %get3A_2623 : i32 to index
      %get3A_2625 = arith.constant 80 : index
      %get3A_2626 = tpu.vector_load %arg7[%get3A_2624, %get3A_2625] {strides = array<i32>} : memref<32x128xf32, #tpu.memory_space<vmem>>, vector<16xf32>,
      %get3A_2627 = arith.constant 8 : i32
      %get3A_2628 = arith.index_cast %get3A_2627 : i32 to index
      %get3A_2629 = arith.constant 80 : index
      %get3A_2630 = tpu.vector_load %arg7[%get3A_2628, %get3A_2629] {strides = array<i32>} : memref<32x128xf32, #tpu.memory_space<vmem>>, vector<16xf32>,
      %get3A_2631 = arith.constant 16 : i32
      %get3A_2632 = arith.index_cast %get3A_2631 : i32 to index
      %get3A_2633 = arith.constant 80 : index
      %get3A_2634 = tpu.vector_load %arg7[%get3A_2632, %get3A_2633] {strides = array<i32>} : memref<32x128xf32, #tpu.memory_space<vmem>>, vector<16xf32>,
      %add3A_2635 = arith.constant 1.000000e-07 : f32
      %add3A_2636 = vector.broadcast %add3A_2635 : f32 to vector<16xf32>
      %add3A_2637 = arith.addf %get3A_2630, %add3A_2636 : vector<16xf32>
      %div3A_2638 = arith.divf %get3A_2634, %add3A_2637 : vector<16xf32>
      %add3A_2639 = arith.addf %add3A_2617, %div3A_2638 : vector<16xf32>
      %add3A_2640 = arith.constant 1.000000e-07 : f32
      %add3A_2641 = vector.broadcast %add3A_2640 : f32 to vector<16xf32>
      %add3A_2642 = arith.addf %get3A_2626, %add3A_2641 : vector<16xf32>
      %div3A_2643 = arith.divf %get3A_2634, %add3A_2642 : vector<16xf32>
      %add3A_2644 = arith.addf %add3A_2622, %div3A_2643 : vector<16xf32>
      %get3A_2645 = arith.constant 0 : i32
      %get3A_2646 = arith.index_cast %get3A_2645 : i32 to index
      %get3A_2647 = arith.constant 96 : index
      %get3A_2648 = tpu.vector_load %arg7[%get3A_2646, %get3A_2647] {strides = array<i32>} : memref<32x128xf32, #tpu.memory_space<vmem>>, vector<16xf32>,
      %get3A_2649 = arith.constant 8 : i32
      %get3A_2650 = arith.index_cast %get3A_2649 : i32 to index
      %get3A_2651 = arith.constant 96 : index
      %get3A_2652 = tpu.vector_load %arg7[%get3A_2650, %get3A_2651] {strides = array<i32>} : memref<32x128xf32, #tpu.memory_space<vmem>>, vector<16xf32>,
      %get3A_2653 = arith.constant 16 : i32
      %get3A_2654 = arith.index_cast %get3A_2653 : i32 to index
      %get3A_2655 = arith.constant 96 : index
      %get3A_2656 = tpu.vector_load %arg7[%get3A_2654, %get3A_2655] {strides = array<i32>} : memref<32x128xf32, #tpu.memory_space<vmem>>, vector<16xf32>,
      %add3A_2657 = arith.constant 1.000000e-07 : f32
      %add3A_2658 = vector.broadcast %add3A_2657 : f32 to vector<16xf32>
      %add3A_2659 = arith.addf %get3A_2652, %add3A_2658 : vector<16xf32>
      %div3A_2660 = arith.divf %get3A_2656, %add3A_2659 : vector<16xf32>
      %add3A_2661 = arith.addf %add3A_2639, %div3A_2660 : vector<16xf32>
      %add3A_2662 = arith.constant 1.000000e-07 : f32
      %add3A_2663 = vector.broadcast %add3A_2662 : f32 to vector<16xf32>
      %add3A_2664 = arith.addf %get3A_2648, %add3A_2663 : vector<16xf32>
      %div3A_2665 = arith.divf %get3A_2656, %add3A_2664 : vector<16xf32>
      %add3A_2666 = arith.addf %add3A_2644, %div3A_2665 : vector<16xf32>
      %get3A_2667 = arith.constant 0 : i32
      %get3A_2668 = arith.index_cast %get3A_2667 : i32 to index
      %get3A_2669 = arith.constant 112 : index
      %get3A_2670 = tpu.vector_load %arg7[%get3A_2668, %get3A_2669] {strides = array<i32>} : memref<32x128xf32, #tpu.memory_space<vmem>>, vector<16xf32>,
      %get3A_2671 = arith.constant 8 : i32
      %get3A_2672 = arith.index_cast %get3A_2671 : i32 to index
      %get3A_2673 = arith.constant 112 : index
      %get3A_2674 = tpu.vector_load %arg7[%get3A_2672, %get3A_2673] {strides = array<i32>} : memref<32x128xf32, #tpu.memory_space<vmem>>, vector<16xf32>,
      %get3A_2675 = arith.constant 16 : i32
      %get3A_2676 = arith.index_cast %get3A_2675 : i32 to index
      %get3A_2677 = arith.constant 112 : index
      %get3A_2678 = tpu.vector_load %arg7[%get3A_2676, %get3A_2677] {strides = array<i32>} : memref<32x128xf32, #tpu.memory_space<vmem>>, vector<16xf32>,
      %add3A_2679 = arith.constant 1.000000e-07 : f32
      %add3A_2680 = vector.broadcast %add3A_2679 : f32 to vector<16xf32>
      %add3A_2681 = arith.addf %get3A_2674, %add3A_2680 : vector<16xf32>
      %div3A_2682 = arith.divf %get3A_2678, %add3A_2681 : vector<16xf32>
      %add3A_2683 = arith.addf %add3A_2661, %div3A_2682 : vector<16xf32>
      %add3A_2684 = arith.constant 1.000000e-07 : f32
      %add3A_2685 = vector.broadcast %add3A_2684 : f32 to vector<16xf32>
      %add3A_2686 = arith.addf %get3A_2670, %add3A_2685 : vector<16xf32>
      %div3A_2687 = arith.divf %get3A_2678, %add3A_2686 : vector<16xf32>
      %add3A_2688 = arith.addf %add3A_2666, %div3A_2687 : vector<16xf32>
      %get3A_2689 = arith.constant 1 : i32
      %get3A_2690 = arith.index_cast %get3A_2689 : i32 to index
      %get3A_2691 = arith.constant 0 : index
      %get3A_2692 = tpu.vector_load %arg7[%get3A_2690, %get3A_2691] {strides = array<i32>} : memref<32x128xf32, #tpu.memory_space<vmem>>, vector<16xf32>,
      %get3A_2693 = arith.constant 9 : i32
      %get3A_2694 = arith.index_cast %get3A_2693 : i32 to index
      %get3A_2695 = arith.constant 0 : index
      %get3A_2696 = tpu.vector_load %arg7[%get3A_2694, %get3A_2695] {strides = array<i32>} : memref<32x128xf32, #tpu.memory_space<vmem>>, vector<16xf32>,
      %get3A_2697 = arith.constant 17 : i32
      %get3A_2698 = arith.index_cast %get3A_2697 : i32 to index
      %get3A_2699 = arith.constant 0 : index
      %get3A_2700 = tpu.vector_load %arg7[%get3A_2698, %get3A_2699] {strides = array<i32>} : memref<32x128xf32, #tpu.memory_space<vmem>>, vector<16xf32>,
      %add3A_2701 = arith.constant 1.000000e-07 : f32
      %add3A_2702 = vector.broadcast %add3A_2701 : f32 to vector<16xf32>
      %add3A_2703 = arith.addf %get3A_2696, %add3A_2702 : vector<16xf32>
      %div3A_2704 = arith.divf %get3A_2700, %add3A_2703 : vector<16xf32>
      %add3A_2705 = arith.addf %add3A_2683, %div3A_2704 : vector<16xf32>
      %add3A_2706 = arith.constant 1.000000e-07 : f32
      %add3A_2707 = vector.broadcast %add3A_2706 : f32 to vector<16xf32>
      %add3A_2708 = arith.addf %get3A_2692, %add3A_2707 : vector<16xf32>
      %div3A_2709 = arith.divf %get3A_2700, %add3A_2708 : vector<16xf32>
      %add3A_2710 = arith.addf %add3A_2688, %div3A_2709 : vector<16xf32>
      %get3A_2711 = arith.constant 1 : i32
      %get3A_2712 = arith.index_cast %get3A_2711 : i32 to index
      %get3A_2713 = arith.constant 16 : index
      %get3A_2714 = tpu.vector_load %arg7[%get3A_2712, %get3A_2713] {strides = array<i32>} : memref<32x128xf32, #tpu.memory_space<vmem>>, vector<16xf32>,
      %get3A_2715 = arith.constant 9 : i32
      %get3A_2716 = arith.index_cast %get3A_2715 : i32 to index
      %get3A_2717 = arith.constant 16 : index
      %get3A_2718 = tpu.vector_load %arg7[%get3A_2716, %get3A_2717] {strides = array<i32>} : memref<32x128xf32, #tpu.memory_space<vmem>>, vector<16xf32>,
      %get3A_2719 = arith.constant 17 : i32
      %get3A_2720 = arith.index_cast %get3A_2719 : i32 to index
      %get3A_2721 = arith.constant 16 : index
      %get3A_2722 = tpu.vector_load %arg7[%get3A_2720, %get3A_2721] {strides = array<i32>} : memref<32x128xf32, #tpu.memory_space<vmem>>, vector<16xf32>,
      %add3A_2723 = arith.constant 1.000000e-07 : f32
      %add3A_2724 = vector.broadcast %add3A_2723 : f32 to vector<16xf32>
      %add3A_2725 = arith.addf %get3A_2718, %add3A_2724 : vector<16xf32>
      %div3A_2726 = arith.divf %get3A_2722, %add3A_2725 : vector<16xf32>
      %add3A_2727 = arith.addf %add3A_2705, %div3A_2726 : vector<16xf32>
      %add3A_2728 = arith.constant 1.000000e-07 : f32
      %add3A_2729 = vector.broadcast %add3A_2728 : f32 to vector<16xf32>
      %add3A_2730 = arith.addf %get3A_2714, %add3A_2729 : vector<16xf32>
      %div3A_2731 = arith.divf %get3A_2722, %add3A_2730 : vector<16xf32>
      %add3A_2732 = arith.addf %add3A_2710, %div3A_2731 : vector<16xf32>
      %get3A_2733 = arith.constant 1 : i32
      %get3A_2734 = arith.index_cast %get3A_2733 : i32 to index
      %get3A_2735 = arith.constant 32 : index
      %get3A_2736 = tpu.vector_load %arg7[%get3A_2734, %get3A_2735] {strides = array<i32>} : memref<32x128xf32, #tpu.memory_space<vmem>>, vector<16xf32>,
      %get3A_2737 = arith.constant 9 : i32
      %get3A_2738 = arith.index_cast %get3A_2737 : i32 to index
      %get3A_2739 = arith.constant 32 : index
      %get3A_2740 = tpu.vector_load %arg7[%get3A_2738, %get3A_2739] {strides = array<i32>} : memref<32x128xf32, #tpu.memory_space<vmem>>, vector<16xf32>,
      %get3A_2741 = arith.constant 17 : i32
      %get3A_2742 = arith.index_cast %get3A_2741 : i32 to index
      %get3A_2743 = arith.constant 32 : index
      %get3A_2744 = tpu.vector_load %arg7[%get3A_2742, %get3A_2743] {strides = array<i32>} : memref<32x128xf32, #tpu.memory_space<vmem>>, vector<16xf32>,
      %add3A_2745 = arith.constant 1.000000e-07 : f32
      %add3A_2746 = vector.broadcast %add3A_2745 : f32 to vector<16xf32>
      %add3A_2747 = arith.addf %get3A_2740, %add3A_2746 : vector<16xf32>
      %div3A_2748 = arith.divf %get3A_2744, %add3A_2747 : vector<16xf32>
      %add3A_2749 = arith.addf %add3A_2727, %div3A_2748 : vector<16xf32>
      %add3A_2750 = arith.constant 1.000000e-07 : f32
      %add3A_2751 = vector.broadcast %add3A_2750 : f32 to vector<16xf32>
      %add3A_2752 = arith.addf %get3A_2736, %add3A_2751 : vector<16xf32>
      %div3A_2753 = arith.divf %get3A_2744, %add3A_2752 : vector<16xf32>
      %add3A_2754 = arith.addf %add3A_2732, %div3A_2753 : vector<16xf32>
      %get3A_2755 = arith.constant 1 : i32
      %get3A_2756 = arith.index_cast %get3A_2755 : i32 to index
      %get3A_2757 = arith.constant 48 : index
      %get3A_2758 = tpu.vector_load %arg7[%get3A_2756, %get3A_2757] {strides = array<i32>} : memref<32x128xf32, #tpu.memory_space<vmem>>, vector<16xf32>,
      %get3A_2759 = arith.constant 9 : i32
      %get3A_2760 = arith.index_cast %get3A_2759 : i32 to index
      %get3A_2761 = arith.constant 48 : index
      %get3A_2762 = tpu.vector_load %arg7[%get3A_2760, %get3A_2761] {strides = array<i32>} : memref<32x128xf32, #tpu.memory_space<vmem>>, vector<16xf32>,
      %get3A_2763 = arith.constant 17 : i32
      %get3A_2764 = arith.index_cast %get3A_2763 : i32 to index
      %get3A_2765 = arith.constant 48 : index
      %get3A_2766 = tpu.vector_load %arg7[%get3A_2764, %get3A_2765] {strides = array<i32>} : memref<32x128xf32, #tpu.memory_space<vmem>>, vector<16xf32>,
      %add3A_2767 = arith.constant 1.000000e-07 : f32
      %add3A_2768 = vector.broadcast %add3A_2767 : f32 to vector<16xf32>
      %add3A_2769 = arith.addf %get3A_2762, %add3A_2768 : vector<16xf32>
      %div3A_2770 = arith.divf %get3A_2766, %add3A_2769 : vector<16xf32>
      %add3A_2771 = arith.addf %add3A_2749, %div3A_2770 : vector<16xf32>
      %add3A_2772 = arith.constant 1.000000e-07 : f32
      %add3A_2773 = vector.broadcast %add3A_2772 : f32 to vector<16xf32>
      %add3A_2774 = arith.addf %get3A_2758, %add3A_2773 : vector<16xf32>
      %div3A_2775 = arith.divf %get3A_2766, %add3A_2774 : vector<16xf32>
      %add3A_2776 = arith.addf %add3A_2754, %div3A_2775 : vector<16xf32>
      %get3A_2777 = arith.constant 1 : i32
      %get3A_2778 = arith.index_cast %get3A_2777 : i32 to index
      %get3A_2779 = arith.constant 64 : index
      %get3A_2780 = tpu.vector_load %arg7[%get3A_2778, %get3A_2779] {strides = array<i32>} : memref<32x128xf32, #tpu.memory_space<vmem>>, vector<16xf32>,
      %get3A_2781 = arith.constant 9 : i32
      %get3A_2782 = arith.index_cast %get3A_2781 : i32 to index
      %get3A_2783 = arith.constant 64 : index
      %get3A_2784 = tpu.vector_load %arg7[%get3A_2782, %get3A_2783] {strides = array<i32>} : memref<32x128xf32, #tpu.memory_space<vmem>>, vector<16xf32>,
      %get3A_2785 = arith.constant 17 : i32
      %get3A_2786 = arith.index_cast %get3A_2785 : i32 to index
      %get3A_2787 = arith.constant 64 : index
      %get3A_2788 = tpu.vector_load %arg7[%get3A_2786, %get3A_2787] {strides = array<i32>} : memref<32x128xf32, #tpu.memory_space<vmem>>, vector<16xf32>,
      %add3A_2789 = arith.constant 1.000000e-07 : f32
      %add3A_2790 = vector.broadcast %add3A_2789 : f32 to vector<16xf32>
      %add3A_2791 = arith.addf %get3A_2784, %add3A_2790 : vector<16xf32>
      %div3A_2792 = arith.divf %get3A_2788, %add3A_2791 : vector<16xf32>
      %add3A_2793 = arith.addf %add3A_2771, %div3A_2792 : vector<16xf32>
      %add3A_2794 = arith.constant 1.000000e-07 : f32
      %add3A_2795 = vector.broadcast %add3A_2794 : f32 to vector<16xf32>
      %add3A_2796 = arith.addf %get3A_2780, %add3A_2795 : vector<16xf32>
      %div3A_2797 = arith.divf %get3A_2788, %add3A_2796 : vector<16xf32>
      %add3A_2798 = arith.addf %add3A_2776, %div3A_2797 : vector<16xf32>
      %get3A_2799 = arith.constant 1 : i32
      %get3A_2800 = arith.index_cast %get3A_2799 : i32 to index
      %get3A_2801 = arith.constant 80 : index
      %get3A_2802 = tpu.vector_load %arg7[%get3A_2800, %get3A_2801] {strides = array<i32>} : memref<32x128xf32, #tpu.memory_space<vmem>>, vector<16xf32>,
      %get3A_2803 = arith.constant 9 : i32
      %get3A_2804 = arith.index_cast %get3A_2803 : i32 to index
      %get3A_2805 = arith.constant 80 : index
      %get3A_2806 = tpu.vector_load %arg7[%get3A_2804, %get3A_2805] {strides = array<i32>} : memref<32x128xf32, #tpu.memory_space<vmem>>, vector<16xf32>,
      %get3A_2807 = arith.constant 17 : i32
      %get3A_2808 = arith.index_cast %get3A_2807 : i32 to index
      %get3A_2809 = arith.constant 80 : index
      %get3A_2810 = tpu.vector_load %arg7[%get3A_2808, %get3A_2809] {strides = array<i32>} : memref<32x128xf32, #tpu.memory_space<vmem>>, vector<16xf32>,
      %add3A_2811 = arith.constant 1.000000e-07 : f32
      %add3A_2812 = vector.broadcast %add3A_2811 : f32 to vector<16xf32>
      %add3A_2813 = arith.addf %get3A_2806, %add3A_2812 : vector<16xf32>
      %div3A_2814 = arith.divf %get3A_2810, %add3A_2813 : vector<16xf32>
      %add3A_2815 = arith.addf %add3A_2793, %div3A_2814 : vector<16xf32>
      %add3A_2816 = arith.constant 1.000000e-07 : f32
      %add3A_2817 = vector.broadcast %add3A_2816 : f32 to vector<16xf32>
      %add3A_2818 = arith.addf %get3A_2802, %add3A_2817 : vector<16xf32>
      %div3A_2819 = arith.divf %get3A_2810, %add3A_2818 : vector<16xf32>
      %add3A_2820 = arith.addf %add3A_2798, %div3A_2819 : vector<16xf32>
      %get3A_2821 = arith.constant 1 : i32
      %get3A_2822 = arith.index_cast %get3A_2821 : i32 to index
      %get3A_2823 = arith.constant 96 : index
      %get3A_2824 = tpu.vector_load %arg7[%get3A_2822, %get3A_2823] {strides = array<i32>} : memref<32x128xf32, #tpu.memory_space<vmem>>, vector<16xf32>,
      %get3A_2825 = arith.constant 9 : i32
      %get3A_2826 = arith.index_cast %get3A_2825 : i32 to index
      %get3A_2827 = arith.constant 96 : index
      %get3A_2828 = tpu.vector_load %arg7[%get3A_2826, %get3A_2827] {strides = array<i32>} : memref<32x128xf32, #tpu.memory_space<vmem>>, vector<16xf32>,
      %get3A_2829 = arith.constant 17 : i32
      %get3A_2830 = arith.index_cast %get3A_2829 : i32 to index
      %get3A_2831 = arith.constant 96 : index
      %get3A_2832 = tpu.vector_load %arg7[%get3A_2830, %get3A_2831] {strides = array<i32>} : memref<32x128xf32, #tpu.memory_space<vmem>>, vector<16xf32>,
      %add3A_2833 = arith.constant 1.000000e-07 : f32
      %add3A_2834 = vector.broadcast %add3A_2833 : f32 to vector<16xf32>
      %add3A_2835 = arith.addf %get3A_2828, %add3A_2834 : vector<16xf32>
      %div3A_2836 = arith.divf %get3A_2832, %add3A_2835 : vector<16xf32>
      %add3A_2837 = arith.addf %add3A_2815, %div3A_2836 : vector<16xf32>
      %add3A_2838 = arith.constant 1.000000e-07 : f32
      %add3A_2839 = vector.broadcast %add3A_2838 : f32 to vector<16xf32>
      %add3A_2840 = arith.addf %get3A_2824, %add3A_2839 : vector<16xf32>
      %div3A_2841 = arith.divf %get3A_2832, %add3A_2840 : vector<16xf32>
      %add3A_2842 = arith.addf %add3A_2820, %div3A_2841 : vector<16xf32>
      %get3A_2843 = arith.constant 1 : i32
      %get3A_2844 = arith.index_cast %get3A_2843 : i32 to index
      %get3A_2845 = arith.constant 112 : index
      %get3A_2846 = tpu.vector_load %arg7[%get3A_2844, %get3A_2845] {strides = array<i32>} : memref<32x128xf32, #tpu.memory_space<vmem>>, vector<16xf32>,
      %get3A_2847 = arith.constant 9 : i32
      %get3A_2848 = arith.index_cast %get3A_2847 : i32 to index
      %get3A_2849 = arith.constant 112 : index
      %get3A_2850 = tpu.vector_load %arg7[%get3A_2848, %get3A_2849] {strides = array<i32>} : memref<32x128xf32, #tpu.memory_space<vmem>>, vector<16xf32>,
      %get3A_2851 = arith.constant 17 : i32
      %get3A_2852 = arith.index_cast %get3A_2851 : i32 to index
      %get3A_2853 = arith.constant 112 : index
      %get3A_2854 = tpu.vector_load %arg7[%get3A_2852, %get3A_2853] {strides = array<i32>} : memref<32x128xf32, #tpu.memory_space<vmem>>, vector<16xf32>,
      %add3A_2855 = arith.constant 1.000000e-07 : f32
      %add3A_2856 = vector.broadcast %add3A_2855 : f32 to vector<16xf32>
      %add3A_2857 = arith.addf %get3A_2850, %add3A_2856 : vector<16xf32>
      %div3A_2858 = arith.divf %get3A_2854, %add3A_2857 : vector<16xf32>
      %add3A_2859 = arith.addf %add3A_2837, %div3A_2858 : vector<16xf32>
      %add3A_2860 = arith.constant 1.000000e-07 : f32
      %add3A_2861 = vector.broadcast %add3A_2860 : f32 to vector<16xf32>
      %add3A_2862 = arith.addf %get3A_2846, %add3A_2861 : vector<16xf32>
      %div3A_2863 = arith.divf %get3A_2854, %add3A_2862 : vector<16xf32>
      %add3A_2864 = arith.addf %add3A_2842, %div3A_2863 : vector<16xf32>
      %get3A_2865 = arith.constant 2 : i32
      %get3A_2866 = arith.index_cast %get3A_2865 : i32 to index
      %get3A_2867 = arith.constant 0 : index
      %get3A_2868 = tpu.vector_load %arg7[%get3A_2866, %get3A_2867] {strides = array<i32>} : memref<32x128xf32, #tpu.memory_space<vmem>>, vector<16xf32>,
      %get3A_2869 = arith.constant 10 : i32
      %get3A_2870 = arith.index_cast %get3A_2869 : i32 to index
      %get3A_2871 = arith.constant 0 : index
      %get3A_2872 = tpu.vector_load %arg7[%get3A_2870, %get3A_2871] {strides = array<i32>} : memref<32x128xf32, #tpu.memory_space<vmem>>, vector<16xf32>,
      %get3A_2873 = arith.constant 18 : i32
      %get3A_2874 = arith.index_cast %get3A_2873 : i32 to index
      %get3A_2875 = arith.constant 0 : index
      %get3A_2876 = tpu.vector_load %arg7[%get3A_2874, %get3A_2875] {strides = array<i32>} : memref<32x128xf32, #tpu.memory_space<vmem>>, vector<16xf32>,
      %add3A_2877 = arith.constant 1.000000e-07 : f32
      %add3A_2878 = vector.broadcast %add3A_2877 : f32 to vector<16xf32>
      %add3A_2879 = arith.addf %get3A_2872, %add3A_2878 : vector<16xf32>
      %div3A_2880 = arith.divf %get3A_2876, %add3A_2879 : vector<16xf32>
      %add3A_2881 = arith.addf %add3A_2859, %div3A_2880 : vector<16xf32>
      %add3A_2882 = arith.constant 1.000000e-07 : f32
      %add3A_2883 = vector.broadcast %add3A_2882 : f32 to vector<16xf32>
      %add3A_2884 = arith.addf %get3A_2868, %add3A_2883 : vector<16xf32>
      %div3A_2885 = arith.divf %get3A_2876, %add3A_2884 : vector<16xf32>
      %add3A_2886 = arith.addf %add3A_2864, %div3A_2885 : vector<16xf32>
      %get3A_2887 = arith.constant 2 : i32
      %get3A_2888 = arith.index_cast %get3A_2887 : i32 to index
      %get3A_2889 = arith.constant 16 : index
      %get3A_2890 = tpu.vector_load %arg7[%get3A_2888, %get3A_2889] {strides = array<i32>} : memref<32x128xf32, #tpu.memory_space<vmem>>, vector<16xf32>,
      %get3A_2891 = arith.constant 10 : i32
      %get3A_2892 = arith.index_cast %get3A_2891 : i32 to index
      %get3A_2893 = arith.constant 16 : index
      %get3A_2894 = tpu.vector_load %arg7[%get3A_2892, %get3A_2893] {strides = array<i32>} : memref<32x128xf32, #tpu.memory_space<vmem>>, vector<16xf32>,
      %get3A_2895 = arith.constant 18 : i32
      %get3A_2896 = arith.index_cast %get3A_2895 : i32 to index
      %get3A_2897 = arith.constant 16 : index
      %get3A_2898 = tpu.vector_load %arg7[%get3A_2896, %get3A_2897] {strides = array<i32>} : memref<32x128xf32, #tpu.memory_space<vmem>>, vector<16xf32>,
      %add3A_2899 = arith.constant 1.000000e-07 : f32
      %add3A_2900 = vector.broadcast %add3A_2899 : f32 to vector<16xf32>
      %add3A_2901 = arith.addf %get3A_2894, %add3A_2900 : vector<16xf32>
      %div3A_2902 = arith.divf %get3A_2898, %add3A_2901 : vector<16xf32>
      %add3A_2903 = arith.addf %add3A_2881, %div3A_2902 : vector<16xf32>
      %add3A_2904 = arith.constant 1.000000e-07 : f32
      %add3A_2905 = vector.broadcast %add3A_2904 : f32 to vector<16xf32>
      %add3A_2906 = arith.addf %get3A_2890, %add3A_2905 : vector<16xf32>
      %div3A_2907 = arith.divf %get3A_2898, %add3A_2906 : vector<16xf32>
      %add3A_2908 = arith.addf %add3A_2886, %div3A_2907 : vector<16xf32>
      %get3A_2909 = arith.constant 2 : i32
      %get3A_2910 = arith.index_cast %get3A_2909 : i32 to index
      %get3A_2911 = arith.constant 32 : index
      %get3A_2912 = tpu.vector_load %arg7[%get3A_2910, %get3A_2911] {strides = array<i32>} : memref<32x128xf32, #tpu.memory_space<vmem>>, vector<16xf32>,
      %get3A_2913 = arith.constant 10 : i32
      %get3A_2914 = arith.index_cast %get3A_2913 : i32 to index
      %get3A_2915 = arith.constant 32 : index
      %get3A_2916 = tpu.vector_load %arg7[%get3A_2914, %get3A_2915] {strides = array<i32>} : memref<32x128xf32, #tpu.memory_space<vmem>>, vector<16xf32>,
      %get3A_2917 = arith.constant 18 : i32
      %get3A_2918 = arith.index_cast %get3A_2917 : i32 to index
      %get3A_2919 = arith.constant 32 : index
      %get3A_2920 = tpu.vector_load %arg7[%get3A_2918, %get3A_2919] {strides = array<i32>} : memref<32x128xf32, #tpu.memory_space<vmem>>, vector<16xf32>,
      %add3A_2921 = arith.constant 1.000000e-07 : f32
      %add3A_2922 = vector.broadcast %add3A_2921 : f32 to vector<16xf32>
      %add3A_2923 = arith.addf %get3A_2916, %add3A_2922 : vector<16xf32>
      %div3A_2924 = arith.divf %get3A_2920, %add3A_2923 : vector<16xf32>
      %add3A_2925 = arith.addf %add3A_2903, %div3A_2924 : vector<16xf32>
      %add3A_2926 = arith.constant 1.000000e-07 : f32
      %add3A_2927 = vector.broadcast %add3A_2926 : f32 to vector<16xf32>
      %add3A_2928 = arith.addf %get3A_2912, %add3A_2927 : vector<16xf32>
      %div3A_2929 = arith.divf %get3A_2920, %add3A_2928 : vector<16xf32>
      %add3A_2930 = arith.addf %add3A_2908, %div3A_2929 : vector<16xf32>
      %get3A_2931 = arith.constant 2 : i32
      %get3A_2932 = arith.index_cast %get3A_2931 : i32 to index
      %get3A_2933 = arith.constant 48 : index
      %get3A_2934 = tpu.vector_load %arg7[%get3A_2932, %get3A_2933] {strides = array<i32>} : memref<32x128xf32, #tpu.memory_space<vmem>>, vector<16xf32>,
      %get3A_2935 = arith.constant 10 : i32
      %get3A_2936 = arith.index_cast %get3A_2935 : i32 to index
      %get3A_2937 = arith.constant 48 : index
      %get3A_2938 = tpu.vector_load %arg7[%get3A_2936, %get3A_2937] {strides = array<i32>} : memref<32x128xf32, #tpu.memory_space<vmem>>, vector<16xf32>,
      %get3A_2939 = arith.constant 18 : i32
      %get3A_2940 = arith.index_cast %get3A_2939 : i32 to index
      %get3A_2941 = arith.constant 48 : index
      %get3A_2942 = tpu.vector_load %arg7[%get3A_2940, %get3A_2941] {strides = array<i32>} : memref<32x128xf32, #tpu.memory_space<vmem>>, vector<16xf32>,
      %add3A_2943 = arith.constant 1.000000e-07 : f32
      %add3A_2944 = vector.broadcast %add3A_2943 : f32 to vector<16xf32>
      %add3A_2945 = arith.addf %get3A_2938, %add3A_2944 : vector<16xf32>
      %div3A_2946 = arith.divf %get3A_2942, %add3A_2945 : vector<16xf32>
      %add3A_2947 = arith.addf %add3A_2925, %div3A_2946 : vector<16xf32>
      %add3A_2948 = arith.constant 1.000000e-07 : f32
      %add3A_2949 = vector.broadcast %add3A_2948 : f32 to vector<16xf32>
      %add3A_2950 = arith.addf %get3A_2934, %add3A_2949 : vector<16xf32>
      %div3A_2951 = arith.divf %get3A_2942, %add3A_2950 : vector<16xf32>
      %add3A_2952 = arith.addf %add3A_2930, %div3A_2951 : vector<16xf32>
      %get3A_2953 = arith.constant 2 : i32
      %get3A_2954 = arith.index_cast %get3A_2953 : i32 to index
      %get3A_2955 = arith.constant 64 : index
      %get3A_2956 = tpu.vector_load %arg7[%get3A_2954, %get3A_2955] {strides = array<i32>} : memref<32x128xf32, #tpu.memory_space<vmem>>, vector<16xf32>,
      %get3A_2957 = arith.constant 10 : i32
      %get3A_2958 = arith.index_cast %get3A_2957 : i32 to index
      %get3A_2959 = arith.constant 64 : index
      %get3A_2960 = tpu.vector_load %arg7[%get3A_2958, %get3A_2959] {strides = array<i32>} : memref<32x128xf32, #tpu.memory_space<vmem>>, vector<16xf32>,
      %get3A_2961 = arith.constant 18 : i32
      %get3A_2962 = arith.index_cast %get3A_2961 : i32 to index
      %get3A_2963 = arith.constant 64 : index
      %get3A_2964 = tpu.vector_load %arg7[%get3A_2962, %get3A_2963] {strides = array<i32>} : memref<32x128xf32, #tpu.memory_space<vmem>>, vector<16xf32>,
      %add3A_2965 = arith.constant 1.000000e-07 : f32
      %add3A_2966 = vector.broadcast %add3A_2965 : f32 to vector<16xf32>
      %add3A_2967 = arith.addf %get3A_2960, %add3A_2966 : vector<16xf32>
      %div3A_2968 = arith.divf %get3A_2964, %add3A_2967 : vector<16xf32>
      %add3A_2969 = arith.addf %add3A_2947, %div3A_2968 : vector<16xf32>
      %add3A_2970 = arith.constant 1.000000e-07 : f32
      %add3A_2971 = vector.broadcast %add3A_2970 : f32 to vector<16xf32>
      %add3A_2972 = arith.addf %get3A_2956, %add3A_2971 : vector<16xf32>
      %div3A_2973 = arith.divf %get3A_2964, %add3A_2972 : vector<16xf32>
      %add3A_2974 = arith.addf %add3A_2952, %div3A_2973 : vector<16xf32>
      %get3A_2975 = arith.constant 2 : i32
      %get3A_2976 = arith.index_cast %get3A_2975 : i32 to index
      %get3A_2977 = arith.constant 80 : index
      %get3A_2978 = tpu.vector_load %arg7[%get3A_2976, %get3A_2977] {strides = array<i32>} : memref<32x128xf32, #tpu.memory_space<vmem>>, vector<16xf32>,
      %get3A_2979 = arith.constant 10 : i32
      %get3A_2980 = arith.index_cast %get3A_2979 : i32 to index
      %get3A_2981 = arith.constant 80 : index
      %get3A_2982 = tpu.vector_load %arg7[%get3A_2980, %get3A_2981] {strides = array<i32>} : memref<32x128xf32, #tpu.memory_space<vmem>>, vector<16xf32>,
      %get3A_2983 = arith.constant 18 : i32
      %get3A_2984 = arith.index_cast %get3A_2983 : i32 to index
      %get3A_2985 = arith.constant 80 : index
      %get3A_2986 = tpu.vector_load %arg7[%get3A_2984, %get3A_2985] {strides = array<i32>} : memref<32x128xf32, #tpu.memory_space<vmem>>, vector<16xf32>,
      %add3A_2987 = arith.constant 1.000000e-07 : f32
      %add3A_2988 = vector.broadcast %add3A_2987 : f32 to vector<16xf32>
      %add3A_2989 = arith.addf %get3A_2982, %add3A_2988 : vector<16xf32>
      %div3A_2990 = arith.divf %get3A_2986, %add3A_2989 : vector<16xf32>
      %add3A_2991 = arith.addf %add3A_2969, %div3A_2990 : vector<16xf32>
      %add3A_2992 = arith.constant 1.000000e-07 : f32
      %add3A_2993 = vector.broadcast %add3A_2992 : f32 to vector<16xf32>
      %add3A_2994 = arith.addf %get3A_2978, %add3A_2993 : vector<16xf32>
      %div3A_2995 = arith.divf %get3A_2986, %add3A_2994 : vector<16xf32>
      %add3A_2996 = arith.addf %add3A_2974, %div3A_2995 : vector<16xf32>
      %get3A_2997 = arith.constant 2 : i32
      %get3A_2998 = arith.index_cast %get3A_2997 : i32 to index
      %get3A_2999 = arith.constant 96 : index
      %get3A_3000 = tpu.vector_load %arg7[%get3A_2998, %get3A_2999] {strides = array<i32>} : memref<32x128xf32, #tpu.memory_space<vmem>>, vector<16xf32>,
      %get3A_3001 = arith.constant 10 : i32
      %get3A_3002 = arith.index_cast %get3A_3001 : i32 to index
      %get3A_3003 = arith.constant 96 : index
      %get3A_3004 = tpu.vector_load %arg7[%get3A_3002, %get3A_3003] {strides = array<i32>} : memref<32x128xf32, #tpu.memory_space<vmem>>, vector<16xf32>,
      %get3A_3005 = arith.constant 18 : i32
      %get3A_3006 = arith.index_cast %get3A_3005 : i32 to index
      %get3A_3007 = arith.constant 96 : index
      %get3A_3008 = tpu.vector_load %arg7[%get3A_3006, %get3A_3007] {strides = array<i32>} : memref<32x128xf32, #tpu.memory_space<vmem>>, vector<16xf32>,
      %add3A_3009 = arith.constant 1.000000e-07 : f32
      %add3A_3010 = vector.broadcast %add3A_3009 : f32 to vector<16xf32>
      %add3A_3011 = arith.addf %get3A_3004, %add3A_3010 : vector<16xf32>
      %div3A_3012 = arith.divf %get3A_3008, %add3A_3011 : vector<16xf32>
      %add3A_3013 = arith.addf %add3A_2991, %div3A_3012 : vector<16xf32>
      %add3A_3014 = arith.constant 1.000000e-07 : f32
      %add3A_3015 = vector.broadcast %add3A_3014 : f32 to vector<16xf32>
      %add3A_3016 = arith.addf %get3A_3000, %add3A_3015 : vector<16xf32>
      %div3A_3017 = arith.divf %get3A_3008, %add3A_3016 : vector<16xf32>
      %add3A_3018 = arith.addf %add3A_2996, %div3A_3017 : vector<16xf32>
      %get3A_3019 = arith.constant 2 : i32
      %get3A_3020 = arith.index_cast %get3A_3019 : i32 to index
      %get3A_3021 = arith.constant 112 : index
      %get3A_3022 = tpu.vector_load %arg7[%get3A_3020, %get3A_3021] {strides = array<i32>} : memref<32x128xf32, #tpu.memory_space<vmem>>, vector<16xf32>,
      %get3A_3023 = arith.constant 10 : i32
      %get3A_3024 = arith.index_cast %get3A_3023 : i32 to index
      %get3A_3025 = arith.constant 112 : index
      %get3A_3026 = tpu.vector_load %arg7[%get3A_3024, %get3A_3025] {strides = array<i32>} : memref<32x128xf32, #tpu.memory_space<vmem>>, vector<16xf32>,
      %get3A_3027 = arith.constant 18 : i32
      %get3A_3028 = arith.index_cast %get3A_3027 : i32 to index
      %get3A_3029 = arith.constant 112 : index
      %get3A_3030 = tpu.vector_load %arg7[%get3A_3028, %get3A_3029] {strides = array<i32>} : memref<32x128xf32, #tpu.memory_space<vmem>>, vector<16xf32>,
      %add3A_3031 = arith.constant 1.000000e-07 : f32
      %add3A_3032 = vector.broadcast %add3A_3031 : f32 to vector<16xf32>
      %add3A_3033 = arith.addf %get3A_3026, %add3A_3032 : vector<16xf32>
      %div3A_3034 = arith.divf %get3A_3030, %add3A_3033 : vector<16xf32>
      %add3A_3035 = arith.addf %add3A_3013, %div3A_3034 : vector<16xf32>
      %add3A_3036 = arith.constant 1.000000e-07 : f32
      %add3A_3037 = vector.broadcast %add3A_3036 : f32 to vector<16xf32>
      %add3A_3038 = arith.addf %get3A_3022, %add3A_3037 : vector<16xf32>
      %div3A_3039 = arith.divf %get3A_3030, %add3A_3038 : vector<16xf32>
      %add3A_3040 = arith.addf %add3A_3018, %div3A_3039 : vector<16xf32>
      %get3A_3041 = arith.constant 3 : i32
      %get3A_3042 = arith.index_cast %get3A_3041 : i32 to index
      %get3A_3043 = arith.constant 0 : index
      %get3A_3044 = tpu.vector_load %arg7[%get3A_3042, %get3A_3043] {strides = array<i32>} : memref<32x128xf32, #tpu.memory_space<vmem>>, vector<16xf32>,
      %get3A_3045 = arith.constant 11 : i32
      %get3A_3046 = arith.index_cast %get3A_3045 : i32 to index
      %get3A_3047 = arith.constant 0 : index
      %get3A_3048 = tpu.vector_load %arg7[%get3A_3046, %get3A_3047] {strides = array<i32>} : memref<32x128xf32, #tpu.memory_space<vmem>>, vector<16xf32>,
      %get3A_3049 = arith.constant 19 : i32
      %get3A_3050 = arith.index_cast %get3A_3049 : i32 to index
      %get3A_3051 = arith.constant 0 : index
      %get3A_3052 = tpu.vector_load %arg7[%get3A_3050, %get3A_3051] {strides = array<i32>} : memref<32x128xf32, #tpu.memory_space<vmem>>, vector<16xf32>,
      %add3A_3053 = arith.constant 1.000000e-07 : f32
      %add3A_3054 = vector.broadcast %add3A_3053 : f32 to vector<16xf32>
      %add3A_3055 = arith.addf %get3A_3048, %add3A_3054 : vector<16xf32>
      %div3A_3056 = arith.divf %get3A_3052, %add3A_3055 : vector<16xf32>
      %add3A_3057 = arith.addf %add3A_3035, %div3A_3056 : vector<16xf32>
      %add3A_3058 = arith.constant 1.000000e-07 : f32
      %add3A_3059 = vector.broadcast %add3A_3058 : f32 to vector<16xf32>
      %add3A_3060 = arith.addf %get3A_3044, %add3A_3059 : vector<16xf32>
      %div3A_3061 = arith.divf %get3A_3052, %add3A_3060 : vector<16xf32>
      %add3A_3062 = arith.addf %add3A_3040, %div3A_3061 : vector<16xf32>
      %get3A_3063 = arith.constant 3 : i32
      %get3A_3064 = arith.index_cast %get3A_3063 : i32 to index
      %get3A_3065 = arith.constant 16 : index
      %get3A_3066 = tpu.vector_load %arg7[%get3A_3064, %get3A_3065] {strides = array<i32>} : memref<32x128xf32, #tpu.memory_space<vmem>>, vector<16xf32>,
      %get3A_3067 = arith.constant 11 : i32
      %get3A_3068 = arith.index_cast %get3A_3067 : i32 to index
      %get3A_3069 = arith.constant 16 : index
      %get3A_3070 = tpu.vector_load %arg7[%get3A_3068, %get3A_3069] {strides = array<i32>} : memref<32x128xf32, #tpu.memory_space<vmem>>, vector<16xf32>,
      %get3A_3071 = arith.constant 19 : i32
      %get3A_3072 = arith.index_cast %get3A_3071 : i32 to index
      %get3A_3073 = arith.constant 16 : index
      %get3A_3074 = tpu.vector_load %arg7[%get3A_3072, %get3A_3073] {strides = array<i32>} : memref<32x128xf32, #tpu.memory_space<vmem>>, vector<16xf32>,
      %add3A_3075 = arith.constant 1.000000e-07 : f32
      %add3A_3076 = vector.broadcast %add3A_3075 : f32 to vector<16xf32>
      %add3A_3077 = arith.addf %get3A_3070, %add3A_3076 : vector<16xf32>
      %div3A_3078 = arith.divf %get3A_3074, %add3A_3077 : vector<16xf32>
      %add3A_3079 = arith.addf %add3A_3057, %div3A_3078 : vector<16xf32>
      %add3A_3080 = arith.constant 1.000000e-07 : f32
      %add3A_3081 = vector.broadcast %add3A_3080 : f32 to vector<16xf32>
      %add3A_3082 = arith.addf %get3A_3066, %add3A_3081 : vector<16xf32>
      %div3A_3083 = arith.divf %get3A_3074, %add3A_3082 : vector<16xf32>
      %add3A_3084 = arith.addf %add3A_3062, %div3A_3083 : vector<16xf32>
      %get3A_3085 = arith.constant 3 : i32
      %get3A_3086 = arith.index_cast %get3A_3085 : i32 to index
      %get3A_3087 = arith.constant 32 : index
      %get3A_3088 = tpu.vector_load %arg7[%get3A_3086, %get3A_3087] {strides = array<i32>} : memref<32x128xf32, #tpu.memory_space<vmem>>, vector<16xf32>,
      %get3A_3089 = arith.constant 11 : i32
      %get3A_3090 = arith.index_cast %get3A_3089 : i32 to index
      %get3A_3091 = arith.constant 32 : index
      %get3A_3092 = tpu.vector_load %arg7[%get3A_3090, %get3A_3091] {strides = array<i32>} : memref<32x128xf32, #tpu.memory_space<vmem>>, vector<16xf32>,
      %get3A_3093 = arith.constant 19 : i32
      %get3A_3094 = arith.index_cast %get3A_3093 : i32 to index
      %get3A_3095 = arith.constant 32 : index
      %get3A_3096 = tpu.vector_load %arg7[%get3A_3094, %get3A_3095] {strides = array<i32>} : memref<32x128xf32, #tpu.memory_space<vmem>>, vector<16xf32>,
      %add3A_3097 = arith.constant 1.000000e-07 : f32
      %add3A_3098 = vector.broadcast %add3A_3097 : f32 to vector<16xf32>
      %add3A_3099 = arith.addf %get3A_3092, %add3A_3098 : vector<16xf32>
      %div3A_3100 = arith.divf %get3A_3096, %add3A_3099 : vector<16xf32>
      %add3A_3101 = arith.addf %add3A_3079, %div3A_3100 : vector<16xf32>
      %add3A_3102 = arith.constant 1.000000e-07 : f32
      %add3A_3103 = vector.broadcast %add3A_3102 : f32 to vector<16xf32>
      %add3A_3104 = arith.addf %get3A_3088, %add3A_3103 : vector<16xf32>
      %div3A_3105 = arith.divf %get3A_3096, %add3A_3104 : vector<16xf32>
      %add3A_3106 = arith.addf %add3A_3084, %div3A_3105 : vector<16xf32>
      %get3A_3107 = arith.constant 3 : i32
      %get3A_3108 = arith.index_cast %get3A_3107 : i32 to index
      %get3A_3109 = arith.constant 48 : index
      %get3A_3110 = tpu.vector_load %arg7[%get3A_3108, %get3A_3109] {strides = array<i32>} : memref<32x128xf32, #tpu.memory_space<vmem>>, vector<16xf32>,
      %get3A_3111 = arith.constant 11 : i32
      %get3A_3112 = arith.index_cast %get3A_3111 : i32 to index
      %get3A_3113 = arith.constant 48 : index
      %get3A_3114 = tpu.vector_load %arg7[%get3A_3112, %get3A_3113] {strides = array<i32>} : memref<32x128xf32, #tpu.memory_space<vmem>>, vector<16xf32>,
      %get3A_3115 = arith.constant 19 : i32
      %get3A_3116 = arith.index_cast %get3A_3115 : i32 to index
      %get3A_3117 = arith.constant 48 : index
      %get3A_3118 = tpu.vector_load %arg7[%get3A_3116, %get3A_3117] {strides = array<i32>} : memref<32x128xf32, #tpu.memory_space<vmem>>, vector<16xf32>,
      %add3A_3119 = arith.constant 1.000000e-07 : f32
      %add3A_3120 = vector.broadcast %add3A_3119 : f32 to vector<16xf32>
      %add3A_3121 = arith.addf %get3A_3114, %add3A_3120 : vector<16xf32>
      %div3A_3122 = arith.divf %get3A_3118, %add3A_3121 : vector<16xf32>
      %add3A_3123 = arith.addf %add3A_3101, %div3A_3122 : vector<16xf32>
      %add3A_3124 = arith.constant 1.000000e-07 : f32
      %add3A_3125 = vector.broadcast %add3A_3124 : f32 to vector<16xf32>
      %add3A_3126 = arith.addf %get3A_3110, %add3A_3125 : vector<16xf32>
      %div3A_3127 = arith.divf %get3A_3118, %add3A_3126 : vector<16xf32>
      %add3A_3128 = arith.addf %add3A_3106, %div3A_3127 : vector<16xf32>
      %get3A_3129 = arith.constant 3 : i32
      %get3A_3130 = arith.index_cast %get3A_3129 : i32 to index
      %get3A_3131 = arith.constant 64 : index
      %get3A_3132 = tpu.vector_load %arg7[%get3A_3130, %get3A_3131] {strides = array<i32>} : memref<32x128xf32, #tpu.memory_space<vmem>>, vector<16xf32>,
      %get3A_3133 = arith.constant 11 : i32
      %get3A_3134 = arith.index_cast %get3A_3133 : i32 to index
      %get3A_3135 = arith.constant 64 : index
      %get3A_3136 = tpu.vector_load %arg7[%get3A_3134, %get3A_3135] {strides = array<i32>} : memref<32x128xf32, #tpu.memory_space<vmem>>, vector<16xf32>,
      %get3A_3137 = arith.constant 19 : i32
      %get3A_3138 = arith.index_cast %get3A_3137 : i32 to index
      %get3A_3139 = arith.constant 64 : index
      %get3A_3140 = tpu.vector_load %arg7[%get3A_3138, %get3A_3139] {strides = array<i32>} : memref<32x128xf32, #tpu.memory_space<vmem>>, vector<16xf32>,
      %add3A_3141 = arith.constant 1.000000e-07 : f32
      %add3A_3142 = vector.broadcast %add3A_3141 : f32 to vector<16xf32>
      %add3A_3143 = arith.addf %get3A_3136, %add3A_3142 : vector<16xf32>
      %div3A_3144 = arith.divf %get3A_3140, %add3A_3143 : vector<16xf32>
      %add3A_3145 = arith.addf %add3A_3123, %div3A_3144 : vector<16xf32>
      %add3A_3146 = arith.constant 1.000000e-07 : f32
      %add3A_3147 = vector.broadcast %add3A_3146 : f32 to vector<16xf32>
      %add3A_3148 = arith.addf %get3A_3132, %add3A_3147 : vector<16xf32>
      %div3A_3149 = arith.divf %get3A_3140, %add3A_3148 : vector<16xf32>
      %add3A_3150 = arith.addf %add3A_3128, %div3A_3149 : vector<16xf32>
      %get3A_3151 = arith.constant 3 : i32
      %get3A_3152 = arith.index_cast %get3A_3151 : i32 to index
      %get3A_3153 = arith.constant 80 : index
      %get3A_3154 = tpu.vector_load %arg7[%get3A_3152, %get3A_3153] {strides = array<i32>} : memref<32x128xf32, #tpu.memory_space<vmem>>, vector<16xf32>,
      %get3A_3155 = arith.constant 11 : i32
      %get3A_3156 = arith.index_cast %get3A_3155 : i32 to index
      %get3A_3157 = arith.constant 80 : index
      %get3A_3158 = tpu.vector_load %arg7[%get3A_3156, %get3A_3157] {strides = array<i32>} : memref<32x128xf32, #tpu.memory_space<vmem>>, vector<16xf32>,
      %get3A_3159 = arith.constant 19 : i32
      %get3A_3160 = arith.index_cast %get3A_3159 : i32 to index
      %get3A_3161 = arith.constant 80 : index
      %get3A_3162 = tpu.vector_load %arg7[%get3A_3160, %get3A_3161] {strides = array<i32>} : memref<32x128xf32, #tpu.memory_space<vmem>>, vector<16xf32>,
      %add3A_3163 = arith.constant 1.000000e-07 : f32
      %add3A_3164 = vector.broadcast %add3A_3163 : f32 to vector<16xf32>
      %add3A_3165 = arith.addf %get3A_3158, %add3A_3164 : vector<16xf32>
      %div3A_3166 = arith.divf %get3A_3162, %add3A_3165 : vector<16xf32>
      %add3A_3167 = arith.addf %add3A_3145, %div3A_3166 : vector<16xf32>
      %add3A_3168 = arith.constant 1.000000e-07 : f32
      %add3A_3169 = vector.broadcast %add3A_3168 : f32 to vector<16xf32>
      %add3A_3170 = arith.addf %get3A_3154, %add3A_3169 : vector<16xf32>
      %div3A_3171 = arith.divf %get3A_3162, %add3A_3170 : vector<16xf32>
      %add3A_3172 = arith.addf %add3A_3150, %div3A_3171 : vector<16xf32>
      %get3A_3173 = arith.constant 3 : i32
      %get3A_3174 = arith.index_cast %get3A_3173 : i32 to index
      %get3A_3175 = arith.constant 96 : index
      %get3A_3176 = tpu.vector_load %arg7[%get3A_3174, %get3A_3175] {strides = array<i32>} : memref<32x128xf32, #tpu.memory_space<vmem>>, vector<16xf32>,
      %get3A_3177 = arith.constant 11 : i32
      %get3A_3178 = arith.index_cast %get3A_3177 : i32 to index
      %get3A_3179 = arith.constant 96 : index
      %get3A_3180 = tpu.vector_load %arg7[%get3A_3178, %get3A_3179] {strides = array<i32>} : memref<32x128xf32, #tpu.memory_space<vmem>>, vector<16xf32>,
      %get3A_3181 = arith.constant 19 : i32
      %get3A_3182 = arith.index_cast %get3A_3181 : i32 to index
      %get3A_3183 = arith.constant 96 : index
      %get3A_3184 = tpu.vector_load %arg7[%get3A_3182, %get3A_3183] {strides = array<i32>} : memref<32x128xf32, #tpu.memory_space<vmem>>, vector<16xf32>,
      %add3A_3185 = arith.constant 1.000000e-07 : f32
      %add3A_3186 = vector.broadcast %add3A_3185 : f32 to vector<16xf32>
      %add3A_3187 = arith.addf %get3A_3180, %add3A_3186 : vector<16xf32>
      %div3A_3188 = arith.divf %get3A_3184, %add3A_3187 : vector<16xf32>
      %add3A_3189 = arith.addf %add3A_3167, %div3A_3188 : vector<16xf32>
      %add3A_3190 = arith.constant 1.000000e-07 : f32
      %add3A_3191 = vector.broadcast %add3A_3190 : f32 to vector<16xf32>
      %add3A_3192 = arith.addf %get3A_3176, %add3A_3191 : vector<16xf32>
      %div3A_3193 = arith.divf %get3A_3184, %add3A_3192 : vector<16xf32>
      %add3A_3194 = arith.addf %add3A_3172, %div3A_3193 : vector<16xf32>
      %get3A_3195 = arith.constant 3 : i32
      %get3A_3196 = arith.index_cast %get3A_3195 : i32 to index
      %get3A_3197 = arith.constant 112 : index
      %get3A_3198 = tpu.vector_load %arg7[%get3A_3196, %get3A_3197] {strides = array<i32>} : memref<32x128xf32, #tpu.memory_space<vmem>>, vector<16xf32>,
      %get3A_3199 = arith.constant 11 : i32
      %get3A_3200 = arith.index_cast %get3A_3199 : i32 to index
      %get3A_3201 = arith.constant 112 : index
      %get3A_3202 = tpu.vector_load %arg7[%get3A_3200, %get3A_3201] {strides = array<i32>} : memref<32x128xf32, #tpu.memory_space<vmem>>, vector<16xf32>,
      %get3A_3203 = arith.constant 19 : i32
      %get3A_3204 = arith.index_cast %get3A_3203 : i32 to index
      %get3A_3205 = arith.constant 112 : index
      %get3A_3206 = tpu.vector_load %arg7[%get3A_3204, %get3A_3205] {strides = array<i32>} : memref<32x128xf32, #tpu.memory_space<vmem>>, vector<16xf32>,
      %add3A_3207 = arith.constant 1.000000e-07 : f32
      %add3A_3208 = vector.broadcast %add3A_3207 : f32 to vector<16xf32>
      %add3A_3209 = arith.addf %get3A_3202, %add3A_3208 : vector<16xf32>
      %div3A_3210 = arith.divf %get3A_3206, %add3A_3209 : vector<16xf32>
      %add3A_3211 = arith.addf %add3A_3189, %div3A_3210 : vector<16xf32>
      %add3A_3212 = arith.constant 1.000000e-07 : f32
      %add3A_3213 = vector.broadcast %add3A_3212 : f32 to vector<16xf32>
      %add3A_3214 = arith.addf %get3A_3198, %add3A_3213 : vector<16xf32>
      %div3A_3215 = arith.divf %get3A_3206, %add3A_3214 : vector<16xf32>
      %add3A_3216 = arith.addf %add3A_3194, %div3A_3215 : vector<16xf32>
      %get3A_3217 = arith.constant 4 : i32
      %get3A_3218 = arith.index_cast %get3A_3217 : i32 to index
      %get3A_3219 = arith.constant 0 : index
      %get3A_3220 = tpu.vector_load %arg7[%get3A_3218, %get3A_3219] {strides = array<i32>} : memref<32x128xf32, #tpu.memory_space<vmem>>, vector<16xf32>,
      %get3A_3221 = arith.constant 12 : i32
      %get3A_3222 = arith.index_cast %get3A_3221 : i32 to index
      %get3A_3223 = arith.constant 0 : index
      %get3A_3224 = tpu.vector_load %arg7[%get3A_3222, %get3A_3223] {strides = array<i32>} : memref<32x128xf32, #tpu.memory_space<vmem>>, vector<16xf32>,
      %get3A_3225 = arith.constant 20 : i32
      %get3A_3226 = arith.index_cast %get3A_3225 : i32 to index
      %get3A_3227 = arith.constant 0 : index
      %get3A_3228 = tpu.vector_load %arg7[%get3A_3226, %get3A_3227] {strides = array<i32>} : memref<32x128xf32, #tpu.memory_space<vmem>>, vector<16xf32>,
      %add3A_3229 = arith.constant 1.000000e-07 : f32
      %add3A_3230 = vector.broadcast %add3A_3229 : f32 to vector<16xf32>
      %add3A_3231 = arith.addf %get3A_3224, %add3A_3230 : vector<16xf32>
      %div3A_3232 = arith.divf %get3A_3228, %add3A_3231 : vector<16xf32>
      %add3A_3233 = arith.addf %add3A_3211, %div3A_3232 : vector<16xf32>
      %add3A_3234 = arith.constant 1.000000e-07 : f32
      %add3A_3235 = vector.broadcast %add3A_3234 : f32 to vector<16xf32>
      %add3A_3236 = arith.addf %get3A_3220, %add3A_3235 : vector<16xf32>
      %div3A_3237 = arith.divf %get3A_3228, %add3A_3236 : vector<16xf32>
      %add3A_3238 = arith.addf %add3A_3216, %div3A_3237 : vector<16xf32>
      %get3A_3239 = arith.constant 4 : i32
      %get3A_3240 = arith.index_cast %get3A_3239 : i32 to index
      %get3A_3241 = arith.constant 16 : index
      %get3A_3242 = tpu.vector_load %arg7[%get3A_3240, %get3A_3241] {strides = array<i32>} : memref<32x128xf32, #tpu.memory_space<vmem>>, vector<16xf32>,
      %get3A_3243 = arith.constant 12 : i32
      %get3A_3244 = arith.index_cast %get3A_3243 : i32 to index
      %get3A_3245 = arith.constant 16 : index
      %get3A_3246 = tpu.vector_load %arg7[%get3A_3244, %get3A_3245] {strides = array<i32>} : memref<32x128xf32, #tpu.memory_space<vmem>>, vector<16xf32>,
      %get3A_3247 = arith.constant 20 : i32
      %get3A_3248 = arith.index_cast %get3A_3247 : i32 to index
      %get3A_3249 = arith.constant 16 : index
      %get3A_3250 = tpu.vector_load %arg7[%get3A_3248, %get3A_3249] {strides = array<i32>} : memref<32x128xf32, #tpu.memory_space<vmem>>, vector<16xf32>,
      %add3A_3251 = arith.constant 1.000000e-07 : f32
      %add3A_3252 = vector.broadcast %add3A_3251 : f32 to vector<16xf32>
      %add3A_3253 = arith.addf %get3A_3246, %add3A_3252 : vector<16xf32>
      %div3A_3254 = arith.divf %get3A_3250, %add3A_3253 : vector<16xf32>
      %add3A_3255 = arith.addf %add3A_3233, %div3A_3254 : vector<16xf32>
      %add3A_3256 = arith.constant 1.000000e-07 : f32
      %add3A_3257 = vector.broadcast %add3A_3256 : f32 to vector<16xf32>
      %add3A_3258 = arith.addf %get3A_3242, %add3A_3257 : vector<16xf32>
      %div3A_3259 = arith.divf %get3A_3250, %add3A_3258 : vector<16xf32>
      %add3A_3260 = arith.addf %add3A_3238, %div3A_3259 : vector<16xf32>
      %get3A_3261 = arith.constant 4 : i32
      %get3A_3262 = arith.index_cast %get3A_3261 : i32 to index
      %get3A_3263 = arith.constant 32 : index
      %get3A_3264 = tpu.vector_load %arg7[%get3A_3262, %get3A_3263] {strides = array<i32>} : memref<32x128xf32, #tpu.memory_space<vmem>>, vector<16xf32>,
      %get3A_3265 = arith.constant 12 : i32
      %get3A_3266 = arith.index_cast %get3A_3265 : i32 to index
      %get3A_3267 = arith.constant 32 : index
      %get3A_3268 = tpu.vector_load %arg7[%get3A_3266, %get3A_3267] {strides = array<i32>} : memref<32x128xf32, #tpu.memory_space<vmem>>, vector<16xf32>,
      %get3A_3269 = arith.constant 20 : i32
      %get3A_3270 = arith.index_cast %get3A_3269 : i32 to index
      %get3A_3271 = arith.constant 32 : index
      %get3A_3272 = tpu.vector_load %arg7[%get3A_3270, %get3A_3271] {strides = array<i32>} : memref<32x128xf32, #tpu.memory_space<vmem>>, vector<16xf32>,
      %add3A_3273 = arith.constant 1.000000e-07 : f32
      %add3A_3274 = vector.broadcast %add3A_3273 : f32 to vector<16xf32>
      %add3A_3275 = arith.addf %get3A_3268, %add3A_3274 : vector<16xf32>
      %div3A_3276 = arith.divf %get3A_3272, %add3A_3275 : vector<16xf32>
      %add3A_3277 = arith.addf %add3A_3255, %div3A_3276 : vector<16xf32>
      %add3A_3278 = arith.constant 1.000000e-07 : f32
      %add3A_3279 = vector.broadcast %add3A_3278 : f32 to vector<16xf32>
      %add3A_3280 = arith.addf %get3A_3264, %add3A_3279 : vector<16xf32>
      %div3A_3281 = arith.divf %get3A_3272, %add3A_3280 : vector<16xf32>
      %add3A_3282 = arith.addf %add3A_3260, %div3A_3281 : vector<16xf32>
      %get3A_3283 = arith.constant 4 : i32
      %get3A_3284 = arith.index_cast %get3A_3283 : i32 to index
      %get3A_3285 = arith.constant 48 : index
      %get3A_3286 = tpu.vector_load %arg7[%get3A_3284, %get3A_3285] {strides = array<i32>} : memref<32x128xf32, #tpu.memory_space<vmem>>, vector<16xf32>,
      %get3A_3287 = arith.constant 12 : i32
      %get3A_3288 = arith.index_cast %get3A_3287 : i32 to index
      %get3A_3289 = arith.constant 48 : index
      %get3A_3290 = tpu.vector_load %arg7[%get3A_3288, %get3A_3289] {strides = array<i32>} : memref<32x128xf32, #tpu.memory_space<vmem>>, vector<16xf32>,
      %get3A_3291 = arith.constant 20 : i32
      %get3A_3292 = arith.index_cast %get3A_3291 : i32 to index
      %get3A_3293 = arith.constant 48 : index
      %get3A_3294 = tpu.vector_load %arg7[%get3A_3292, %get3A_3293] {strides = array<i32>} : memref<32x128xf32, #tpu.memory_space<vmem>>, vector<16xf32>,
      %add3A_3295 = arith.constant 1.000000e-07 : f32
      %add3A_3296 = vector.broadcast %add3A_3295 : f32 to vector<16xf32>
      %add3A_3297 = arith.addf %get3A_3290, %add3A_3296 : vector<16xf32>
      %div3A_3298 = arith.divf %get3A_3294, %add3A_3297 : vector<16xf32>
      %add3A_3299 = arith.addf %add3A_3277, %div3A_3298 : vector<16xf32>
      %add3A_3300 = arith.constant 1.000000e-07 : f32
      %add3A_3301 = vector.broadcast %add3A_3300 : f32 to vector<16xf32>
      %add3A_3302 = arith.addf %get3A_3286, %add3A_3301 : vector<16xf32>
      %div3A_3303 = arith.divf %get3A_3294, %add3A_3302 : vector<16xf32>
      %add3A_3304 = arith.addf %add3A_3282, %div3A_3303 : vector<16xf32>
      %get3A_3305 = arith.constant 4 : i32
      %get3A_3306 = arith.index_cast %get3A_3305 : i32 to index
      %get3A_3307 = arith.constant 64 : index
      %get3A_3308 = tpu.vector_load %arg7[%get3A_3306, %get3A_3307] {strides = array<i32>} : memref<32x128xf32, #tpu.memory_space<vmem>>, vector<16xf32>,
      %get3A_3309 = arith.constant 12 : i32
      %get3A_3310 = arith.index_cast %get3A_3309 : i32 to index
      %get3A_3311 = arith.constant 64 : index
      %get3A_3312 = tpu.vector_load %arg7[%get3A_3310, %get3A_3311] {strides = array<i32>} : memref<32x128xf32, #tpu.memory_space<vmem>>, vector<16xf32>,
      %get3A_3313 = arith.constant 20 : i32
      %get3A_3314 = arith.index_cast %get3A_3313 : i32 to index
      %get3A_3315 = arith.constant 64 : index
      %get3A_3316 = tpu.vector_load %arg7[%get3A_3314, %get3A_3315] {strides = array<i32>} : memref<32x128xf32, #tpu.memory_space<vmem>>, vector<16xf32>,
      %add3A_3317 = arith.constant 1.000000e-07 : f32
      %add3A_3318 = vector.broadcast %add3A_3317 : f32 to vector<16xf32>
      %add3A_3319 = arith.addf %get3A_3312, %add3A_3318 : vector<16xf32>
      %div3A_3320 = arith.divf %get3A_3316, %add3A_3319 : vector<16xf32>
      %add3A_3321 = arith.addf %add3A_3299, %div3A_3320 : vector<16xf32>
      %add3A_3322 = arith.constant 1.000000e-07 : f32
      %add3A_3323 = vector.broadcast %add3A_3322 : f32 to vector<16xf32>
      %add3A_3324 = arith.addf %get3A_3308, %add3A_3323 : vector<16xf32>
      %div3A_3325 = arith.divf %get3A_3316, %add3A_3324 : vector<16xf32>
      %add3A_3326 = arith.addf %add3A_3304, %div3A_3325 : vector<16xf32>
      %get3A_3327 = arith.constant 4 : i32
      %get3A_3328 = arith.index_cast %get3A_3327 : i32 to index
      %get3A_3329 = arith.constant 80 : index
      %get3A_3330 = tpu.vector_load %arg7[%get3A_3328, %get3A_3329] {strides = array<i32>} : memref<32x128xf32, #tpu.memory_space<vmem>>, vector<16xf32>,
      %get3A_3331 = arith.constant 12 : i32
      %get3A_3332 = arith.index_cast %get3A_3331 : i32 to index
      %get3A_3333 = arith.constant 80 : index
      %get3A_3334 = tpu.vector_load %arg7[%get3A_3332, %get3A_3333] {strides = array<i32>} : memref<32x128xf32, #tpu.memory_space<vmem>>, vector<16xf32>,
      %get3A_3335 = arith.constant 20 : i32
      %get3A_3336 = arith.index_cast %get3A_3335 : i32 to index
      %get3A_3337 = arith.constant 80 : index
      %get3A_3338 = tpu.vector_load %arg7[%get3A_3336, %get3A_3337] {strides = array<i32>} : memref<32x128xf32, #tpu.memory_space<vmem>>, vector<16xf32>,
      %add3A_3339 = arith.constant 1.000000e-07 : f32
      %add3A_3340 = vector.broadcast %add3A_3339 : f32 to vector<16xf32>
      %add3A_3341 = arith.addf %get3A_3334, %add3A_3340 : vector<16xf32>
      %div3A_3342 = arith.divf %get3A_3338, %add3A_3341 : vector<16xf32>
      %add3A_3343 = arith.addf %add3A_3321, %div3A_3342 : vector<16xf32>
      %add3A_3344 = arith.constant 1.000000e-07 : f32
      %add3A_3345 = vector.broadcast %add3A_3344 : f32 to vector<16xf32>
      %add3A_3346 = arith.addf %get3A_3330, %add3A_3345 : vector<16xf32>
      %div3A_3347 = arith.divf %get3A_3338, %add3A_3346 : vector<16xf32>
      %add3A_3348 = arith.addf %add3A_3326, %div3A_3347 : vector<16xf32>
      %get3A_3349 = arith.constant 4 : i32
      %get3A_3350 = arith.index_cast %get3A_3349 : i32 to index
      %get3A_3351 = arith.constant 96 : index
      %get3A_3352 = tpu.vector_load %arg7[%get3A_3350, %get3A_3351] {strides = array<i32>} : memref<32x128xf32, #tpu.memory_space<vmem>>, vector<16xf32>,
      %get3A_3353 = arith.constant 12 : i32
      %get3A_3354 = arith.index_cast %get3A_3353 : i32 to index
      %get3A_3355 = arith.constant 96 : index
      %get3A_3356 = tpu.vector_load %arg7[%get3A_3354, %get3A_3355] {strides = array<i32>} : memref<32x128xf32, #tpu.memory_space<vmem>>, vector<16xf32>,
      %get3A_3357 = arith.constant 20 : i32
      %get3A_3358 = arith.index_cast %get3A_3357 : i32 to index
      %get3A_3359 = arith.constant 96 : index
      %get3A_3360 = tpu.vector_load %arg7[%get3A_3358, %get3A_3359] {strides = array<i32>} : memref<32x128xf32, #tpu.memory_space<vmem>>, vector<16xf32>,
      %add3A_3361 = arith.constant 1.000000e-07 : f32
      %add3A_3362 = vector.broadcast %add3A_3361 : f32 to vector<16xf32>
      %add3A_3363 = arith.addf %get3A_3356, %add3A_3362 : vector<16xf32>
      %div3A_3364 = arith.divf %get3A_3360, %add3A_3363 : vector<16xf32>
      %add3A_3365 = arith.addf %add3A_3343, %div3A_3364 : vector<16xf32>
      %add3A_3366 = arith.constant 1.000000e-07 : f32
      %add3A_3367 = vector.broadcast %add3A_3366 : f32 to vector<16xf32>
      %add3A_3368 = arith.addf %get3A_3352, %add3A_3367 : vector<16xf32>
      %div3A_3369 = arith.divf %get3A_3360, %add3A_3368 : vector<16xf32>
      %add3A_3370 = arith.addf %add3A_3348, %div3A_3369 : vector<16xf32>
      %get3A_3371 = arith.constant 4 : i32
      %get3A_3372 = arith.index_cast %get3A_3371 : i32 to index
      %get3A_3373 = arith.constant 112 : index
      %get3A_3374 = tpu.vector_load %arg7[%get3A_3372, %get3A_3373] {strides = array<i32>} : memref<32x128xf32, #tpu.memory_space<vmem>>, vector<16xf32>,
      %get3A_3375 = arith.constant 12 : i32
      %get3A_3376 = arith.index_cast %get3A_3375 : i32 to index
      %get3A_3377 = arith.constant 112 : index
      %get3A_3378 = tpu.vector_load %arg7[%get3A_3376, %get3A_3377] {strides = array<i32>} : memref<32x128xf32, #tpu.memory_space<vmem>>, vector<16xf32>,
      %get3A_3379 = arith.constant 20 : i32
      %get3A_3380 = arith.index_cast %get3A_3379 : i32 to index
      %get3A_3381 = arith.constant 112 : index
      %get3A_3382 = tpu.vector_load %arg7[%get3A_3380, %get3A_3381] {strides = array<i32>} : memref<32x128xf32, #tpu.memory_space<vmem>>, vector<16xf32>,
      %add3A_3383 = arith.constant 1.000000e-07 : f32
      %add3A_3384 = vector.broadcast %add3A_3383 : f32 to vector<16xf32>
      %add3A_3385 = arith.addf %get3A_3378, %add3A_3384 : vector<16xf32>
      %div3A_3386 = arith.divf %get3A_3382, %add3A_3385 : vector<16xf32>
      %add3A_3387 = arith.addf %add3A_3365, %div3A_3386 : vector<16xf32>
      %add3A_3388 = arith.constant 1.000000e-07 : f32
      %add3A_3389 = vector.broadcast %add3A_3388 : f32 to vector<16xf32>
      %add3A_3390 = arith.addf %get3A_3374, %add3A_3389 : vector<16xf32>
      %div3A_3391 = arith.divf %get3A_3382, %add3A_3390 : vector<16xf32>
      %add3A_3392 = arith.addf %add3A_3370, %div3A_3391 : vector<16xf32>
      %get3A_3393 = arith.constant 5 : i32
      %get3A_3394 = arith.index_cast %get3A_3393 : i32 to index
      %get3A_3395 = arith.constant 0 : index
      %get3A_3396 = tpu.vector_load %arg7[%get3A_3394, %get3A_3395] {strides = array<i32>} : memref<32x128xf32, #tpu.memory_space<vmem>>, vector<16xf32>,
      %get3A_3397 = arith.constant 13 : i32
      %get3A_3398 = arith.index_cast %get3A_3397 : i32 to index
      %get3A_3399 = arith.constant 0 : index
      %get3A_3400 = tpu.vector_load %arg7[%get3A_3398, %get3A_3399] {strides = array<i32>} : memref<32x128xf32, #tpu.memory_space<vmem>>, vector<16xf32>,
      %get3A_3401 = arith.constant 21 : i32
      %get3A_3402 = arith.index_cast %get3A_3401 : i32 to index
      %get3A_3403 = arith.constant 0 : index
      %get3A_3404 = tpu.vector_load %arg7[%get3A_3402, %get3A_3403] {strides = array<i32>} : memref<32x128xf32, #tpu.memory_space<vmem>>, vector<16xf32>,
      %add3A_3405 = arith.constant 1.000000e-07 : f32
      %add3A_3406 = vector.broadcast %add3A_3405 : f32 to vector<16xf32>
      %add3A_3407 = arith.addf %get3A_3400, %add3A_3406 : vector<16xf32>
      %div3A_3408 = arith.divf %get3A_3404, %add3A_3407 : vector<16xf32>
      %add3A_3409 = arith.addf %add3A_3387, %div3A_3408 : vector<16xf32>
      %add3A_3410 = arith.constant 1.000000e-07 : f32
      %add3A_3411 = vector.broadcast %add3A_3410 : f32 to vector<16xf32>
      %add3A_3412 = arith.addf %get3A_3396, %add3A_3411 : vector<16xf32>
      %div3A_3413 = arith.divf %get3A_3404, %add3A_3412 : vector<16xf32>
      %add3A_3414 = arith.addf %add3A_3392, %div3A_3413 : vector<16xf32>
      %get3A_3415 = arith.constant 5 : i32
      %get3A_3416 = arith.index_cast %get3A_3415 : i32 to index
      %get3A_3417 = arith.constant 16 : index
      %get3A_3418 = tpu.vector_load %arg7[%get3A_3416, %get3A_3417] {strides = array<i32>} : memref<32x128xf32, #tpu.memory_space<vmem>>, vector<16xf32>,
      %get3A_3419 = arith.constant 13 : i32
      %get3A_3420 = arith.index_cast %get3A_3419 : i32 to index
      %get3A_3421 = arith.constant 16 : index
      %get3A_3422 = tpu.vector_load %arg7[%get3A_3420, %get3A_3421] {strides = array<i32>} : memref<32x128xf32, #tpu.memory_space<vmem>>, vector<16xf32>,
      %get3A_3423 = arith.constant 21 : i32
      %get3A_3424 = arith.index_cast %get3A_3423 : i32 to index
      %get3A_3425 = arith.constant 16 : index
      %get3A_3426 = tpu.vector_load %arg7[%get3A_3424, %get3A_3425] {strides = array<i32>} : memref<32x128xf32, #tpu.memory_space<vmem>>, vector<16xf32>,
      %add3A_3427 = arith.constant 1.000000e-07 : f32
      %add3A_3428 = vector.broadcast %add3A_3427 : f32 to vector<16xf32>
      %add3A_3429 = arith.addf %get3A_3422, %add3A_3428 : vector<16xf32>
      %div3A_3430 = arith.divf %get3A_3426, %add3A_3429 : vector<16xf32>
      %add3A_3431 = arith.addf %add3A_3409, %div3A_3430 : vector<16xf32>
      %add3A_3432 = arith.constant 1.000000e-07 : f32
      %add3A_3433 = vector.broadcast %add3A_3432 : f32 to vector<16xf32>
      %add3A_3434 = arith.addf %get3A_3418, %add3A_3433 : vector<16xf32>
      %div3A_3435 = arith.divf %get3A_3426, %add3A_3434 : vector<16xf32>
      %add3A_3436 = arith.addf %add3A_3414, %div3A_3435 : vector<16xf32>
      %get3A_3437 = arith.constant 5 : i32
      %get3A_3438 = arith.index_cast %get3A_3437 : i32 to index
      %get3A_3439 = arith.constant 32 : index
      %get3A_3440 = tpu.vector_load %arg7[%get3A_3438, %get3A_3439] {strides = array<i32>} : memref<32x128xf32, #tpu.memory_space<vmem>>, vector<16xf32>,
      %get3A_3441 = arith.constant 13 : i32
      %get3A_3442 = arith.index_cast %get3A_3441 : i32 to index
      %get3A_3443 = arith.constant 32 : index
      %get3A_3444 = tpu.vector_load %arg7[%get3A_3442, %get3A_3443] {strides = array<i32>} : memref<32x128xf32, #tpu.memory_space<vmem>>, vector<16xf32>,
      %get3A_3445 = arith.constant 21 : i32
      %get3A_3446 = arith.index_cast %get3A_3445 : i32 to index
      %get3A_3447 = arith.constant 32 : index
      %get3A_3448 = tpu.vector_load %arg7[%get3A_3446, %get3A_3447] {strides = array<i32>} : memref<32x128xf32, #tpu.memory_space<vmem>>, vector<16xf32>,
      %add3A_3449 = arith.constant 1.000000e-07 : f32
      %add3A_3450 = vector.broadcast %add3A_3449 : f32 to vector<16xf32>
      %add3A_3451 = arith.addf %get3A_3444, %add3A_3450 : vector<16xf32>
      %div3A_3452 = arith.divf %get3A_3448, %add3A_3451 : vector<16xf32>
      %add3A_3453 = arith.addf %add3A_3431, %div3A_3452 : vector<16xf32>
      %add3A_3454 = arith.constant 1.000000e-07 : f32
      %add3A_3455 = vector.broadcast %add3A_3454 : f32 to vector<16xf32>
      %add3A_3456 = arith.addf %get3A_3440, %add3A_3455 : vector<16xf32>
      %div3A_3457 = arith.divf %get3A_3448, %add3A_3456 : vector<16xf32>
      %add3A_3458 = arith.addf %add3A_3436, %div3A_3457 : vector<16xf32>
      %get3A_3459 = arith.constant 5 : i32
      %get3A_3460 = arith.index_cast %get3A_3459 : i32 to index
      %get3A_3461 = arith.constant 48 : index
      %get3A_3462 = tpu.vector_load %arg7[%get3A_3460, %get3A_3461] {strides = array<i32>} : memref<32x128xf32, #tpu.memory_space<vmem>>, vector<16xf32>,
      %get3A_3463 = arith.constant 13 : i32
      %get3A_3464 = arith.index_cast %get3A_3463 : i32 to index
      %get3A_3465 = arith.constant 48 : index
      %get3A_3466 = tpu.vector_load %arg7[%get3A_3464, %get3A_3465] {strides = array<i32>} : memref<32x128xf32, #tpu.memory_space<vmem>>, vector<16xf32>,
      %get3A_3467 = arith.constant 21 : i32
      %get3A_3468 = arith.index_cast %get3A_3467 : i32 to index
      %get3A_3469 = arith.constant 48 : index
      %get3A_3470 = tpu.vector_load %arg7[%get3A_3468, %get3A_3469] {strides = array<i32>} : memref<32x128xf32, #tpu.memory_space<vmem>>, vector<16xf32>,
      %add3A_3471 = arith.constant 1.000000e-07 : f32
      %add3A_3472 = vector.broadcast %add3A_3471 : f32 to vector<16xf32>
      %add3A_3473 = arith.addf %get3A_3466, %add3A_3472 : vector<16xf32>
      %div3A_3474 = arith.divf %get3A_3470, %add3A_3473 : vector<16xf32>
      %add3A_3475 = arith.addf %add3A_3453, %div3A_3474 : vector<16xf32>
      %add3A_3476 = arith.constant 1.000000e-07 : f32
      %add3A_3477 = vector.broadcast %add3A_3476 : f32 to vector<16xf32>
      %add3A_3478 = arith.addf %get3A_3462, %add3A_3477 : vector<16xf32>
      %div3A_3479 = arith.divf %get3A_3470, %add3A_3478 : vector<16xf32>
      %add3A_3480 = arith.addf %add3A_3458, %div3A_3479 : vector<16xf32>
      %get3A_3481 = arith.constant 5 : i32
      %get3A_3482 = arith.index_cast %get3A_3481 : i32 to index
      %get3A_3483 = arith.constant 64 : index
      %get3A_3484 = tpu.vector_load %arg7[%get3A_3482, %get3A_3483] {strides = array<i32>} : memref<32x128xf32, #tpu.memory_space<vmem>>, vector<16xf32>,
      %get3A_3485 = arith.constant 13 : i32
      %get3A_3486 = arith.index_cast %get3A_3485 : i32 to index
      %get3A_3487 = arith.constant 64 : index
      %get3A_3488 = tpu.vector_load %arg7[%get3A_3486, %get3A_3487] {strides = array<i32>} : memref<32x128xf32, #tpu.memory_space<vmem>>, vector<16xf32>,
      %get3A_3489 = arith.constant 21 : i32
      %get3A_3490 = arith.index_cast %get3A_3489 : i32 to index
      %get3A_3491 = arith.constant 64 : index
      %get3A_3492 = tpu.vector_load %arg7[%get3A_3490, %get3A_3491] {strides = array<i32>} : memref<32x128xf32, #tpu.memory_space<vmem>>, vector<16xf32>,
      %add3A_3493 = arith.constant 1.000000e-07 : f32
      %add3A_3494 = vector.broadcast %add3A_3493 : f32 to vector<16xf32>
      %add3A_3495 = arith.addf %get3A_3488, %add3A_3494 : vector<16xf32>
      %div3A_3496 = arith.divf %get3A_3492, %add3A_3495 : vector<16xf32>
      %add3A_3497 = arith.addf %add3A_3475, %div3A_3496 : vector<16xf32>
      %add3A_3498 = arith.constant 1.000000e-07 : f32
      %add3A_3499 = vector.broadcast %add3A_3498 : f32 to vector<16xf32>
      %add3A_3500 = arith.addf %get3A_3484, %add3A_3499 : vector<16xf32>
      %div3A_3501 = arith.divf %get3A_3492, %add3A_3500 : vector<16xf32>
      %add3A_3502 = arith.addf %add3A_3480, %div3A_3501 : vector<16xf32>
      %get3A_3503 = arith.constant 5 : i32
      %get3A_3504 = arith.index_cast %get3A_3503 : i32 to index
      %get3A_3505 = arith.constant 80 : index
      %get3A_3506 = tpu.vector_load %arg7[%get3A_3504, %get3A_3505] {strides = array<i32>} : memref<32x128xf32, #tpu.memory_space<vmem>>, vector<16xf32>,
      %get3A_3507 = arith.constant 13 : i32
      %get3A_3508 = arith.index_cast %get3A_3507 : i32 to index
      %get3A_3509 = arith.constant 80 : index
      %get3A_3510 = tpu.vector_load %arg7[%get3A_3508, %get3A_3509] {strides = array<i32>} : memref<32x128xf32, #tpu.memory_space<vmem>>, vector<16xf32>,
      %get3A_3511 = arith.constant 21 : i32
      %get3A_3512 = arith.index_cast %get3A_3511 : i32 to index
      %get3A_3513 = arith.constant 80 : index
      %get3A_3514 = tpu.vector_load %arg7[%get3A_3512, %get3A_3513] {strides = array<i32>} : memref<32x128xf32, #tpu.memory_space<vmem>>, vector<16xf32>,
      %add3A_3515 = arith.constant 1.000000e-07 : f32
      %add3A_3516 = vector.broadcast %add3A_3515 : f32 to vector<16xf32>
      %add3A_3517 = arith.addf %get3A_3510, %add3A_3516 : vector<16xf32>
      %div3A_3518 = arith.divf %get3A_3514, %add3A_3517 : vector<16xf32>
      %add3A_3519 = arith.addf %add3A_3497, %div3A_3518 : vector<16xf32>
      %add3A_3520 = arith.constant 1.000000e-07 : f32
      %add3A_3521 = vector.broadcast %add3A_3520 : f32 to vector<16xf32>
      %add3A_3522 = arith.addf %get3A_3506, %add3A_3521 : vector<16xf32>
      %div3A_3523 = arith.divf %get3A_3514, %add3A_3522 : vector<16xf32>
      %add3A_3524 = arith.addf %add3A_3502, %div3A_3523 : vector<16xf32>
      %get3A_3525 = arith.constant 5 : i32
      %get3A_3526 = arith.index_cast %get3A_3525 : i32 to index
      %get3A_3527 = arith.constant 96 : index
      %get3A_3528 = tpu.vector_load %arg7[%get3A_3526, %get3A_3527] {strides = array<i32>} : memref<32x128xf32, #tpu.memory_space<vmem>>, vector<16xf32>,
      %get3A_3529 = arith.constant 13 : i32
      %get3A_3530 = arith.index_cast %get3A_3529 : i32 to index
      %get3A_3531 = arith.constant 96 : index
      %get3A_3532 = tpu.vector_load %arg7[%get3A_3530, %get3A_3531] {strides = array<i32>} : memref<32x128xf32, #tpu.memory_space<vmem>>, vector<16xf32>,
      %get3A_3533 = arith.constant 21 : i32
      %get3A_3534 = arith.index_cast %get3A_3533 : i32 to index
      %get3A_3535 = arith.constant 96 : index
      %get3A_3536 = tpu.vector_load %arg7[%get3A_3534, %get3A_3535] {strides = array<i32>} : memref<32x128xf32, #tpu.memory_space<vmem>>, vector<16xf32>,
      %add3A_3537 = arith.constant 1.000000e-07 : f32
      %add3A_3538 = vector.broadcast %add3A_3537 : f32 to vector<16xf32>
      %add3A_3539 = arith.addf %get3A_3532, %add3A_3538 : vector<16xf32>
      %div3A_3540 = arith.divf %get3A_3536, %add3A_3539 : vector<16xf32>
      %add3A_3541 = arith.addf %add3A_3519, %div3A_3540 : vector<16xf32>
      %add3A_3542 = arith.constant 1.000000e-07 : f32
      %add3A_3543 = vector.broadcast %add3A_3542 : f32 to vector<16xf32>
      %add3A_3544 = arith.addf %get3A_3528, %add3A_3543 : vector<16xf32>
      %div3A_3545 = arith.divf %get3A_3536, %add3A_3544 : vector<16xf32>
      %add3A_3546 = arith.addf %add3A_3524, %div3A_3545 : vector<16xf32>
      %get3A_3547 = arith.constant 5 : i32
      %get3A_3548 = arith.index_cast %get3A_3547 : i32 to index
      %get3A_3549 = arith.constant 112 : index
      %get3A_3550 = tpu.vector_load %arg7[%get3A_3548, %get3A_3549] {strides = array<i32>} : memref<32x128xf32, #tpu.memory_space<vmem>>, vector<16xf32>,
      %get3A_3551 = arith.constant 13 : i32
      %get3A_3552 = arith.index_cast %get3A_3551 : i32 to index
      %get3A_3553 = arith.constant 112 : index
      %get3A_3554 = tpu.vector_load %arg7[%get3A_3552, %get3A_3553] {strides = array<i32>} : memref<32x128xf32, #tpu.memory_space<vmem>>, vector<16xf32>,
      %get3A_3555 = arith.constant 21 : i32
      %get3A_3556 = arith.index_cast %get3A_3555 : i32 to index
      %get3A_3557 = arith.constant 112 : index
      %get3A_3558 = tpu.vector_load %arg7[%get3A_3556, %get3A_3557] {strides = array<i32>} : memref<32x128xf32, #tpu.memory_space<vmem>>, vector<16xf32>,
      %add3A_3559 = arith.constant 1.000000e-07 : f32
      %add3A_3560 = vector.broadcast %add3A_3559 : f32 to vector<16xf32>
      %add3A_3561 = arith.addf %get3A_3554, %add3A_3560 : vector<16xf32>
      %div3A_3562 = arith.divf %get3A_3558, %add3A_3561 : vector<16xf32>
      %add3A_3563 = arith.addf %add3A_3541, %div3A_3562 : vector<16xf32>
      %add3A_3564 = arith.constant 1.000000e-07 : f32
      %add3A_3565 = vector.broadcast %add3A_3564 : f32 to vector<16xf32>
      %add3A_3566 = arith.addf %get3A_3550, %add3A_3565 : vector<16xf32>
      %div3A_3567 = arith.divf %get3A_3558, %add3A_3566 : vector<16xf32>
      %add3A_3568 = arith.addf %add3A_3546, %div3A_3567 : vector<16xf32>
      %get3A_3569 = arith.constant 6 : i32
      %get3A_3570 = arith.index_cast %get3A_3569 : i32 to index
      %get3A_3571 = arith.constant 0 : index
      %get3A_3572 = tpu.vector_load %arg7[%get3A_3570, %get3A_3571] {strides = array<i32>} : memref<32x128xf32, #tpu.memory_space<vmem>>, vector<16xf32>,
      %get3A_3573 = arith.constant 14 : i32
      %get3A_3574 = arith.index_cast %get3A_3573 : i32 to index
      %get3A_3575 = arith.constant 0 : index
      %get3A_3576 = tpu.vector_load %arg7[%get3A_3574, %get3A_3575] {strides = array<i32>} : memref<32x128xf32, #tpu.memory_space<vmem>>, vector<16xf32>,
      %get3A_3577 = arith.constant 22 : i32
      %get3A_3578 = arith.index_cast %get3A_3577 : i32 to index
      %get3A_3579 = arith.constant 0 : index
      %get3A_3580 = tpu.vector_load %arg7[%get3A_3578, %get3A_3579] {strides = array<i32>} : memref<32x128xf32, #tpu.memory_space<vmem>>, vector<16xf32>,
      %add3A_3581 = arith.constant 1.000000e-07 : f32
      %add3A_3582 = vector.broadcast %add3A_3581 : f32 to vector<16xf32>
      %add3A_3583 = arith.addf %get3A_3576, %add3A_3582 : vector<16xf32>
      %div3A_3584 = arith.divf %get3A_3580, %add3A_3583 : vector<16xf32>
      %add3A_3585 = arith.addf %add3A_3563, %div3A_3584 : vector<16xf32>
      %add3A_3586 = arith.constant 1.000000e-07 : f32
      %add3A_3587 = vector.broadcast %add3A_3586 : f32 to vector<16xf32>
      %add3A_3588 = arith.addf %get3A_3572, %add3A_3587 : vector<16xf32>
      %div3A_3589 = arith.divf %get3A_3580, %add3A_3588 : vector<16xf32>
      %add3A_3590 = arith.addf %add3A_3568, %div3A_3589 : vector<16xf32>
      %get3A_3591 = arith.constant 6 : i32
      %get3A_3592 = arith.index_cast %get3A_3591 : i32 to index
      %get3A_3593 = arith.constant 16 : index
      %get3A_3594 = tpu.vector_load %arg7[%get3A_3592, %get3A_3593] {strides = array<i32>} : memref<32x128xf32, #tpu.memory_space<vmem>>, vector<16xf32>,
      %get3A_3595 = arith.constant 14 : i32
      %get3A_3596 = arith.index_cast %get3A_3595 : i32 to index
      %get3A_3597 = arith.constant 16 : index
      %get3A_3598 = tpu.vector_load %arg7[%get3A_3596, %get3A_3597] {strides = array<i32>} : memref<32x128xf32, #tpu.memory_space<vmem>>, vector<16xf32>,
      %get3A_3599 = arith.constant 22 : i32
      %get3A_3600 = arith.index_cast %get3A_3599 : i32 to index
      %get3A_3601 = arith.constant 16 : index
      %get3A_3602 = tpu.vector_load %arg7[%get3A_3600, %get3A_3601] {strides = array<i32>} : memref<32x128xf32, #tpu.memory_space<vmem>>, vector<16xf32>,
      %add3A_3603 = arith.constant 1.000000e-07 : f32
      %add3A_3604 = vector.broadcast %add3A_3603 : f32 to vector<16xf32>
      %add3A_3605 = arith.addf %get3A_3598, %add3A_3604 : vector<16xf32>
      %div3A_3606 = arith.divf %get3A_3602, %add3A_3605 : vector<16xf32>
      %add3A_3607 = arith.addf %add3A_3585, %div3A_3606 : vector<16xf32>
      %add3A_3608 = arith.constant 1.000000e-07 : f32
      %add3A_3609 = vector.broadcast %add3A_3608 : f32 to vector<16xf32>
      %add3A_3610 = arith.addf %get3A_3594, %add3A_3609 : vector<16xf32>
      %div3A_3611 = arith.divf %get3A_3602, %add3A_3610 : vector<16xf32>
      %add3A_3612 = arith.addf %add3A_3590, %div3A_3611 : vector<16xf32>
      %get3A_3613 = arith.constant 6 : i32
      %get3A_3614 = arith.index_cast %get3A_3613 : i32 to index
      %get3A_3615 = arith.constant 32 : index
      %get3A_3616 = tpu.vector_load %arg7[%get3A_3614, %get3A_3615] {strides = array<i32>} : memref<32x128xf32, #tpu.memory_space<vmem>>, vector<16xf32>,
      %get3A_3617 = arith.constant 14 : i32
      %get3A_3618 = arith.index_cast %get3A_3617 : i32 to index
      %get3A_3619 = arith.constant 32 : index
      %get3A_3620 = tpu.vector_load %arg7[%get3A_3618, %get3A_3619] {strides = array<i32>} : memref<32x128xf32, #tpu.memory_space<vmem>>, vector<16xf32>,
      %get3A_3621 = arith.constant 22 : i32
      %get3A_3622 = arith.index_cast %get3A_3621 : i32 to index
      %get3A_3623 = arith.constant 32 : index
      %get3A_3624 = tpu.vector_load %arg7[%get3A_3622, %get3A_3623] {strides = array<i32>} : memref<32x128xf32, #tpu.memory_space<vmem>>, vector<16xf32>,
      %add3A_3625 = arith.constant 1.000000e-07 : f32
      %add3A_3626 = vector.broadcast %add3A_3625 : f32 to vector<16xf32>
      %add3A_3627 = arith.addf %get3A_3620, %add3A_3626 : vector<16xf32>
      %div3A_3628 = arith.divf %get3A_3624, %add3A_3627 : vector<16xf32>
      %add3A_3629 = arith.addf %add3A_3607, %div3A_3628 : vector<16xf32>
      %add3A_3630 = arith.constant 1.000000e-07 : f32
      %add3A_3631 = vector.broadcast %add3A_3630 : f32 to vector<16xf32>
      %add3A_3632 = arith.addf %get3A_3616, %add3A_3631 : vector<16xf32>
      %div3A_3633 = arith.divf %get3A_3624, %add3A_3632 : vector<16xf32>
      %add3A_3634 = arith.addf %add3A_3612, %div3A_3633 : vector<16xf32>
      %get3A_3635 = arith.constant 6 : i32
      %get3A_3636 = arith.index_cast %get3A_3635 : i32 to index
      %get3A_3637 = arith.constant 48 : index
      %get3A_3638 = tpu.vector_load %arg7[%get3A_3636, %get3A_3637] {strides = array<i32>} : memref<32x128xf32, #tpu.memory_space<vmem>>, vector<16xf32>,
      %get3A_3639 = arith.constant 14 : i32
      %get3A_3640 = arith.index_cast %get3A_3639 : i32 to index
      %get3A_3641 = arith.constant 48 : index
      %get3A_3642 = tpu.vector_load %arg7[%get3A_3640, %get3A_3641] {strides = array<i32>} : memref<32x128xf32, #tpu.memory_space<vmem>>, vector<16xf32>,
      %get3A_3643 = arith.constant 22 : i32
      %get3A_3644 = arith.index_cast %get3A_3643 : i32 to index
      %get3A_3645 = arith.constant 48 : index
      %get3A_3646 = tpu.vector_load %arg7[%get3A_3644, %get3A_3645] {strides = array<i32>} : memref<32x128xf32, #tpu.memory_space<vmem>>, vector<16xf32>,
      %add3A_3647 = arith.constant 1.000000e-07 : f32
      %add3A_3648 = vector.broadcast %add3A_3647 : f32 to vector<16xf32>
      %add3A_3649 = arith.addf %get3A_3642, %add3A_3648 : vector<16xf32>
      %div3A_3650 = arith.divf %get3A_3646, %add3A_3649 : vector<16xf32>
      %add3A_3651 = arith.addf %add3A_3629, %div3A_3650 : vector<16xf32>
      %add3A_3652 = arith.constant 1.000000e-07 : f32
      %add3A_3653 = vector.broadcast %add3A_3652 : f32 to vector<16xf32>
      %add3A_3654 = arith.addf %get3A_3638, %add3A_3653 : vector<16xf32>
      %div3A_3655 = arith.divf %get3A_3646, %add3A_3654 : vector<16xf32>
      %add3A_3656 = arith.addf %add3A_3634, %div3A_3655 : vector<16xf32>
      %get3A_3657 = arith.constant 6 : i32
      %get3A_3658 = arith.index_cast %get3A_3657 : i32 to index
      %get3A_3659 = arith.constant 64 : index
      %get3A_3660 = tpu.vector_load %arg7[%get3A_3658, %get3A_3659] {strides = array<i32>} : memref<32x128xf32, #tpu.memory_space<vmem>>, vector<16xf32>,
      %get3A_3661 = arith.constant 14 : i32
      %get3A_3662 = arith.index_cast %get3A_3661 : i32 to index
      %get3A_3663 = arith.constant 64 : index
      %get3A_3664 = tpu.vector_load %arg7[%get3A_3662, %get3A_3663] {strides = array<i32>} : memref<32x128xf32, #tpu.memory_space<vmem>>, vector<16xf32>,
      %get3A_3665 = arith.constant 22 : i32
      %get3A_3666 = arith.index_cast %get3A_3665 : i32 to index
      %get3A_3667 = arith.constant 64 : index
      %get3A_3668 = tpu.vector_load %arg7[%get3A_3666, %get3A_3667] {strides = array<i32>} : memref<32x128xf32, #tpu.memory_space<vmem>>, vector<16xf32>,
      %add3A_3669 = arith.constant 1.000000e-07 : f32
      %add3A_3670 = vector.broadcast %add3A_3669 : f32 to vector<16xf32>
      %add3A_3671 = arith.addf %get3A_3664, %add3A_3670 : vector<16xf32>
      %div3A_3672 = arith.divf %get3A_3668, %add3A_3671 : vector<16xf32>
      %add3A_3673 = arith.addf %add3A_3651, %div3A_3672 : vector<16xf32>
      %add3A_3674 = arith.constant 1.000000e-07 : f32
      %add3A_3675 = vector.broadcast %add3A_3674 : f32 to vector<16xf32>
      %add3A_3676 = arith.addf %get3A_3660, %add3A_3675 : vector<16xf32>
      %div3A_3677 = arith.divf %get3A_3668, %add3A_3676 : vector<16xf32>
      %add3A_3678 = arith.addf %add3A_3656, %div3A_3677 : vector<16xf32>
      %get3A_3679 = arith.constant 6 : i32
      %get3A_3680 = arith.index_cast %get3A_3679 : i32 to index
      %get3A_3681 = arith.constant 80 : index
      %get3A_3682 = tpu.vector_load %arg7[%get3A_3680, %get3A_3681] {strides = array<i32>} : memref<32x128xf32, #tpu.memory_space<vmem>>, vector<16xf32>,
      %get3A_3683 = arith.constant 14 : i32
      %get3A_3684 = arith.index_cast %get3A_3683 : i32 to index
      %get3A_3685 = arith.constant 80 : index
      %get3A_3686 = tpu.vector_load %arg7[%get3A_3684, %get3A_3685] {strides = array<i32>} : memref<32x128xf32, #tpu.memory_space<vmem>>, vector<16xf32>,
      %get3A_3687 = arith.constant 22 : i32
      %get3A_3688 = arith.index_cast %get3A_3687 : i32 to index
      %get3A_3689 = arith.constant 80 : index
      %get3A_3690 = tpu.vector_load %arg7[%get3A_3688, %get3A_3689] {strides = array<i32>} : memref<32x128xf32, #tpu.memory_space<vmem>>, vector<16xf32>,
      %add3A_3691 = arith.constant 1.000000e-07 : f32
      %add3A_3692 = vector.broadcast %add3A_3691 : f32 to vector<16xf32>
      %add3A_3693 = arith.addf %get3A_3686, %add3A_3692 : vector<16xf32>
      %div3A_3694 = arith.divf %get3A_3690, %add3A_3693 : vector<16xf32>
      %add3A_3695 = arith.addf %add3A_3673, %div3A_3694 : vector<16xf32>
      %add3A_3696 = arith.constant 1.000000e-07 : f32
      %add3A_3697 = vector.broadcast %add3A_3696 : f32 to vector<16xf32>
      %add3A_3698 = arith.addf %get3A_3682, %add3A_3697 : vector<16xf32>
      %div3A_3699 = arith.divf %get3A_3690, %add3A_3698 : vector<16xf32>
      %add3A_3700 = arith.addf %add3A_3678, %div3A_3699 : vector<16xf32>
      %get3A_3701 = arith.constant 6 : i32
      %get3A_3702 = arith.index_cast %get3A_3701 : i32 to index
      %get3A_3703 = arith.constant 96 : index
      %get3A_3704 = tpu.vector_load %arg7[%get3A_3702, %get3A_3703] {strides = array<i32>} : memref<32x128xf32, #tpu.memory_space<vmem>>, vector<16xf32>,
      %get3A_3705 = arith.constant 14 : i32
      %get3A_3706 = arith.index_cast %get3A_3705 : i32 to index
      %get3A_3707 = arith.constant 96 : index
      %get3A_3708 = tpu.vector_load %arg7[%get3A_3706, %get3A_3707] {strides = array<i32>} : memref<32x128xf32, #tpu.memory_space<vmem>>, vector<16xf32>,
      %get3A_3709 = arith.constant 22 : i32
      %get3A_3710 = arith.index_cast %get3A_3709 : i32 to index
      %get3A_3711 = arith.constant 96 : index
      %get3A_3712 = tpu.vector_load %arg7[%get3A_3710, %get3A_3711] {strides = array<i32>} : memref<32x128xf32, #tpu.memory_space<vmem>>, vector<16xf32>,
      %add3A_3713 = arith.constant 1.000000e-07 : f32
      %add3A_3714 = vector.broadcast %add3A_3713 : f32 to vector<16xf32>
      %add3A_3715 = arith.addf %get3A_3708, %add3A_3714 : vector<16xf32>
      %div3A_3716 = arith.divf %get3A_3712, %add3A_3715 : vector<16xf32>
      %add3A_3717 = arith.addf %add3A_3695, %div3A_3716 : vector<16xf32>
      %add3A_3718 = arith.constant 1.000000e-07 : f32
      %add3A_3719 = vector.broadcast %add3A_3718 : f32 to vector<16xf32>
      %add3A_3720 = arith.addf %get3A_3704, %add3A_3719 : vector<16xf32>
      %div3A_3721 = arith.divf %get3A_3712, %add3A_3720 : vector<16xf32>
      %add3A_3722 = arith.addf %add3A_3700, %div3A_3721 : vector<16xf32>
      %get3A_3723 = arith.constant 6 : i32
      %get3A_3724 = arith.index_cast %get3A_3723 : i32 to index
      %get3A_3725 = arith.constant 112 : index
      %get3A_3726 = tpu.vector_load %arg7[%get3A_3724, %get3A_3725] {strides = array<i32>} : memref<32x128xf32, #tpu.memory_space<vmem>>, vector<16xf32>,
      %get3A_3727 = arith.constant 14 : i32
      %get3A_3728 = arith.index_cast %get3A_3727 : i32 to index
      %get3A_3729 = arith.constant 112 : index
      %get3A_3730 = tpu.vector_load %arg7[%get3A_3728, %get3A_3729] {strides = array<i32>} : memref<32x128xf32, #tpu.memory_space<vmem>>, vector<16xf32>,
      %get3A_3731 = arith.constant 22 : i32
      %get3A_3732 = arith.index_cast %get3A_3731 : i32 to index
      %get3A_3733 = arith.constant 112 : index
      %get3A_3734 = tpu.vector_load %arg7[%get3A_3732, %get3A_3733] {strides = array<i32>} : memref<32x128xf32, #tpu.memory_space<vmem>>, vector<16xf32>,
      %add3A_3735 = arith.constant 1.000000e-07 : f32
      %add3A_3736 = vector.broadcast %add3A_3735 : f32 to vector<16xf32>
      %add3A_3737 = arith.addf %get3A_3730, %add3A_3736 : vector<16xf32>
      %div3A_3738 = arith.divf %get3A_3734, %add3A_3737 : vector<16xf32>
      %add3A_3739 = arith.addf %add3A_3717, %div3A_3738 : vector<16xf32>
      %add3A_3740 = arith.constant 1.000000e-07 : f32
      %add3A_3741 = vector.broadcast %add3A_3740 : f32 to vector<16xf32>
      %add3A_3742 = arith.addf %get3A_3726, %add3A_3741 : vector<16xf32>
      %div3A_3743 = arith.divf %get3A_3734, %add3A_3742 : vector<16xf32>
      %add3A_3744 = arith.addf %add3A_3722, %div3A_3743 : vector<16xf32>
      %get3A_3745 = arith.constant 7 : i32
      %get3A_3746 = arith.index_cast %get3A_3745 : i32 to index
      %get3A_3747 = arith.constant 0 : index
      %get3A_3748 = tpu.vector_load %arg7[%get3A_3746, %get3A_3747] {strides = array<i32>} : memref<32x128xf32, #tpu.memory_space<vmem>>, vector<16xf32>,
      %get3A_3749 = arith.constant 15 : i32
      %get3A_3750 = arith.index_cast %get3A_3749 : i32 to index
      %get3A_3751 = arith.constant 0 : index
      %get3A_3752 = tpu.vector_load %arg7[%get3A_3750, %get3A_3751] {strides = array<i32>} : memref<32x128xf32, #tpu.memory_space<vmem>>, vector<16xf32>,
      %get3A_3753 = arith.constant 23 : i32
      %get3A_3754 = arith.index_cast %get3A_3753 : i32 to index
      %get3A_3755 = arith.constant 0 : index
      %get3A_3756 = tpu.vector_load %arg7[%get3A_3754, %get3A_3755] {strides = array<i32>} : memref<32x128xf32, #tpu.memory_space<vmem>>, vector<16xf32>,
      %add3A_3757 = arith.constant 1.000000e-07 : f32
      %add3A_3758 = vector.broadcast %add3A_3757 : f32 to vector<16xf32>
      %add3A_3759 = arith.addf %get3A_3752, %add3A_3758 : vector<16xf32>
      %div3A_3760 = arith.divf %get3A_3756, %add3A_3759 : vector<16xf32>
      %add3A_3761 = arith.addf %add3A_3739, %div3A_3760 : vector<16xf32>
      %add3A_3762 = arith.constant 1.000000e-07 : f32
      %add3A_3763 = vector.broadcast %add3A_3762 : f32 to vector<16xf32>
      %add3A_3764 = arith.addf %get3A_3748, %add3A_3763 : vector<16xf32>
      %div3A_3765 = arith.divf %get3A_3756, %add3A_3764 : vector<16xf32>
      %add3A_3766 = arith.addf %add3A_3744, %div3A_3765 : vector<16xf32>
      %get3A_3767 = arith.constant 7 : i32
      %get3A_3768 = arith.index_cast %get3A_3767 : i32 to index
      %get3A_3769 = arith.constant 16 : index
      %get3A_3770 = tpu.vector_load %arg7[%get3A_3768, %get3A_3769] {strides = array<i32>} : memref<32x128xf32, #tpu.memory_space<vmem>>, vector<16xf32>,
      %get3A_3771 = arith.constant 15 : i32
      %get3A_3772 = arith.index_cast %get3A_3771 : i32 to index
      %get3A_3773 = arith.constant 16 : index
      %get3A_3774 = tpu.vector_load %arg7[%get3A_3772, %get3A_3773] {strides = array<i32>} : memref<32x128xf32, #tpu.memory_space<vmem>>, vector<16xf32>,
      %get3A_3775 = arith.constant 23 : i32
      %get3A_3776 = arith.index_cast %get3A_3775 : i32 to index
      %get3A_3777 = arith.constant 16 : index
      %get3A_3778 = tpu.vector_load %arg7[%get3A_3776, %get3A_3777] {strides = array<i32>} : memref<32x128xf32, #tpu.memory_space<vmem>>, vector<16xf32>,
      %add3A_3779 = arith.constant 1.000000e-07 : f32
      %add3A_3780 = vector.broadcast %add3A_3779 : f32 to vector<16xf32>
      %add3A_3781 = arith.addf %get3A_3774, %add3A_3780 : vector<16xf32>
      %div3A_3782 = arith.divf %get3A_3778, %add3A_3781 : vector<16xf32>
      %add3A_3783 = arith.addf %add3A_3761, %div3A_3782 : vector<16xf32>
      %add3A_3784 = arith.constant 1.000000e-07 : f32
      %add3A_3785 = vector.broadcast %add3A_3784 : f32 to vector<16xf32>
      %add3A_3786 = arith.addf %get3A_3770, %add3A_3785 : vector<16xf32>
      %div3A_3787 = arith.divf %get3A_3778, %add3A_3786 : vector<16xf32>
      %add3A_3788 = arith.addf %add3A_3766, %div3A_3787 : vector<16xf32>
      %get3A_3789 = arith.constant 7 : i32
      %get3A_3790 = arith.index_cast %get3A_3789 : i32 to index
      %get3A_3791 = arith.constant 32 : index
      %get3A_3792 = tpu.vector_load %arg7[%get3A_3790, %get3A_3791] {strides = array<i32>} : memref<32x128xf32, #tpu.memory_space<vmem>>, vector<16xf32>,
      %get3A_3793 = arith.constant 15 : i32
      %get3A_3794 = arith.index_cast %get3A_3793 : i32 to index
      %get3A_3795 = arith.constant 32 : index
      %get3A_3796 = tpu.vector_load %arg7[%get3A_3794, %get3A_3795] {strides = array<i32>} : memref<32x128xf32, #tpu.memory_space<vmem>>, vector<16xf32>,
      %get3A_3797 = arith.constant 23 : i32
      %get3A_3798 = arith.index_cast %get3A_3797 : i32 to index
      %get3A_3799 = arith.constant 32 : index
      %get3A_3800 = tpu.vector_load %arg7[%get3A_3798, %get3A_3799] {strides = array<i32>} : memref<32x128xf32, #tpu.memory_space<vmem>>, vector<16xf32>,
      %add3A_3801 = arith.constant 1.000000e-07 : f32
      %add3A_3802 = vector.broadcast %add3A_3801 : f32 to vector<16xf32>
      %add3A_3803 = arith.addf %get3A_3796, %add3A_3802 : vector<16xf32>
      %div3A_3804 = arith.divf %get3A_3800, %add3A_3803 : vector<16xf32>
      %add3A_3805 = arith.addf %add3A_3783, %div3A_3804 : vector<16xf32>
      %add3A_3806 = arith.constant 1.000000e-07 : f32
      %add3A_3807 = vector.broadcast %add3A_3806 : f32 to vector<16xf32>
      %add3A_3808 = arith.addf %get3A_3792, %add3A_3807 : vector<16xf32>
      %div3A_3809 = arith.divf %get3A_3800, %add3A_3808 : vector<16xf32>
      %add3A_3810 = arith.addf %add3A_3788, %div3A_3809 : vector<16xf32>
      %get3A_3811 = arith.constant 7 : i32
      %get3A_3812 = arith.index_cast %get3A_3811 : i32 to index
      %get3A_3813 = arith.constant 48 : index
      %get3A_3814 = tpu.vector_load %arg7[%get3A_3812, %get3A_3813] {strides = array<i32>} : memref<32x128xf32, #tpu.memory_space<vmem>>, vector<16xf32>,
      %get3A_3815 = arith.constant 15 : i32
      %get3A_3816 = arith.index_cast %get3A_3815 : i32 to index
      %get3A_3817 = arith.constant 48 : index
      %get3A_3818 = tpu.vector_load %arg7[%get3A_3816, %get3A_3817] {strides = array<i32>} : memref<32x128xf32, #tpu.memory_space<vmem>>, vector<16xf32>,
      %get3A_3819 = arith.constant 23 : i32
      %get3A_3820 = arith.index_cast %get3A_3819 : i32 to index
      %get3A_3821 = arith.constant 48 : index
      %get3A_3822 = tpu.vector_load %arg7[%get3A_3820, %get3A_3821] {strides = array<i32>} : memref<32x128xf32, #tpu.memory_space<vmem>>, vector<16xf32>,
      %add3A_3823 = arith.constant 1.000000e-07 : f32
      %add3A_3824 = vector.broadcast %add3A_3823 : f32 to vector<16xf32>
      %add3A_3825 = arith.addf %get3A_3818, %add3A_3824 : vector<16xf32>
      %div3A_3826 = arith.divf %get3A_3822, %add3A_3825 : vector<16xf32>
      %add3A_3827 = arith.addf %add3A_3805, %div3A_3826 : vector<16xf32>
      %add3A_3828 = arith.constant 1.000000e-07 : f32
      %add3A_3829 = vector.broadcast %add3A_3828 : f32 to vector<16xf32>
      %add3A_3830 = arith.addf %get3A_3814, %add3A_3829 : vector<16xf32>
      %div3A_3831 = arith.divf %get3A_3822, %add3A_3830 : vector<16xf32>
      %add3A_3832 = arith.addf %add3A_3810, %div3A_3831 : vector<16xf32>
      %get3A_3833 = arith.constant 7 : i32
      %get3A_3834 = arith.index_cast %get3A_3833 : i32 to index
      %get3A_3835 = arith.constant 64 : index
      %get3A_3836 = tpu.vector_load %arg7[%get3A_3834, %get3A_3835] {strides = array<i32>} : memref<32x128xf32, #tpu.memory_space<vmem>>, vector<16xf32>,
      %get3A_3837 = arith.constant 15 : i32
      %get3A_3838 = arith.index_cast %get3A_3837 : i32 to index
      %get3A_3839 = arith.constant 64 : index
      %get3A_3840 = tpu.vector_load %arg7[%get3A_3838, %get3A_3839] {strides = array<i32>} : memref<32x128xf32, #tpu.memory_space<vmem>>, vector<16xf32>,
      %get3A_3841 = arith.constant 23 : i32
      %get3A_3842 = arith.index_cast %get3A_3841 : i32 to index
      %get3A_3843 = arith.constant 64 : index
      %get3A_3844 = tpu.vector_load %arg7[%get3A_3842, %get3A_3843] {strides = array<i32>} : memref<32x128xf32, #tpu.memory_space<vmem>>, vector<16xf32>,
      %add3A_3845 = arith.constant 1.000000e-07 : f32
      %add3A_3846 = vector.broadcast %add3A_3845 : f32 to vector<16xf32>
      %add3A_3847 = arith.addf %get3A_3840, %add3A_3846 : vector<16xf32>
      %div3A_3848 = arith.divf %get3A_3844, %add3A_3847 : vector<16xf32>
      %add3A_3849 = arith.addf %add3A_3827, %div3A_3848 : vector<16xf32>
      %add3A_3850 = arith.constant 1.000000e-07 : f32
      %add3A_3851 = vector.broadcast %add3A_3850 : f32 to vector<16xf32>
      %add3A_3852 = arith.addf %get3A_3836, %add3A_3851 : vector<16xf32>
      %div3A_3853 = arith.divf %get3A_3844, %add3A_3852 : vector<16xf32>
      %add3A_3854 = arith.addf %add3A_3832, %div3A_3853 : vector<16xf32>
      %get3A_3855 = arith.constant 7 : i32
      %get3A_3856 = arith.index_cast %get3A_3855 : i32 to index
      %get3A_3857 = arith.constant 80 : index
      %get3A_3858 = tpu.vector_load %arg7[%get3A_3856, %get3A_3857] {strides = array<i32>} : memref<32x128xf32, #tpu.memory_space<vmem>>, vector<16xf32>,
      %get3A_3859 = arith.constant 15 : i32
      %get3A_3860 = arith.index_cast %get3A_3859 : i32 to index
      %get3A_3861 = arith.constant 80 : index
      %get3A_3862 = tpu.vector_load %arg7[%get3A_3860, %get3A_3861] {strides = array<i32>} : memref<32x128xf32, #tpu.memory_space<vmem>>, vector<16xf32>,
      %get3A_3863 = arith.constant 23 : i32
      %get3A_3864 = arith.index_cast %get3A_3863 : i32 to index
      %get3A_3865 = arith.constant 80 : index
      %get3A_3866 = tpu.vector_load %arg7[%get3A_3864, %get3A_3865] {strides = array<i32>} : memref<32x128xf32, #tpu.memory_space<vmem>>, vector<16xf32>,
      %add3A_3867 = arith.constant 1.000000e-07 : f32
      %add3A_3868 = vector.broadcast %add3A_3867 : f32 to vector<16xf32>
      %add3A_3869 = arith.addf %get3A_3862, %add3A_3868 : vector<16xf32>
      %div3A_3870 = arith.divf %get3A_3866, %add3A_3869 : vector<16xf32>
      %add3A_3871 = arith.addf %add3A_3849, %div3A_3870 : vector<16xf32>
      %add3A_3872 = arith.constant 1.000000e-07 : f32
      %add3A_3873 = vector.broadcast %add3A_3872 : f32 to vector<16xf32>
      %add3A_3874 = arith.addf %get3A_3858, %add3A_3873 : vector<16xf32>
      %div3A_3875 = arith.divf %get3A_3866, %add3A_3874 : vector<16xf32>
      %add3A_3876 = arith.addf %add3A_3854, %div3A_3875 : vector<16xf32>
      %get3A_3877 = arith.constant 7 : i32
      %get3A_3878 = arith.index_cast %get3A_3877 : i32 to index
      %get3A_3879 = arith.constant 96 : index
      %get3A_3880 = tpu.vector_load %arg7[%get3A_3878, %get3A_3879] {strides = array<i32>} : memref<32x128xf32, #tpu.memory_space<vmem>>, vector<16xf32>,
      %get3A_3881 = arith.constant 15 : i32
      %get3A_3882 = arith.index_cast %get3A_3881 : i32 to index
      %get3A_3883 = arith.constant 96 : index
      %get3A_3884 = tpu.vector_load %arg7[%get3A_3882, %get3A_3883] {strides = array<i32>} : memref<32x128xf32, #tpu.memory_space<vmem>>, vector<16xf32>,
      %get3A_3885 = arith.constant 23 : i32
      %get3A_3886 = arith.index_cast %get3A_3885 : i32 to index
      %get3A_3887 = arith.constant 96 : index
      %get3A_3888 = tpu.vector_load %arg7[%get3A_3886, %get3A_3887] {strides = array<i32>} : memref<32x128xf32, #tpu.memory_space<vmem>>, vector<16xf32>,
      %add3A_3889 = arith.constant 1.000000e-07 : f32
      %add3A_3890 = vector.broadcast %add3A_3889 : f32 to vector<16xf32>
      %add3A_3891 = arith.addf %get3A_3884, %add3A_3890 : vector<16xf32>
      %div3A_3892 = arith.divf %get3A_3888, %add3A_3891 : vector<16xf32>
      %add3A_3893 = arith.addf %add3A_3871, %div3A_3892 : vector<16xf32>
      %add3A_3894 = arith.constant 1.000000e-07 : f32
      %add3A_3895 = vector.broadcast %add3A_3894 : f32 to vector<16xf32>
      %add3A_3896 = arith.addf %get3A_3880, %add3A_3895 : vector<16xf32>
      %div3A_3897 = arith.divf %get3A_3888, %add3A_3896 : vector<16xf32>
      %add3A_3898 = arith.addf %add3A_3876, %div3A_3897 : vector<16xf32>
      %get3A_3899 = arith.constant 7 : i32
      %get3A_3900 = arith.index_cast %get3A_3899 : i32 to index
      %get3A_3901 = arith.constant 112 : index
      %get3A_3902 = tpu.vector_load %arg7[%get3A_3900, %get3A_3901] {strides = array<i32>} : memref<32x128xf32, #tpu.memory_space<vmem>>, vector<16xf32>,
      %get3A_3903 = arith.constant 15 : i32
      %get3A_3904 = arith.index_cast %get3A_3903 : i32 to index
      %get3A_3905 = arith.constant 112 : index
      %get3A_3906 = tpu.vector_load %arg7[%get3A_3904, %get3A_3905] {strides = array<i32>} : memref<32x128xf32, #tpu.memory_space<vmem>>, vector<16xf32>,
      %get3A_3907 = arith.constant 23 : i32
      %get3A_3908 = arith.index_cast %get3A_3907 : i32 to index
      %get3A_3909 = arith.constant 112 : index
      %get3A_3910 = tpu.vector_load %arg7[%get3A_3908, %get3A_3909] {strides = array<i32>} : memref<32x128xf32, #tpu.memory_space<vmem>>, vector<16xf32>,
      %add3A_3911 = arith.constant 1.000000e-07 : f32
      %add3A_3912 = vector.broadcast %add3A_3911 : f32 to vector<16xf32>
      %add3A_3913 = arith.addf %get3A_3906, %add3A_3912 : vector<16xf32>
      %div3A_3914 = arith.divf %get3A_3910, %add3A_3913 : vector<16xf32>
      %add3A_3915 = arith.addf %add3A_3893, %div3A_3914 : vector<16xf32>
      %add3A_3916 = arith.constant 1.000000e-07 : f32
      %add3A_3917 = vector.broadcast %add3A_3916 : f32 to vector<16xf32>
      %add3A_3918 = arith.addf %get3A_3902, %add3A_3917 : vector<16xf32>
      %div3A_3919 = arith.divf %get3A_3910, %add3A_3918 : vector<16xf32>
      %add3A_3920 = arith.addf %add3A_3898, %div3A_3919 : vector<16xf32>
      %reduce_sum3A = arith.constant true
      %reduce_sum3A_3921 = vector.broadcast %reduce_sum3A : i1 to vector<16xi1>
      %reduce_sum3A_3922 = tpu.scan <sum>, %add3A_3915 masked %reduce_sum3A_3921 : vector<16xf32>, vector<16xi1> -> vector<16xf32>
      %reduce_sum3A_3923 = vector.extract %reduce_sum3A_3922[15] : f32 from vector<16xf32>
      %broadcast_in_dim3A_3924 = vector.broadcast %reduce_sum3A_3923 : f32 to vector<16xf32>
      %div3A_3925 = arith.constant 1.000000e+03 : f32
      %div3A_3926 = vector.broadcast %div3A_3925 : f32 to vector<16xf32>
      %div3A_3927 = arith.divf %broadcast_in_dim3A_3924, %div3A_3926 : vector<16xf32>
      %reduce_sum3A_3928 = arith.constant true
      %reduce_sum3A_3929 = vector.broadcast %reduce_sum3A_3928 : i1 to vector<16xi1>
      %reduce_sum3A_3930 = tpu.scan <sum>, %add3A_3920 masked %reduce_sum3A_3929 : vector<16xf32>, vector<16xi1> -> vector<16xf32>
      %reduce_sum3A_3931 = vector.extract %reduce_sum3A_3930[15] : f32 from vector<16xf32>
      %broadcast_in_dim3A_3932 = vector.broadcast %reduce_sum3A_3931 : f32 to vector<16xf32>
      %div3A_3933 = arith.constant 1.000000e+03 : f32
      %div3A_3934 = vector.broadcast %div3A_3933 : f32 to vector<16xf32>
      %div3A_3935 = arith.divf %broadcast_in_dim3A_3932, %div3A_3934 : vector<16xf32>
      %mul3A_3936 = arith.constant 2.000000e+00 : f32
      %mul3A_3937 = vector.broadcast %mul3A_3936 : f32 to vector<16xf32>
      %mul3A_3938 = arith.mulf %mul3A_3937, %div3A_3935 : vector<16xf32>
      %mul3A_3939 = arith.mulf %mul3A_3938, %div3A_3927 : vector<16xf32>
      %add3A_3940 = arith.addf %div3A_3935, %div3A_3927 : vector<16xf32>
      %add3A_3941 = arith.constant 1.000000e-07 : f32
      %add3A_3942 = vector.broadcast %add3A_3941 : f32 to vector<16xf32>
      %add3A_3943 = arith.addf %add3A_3940, %add3A_3942 : vector<16xf32>
      %div3A_3944 = arith.divf %mul3A_3939, %add3A_3943 : vector<16xf32>
      %swap3A_3945 = arith.constant 0 : index
      %swap3A_3946 = tpu.vector_load %arg9[%swap3A_3945] {strides = array<i32>} : memref<16xf32, #tpu.memory_space<vmem>>, vector<16xf32>,
      tpu.vector_store %arg9[%swap3A_3945], %div3A_3944 {strides = array<i32>} : memref<16xf32, #tpu.memory_space<vmem>>, vector<16xf32>,
      "tpu.region"() ({
        %run_scoped3A = tpu.sem_alloc : memref<!tpu.dma_semaphore, #tpu.memory_space<semaphore_mem>>
        tpu.enqueue_dma source(%arg9 : memref<16xf32, #tpu.memory_space<vmem>>) target(%arg4 : memref<16xf32, #tpu.memory_space<hbm>>) target_semaphore(%run_scoped3A : memref<!tpu.dma_semaphore, #tpu.memory_space<semaphore_mem>>)
        tpu.wait_dma2 semaphore(%run_scoped3A : memref<!tpu.dma_semaphore, #tpu.memory_space<semaphore_mem>>) src(%arg9 : memref<16xf32, #tpu.memory_space<vmem>>) dst(%arg4 : memref<16xf32, #tpu.memory_space<hbm>>)
        tpu.yield
      }) : () -> ()
    } else {
    }
    return
  }
}

module attributes {stable_mosaic.version = 14 : i64} {
  func.func @_argmax_kernel(%arg0: i32, %arg1: memref<2048x1000xf32, #tpu.memory_space<vmem>>, %arg2: memref<1x1x2048xi32, #tpu.memory_space<vmem>>) attributes {dimension_semantics = [#tpu.dimension_semantics<arbitrary>], iteration_bounds = array<i64: 8>, scalar_prefetch = 0 : i64, scratch_operands = 0 : i64, tpu.core_type = #tpu.core_type<tc>, window_params = [{transform_indices = @transform_0, window_bounds = array<i64: 2048, 1000>}, {transform_indices = @transform_1, window_bounds = array<i64: 1, 1, 2048>}]} {
    %get3A = arith.constant 0 : index
    %get3A_0 = arith.constant 0 : index
    %get3A_1 = vector.load %arg1[%get3A, %get3A_0] : memref<2048x1000xf32, #tpu.memory_space<vmem>>, vector<2048x1000xf32>
    %reduce_max3A = arith.constant dense<0xFF800000> : vector<2048xf32>
    %reduce_max3A_2 = vector.multi_reduction <maximumf>, %get3A_1, %reduce_max3A [1] : vector<2048x1000xf32> to vector<2048xf32>
    %broadcast_in_dim3A = vector.shape_cast %reduce_max3A_2 : vector<2048xf32> to vector<2048x1xf32>
    %iota3A = tpu.iota {dimensions = array<i32: 1>} : vector<2048x1000xi32>
    %eq3A = vector.broadcast %broadcast_in_dim3A : vector<2048x1xf32> to vector<2048x1000xf32>
    %eq3A_3 = arith.cmpf oeq, %get3A_1, %eq3A : vector<2048x1000xf32>
    %jit3A = arith.constant 1000 : i32
    %broadcast_in_dim3A_4 = vector.broadcast %jit3A : i32 to vector<2048x1000xi32>
    %select_n3A = arith.select %eq3A_3, %iota3A, %broadcast_in_dim3A_4 : vector<2048x1000xi1>, vector<2048x1000xi32>
    %reduce_min3A = arith.constant dense<2147483647> : vector<2048xi32>
    %reduce_min3A_5 = vector.multi_reduction <minsi>, %select_n3A, %reduce_min3A [1] : vector<2048x1000xi32> to vector<2048xi32>
    %reshape3A = vector.shape_cast %reduce_min3A_5 : vector<2048xi32> to vector<1x1x2048xi32>
    %swap3A = arith.constant 0 : index
    %swap3A_6 = arith.constant 0 : index
    %swap3A_7 = arith.constant 0 : index
    %swap3A_8 = vector.load %arg2[%swap3A, %swap3A_6, %swap3A_7] : memref<1x1x2048xi32, #tpu.memory_space<vmem>>, vector<1x1x2048xi32>
    tpu.vector_store %arg2[%swap3A, %swap3A_6, %swap3A_7], %reshape3A {strides = array<i32>} : memref<1x1x2048xi32, #tpu.memory_space<vmem>>, vector<1x1x2048xi32>,
    return
  }
  func.func @transform_0(%arg0: i32) -> (i32, i32) {
    %c0_i32 = arith.constant 0 : i32
    %c0_i32_0 = arith.constant 0 : i32
    return %arg0, %c0_i32 : i32, i32
  }
  func.func @transform_1(%arg0: i32) -> (i32, i32, i32) {
    %c0_i32 = arith.constant 0 : i32
    %c0_i32_0 = arith.constant 0 : i32
    %c0_i32_1 = arith.constant 0 : i32
    return %arg0, %c0_i32, %c0_i32_0 : i32, i32, i32
  }
}

</mosaic_0001>

<sc_bundles>
// kernel: kernel.4.cloned.1.call-start
scs
__scs_entry_jumppad:
0x0: {  	(pc) =	sbr.rel $0x88, $3  }
0x1: {  	(tag) =	ssettag $0x0;
	lr =	simm.s32 $0x1  }
0x2: {  	[smem:$0x3F9F] =	sst lr;
	_ =	strace $0xD0000000  }
0x3: {  	_ = 	snop  }
0x4: {  	_ = 	snop  }
0x5: {  	_ = 	snop  }
0x6: {  	_ = 	snop  }
0x7: {  	_ = 	snop  }
__scs_overlays_trampoline_lowered:
0x8: {  	[smem:$0x3FAE] =	sst s0  }
0x9: {  	[smem:$0x3FAF] =	sst s1  }
0xa: {  	[smem:$0x3FB0] =	sst s2  }
0xb: {  	[smem:$0x3FB1] =	sst s3  }
0xc: {  	[smem:$0x3FB2] =	sst s4  }
0xd: {  	[smem:$0x3FB3] =	sst s5  }
0xe: {  	[smem:$0x3FB4] =	sst s6  }
0xf: {  	[smem:$0x3FB5] =	sst s7  }
0x10: {  	[smem:$0x3FB6] =	sst s8  }
0x11: {  	[smem:$0x3FB7] =	sst s9;
	s0 =	simm.s32 @!p0 $0x0  }
0x12: {  	s1 =	sld [smem:$0x3F9D];
	s0 =	simm.s32 @p0 $0x1  }
0x13: {  	[smem:$0x3FB8] =	sst s0;
	s0 =	simm.s32 @!p1 $0x0  }
0x14: {  	s2 =	sld [smem:$0x3F9C];
	s0 =	simm.s32 @p1 $0x1  }
0x15: {  	[smem:$0x3FB9] =	sst s0;
	s0 =	simm.s32 @!p2 $0x0  }
0x16: {  	s3 =	sld [smem:$0x3FDB];
	s0 =	simm.s32 @p2 $0x1  }
0x17: {  	s4 =	simm.s32 $0x1BF5;
	[smem:$0x3FBB] =	sst s0  }
0x18: {  	s0 =	sld [smem:$0x3F9E];
	_ =	swait.ge [sflag:s4], $0x0  }
0x19: {  	s7 =	sld [smem:$0x3F9F]  }
0x1a: {  	s8 =	sadd.s32 $0xFFFFE003, lr  }
0x1b: {  	s9 =	sadd.s32 $0xFFFFFEF7, lr;
	s5 =	simm.s32 $0xFFFFFFFF;
	p2 =	slt.u32 s8, $0xFFFFF086  }
0x1c: {  	p1 =	slt.u32 s9, $0xF7A;
	s5 =	simm.s32 @!p2 $0x0  }
0x1d: {  	s5 =	simm.s32 @p1 $0x1;
	p0 =	seq.s32 s7, s2  }
0x1e: {  	s7 =	smul.u32 @!p0 $0xF7A, s2;
	p2 =	seq.s32 @!p0 s5, $0x0  }
0x1f: {  	s9 =	smul.u32 $0xF7A, s1;
	s8 =	simm.s32 @!p0 $0x1BF5;
	p2 =	por !p2, p0  }
0x20: {  	[sflag:s8] =	ssyncset.s32 @!p0 $0xFFFFF086;
	s6 =	sadd.s32 @!p0 s3, s7;
	s7 =	simm.s32 @!p0 $0x108  }
0x21: {  	s3 =	sadd.s32 s3, s9;
	s6 =	sadd.s32 @!p0 $0x88, s6;
	s7 =	simm.s32 @p2 $0x1082  }
0x22: {  	[simem:s7], [sflag:s8] =	dma.local @!p0 [hbm:s6], $0xF7A  }
0x23: {  	s9 =	sor.u32 $0xD0000000, s2;
	s6 =	simm.s32 $0x108;
	_ =	swait.ge @!p0 [sflag:s8], $0x0  }
0x24: {  	s3 =	sadd.s32 $0x88, s3;
	s6 =	simm.s32 @!p1 $0x1082;
	[sflag:s4] =	ssyncset.s32 $0xFFFFF086  }
0x25: {  	[simem:s6], [sflag:s4] =	dma.local [hbm:s3], $0xF7A  }
0x26: {  	[smem:$0x3F9F] =	sst s1;
	(tag) =	ssettag s2;
	_ =	strace s9  }
0x27: {  	s1 =	sld [smem:$0x3FAF]  }
0x28: {  	s2 =	sld [smem:$0x3FB0]  }
0x29: {  	s4 =	sld [smem:$0x3FB2]  }
0x2a: {  	p0 =	seq.s32 s5, $0x0;
	s5 =	sld [smem:$0x3FB3]  }
0x2b: {  	s6 =	sld [smem:$0x3FB4]  }
0x2c: {  	s7 =	sld [smem:$0x3FB5]  }
0x2d: {  	s3 =	simm.s32 $0x108;
	s8 =	sld [smem:$0x3FB6]  }
0x2e: {  	s3 =	simm.s32 @!p0 $0x1082;
	s9 =	sld [smem:$0x3FB7]  }
0x2f: {  	lr =	sadd.s32 s0, s3;
	s0 =	sld [smem:$0x3FAE]  }
0x30: {  	s3 =	sld [smem:$0x3FB1]  }
0x31: {  	[smem:$0x3FBA] =	sst s10  }
0x32: {  	s10 =	sld [smem:$0x3FB8];
	_ =	sdelay $0x3  }
0x33: {  	p0 =	seq.s32 s10, $0x1;
	s10 =	sld [smem:$0x3FBA];
	_ =	sdelay $0x3  }
0x34: {  	[smem:$0x3FBA] =	sst s10  }
0x35: {  	s10 =	sld [smem:$0x3FB9];
	_ =	sdelay $0x3  }
0x36: {  	p1 =	seq.s32 s10, $0x1;
	s10 =	sld [smem:$0x3FBA];
	_ =	sdelay $0x3  }
0x37: {  	[smem:$0x3FBA] =	sst s10  }
0x38: {  	s10 =	sld [smem:$0x3FBB]  }
0x39: {  	_ = 	snop;
	(pc) =	sbr.ind lr, $3  }
0x3a: {  	_ = 	snop  }
0x3b: {  	_ = 	snop  }
0x3c: {  	p2 =	seq.s32 s10, $0x1;
	s10 =	sld [smem:$0x3FBA]  }
0x3d: {  	_ =	shalt  }
0x3e: {  	_ =	shalt  }
0x3f: {  	_ =	shalt  }
0x40: {  	_ =	shalt  }
0x41: {  	_ =	shalt  }
0x42: {  	_ =	shalt  }
0x43: {  	_ =	shalt  }
0x44: {  	_ =	shalt  }
0x45: {  	_ =	shalt  }
0x46: {  	_ =	shalt  }
0x47: {  	_ =	shalt  }
0x48: {  	_ =	shalt  }
0x49: {  	_ =	shalt  }
0x4a: {  	_ =	shalt  }
0x4b: {  	_ =	shalt  }
0x4c: {  	_ =	shalt  }
0x4d: {  	_ =	shalt  }
0x4e: {  	_ =	shalt  }
0x4f: {  	_ =	shalt  }
0x50: {  	_ =	shalt  }
0x51: {  	_ =	shalt  }
0x52: {  	_ =	shalt  }
0x53: {  	_ =	shalt  }
0x54: {  	_ =	shalt  }
0x55: {  	_ =	shalt  }
0x56: {  	_ =	shalt  }
0x57: {  	_ =	shalt  }
0x58: {  	_ =	shalt  }
0x59: {  	_ =	shalt  }
0x5a: {  	_ =	shalt  }
0x5b: {  	_ =	shalt  }
0x5c: {  	_ =	shalt  }
0x5d: {  	_ =	shalt  }
0x5e: {  	_ =	shalt  }
0x5f: {  	_ =	shalt  }
0x60: {  	_ =	shalt  }
0x61: {  	_ =	shalt  }
0x62: {  	_ =	shalt  }
0x63: {  	_ =	shalt  }
0x64: {  	_ =	shalt  }
0x65: {  	_ =	shalt  }
0x66: {  	_ =	shalt  }
0x67: {  	_ =	shalt  }
0x68: {  	_ =	shalt  }
0x69: {  	_ =	shalt  }
0x6a: {  	_ =	shalt  }
0x6b: {  	_ =	shalt  }
0x6c: {  	_ =	shalt  }
0x6d: {  	_ =	shalt  }
0x6e: {  	_ =	shalt  }
0x6f: {  	_ =	shalt  }
0x70: {  	_ =	shalt  }
0x71: {  	_ =	shalt  }
0x72: {  	_ =	shalt  }
0x73: {  	_ =	shalt  }
0x74: {  	_ =	shalt  }
0x75: {  	_ =	shalt  }
0x76: {  	_ =	shalt  }
0x77: {  	_ =	shalt  }
0x78: {  	_ =	shalt  }
0x79: {  	_ =	shalt  }
0x7a: {  	_ =	shalt  }
0x7b: {  	_ =	shalt  }
0x7c: {  	_ =	shalt  }
0x7d: {  	_ =	shalt  }
0x7e: {  	_ =	shalt  }
0x7f: {  	_ =	shalt  }
0x80: {  	_ =	shalt  }
0x81: {  	_ =	shalt  }
0x82: {  	_ =	shalt  }
0x83: {  	_ =	shalt  }
0x84: {  	_ =	shalt  }
0x85: {  	_ =	shalt  }
0x86: {  	_ =	shalt  }
0x87: {  	_ =	shalt  }
.Lfunc_end0:
.L_simem_size_0:
called_computation_lowered:
.L_overlay_start_0:
0x88: {  	s0 =	sld [smem:$0x3FD9]  }
0x89: {  	s1 =	sld [smem:$0x3FFE];
	_ =	sdelay $0x3  }
0x8a: {  	s0 =	sadd.s32 s1, s0  }
0x8b: {  	[smem:$0x3FC6] =	sst s0  }
0x8c: {  	_ = 	snop  }
0x8d: {  	s0 =	sld [smem:$0x3FC8]  }
0x8e: {  	s16 =	sld [smem:$0x3FD0];
	(tm) =	ssettm $0x1  }
0x8f: {  	s2 =	sld [smem:$0x3FFB];
	_ =	sdelay $0x3  }
0x90: {  	_ =	strace s2  }
0x91: {  	s2 =	sld [smem:$0x3FFC];
	_ =	sdelay $0x3  }
0x92: {  	_ =	strace s2  }
0x93: {  	s2 =	sld [smem:$0x3FFD];
	_ =	sdelay $0x3  }
0x94: {  	_ =	strace s2  }
0x95: {  	_ =	strace $0x8FFFFFFF  }
0x96: {  	s17 =	sld [smem:$0x3FDB];
	_ =	sdelay $0x1  }
0x97: {  	s3 =	simm.s32 $_scs_section_size  }
0x98: {  	s4 =	simm.s32 $_size__tile_overlayer_lowered;
	s5 =	simm.s32 $_tile_overlayer_lowered  }
0x99: {  	s20 =	simm.s32 $0x1BFF;
	s19 =	sshll.u32 s5, $0x1;
	s2 =	sadd.s32 s3, s17  }
0x9a: {  	s6 =	simm.s32 $0x0;
	s18 =	sshll.u32 s4, $0x1;
	s4 =	sadd.s32 s19, s2  }
0x9b: {  	[timem:s6], [sflag:s20] =	dma.local [hbm:s4], s18  }
0x9c: {  	_ =	swait.ge [sflag:s20], s18  }
0x9d: {  	s3 =	ssub.s32 $0x0, s18;
	[sflag:s20] =	ssyncset.done $0x0  }
0x9e: {  	[sflag:s20] =	ssyncadd.s32 s3;
	_ =	sdelay $0x1  }
0x9f: {  	s21 =	simm.s32 $0x1B8B  }
0xa0: {  	_ =	swait.ge [sflag:s21], $0x1  }
0xa1: {  	[sflag:s21] =	ssyncset.done $0x0  }
0xa2: {  	s23 =	simm.s32 $0x1B8E;
	s22 =	sld [smem:$0x3FFE];
	[sflag:s21] =	ssyncadd.s32 $0xFFFFFFFF  }
0xa3: {  	s24 =	simm.s32 $execute0_lowered;
	[smem:$0x3FD2] =	sst s23  }
0xa4: {  	s4 =	sshll.u32 s24, $0x1;
	_ =	strace $0x80000046;
	[dreg:$0x1] =	wrdreg $0xFFFFFFFF  }
0xa5: {  	s25 =	simm.s32 $_size_execute0_lowered;
	s2 =	sadd.s32 s2, s4;
	[dreg:$0x0] =	wrdreg $0x0  }
0xa6: {  	s4 =	sshll.u32 s25, $0x1;
	[dreg:$0x2] =	wrdreg s2  }
0xa7: {  	[dreg:$0x3] =	wrdreg s4  }
0xa8: {  	[dreg:$0x4] =	wrdreg $0xC0  }
0xa9: {  	_ =	task [dreg:s6], $0x5FFFF  }
0xaa: {  	[dreg:$0x1] =	wrdreg $0xFFFFFFFF  }
0xab: {  	[dreg:$0x0] =	wrdreg $0x60  }
0xac: {  	[dreg:$0x2] =	wrdreg s0  }
0xad: {  	[dreg:$0x3] =	wrdreg s22  }
0xae: {  	[dreg:$0x4] =	wrdreg s16  }
0xaf: {  	[dreg:$0x5] =	wrdreg $0x19000  }
0xb0: {  	[dreg:$0x6] =	wrdreg $0x9  }
0xb1: {  	_ =	task.clear_ibuf [dreg:s6], $0x7FFFF;
	_ =	strace $0x90000046  }
0xb2: {  	s26 =	simm.s32 $0x9;
	_ =	strace $0x80000048  }
0xb3: {  	_ =	swait.ge [sflag:s26], $0x1  }
0xb4: {  	[sflag:s26] =	ssyncadd.s32 $0xFFFFFFFF  }
0xb5: {  	_ =	strace $0x90000048  }
0xb6: {  	_ =	sfence  }
0xb7: {  	s28 =	sld [smem:$0x0];
	_ =	sdelay $0x1  }
0xb8: {  	s29 =	srdreg.scid  }
0xb9: {  	s30 =	sshll.u32 s29, $0xD;
	s31 =	sshrl.u32 s29, $0x2  }
0xba: {  	s1 =	sand.u32 $0x1, s29;
	s2 =	sand.u32 $0x4000, s30;
	s0 =	sadd.s32 s31, s28  }
0xbb: {  	s1 =	sor.u32 s2, s1;
	s0 =	sshll.u32 s0, $0x11  }
0xbc: {  	s0 =	sor.u32 s0, s1  }
0xbd: {  	s0 =	sadd.s32 $0x8F2B, s0  }
0xbe: {  	[sflag:s0] =	ssyncadd.remote.s32 $0x1  }
0xbf: {  	_ =	sfence.sel $0xFFFF  }
0xc0: {  	[dreg:$0x0] =	wrdreg $0xFFFFFFFF;
	(pc) =	sbr.abs _section_cstart, $3  }
0xc1: {  	[dreg:$0x1] =	wrdreg $0xFFFFFFFF  }
0xc2: {  	_ =	task.clear_ibuf [dreg:s6], $0x2FFFF;
	_ =	strace $0x9FFFFFFF  }
0xc3: {  	(tm) =	ssettm $0x7FFFFFFF  }
tec
execute0_lowered:
.L_overlay_start_1:
0x0: {  	(tag) =	ssettag $0x1  }
0x1: {  	s3 =	rddreg [dreg:$0x0]  }
0x2: {  	s6 =	rddreg [dreg:$0x1]  }
0x3: {  	s1 =	rddreg [dreg:$0x2]  }
0x4: {  	s4 =	rddreg [dreg:$0x3];
	s2 =	simm.s32 $0x0  }
0x5: {  	[smem:$0x7FF] =	sst s2  }
0x6: {  	s0 =	rddreg [dreg:$0x4];
	v0 =	vimm.f32 $1.000000000e+03;
	_ =	strace $0x80000047  }
0x7: {  	(erf) = vrcp.f32 v0;
	_ =	sdelay $0x4  }
0x8: {  	s5 =	stileid.u32  }
0x9: {  	s7 =	sshll.u32 s5, $0x7  }
0xa: {  	s3 =	sadd.s32 s3, s7  }
0xb: {  	[tilespmem:s2], [sflag:$0x1] =	stream.linear.gather [hbm4b:s3+s2], $0x400, $0x38;
	[tilespmem:$0x1A00] =	vst v63  }
0xc: {  	s3 =	simm.s32 $0x1;
	v0 =	vpop (erf)  }
0xd: {  	_ =	swait.ge [sflag:s3], $0x400  }
0xe: {  	s6 =	sadd.s32 s7, s6;
	[sflag:s3] =	ssyncset.done $0x0  }
0xf: {  	s29 =	simm.s32 $0x400;
	s6 =	sadd.s32 $0x600, s6;
	[sflag:s3] =	ssyncadd.s32 $0xFFFFFC00  }
0x10: {  	[tilespmem:s29], [sflag:$0x1] =	stream.linear.gather [hbm4b:s6+s2], $0x400, $0x38;
	[tilespmem:$0x1A00] =	vst v63  }
0x11: {  	_ =	swait.ge [sflag:s3], $0x400  }
0x12: {  	[sflag:s3] =	ssyncset.done $0x0  }
0x13: {  	v1 =	vimm.f32 $0.0e+00;
	[sflag:s3] =	ssyncadd.s32 $0xFFFFFC00  }
0x14: {  	[tilespmem:$0x800] =	vst v1  }
0x15: {  	[tilespmem:$0x810] =	vst v1  }
0x16: {  	[tilespmem:$0x820] =	vst v1  }
0x17: {  	[tilespmem:$0x830] =	vst v1  }
0x18: {  	[tilespmem:$0x840] =	vst v1  }
0x19: {  	[tilespmem:$0x850] =	vst v1  }
0x1a: {  	[tilespmem:$0x860] =	vst v1  }
0x1b: {  	[tilespmem:$0x870] =	vst v1  }
0x1c: {  	[tilespmem:$0x880] =	vst v1  }
0x1d: {  	[tilespmem:$0x890] =	vst v1  }
0x1e: {  	[tilespmem:$0x8A0] =	vst v1  }
0x1f: {  	[tilespmem:$0x8B0] =	vst v1  }
0x20: {  	[tilespmem:$0x8C0] =	vst v1  }
0x21: {  	[tilespmem:$0x8D0] =	vst v1  }
0x22: {  	[tilespmem:$0x8E0] =	vst v1  }
0x23: {  	[tilespmem:$0x8F0] =	vst v1  }
0x24: {  	[tilespmem:$0x900] =	vst v1  }
0x25: {  	[tilespmem:$0x910] =	vst v1  }
0x26: {  	[tilespmem:$0x920] =	vst v1  }
0x27: {  	[tilespmem:$0x930] =	vst v1  }
0x28: {  	[tilespmem:$0x940] =	vst v1  }
0x29: {  	[tilespmem:$0x950] =	vst v1  }
0x2a: {  	[tilespmem:$0x960] =	vst v1  }
0x2b: {  	[tilespmem:$0x970] =	vst v1  }
0x2c: {  	[tilespmem:$0x980] =	vst v1  }
0x2d: {  	[tilespmem:$0x990] =	vst v1  }
0x2e: {  	[tilespmem:$0x9A0] =	vst v1  }
0x2f: {  	[tilespmem:$0x9B0] =	vst v1  }
0x30: {  	[tilespmem:$0x9C0] =	vst v1  }
0x31: {  	[tilespmem:$0x9D0] =	vst v1  }
0x32: {  	[tilespmem:$0x9E0] =	vst v1  }
0x33: {  	[tilespmem:$0x9F0] =	vst v1  }
0x34: {  	[tilespmem:$0xA00] =	vst v1  }
0x35: {  	[tilespmem:$0xA10] =	vst v1  }
0x36: {  	[tilespmem:$0xA20] =	vst v1  }
0x37: {  	[tilespmem:$0xA30] =	vst v1  }
0x38: {  	[tilespmem:$0xA40] =	vst v1  }
0x39: {  	[tilespmem:$0xA50] =	vst v1  }
0x3a: {  	[tilespmem:$0xA60] =	vst v1  }
0x3b: {  	[tilespmem:$0xA70] =	vst v1  }
0x3c: {  	[tilespmem:$0xA80] =	vst v1  }
0x3d: {  	[tilespmem:$0xA90] =	vst v1  }
0x3e: {  	[tilespmem:$0xAA0] =	vst v1  }
0x3f: {  	[tilespmem:$0xAB0] =	vst v1  }
0x40: {  	[tilespmem:$0xAC0] =	vst v1  }
0x41: {  	[tilespmem:$0xAD0] =	vst v1  }
0x42: {  	[tilespmem:$0xAE0] =	vst v1  }
0x43: {  	[tilespmem:$0xAF0] =	vst v1  }
0x44: {  	[tilespmem:$0xB00] =	vst v1  }
0x45: {  	[tilespmem:$0xB10] =	vst v1  }
0x46: {  	[tilespmem:$0xB20] =	vst v1  }
0x47: {  	[tilespmem:$0xB30] =	vst v1  }
0x48: {  	[tilespmem:$0xB40] =	vst v1  }
0x49: {  	[tilespmem:$0xB50] =	vst v1  }
0x4a: {  	[tilespmem:$0xB60] =	vst v1  }
0x4b: {  	[tilespmem:$0xB70] =	vst v1  }
0x4c: {  	[tilespmem:$0xB80] =	vst v1  }
0x4d: {  	[tilespmem:$0xB90] =	vst v1  }
0x4e: {  	[tilespmem:$0xBA0] =	vst v1  }
0x4f: {  	[tilespmem:$0xBB0] =	vst v1  }
0x50: {  	[tilespmem:$0xBC0] =	vst v1  }
0x51: {  	[tilespmem:$0xBD0] =	vst v1  }
0x52: {  	[tilespmem:$0xBE0] =	vst v1  }
0x53: {  	[tilespmem:$0xBF0] =	vst v1  }
0x54: {  	[tilespmem:$0xC00] =	vst v1  }
0x55: {  	[tilespmem:$0xC10] =	vst v1  }
0x56: {  	[tilespmem:$0xC20] =	vst v1  }
0x57: {  	[tilespmem:$0xC30] =	vst v1  }
0x58: {  	[tilespmem:$0xC40] =	vst v1  }
0x59: {  	[tilespmem:$0xC50] =	vst v1  }
0x5a: {  	[tilespmem:$0xC60] =	vst v1  }
0x5b: {  	[tilespmem:$0xC70] =	vst v1  }
0x5c: {  	[tilespmem:$0xC80] =	vst v1  }
0x5d: {  	[tilespmem:$0xC90] =	vst v1  }
0x5e: {  	[tilespmem:$0xCA0] =	vst v1  }
0x5f: {  	[tilespmem:$0xCB0] =	vst v1  }
0x60: {  	[tilespmem:$0xCC0] =	vst v1  }
0x61: {  	[tilespmem:$0xCD0] =	vst v1  }
0x62: {  	[tilespmem:$0xCE0] =	vst v1  }
0x63: {  	[tilespmem:$0xCF0] =	vst v1  }
0x64: {  	[tilespmem:$0xD00] =	vst v1  }
0x65: {  	[tilespmem:$0xD10] =	vst v1  }
0x66: {  	[tilespmem:$0xD20] =	vst v1  }
0x67: {  	[tilespmem:$0xD30] =	vst v1  }
0x68: {  	[tilespmem:$0xD40] =	vst v1  }
0x69: {  	[tilespmem:$0xD50] =	vst v1  }
0x6a: {  	[tilespmem:$0xD60] =	vst v1  }
0x6b: {  	[tilespmem:$0xD70] =	vst v1  }
0x6c: {  	[tilespmem:$0xD80] =	vst v1  }
0x6d: {  	[tilespmem:$0xD90] =	vst v1  }
0x6e: {  	[tilespmem:$0xDA0] =	vst v1  }
0x6f: {  	[tilespmem:$0xDB0] =	vst v1  }
0x70: {  	[tilespmem:$0xDC0] =	vst v1  }
0x71: {  	[tilespmem:$0xDD0] =	vst v1  }
0x72: {  	[tilespmem:$0xDE0] =	vst v1  }
0x73: {  	[tilespmem:$0xDF0] =	vst v1  }
0x74: {  	[tilespmem:$0xE00] =	vst v1  }
0x75: {  	[tilespmem:$0xE10] =	vst v1  }
0x76: {  	[tilespmem:$0xE20] =	vst v1  }
0x77: {  	[tilespmem:$0xE30] =	vst v1  }
0x78: {  	[tilespmem:$0xE40] =	vst v1  }
0x79: {  	[tilespmem:$0xE50] =	vst v1  }
0x7a: {  	[tilespmem:$0xE60] =	vst v1  }
0x7b: {  	[tilespmem:$0xE70] =	vst v1  }
0x7c: {  	[tilespmem:$0xE80] =	vst v1  }
0x7d: {  	[tilespmem:$0xE90] =	vst v1  }
0x7e: {  	[tilespmem:$0xEA0] =	vst v1  }
0x7f: {  	[tilespmem:$0xEB0] =	vst v1  }
0x80: {  	[tilespmem:$0xEC0] =	vst v1  }
0x81: {  	[tilespmem:$0xED0] =	vst v1  }
0x82: {  	[tilespmem:$0xEE0] =	vst v1  }
0x83: {  	[tilespmem:$0xEF0] =	vst v1  }
0x84: {  	[tilespmem:$0xF00] =	vst v1  }
0x85: {  	[tilespmem:$0xF10] =	vst v1  }
0x86: {  	[tilespmem:$0xF20] =	vst v1  }
0x87: {  	[tilespmem:$0xF30] =	vst v1  }
0x88: {  	[tilespmem:$0xF40] =	vst v1  }
0x89: {  	[tilespmem:$0xF50] =	vst v1  }
0x8a: {  	[tilespmem:$0xF60] =	vst v1  }
0x8b: {  	[tilespmem:$0xF70] =	vst v1  }
0x8c: {  	[tilespmem:$0xF80] =	vst v1  }
0x8d: {  	[tilespmem:$0xF90] =	vst v1  }
0x8e: {  	[tilespmem:$0xFA0] =	vst v1  }
0x8f: {  	[tilespmem:$0xFB0] =	vst v1  }
0x90: {  	[tilespmem:$0xFC0] =	vst v1  }
0x91: {  	[tilespmem:$0xFD0] =	vst v1  }
0x92: {  	[tilespmem:$0xFE0] =	vst v1  }
0x93: {  	[tilespmem:$0xFF0] =	vst v1  }
0x94: {  	[tilespmem:$0x1000] =	vst v1  }
0x95: {  	[tilespmem:$0x1010] =	vst v1  }
0x96: {  	[tilespmem:$0x1020] =	vst v1  }
0x97: {  	[tilespmem:$0x1030] =	vst v1  }
0x98: {  	[tilespmem:$0x1040] =	vst v1  }
0x99: {  	[tilespmem:$0x1050] =	vst v1  }
0x9a: {  	[tilespmem:$0x1060] =	vst v1  }
0x9b: {  	[tilespmem:$0x1070] =	vst v1  }
0x9c: {  	[tilespmem:$0x1080] =	vst v1  }
0x9d: {  	[tilespmem:$0x1090] =	vst v1  }
0x9e: {  	[tilespmem:$0x10A0] =	vst v1  }
0x9f: {  	[tilespmem:$0x10B0] =	vst v1  }
0xa0: {  	[tilespmem:$0x10C0] =	vst v1  }
0xa1: {  	[tilespmem:$0x10D0] =	vst v1  }
0xa2: {  	[tilespmem:$0x10E0] =	vst v1  }
0xa3: {  	[tilespmem:$0x10F0] =	vst v1  }
0xa4: {  	[tilespmem:$0x1100] =	vst v1  }
0xa5: {  	[tilespmem:$0x1110] =	vst v1  }
0xa6: {  	[tilespmem:$0x1120] =	vst v1  }
0xa7: {  	[tilespmem:$0x1130] =	vst v1  }
0xa8: {  	[tilespmem:$0x1140] =	vst v1  }
0xa9: {  	[tilespmem:$0x1150] =	vst v1  }
0xaa: {  	[tilespmem:$0x1160] =	vst v1  }
0xab: {  	[tilespmem:$0x1170] =	vst v1  }
0xac: {  	[tilespmem:$0x1180] =	vst v1  }
0xad: {  	[tilespmem:$0x1190] =	vst v1  }
0xae: {  	[tilespmem:$0x11A0] =	vst v1  }
0xaf: {  	[tilespmem:$0x11B0] =	vst v1  }
0xb0: {  	[tilespmem:$0x11C0] =	vst v1  }
0xb1: {  	[tilespmem:$0x11D0] =	vst v1  }
0xb2: {  	[tilespmem:$0x11E0] =	vst v1  }
0xb3: {  	[tilespmem:$0x11F0] =	vst v1  }
0xb4: {  	[tilespmem:$0x1200] =	vst v1  }
0xb5: {  	[tilespmem:$0x1210] =	vst v1  }
0xb6: {  	[tilespmem:$0x1220] =	vst v1  }
0xb7: {  	[tilespmem:$0x1230] =	vst v1  }
0xb8: {  	[tilespmem:$0x1240] =	vst v1  }
0xb9: {  	[tilespmem:$0x1250] =	vst v1  }
0xba: {  	[tilespmem:$0x1260] =	vst v1  }
0xbb: {  	[tilespmem:$0x1270] =	vst v1  }
0xbc: {  	[tilespmem:$0x1280] =	vst v1  }
0xbd: {  	[tilespmem:$0x1290] =	vst v1  }
0xbe: {  	[tilespmem:$0x12A0] =	vst v1  }
0xbf: {  	[tilespmem:$0x12B0] =	vst v1  }
0xc0: {  	[tilespmem:$0x12C0] =	vst v1  }
0xc1: {  	[tilespmem:$0x12D0] =	vst v1  }
0xc2: {  	[tilespmem:$0x12E0] =	vst v1  }
0xc3: {  	[tilespmem:$0x12F0] =	vst v1  }
0xc4: {  	[tilespmem:$0x1300] =	vst v1  }
0xc5: {  	[tilespmem:$0x1310] =	vst v1  }
0xc6: {  	[tilespmem:$0x1320] =	vst v1  }
0xc7: {  	[tilespmem:$0x1330] =	vst v1  }
0xc8: {  	[tilespmem:$0x1340] =	vst v1  }
0xc9: {  	[tilespmem:$0x1350] =	vst v1  }
0xca: {  	[tilespmem:$0x1360] =	vst v1  }
0xcb: {  	[tilespmem:$0x1370] =	vst v1  }
0xcc: {  	[tilespmem:$0x1380] =	vst v1  }
0xcd: {  	[tilespmem:$0x1390] =	vst v1  }
0xce: {  	[tilespmem:$0x13A0] =	vst v1  }
0xcf: {  	[tilespmem:$0x13B0] =	vst v1  }
0xd0: {  	[tilespmem:$0x13C0] =	vst v1  }
0xd1: {  	[tilespmem:$0x13D0] =	vst v1  }
0xd2: {  	[tilespmem:$0x13E0] =	vst v1  }
0xd3: {  	[tilespmem:$0x13F0] =	vst v1  }
0xd4: {  	[tilespmem:$0x1400] =	vst v1  }
0xd5: {  	[tilespmem:$0x1410] =	vst v1  }
0xd6: {  	[tilespmem:$0x1420] =	vst v1  }
0xd7: {  	[tilespmem:$0x1430] =	vst v1  }
0xd8: {  	[tilespmem:$0x1440] =	vst v1  }
0xd9: {  	[tilespmem:$0x1450] =	vst v1  }
0xda: {  	[tilespmem:$0x1460] =	vst v1  }
0xdb: {  	[tilespmem:$0x1470] =	vst v1  }
0xdc: {  	[tilespmem:$0x1480] =	vst v1  }
0xdd: {  	[tilespmem:$0x1490] =	vst v1  }
0xde: {  	[tilespmem:$0x14A0] =	vst v1  }
0xdf: {  	[tilespmem:$0x14B0] =	vst v1  }
0xe0: {  	[tilespmem:$0x14C0] =	vst v1  }
0xe1: {  	[tilespmem:$0x14D0] =	vst v1  }
0xe2: {  	[tilespmem:$0x14E0] =	vst v1  }
0xe3: {  	[tilespmem:$0x14F0] =	vst v1  }
0xe4: {  	[tilespmem:$0x1500] =	vst v1  }
0xe5: {  	[tilespmem:$0x1510] =	vst v1  }
0xe6: {  	[tilespmem:$0x1520] =	vst v1  }
0xe7: {  	[tilespmem:$0x1530] =	vst v1  }
0xe8: {  	[tilespmem:$0x1540] =	vst v1  }
0xe9: {  	[tilespmem:$0x1550] =	vst v1  }
0xea: {  	[tilespmem:$0x1560] =	vst v1  }
0xeb: {  	[tilespmem:$0x1570] =	vst v1  }
0xec: {  	[tilespmem:$0x1580] =	vst v1  }
0xed: {  	[tilespmem:$0x1590] =	vst v1  }
0xee: {  	[tilespmem:$0x15A0] =	vst v1  }
0xef: {  	[tilespmem:$0x15B0] =	vst v1  }
0xf0: {  	[tilespmem:$0x15C0] =	vst v1  }
0xf1: {  	[tilespmem:$0x15D0] =	vst v1  }
0xf2: {  	[tilespmem:$0x15E0] =	vst v1  }
0xf3: {  	[tilespmem:$0x15F0] =	vst v1  }
0xf4: {  	[tilespmem:$0x1600] =	vst v1  }
0xf5: {  	[tilespmem:$0x1610] =	vst v1  }
0xf6: {  	[tilespmem:$0x1620] =	vst v1  }
0xf7: {  	[tilespmem:$0x1630] =	vst v1  }
0xf8: {  	[tilespmem:$0x1640] =	vst v1  }
0xf9: {  	[tilespmem:$0x1650] =	vst v1  }
0xfa: {  	[tilespmem:$0x1660] =	vst v1  }
0xfb: {  	[tilespmem:$0x1670] =	vst v1  }
0xfc: {  	[tilespmem:$0x1680] =	vst v1  }
0xfd: {  	[tilespmem:$0x1690] =	vst v1  }
0xfe: {  	[tilespmem:$0x16A0] =	vst v1  }
0xff: {  	[tilespmem:$0x16B0] =	vst v1  }
0x100: {  	[tilespmem:$0x16C0] =	vst v1  }
0x101: {  	[tilespmem:$0x16D0] =	vst v1  }
0x102: {  	[tilespmem:$0x16E0] =	vst v1  }
0x103: {  	[tilespmem:$0x16F0] =	vst v1  }
0x104: {  	[tilespmem:$0x1700] =	vst v1  }
0x105: {  	[tilespmem:$0x1710] =	vst v1  }
0x106: {  	[tilespmem:$0x1720] =	vst v1  }
0x107: {  	[tilespmem:$0x1730] =	vst v1  }
0x108: {  	[tilespmem:$0x1740] =	vst v1  }
0x109: {  	[tilespmem:$0x1750] =	vst v1  }
0x10a: {  	[tilespmem:$0x1760] =	vst v1  }
0x10b: {  	[tilespmem:$0x1770] =	vst v1  }
0x10c: {  	[tilespmem:$0x1780] =	vst v1  }
0x10d: {  	[tilespmem:$0x1790] =	vst v1  }
0x10e: {  	[tilespmem:$0x17A0] =	vst v1  }
0x10f: {  	[tilespmem:$0x17B0] =	vst v1  }
0x110: {  	[tilespmem:$0x17C0] =	vst v1  }
0x111: {  	[tilespmem:$0x17D0] =	vst v1  }
0x112: {  	[tilespmem:$0x17E0] =	vst v1  }
0x113: {  	[tilespmem:$0x17F0] =	vst v1;
	v1 =	vlaneseq.u32  }
0x114: {  	p0 =	sne.s32 s5, $0x0;
	[tilespmem:$0x1800] =	vst v1;
	v1 =	vor.u32 $0x10, v1  }
0x115: {  	s5 =	simm.s32 @!p0 $0x800;
	[tilespmem:$0x1810] =	vst v1  }
0x116: {  	[spmem:s4] =	stream.linear.scatter @!p0 [tilespmem:s5], [sflag:$0x1], $0x1000, $0x38;
	[tilespmem:$0x1A00] =	vst v63  }
0x117: {  	s5 =	simm.s32 @!p0 $0x1  }
0x118: {  	_ =	swait.ge @!p0 [sflag:s5], $0x1000  }
0x119: {  	[sflag:s5] =	ssyncset.done @!p0 $0x0  }
0x11a: {  	[sflag:s5] =	ssyncadd.s32 @!p0 $0xFFFFF000  }
0x11b: {  	[bflag:$0x0] =	sbarrier.arrive $0xFFFF  }
0x11c: {  	v2 =	vld [tilespmem:$0x0]  }
0x11d: {  	v1 =	vld [tilespmem:$0x400];
	_ =	sdelay $0x4  }
0x11e: {  	v3 =	vadd.s32 $0x400, v1;
	vm0 =	veq.s32 v2, v1  }
0x11f: {  	v4 =	vadd.s32 $0x800, v1;
	_ =	sdelay $0x1  }
0x120: {  	s5 =	simm.s32 $0x800;
	v1 =	vimm.f32 $1.000000000e+00  }
0x121: {  	[tilespmem:v2+s5+$0x0] =	vst.idx.add.f32.msk $0xffff, v1  }
0x122: {  	[tilespmem:v3+s5+$0x0] =	vst.idx.add.f32.msk $0xffff, v1  }
0x123: {  	[tilespmem:v4+s5+$0x0] =	vst.idx.add.f32.msk vm0, v1  }
0x124: {  	v2 =	vld [tilespmem:$0x10]  }
0x125: {  	v3 =	vld [tilespmem:$0x410];
	_ =	sdelay $0x4  }
0x126: {  	v57 =	vadd.s32 $0x400, v3;
	vm13 =	veq.s32 v2, v3  }
0x127: {  	v3 =	vadd.s32 $0x800, v3;
	_ =	sdelay $0x2  }
0x128: {  	[tilespmem:v2+s5+$0x0] =	vst.idx.add.f32.msk $0xffff, v1  }
0x129: {  	[tilespmem:v57+s5+$0x0] =	vst.idx.add.f32.msk $0xffff, v1  }
0x12a: {  	[tilespmem:v3+s5+$0x0] =	vst.idx.add.f32.msk vm13, v1  }
0x12b: {  	v2 =	vld [tilespmem:$0x20]  }
0x12c: {  	v3 =	vld [tilespmem:$0x420];
	_ =	sdelay $0x4  }
0x12d: {  	v58 =	vadd.s32 $0x400, v3;
	vm14 =	veq.s32 v2, v3  }
0x12e: {  	v3 =	vadd.s32 $0x800, v3;
	_ =	sdelay $0x2  }
0x12f: {  	[tilespmem:v2+s5+$0x0] =	vst.idx.add.f32.msk $0xffff, v1  }
0x130: {  	[tilespmem:v58+s5+$0x0] =	vst.idx.add.f32.msk $0xffff, v1  }
0x131: {  	[tilespmem:v3+s5+$0x0] =	vst.idx.add.f32.msk vm14, v1  }
0x132: {  	v2 =	vld [tilespmem:$0x30]  }
0x133: {  	v3 =	vld [tilespmem:$0x430];
	_ =	sdelay $0x4  }
0x134: {  	v59 =	vadd.s32 $0x400, v3;
	vm15 =	veq.s32 v2, v3  }
0x135: {  	v3 =	vadd.s32 $0x800, v3;
	_ =	sdelay $0x2  }
0x136: {  	[tilespmem:v2+s5+$0x0] =	vst.idx.add.f32.msk $0xffff, v1  }
0x137: {  	[tilespmem:v59+s5+$0x0] =	vst.idx.add.f32.msk $0xffff, v1  }
0x138: {  	[tilespmem:v3+s5+$0x0] =	vst.idx.add.f32.msk vm15, v1  }
0x139: {  	v2 =	vld [tilespmem:$0x40]  }
0x13a: {  	v3 =	vld [tilespmem:$0x440];
	_ =	sdelay $0x4  }
0x13b: {  	v60 =	vadd.s32 $0x400, v3;
	vm4 =	veq.s32 v2, v3  }
0x13c: {  	v3 =	vadd.s32 $0x800, v3;
	_ =	sdelay $0x2  }
0x13d: {  	[tilespmem:v2+s5+$0x0] =	vst.idx.add.f32.msk $0xffff, v1  }
0x13e: {  	[tilespmem:v60+s5+$0x0] =	vst.idx.add.f32.msk $0xffff, v1  }
0x13f: {  	[tilespmem:v3+s5+$0x0] =	vst.idx.add.f32.msk vm4, v1  }
0x140: {  	v2 =	vld [tilespmem:$0x50]  }
0x141: {  	v3 =	vld [tilespmem:$0x450];
	_ =	sdelay $0x4  }
0x142: {  	v61 =	vadd.s32 $0x400, v3;
	vm5 =	veq.s32 v2, v3  }
0x143: {  	v3 =	vadd.s32 $0x800, v3;
	_ =	sdelay $0x2  }
0x144: {  	[tilespmem:v2+s5+$0x0] =	vst.idx.add.f32.msk $0xffff, v1  }
0x145: {  	[tilespmem:v61+s5+$0x0] =	vst.idx.add.f32.msk $0xffff, v1  }
0x146: {  	[tilespmem:v3+s5+$0x0] =	vst.idx.add.f32.msk vm5, v1  }
0x147: {  	v2 =	vld [tilespmem:$0x60]  }
0x148: {  	v3 =	vld [tilespmem:$0x460];
	_ =	sdelay $0x4  }
0x149: {  	v62 =	vadd.s32 $0x400, v3;
	vm6 =	veq.s32 v2, v3  }
0x14a: {  	v3 =	vadd.s32 $0x800, v3;
	_ =	sdelay $0x2  }
0x14b: {  	[tilespmem:v2+s5+$0x0] =	vst.idx.add.f32.msk $0xffff, v1  }
0x14c: {  	[tilespmem:v62+s5+$0x0] =	vst.idx.add.f32.msk $0xffff, v1  }
0x14d: {  	[tilespmem:v3+s5+$0x0] =	vst.idx.add.f32.msk vm6, v1  }
0x14e: {  	v2 =	vld [tilespmem:$0x70]  }
0x14f: {  	v3 =	vld [tilespmem:$0x470];
	_ =	sdelay $0x4  }
0x150: {  	v63 =	vadd.s32 $0x400, v3;
	vm7 =	veq.s32 v2, v3  }
0x151: {  	v3 =	vadd.s32 $0x800, v3;
	_ =	sdelay $0x2  }
0x152: {  	[tilespmem:v2+s5+$0x0] =	vst.idx.add.f32.msk $0xffff, v1  }
0x153: {  	[tilespmem:v63+s5+$0x0] =	vst.idx.add.f32.msk $0xffff, v1  }
0x154: {  	[tilespmem:v3+s5+$0x0] =	vst.idx.add.f32.msk vm7, v1  }
0x155: {  	v2 =	vld [tilespmem:$0x80]  }
0x156: {  	v3 =	vld [tilespmem:$0x480];
	_ =	sdelay $0x4  }
0x157: {  	v8 =	vadd.s32 $0x400, v3;
	vm8 =	veq.s32 v2, v3  }
0x158: {  	v3 =	vadd.s32 $0x800, v3;
	_ =	sdelay $0x2  }
0x159: {  	[tilespmem:v2+s5+$0x0] =	vst.idx.add.f32.msk $0xffff, v1  }
0x15a: {  	[tilespmem:v8+s5+$0x0] =	vst.idx.add.f32.msk $0xffff, v1  }
0x15b: {  	[tilespmem:v3+s5+$0x0] =	vst.idx.add.f32.msk vm8, v1  }
0x15c: {  	v2 =	vld [tilespmem:$0x90]  }
0x15d: {  	v3 =	vld [tilespmem:$0x490];
	_ =	sdelay $0x4  }
0x15e: {  	v9 =	vadd.s32 $0x400, v3;
	vm9 =	veq.s32 v2, v3  }
0x15f: {  	v3 =	vadd.s32 $0x800, v3;
	_ =	sdelay $0x2  }
0x160: {  	[tilespmem:v2+s5+$0x0] =	vst.idx.add.f32.msk $0xffff, v1  }
0x161: {  	[tilespmem:v9+s5+$0x0] =	vst.idx.add.f32.msk $0xffff, v1  }
0x162: {  	[tilespmem:v3+s5+$0x0] =	vst.idx.add.f32.msk vm9, v1  }
0x163: {  	v2 =	vld [tilespmem:$0xA0]  }
0x164: {  	v3 =	vld [tilespmem:$0x4A0];
	_ =	sdelay $0x4  }
0x165: {  	v10 =	vadd.s32 $0x400, v3;
	vm10 =	veq.s32 v2, v3  }
0x166: {  	v3 =	vadd.s32 $0x800, v3;
	_ =	sdelay $0x2  }
0x167: {  	[tilespmem:v2+s5+$0x0] =	vst.idx.add.f32.msk $0xffff, v1  }
0x168: {  	[tilespmem:v10+s5+$0x0] =	vst.idx.add.f32.msk $0xffff, v1  }
0x169: {  	[tilespmem:v3+s5+$0x0] =	vst.idx.add.f32.msk vm10, v1  }
0x16a: {  	v2 =	vld [tilespmem:$0xB0]  }
0x16b: {  	v3 =	vld [tilespmem:$0x4B0];
	_ =	sdelay $0x4  }
0x16c: {  	v11 =	vadd.s32 $0x400, v3;
	vm11 =	veq.s32 v2, v3  }
0x16d: {  	v3 =	vadd.s32 $0x800, v3;
	_ =	sdelay $0x2  }
0x16e: {  	[tilespmem:v2+s5+$0x0] =	vst.idx.add.f32.msk $0xffff, v1  }
0x16f: {  	[tilespmem:v11+s5+$0x0] =	vst.idx.add.f32.msk $0xffff, v1  }
0x170: {  	[tilespmem:v3+s5+$0x0] =	vst.idx.add.f32.msk vm11, v1  }
0x171: {  	v2 =	vld [tilespmem:$0xC0]  }
0x172: {  	v3 =	vld [tilespmem:$0x4C0];
	_ =	sdelay $0x4  }
0x173: {  	v12 =	vadd.s32 $0x400, v3;
	vm12 =	veq.s32 v2, v3  }
0x174: {  	v3 =	vadd.s32 $0x800, v3;
	_ =	sdelay $0x2  }
0x175: {  	[tilespmem:v2+s5+$0x0] =	vst.idx.add.f32.msk $0xffff, v1  }
0x176: {  	[tilespmem:v12+s5+$0x0] =	vst.idx.add.f32.msk $0xffff, v1  }
0x177: {  	[tilespmem:v3+s5+$0x0] =	vst.idx.add.f32.msk vm12, v1  }
0x178: {  	v2 =	vld [tilespmem:$0xD0]  }
0x179: {  	v3 =	vld [tilespmem:$0x4D0];
	_ =	sdelay $0x4  }
0x17a: {  	v13 =	vadd.s32 $0x400, v3;
	vm13 =	veq.s32 v2, v3  }
0x17b: {  	v3 =	vadd.s32 $0x800, v3;
	_ =	sdelay $0x2  }
0x17c: {  	[tilespmem:v2+s5+$0x0] =	vst.idx.add.f32.msk $0xffff, v1  }
0x17d: {  	[tilespmem:v13+s5+$0x0] =	vst.idx.add.f32.msk $0xffff, v1  }
0x17e: {  	[tilespmem:v3+s5+$0x0] =	vst.idx.add.f32.msk vm13, v1  }
0x17f: {  	v2 =	vld [tilespmem:$0xE0]  }
0x180: {  	v3 =	vld [tilespmem:$0x4E0];
	_ =	sdelay $0x4  }
0x181: {  	v14 =	vadd.s32 $0x400, v3;
	vm14 =	veq.s32 v2, v3  }
0x182: {  	v3 =	vadd.s32 $0x800, v3;
	_ =	sdelay $0x2  }
0x183: {  	[tilespmem:v2+s5+$0x0] =	vst.idx.add.f32.msk $0xffff, v1  }
0x184: {  	[tilespmem:v14+s5+$0x0] =	vst.idx.add.f32.msk $0xffff, v1  }
0x185: {  	[tilespmem:v3+s5+$0x0] =	vst.idx.add.f32.msk vm14, v1  }
0x186: {  	v2 =	vld [tilespmem:$0xF0]  }
0x187: {  	v3 =	vld [tilespmem:$0x4F0];
	_ =	sdelay $0x4  }
0x188: {  	v15 =	vadd.s32 $0x400, v3;
	vm15 =	veq.s32 v2, v3  }
0x189: {  	v3 =	vadd.s32 $0x800, v3;
	_ =	sdelay $0x2  }
0x18a: {  	[tilespmem:v2+s5+$0x0] =	vst.idx.add.f32.msk $0xffff, v1  }
0x18b: {  	[tilespmem:v15+s5+$0x0] =	vst.idx.add.f32.msk $0xffff, v1  }
0x18c: {  	[tilespmem:v3+s5+$0x0] =	vst.idx.add.f32.msk vm15, v1  }
0x18d: {  	v2 =	vld [tilespmem:$0x100]  }
0x18e: {  	v3 =	vld [tilespmem:$0x500];
	_ =	sdelay $0x4  }
0x18f: {  	v16 =	vadd.s32 $0x400, v3;
	vm4 =	veq.s32 v2, v3  }
0x190: {  	v3 =	vadd.s32 $0x800, v3;
	_ =	sdelay $0x2  }
0x191: {  	[tilespmem:v2+s5+$0x0] =	vst.idx.add.f32.msk $0xffff, v1  }
0x192: {  	[tilespmem:v16+s5+$0x0] =	vst.idx.add.f32.msk $0xffff, v1  }
0x193: {  	[tilespmem:v3+s5+$0x0] =	vst.idx.add.f32.msk vm4, v1  }
0x194: {  	v2 =	vld [tilespmem:$0x110]  }
0x195: {  	v3 =	vld [tilespmem:$0x510];
	_ =	sdelay $0x4  }
0x196: {  	v17 =	vadd.s32 $0x400, v3;
	vm5 =	veq.s32 v2, v3  }
0x197: {  	v3 =	vadd.s32 $0x800, v3;
	_ =	sdelay $0x2  }
0x198: {  	[tilespmem:v2+s5+$0x0] =	vst.idx.add.f32.msk $0xffff, v1  }
0x199: {  	[tilespmem:v17+s5+$0x0] =	vst.idx.add.f32.msk $0xffff, v1  }
0x19a: {  	[tilespmem:v3+s5+$0x0] =	vst.idx.add.f32.msk vm5, v1  }
0x19b: {  	v2 =	vld [tilespmem:$0x120]  }
0x19c: {  	v3 =	vld [tilespmem:$0x520];
	_ =	sdelay $0x4  }
0x19d: {  	v18 =	vadd.s32 $0x400, v3;
	vm6 =	veq.s32 v2, v3  }
0x19e: {  	v3 =	vadd.s32 $0x800, v3;
	_ =	sdelay $0x2  }
0x19f: {  	[tilespmem:v2+s5+$0x0] =	vst.idx.add.f32.msk $0xffff, v1  }
0x1a0: {  	[tilespmem:v18+s5+$0x0] =	vst.idx.add.f32.msk $0xffff, v1  }
0x1a1: {  	[tilespmem:v3+s5+$0x0] =	vst.idx.add.f32.msk vm6, v1  }
0x1a2: {  	v2 =	vld [tilespmem:$0x130]  }
0x1a3: {  	v3 =	vld [tilespmem:$0x530];
	_ =	sdelay $0x4  }
0x1a4: {  	v19 =	vadd.s32 $0x400, v3;
	vm7 =	veq.s32 v2, v3  }
0x1a5: {  	v3 =	vadd.s32 $0x800, v3;
	_ =	sdelay $0x2  }
0x1a6: {  	[tilespmem:v2+s5+$0x0] =	vst.idx.add.f32.msk $0xffff, v1  }
0x1a7: {  	[tilespmem:v19+s5+$0x0] =	vst.idx.add.f32.msk $0xffff, v1  }
0x1a8: {  	[tilespmem:v3+s5+$0x0] =	vst.idx.add.f32.msk vm7, v1  }
0x1a9: {  	v2 =	vld [tilespmem:$0x140]  }
0x1aa: {  	v3 =	vld [tilespmem:$0x540];
	_ =	sdelay $0x4  }
0x1ab: {  	v20 =	vadd.s32 $0x400, v3;
	vm8 =	veq.s32 v2, v3  }
0x1ac: {  	v3 =	vadd.s32 $0x800, v3;
	_ =	sdelay $0x2  }
0x1ad: {  	[tilespmem:v2+s5+$0x0] =	vst.idx.add.f32.msk $0xffff, v1  }
0x1ae: {  	[tilespmem:v20+s5+$0x0] =	vst.idx.add.f32.msk $0xffff, v1  }
0x1af: {  	[tilespmem:v3+s5+$0x0] =	vst.idx.add.f32.msk vm8, v1  }
0x1b0: {  	v2 =	vld [tilespmem:$0x150]  }
0x1b1: {  	v3 =	vld [tilespmem:$0x550];
	_ =	sdelay $0x4  }
0x1b2: {  	v21 =	vadd.s32 $0x400, v3;
	vm9 =	veq.s32 v2, v3  }
0x1b3: {  	v3 =	vadd.s32 $0x800, v3;
	_ =	sdelay $0x2  }
0x1b4: {  	[tilespmem:v2+s5+$0x0] =	vst.idx.add.f32.msk $0xffff, v1  }
0x1b5: {  	[tilespmem:v21+s5+$0x0] =	vst.idx.add.f32.msk $0xffff, v1  }
0x1b6: {  	[tilespmem:v3+s5+$0x0] =	vst.idx.add.f32.msk vm9, v1  }
0x1b7: {  	v2 =	vld [tilespmem:$0x160]  }
0x1b8: {  	v3 =	vld [tilespmem:$0x560];
	_ =	sdelay $0x4  }
0x1b9: {  	v22 =	vadd.s32 $0x400, v3;
	vm10 =	veq.s32 v2, v3  }
0x1ba: {  	v3 =	vadd.s32 $0x800, v3;
	_ =	sdelay $0x2  }
0x1bb: {  	[tilespmem:v2+s5+$0x0] =	vst.idx.add.f32.msk $0xffff, v1  }
0x1bc: {  	[tilespmem:v22+s5+$0x0] =	vst.idx.add.f32.msk $0xffff, v1  }
0x1bd: {  	[tilespmem:v3+s5+$0x0] =	vst.idx.add.f32.msk vm10, v1  }
0x1be: {  	v2 =	vld [tilespmem:$0x170]  }
0x1bf: {  	v3 =	vld [tilespmem:$0x570];
	_ =	sdelay $0x4  }
0x1c0: {  	v23 =	vadd.s32 $0x400, v3;
	vm11 =	veq.s32 v2, v3  }
0x1c1: {  	v3 =	vadd.s32 $0x800, v3;
	_ =	sdelay $0x2  }
0x1c2: {  	[tilespmem:v2+s5+$0x0] =	vst.idx.add.f32.msk $0xffff, v1  }
0x1c3: {  	[tilespmem:v23+s5+$0x0] =	vst.idx.add.f32.msk $0xffff, v1  }
0x1c4: {  	[tilespmem:v3+s5+$0x0] =	vst.idx.add.f32.msk vm11, v1  }
0x1c5: {  	v2 =	vld [tilespmem:$0x180]  }
0x1c6: {  	v3 =	vld [tilespmem:$0x580];
	_ =	sdelay $0x4  }
0x1c7: {  	v24 =	vadd.s32 $0x400, v3;
	vm12 =	veq.s32 v2, v3  }
0x1c8: {  	v3 =	vadd.s32 $0x800, v3;
	_ =	sdelay $0x2  }
0x1c9: {  	[tilespmem:v2+s5+$0x0] =	vst.idx.add.f32.msk $0xffff, v1  }
0x1ca: {  	[tilespmem:v24+s5+$0x0] =	vst.idx.add.f32.msk $0xffff, v1  }
0x1cb: {  	[tilespmem:v3+s5+$0x0] =	vst.idx.add.f32.msk vm12, v1  }
0x1cc: {  	v2 =	vld [tilespmem:$0x190]  }
0x1cd: {  	v3 =	vld [tilespmem:$0x590];
	_ =	sdelay $0x4  }
0x1ce: {  	v25 =	vadd.s32 $0x400, v3;
	vm13 =	veq.s32 v2, v3  }
0x1cf: {  	v3 =	vadd.s32 $0x800, v3;
	_ =	sdelay $0x2  }
0x1d0: {  	[tilespmem:v2+s5+$0x0] =	vst.idx.add.f32.msk $0xffff, v1  }
0x1d1: {  	[tilespmem:v25+s5+$0x0] =	vst.idx.add.f32.msk $0xffff, v1  }
0x1d2: {  	[tilespmem:v3+s5+$0x0] =	vst.idx.add.f32.msk vm13, v1  }
0x1d3: {  	v2 =	vld [tilespmem:$0x1A0]  }
0x1d4: {  	v3 =	vld [tilespmem:$0x5A0];
	_ =	sdelay $0x4  }
0x1d5: {  	v26 =	vadd.s32 $0x400, v3;
	vm14 =	veq.s32 v2, v3  }
0x1d6: {  	v3 =	vadd.s32 $0x800, v3;
	_ =	sdelay $0x2  }
0x1d7: {  	[tilespmem:v2+s5+$0x0] =	vst.idx.add.f32.msk $0xffff, v1  }
0x1d8: {  	[tilespmem:v26+s5+$0x0] =	vst.idx.add.f32.msk $0xffff, v1  }
0x1d9: {  	[tilespmem:v3+s5+$0x0] =	vst.idx.add.f32.msk vm14, v1  }
0x1da: {  	v2 =	vld [tilespmem:$0x1B0]  }
0x1db: {  	v3 =	vld [tilespmem:$0x5B0];
	_ =	sdelay $0x4  }
0x1dc: {  	v27 =	vadd.s32 $0x400, v3;
	vm15 =	veq.s32 v2, v3  }
0x1dd: {  	v3 =	vadd.s32 $0x800, v3;
	_ =	sdelay $0x2  }
0x1de: {  	[tilespmem:v2+s5+$0x0] =	vst.idx.add.f32.msk $0xffff, v1  }
0x1df: {  	[tilespmem:v27+s5+$0x0] =	vst.idx.add.f32.msk $0xffff, v1  }
0x1e0: {  	[tilespmem:v3+s5+$0x0] =	vst.idx.add.f32.msk vm15, v1  }
0x1e1: {  	v2 =	vld [tilespmem:$0x1C0]  }
0x1e2: {  	v3 =	vld [tilespmem:$0x5C0];
	_ =	sdelay $0x4  }
0x1e3: {  	v28 =	vadd.s32 $0x400, v3;
	vm4 =	veq.s32 v2, v3  }
0x1e4: {  	v3 =	vadd.s32 $0x800, v3;
	_ =	sdelay $0x2  }
0x1e5: {  	[tilespmem:v2+s5+$0x0] =	vst.idx.add.f32.msk $0xffff, v1  }
0x1e6: {  	[tilespmem:v28+s5+$0x0] =	vst.idx.add.f32.msk $0xffff, v1  }
0x1e7: {  	[tilespmem:v3+s5+$0x0] =	vst.idx.add.f32.msk vm4, v1  }
0x1e8: {  	v2 =	vld [tilespmem:$0x1D0]  }
0x1e9: {  	v3 =	vld [tilespmem:$0x5D0];
	_ =	sdelay $0x4  }
0x1ea: {  	v29 =	vadd.s32 $0x400, v3;
	vm5 =	veq.s32 v2, v3  }
0x1eb: {  	v3 =	vadd.s32 $0x800, v3;
	_ =	sdelay $0x2  }
0x1ec: {  	[tilespmem:v2+s5+$0x0] =	vst.idx.add.f32.msk $0xffff, v1  }
0x1ed: {  	[tilespmem:v29+s5+$0x0] =	vst.idx.add.f32.msk $0xffff, v1  }
0x1ee: {  	[tilespmem:v3+s5+$0x0] =	vst.idx.add.f32.msk vm5, v1  }
0x1ef: {  	v2 =	vld [tilespmem:$0x1E0]  }
0x1f0: {  	v3 =	vld [tilespmem:$0x5E0];
	_ =	sdelay $0x4  }
0x1f1: {  	v30 =	vadd.s32 $0x400, v3;
	vm6 =	veq.s32 v2, v3  }
0x1f2: {  	v3 =	vadd.s32 $0x800, v3;
	_ =	sdelay $0x2  }
0x1f3: {  	[tilespmem:v2+s5+$0x0] =	vst.idx.add.f32.msk $0xffff, v1  }
0x1f4: {  	[tilespmem:v30+s5+$0x0] =	vst.idx.add.f32.msk $0xffff, v1  }
0x1f5: {  	[tilespmem:v3+s5+$0x0] =	vst.idx.add.f32.msk vm6, v1  }
0x1f6: {  	v2 =	vld [tilespmem:$0x1F0]  }
0x1f7: {  	v3 =	vld [tilespmem:$0x5F0];
	_ =	sdelay $0x4  }
0x1f8: {  	v31 =	vadd.s32 $0x400, v3;
	vm7 =	veq.s32 v2, v3  }
0x1f9: {  	v3 =	vadd.s32 $0x800, v3;
	_ =	sdelay $0x2  }
0x1fa: {  	[tilespmem:v2+s5+$0x0] =	vst.idx.add.f32.msk $0xffff, v1  }
0x1fb: {  	[tilespmem:v31+s5+$0x0] =	vst.idx.add.f32.msk $0xffff, v1  }
0x1fc: {  	[tilespmem:v3+s5+$0x0] =	vst.idx.add.f32.msk vm7, v1  }
0x1fd: {  	v2 =	vld [tilespmem:$0x200]  }
0x1fe: {  	v3 =	vld [tilespmem:$0x600];
	_ =	sdelay $0x4  }
0x1ff: {  	v32 =	vadd.s32 $0x400, v3;
	vm8 =	veq.s32 v2, v3  }
0x200: {  	v3 =	vadd.s32 $0x800, v3;
	_ =	sdelay $0x2  }
0x201: {  	[tilespmem:v2+s5+$0x0] =	vst.idx.add.f32.msk $0xffff, v1  }
0x202: {  	[tilespmem:v32+s5+$0x0] =	vst.idx.add.f32.msk $0xffff, v1  }
0x203: {  	[tilespmem:v3+s5+$0x0] =	vst.idx.add.f32.msk vm8, v1  }
0x204: {  	v2 =	vld [tilespmem:$0x210]  }
0x205: {  	v3 =	vld [tilespmem:$0x610];
	_ =	sdelay $0x4  }
0x206: {  	v33 =	vadd.s32 $0x400, v3;
	vm9 =	veq.s32 v2, v3  }
0x207: {  	v3 =	vadd.s32 $0x800, v3;
	_ =	sdelay $0x2  }
0x208: {  	[tilespmem:v2+s5+$0x0] =	vst.idx.add.f32.msk $0xffff, v1  }
0x209: {  	[tilespmem:v33+s5+$0x0] =	vst.idx.add.f32.msk $0xffff, v1  }
0x20a: {  	[tilespmem:v3+s5+$0x0] =	vst.idx.add.f32.msk vm9, v1  }
0x20b: {  	v2 =	vld [tilespmem:$0x220]  }
0x20c: {  	v3 =	vld [tilespmem:$0x620];
	_ =	sdelay $0x4  }
0x20d: {  	v34 =	vadd.s32 $0x400, v3;
	vm10 =	veq.s32 v2, v3  }
0x20e: {  	v3 =	vadd.s32 $0x800, v3;
	_ =	sdelay $0x2  }
0x20f: {  	[tilespmem:v2+s5+$0x0] =	vst.idx.add.f32.msk $0xffff, v1  }
0x210: {  	[tilespmem:v34+s5+$0x0] =	vst.idx.add.f32.msk $0xffff, v1  }
0x211: {  	[tilespmem:v3+s5+$0x0] =	vst.idx.add.f32.msk vm10, v1  }
0x212: {  	v2 =	vld [tilespmem:$0x230]  }
0x213: {  	v3 =	vld [tilespmem:$0x630];
	_ =	sdelay $0x4  }
0x214: {  	v35 =	vadd.s32 $0x400, v3;
	vm11 =	veq.s32 v2, v3  }
0x215: {  	v3 =	vadd.s32 $0x800, v3;
	_ =	sdelay $0x2  }
0x216: {  	[tilespmem:v2+s5+$0x0] =	vst.idx.add.f32.msk $0xffff, v1  }
0x217: {  	[tilespmem:v35+s5+$0x0] =	vst.idx.add.f32.msk $0xffff, v1  }
0x218: {  	[tilespmem:v3+s5+$0x0] =	vst.idx.add.f32.msk vm11, v1  }
0x219: {  	v2 =	vld [tilespmem:$0x240]  }
0x21a: {  	v3 =	vld [tilespmem:$0x640];
	_ =	sdelay $0x4  }
0x21b: {  	v36 =	vadd.s32 $0x400, v3;
	vm12 =	veq.s32 v2, v3  }
0x21c: {  	v3 =	vadd.s32 $0x800, v3;
	_ =	sdelay $0x2  }
0x21d: {  	[tilespmem:v2+s5+$0x0] =	vst.idx.add.f32.msk $0xffff, v1  }
0x21e: {  	[tilespmem:v36+s5+$0x0] =	vst.idx.add.f32.msk $0xffff, v1  }
0x21f: {  	[tilespmem:v3+s5+$0x0] =	vst.idx.add.f32.msk vm12, v1  }
0x220: {  	v2 =	vld [tilespmem:$0x250]  }
0x221: {  	v3 =	vld [tilespmem:$0x650];
	_ =	sdelay $0x4  }
0x222: {  	v37 =	vadd.s32 $0x400, v3;
	vm13 =	veq.s32 v2, v3  }
0x223: {  	v3 =	vadd.s32 $0x800, v3;
	_ =	sdelay $0x2  }
0x224: {  	[tilespmem:v2+s5+$0x0] =	vst.idx.add.f32.msk $0xffff, v1  }
0x225: {  	[tilespmem:v37+s5+$0x0] =	vst.idx.add.f32.msk $0xffff, v1  }
0x226: {  	[tilespmem:v3+s5+$0x0] =	vst.idx.add.f32.msk vm13, v1  }
0x227: {  	v2 =	vld [tilespmem:$0x260]  }
0x228: {  	v3 =	vld [tilespmem:$0x660];
	_ =	sdelay $0x4  }
0x229: {  	v38 =	vadd.s32 $0x400, v3;
	vm14 =	veq.s32 v2, v3  }
0x22a: {  	v3 =	vadd.s32 $0x800, v3;
	_ =	sdelay $0x2  }
0x22b: {  	[tilespmem:v2+s5+$0x0] =	vst.idx.add.f32.msk $0xffff, v1  }
0x22c: {  	[tilespmem:v38+s5+$0x0] =	vst.idx.add.f32.msk $0xffff, v1  }
0x22d: {  	[tilespmem:v3+s5+$0x0] =	vst.idx.add.f32.msk vm14, v1  }
0x22e: {  	v2 =	vld [tilespmem:$0x270]  }
0x22f: {  	v3 =	vld [tilespmem:$0x670];
	_ =	sdelay $0x4  }
0x230: {  	v39 =	vadd.s32 $0x400, v3;
	vm15 =	veq.s32 v2, v3  }
0x231: {  	v3 =	vadd.s32 $0x800, v3;
	_ =	sdelay $0x2  }
0x232: {  	[tilespmem:v2+s5+$0x0] =	vst.idx.add.f32.msk $0xffff, v1  }
0x233: {  	[tilespmem:v39+s5+$0x0] =	vst.idx.add.f32.msk $0xffff, v1  }
0x234: {  	[tilespmem:v3+s5+$0x0] =	vst.idx.add.f32.msk vm15, v1  }
0x235: {  	v2 =	vld [tilespmem:$0x280]  }
0x236: {  	v3 =	vld [tilespmem:$0x680];
	_ =	sdelay $0x4  }
0x237: {  	v40 =	vadd.s32 $0x400, v3;
	vm4 =	veq.s32 v2, v3  }
0x238: {  	v3 =	vadd.s32 $0x800, v3;
	_ =	sdelay $0x2  }
0x239: {  	[tilespmem:v2+s5+$0x0] =	vst.idx.add.f32.msk $0xffff, v1  }
0x23a: {  	[tilespmem:v40+s5+$0x0] =	vst.idx.add.f32.msk $0xffff, v1  }
0x23b: {  	[tilespmem:v3+s5+$0x0] =	vst.idx.add.f32.msk vm4, v1  }
0x23c: {  	v2 =	vld [tilespmem:$0x290]  }
0x23d: {  	v3 =	vld [tilespmem:$0x690];
	_ =	sdelay $0x4  }
0x23e: {  	v41 =	vadd.s32 $0x400, v3;
	vm5 =	veq.s32 v2, v3  }
0x23f: {  	v3 =	vadd.s32 $0x800, v3;
	_ =	sdelay $0x2  }
0x240: {  	[tilespmem:v2+s5+$0x0] =	vst.idx.add.f32.msk $0xffff, v1  }
0x241: {  	[tilespmem:v41+s5+$0x0] =	vst.idx.add.f32.msk $0xffff, v1  }
0x242: {  	[tilespmem:v3+s5+$0x0] =	vst.idx.add.f32.msk vm5, v1  }
0x243: {  	v2 =	vld [tilespmem:$0x2A0]  }
0x244: {  	v3 =	vld [tilespmem:$0x6A0];
	_ =	sdelay $0x4  }
0x245: {  	v42 =	vadd.s32 $0x400, v3;
	vm6 =	veq.s32 v2, v3  }
0x246: {  	v3 =	vadd.s32 $0x800, v3;
	_ =	sdelay $0x2  }
0x247: {  	[tilespmem:v2+s5+$0x0] =	vst.idx.add.f32.msk $0xffff, v1  }
0x248: {  	[tilespmem:v42+s5+$0x0] =	vst.idx.add.f32.msk $0xffff, v1  }
0x249: {  	[tilespmem:v3+s5+$0x0] =	vst.idx.add.f32.msk vm6, v1  }
0x24a: {  	v2 =	vld [tilespmem:$0x2B0]  }
0x24b: {  	v3 =	vld [tilespmem:$0x6B0];
	_ =	sdelay $0x4  }
0x24c: {  	v43 =	vadd.s32 $0x400, v3;
	vm7 =	veq.s32 v2, v3  }
0x24d: {  	v3 =	vadd.s32 $0x800, v3;
	_ =	sdelay $0x2  }
0x24e: {  	[tilespmem:v2+s5+$0x0] =	vst.idx.add.f32.msk $0xffff, v1  }
0x24f: {  	[tilespmem:v43+s5+$0x0] =	vst.idx.add.f32.msk $0xffff, v1  }
0x250: {  	[tilespmem:v3+s5+$0x0] =	vst.idx.add.f32.msk vm7, v1  }
0x251: {  	v2 =	vld [tilespmem:$0x2C0]  }
0x252: {  	v3 =	vld [tilespmem:$0x6C0];
	_ =	sdelay $0x4  }
0x253: {  	v44 =	vadd.s32 $0x400, v3;
	vm8 =	veq.s32 v2, v3  }
0x254: {  	v3 =	vadd.s32 $0x800, v3;
	_ =	sdelay $0x2  }
0x255: {  	[tilespmem:v2+s5+$0x0] =	vst.idx.add.f32.msk $0xffff, v1  }
0x256: {  	[tilespmem:v44+s5+$0x0] =	vst.idx.add.f32.msk $0xffff, v1  }
0x257: {  	[tilespmem:v3+s5+$0x0] =	vst.idx.add.f32.msk vm8, v1  }
0x258: {  	v2 =	vld [tilespmem:$0x2D0]  }
0x259: {  	v3 =	vld [tilespmem:$0x6D0];
	_ =	sdelay $0x4  }
0x25a: {  	v45 =	vadd.s32 $0x400, v3;
	vm9 =	veq.s32 v2, v3  }
0x25b: {  	v3 =	vadd.s32 $0x800, v3;
	_ =	sdelay $0x2  }
0x25c: {  	[tilespmem:v2+s5+$0x0] =	vst.idx.add.f32.msk $0xffff, v1  }
0x25d: {  	[tilespmem:v45+s5+$0x0] =	vst.idx.add.f32.msk $0xffff, v1  }
0x25e: {  	[tilespmem:v3+s5+$0x0] =	vst.idx.add.f32.msk vm9, v1  }
0x25f: {  	v2 =	vld [tilespmem:$0x2E0]  }
0x260: {  	v3 =	vld [tilespmem:$0x6E0];
	_ =	sdelay $0x4  }
0x261: {  	v46 =	vadd.s32 $0x400, v3;
	vm10 =	veq.s32 v2, v3  }
0x262: {  	v3 =	vadd.s32 $0x800, v3;
	_ =	sdelay $0x2  }
0x263: {  	[tilespmem:v2+s5+$0x0] =	vst.idx.add.f32.msk $0xffff, v1  }
0x264: {  	[tilespmem:v46+s5+$0x0] =	vst.idx.add.f32.msk $0xffff, v1  }
0x265: {  	[tilespmem:v3+s5+$0x0] =	vst.idx.add.f32.msk vm10, v1  }
0x266: {  	v2 =	vld [tilespmem:$0x2F0]  }
0x267: {  	v3 =	vld [tilespmem:$0x6F0];
	_ =	sdelay $0x4  }
0x268: {  	v47 =	vadd.s32 $0x400, v3;
	vm11 =	veq.s32 v2, v3  }
0x269: {  	v3 =	vadd.s32 $0x800, v3;
	_ =	sdelay $0x2  }
0x26a: {  	[tilespmem:v2+s5+$0x0] =	vst.idx.add.f32.msk $0xffff, v1  }
0x26b: {  	[tilespmem:v47+s5+$0x0] =	vst.idx.add.f32.msk $0xffff, v1  }
0x26c: {  	[tilespmem:v3+s5+$0x0] =	vst.idx.add.f32.msk vm11, v1  }
0x26d: {  	v2 =	vld [tilespmem:$0x300]  }
0x26e: {  	v3 =	vld [tilespmem:$0x700];
	_ =	sdelay $0x4  }
0x26f: {  	v48 =	vadd.s32 $0x400, v3;
	vm12 =	veq.s32 v2, v3  }
0x270: {  	v3 =	vadd.s32 $0x800, v3;
	_ =	sdelay $0x2  }
0x271: {  	[tilespmem:v2+s5+$0x0] =	vst.idx.add.f32.msk $0xffff, v1  }
0x272: {  	[tilespmem:v48+s5+$0x0] =	vst.idx.add.f32.msk $0xffff, v1  }
0x273: {  	[tilespmem:v3+s5+$0x0] =	vst.idx.add.f32.msk vm12, v1  }
0x274: {  	v2 =	vld [tilespmem:$0x310]  }
0x275: {  	v3 =	vld [tilespmem:$0x710];
	_ =	sdelay $0x4  }
0x276: {  	v49 =	vadd.s32 $0x400, v3;
	vm13 =	veq.s32 v2, v3  }
0x277: {  	v3 =	vadd.s32 $0x800, v3;
	_ =	sdelay $0x2  }
0x278: {  	[tilespmem:v2+s5+$0x0] =	vst.idx.add.f32.msk $0xffff, v1  }
0x279: {  	[tilespmem:v49+s5+$0x0] =	vst.idx.add.f32.msk $0xffff, v1  }
0x27a: {  	[tilespmem:v3+s5+$0x0] =	vst.idx.add.f32.msk vm13, v1  }
0x27b: {  	v2 =	vld [tilespmem:$0x320]  }
0x27c: {  	v3 =	vld [tilespmem:$0x720];
	_ =	sdelay $0x4  }
0x27d: {  	v50 =	vadd.s32 $0x400, v3;
	vm14 =	veq.s32 v2, v3  }
0x27e: {  	v3 =	vadd.s32 $0x800, v3;
	_ =	sdelay $0x2  }
0x27f: {  	[tilespmem:v2+s5+$0x0] =	vst.idx.add.f32.msk $0xffff, v1  }
0x280: {  	[tilespmem:v50+s5+$0x0] =	vst.idx.add.f32.msk $0xffff, v1  }
0x281: {  	[tilespmem:v3+s5+$0x0] =	vst.idx.add.f32.msk vm14, v1  }
0x282: {  	v2 =	vld [tilespmem:$0x330]  }
0x283: {  	v3 =	vld [tilespmem:$0x730];
	_ =	sdelay $0x4  }
0x284: {  	v51 =	vadd.s32 $0x400, v3;
	vm15 =	veq.s32 v2, v3  }
0x285: {  	v3 =	vadd.s32 $0x800, v3;
	_ =	sdelay $0x2  }
0x286: {  	[tilespmem:v2+s5+$0x0] =	vst.idx.add.f32.msk $0xffff, v1  }
0x287: {  	[tilespmem:v51+s5+$0x0] =	vst.idx.add.f32.msk $0xffff, v1  }
0x288: {  	[tilespmem:v3+s5+$0x0] =	vst.idx.add.f32.msk vm15, v1  }
0x289: {  	v2 =	vld [tilespmem:$0x340]  }
0x28a: {  	v3 =	vld [tilespmem:$0x740];
	_ =	sdelay $0x4  }
0x28b: {  	v52 =	vadd.s32 $0x400, v3;
	vm4 =	veq.s32 v2, v3  }
0x28c: {  	v3 =	vadd.s32 $0x800, v3;
	_ =	sdelay $0x2  }
0x28d: {  	[tilespmem:v2+s5+$0x0] =	vst.idx.add.f32.msk $0xffff, v1  }
0x28e: {  	[tilespmem:v52+s5+$0x0] =	vst.idx.add.f32.msk $0xffff, v1  }
0x28f: {  	[tilespmem:v3+s5+$0x0] =	vst.idx.add.f32.msk vm4, v1  }
0x290: {  	v2 =	vld [tilespmem:$0x350]  }
0x291: {  	v3 =	vld [tilespmem:$0x750];
	_ =	sdelay $0x4  }
0x292: {  	v53 =	vadd.s32 $0x400, v3;
	vm5 =	veq.s32 v2, v3  }
0x293: {  	v3 =	vadd.s32 $0x800, v3;
	_ =	sdelay $0x2  }
0x294: {  	[tilespmem:v2+s5+$0x0] =	vst.idx.add.f32.msk $0xffff, v1  }
0x295: {  	[tilespmem:v53+s5+$0x0] =	vst.idx.add.f32.msk $0xffff, v1  }
0x296: {  	[tilespmem:v3+s5+$0x0] =	vst.idx.add.f32.msk vm5, v1  }
0x297: {  	v2 =	vld [tilespmem:$0x360]  }
0x298: {  	v3 =	vld [tilespmem:$0x760];
	_ =	sdelay $0x4  }
0x299: {  	v54 =	vadd.s32 $0x400, v3;
	vm6 =	veq.s32 v2, v3  }
0x29a: {  	v3 =	vadd.s32 $0x800, v3;
	_ =	sdelay $0x2  }
0x29b: {  	[tilespmem:v2+s5+$0x0] =	vst.idx.add.f32.msk $0xffff, v1  }
0x29c: {  	[tilespmem:v54+s5+$0x0] =	vst.idx.add.f32.msk $0xffff, v1  }
0x29d: {  	[tilespmem:v3+s5+$0x0] =	vst.idx.add.f32.msk vm6, v1  }
0x29e: {  	v2 =	vld [tilespmem:$0x370]  }
0x29f: {  	v3 =	vld [tilespmem:$0x770];
	_ =	sdelay $0x4  }
0x2a0: {  	v55 =	vadd.s32 $0x400, v3;
	vm7 =	veq.s32 v2, v3  }
0x2a1: {  	v3 =	vadd.s32 $0x800, v3;
	_ =	sdelay $0x2  }
0x2a2: {  	[tilespmem:v2+s5+$0x0] =	vst.idx.add.f32.msk $0xffff, v1  }
0x2a3: {  	[tilespmem:v55+s5+$0x0] =	vst.idx.add.f32.msk $0xffff, v1  }
0x2a4: {  	[tilespmem:v3+s5+$0x0] =	vst.idx.add.f32.msk vm7, v1  }
0x2a5: {  	v2 =	vld [tilespmem:$0x380]  }
0x2a6: {  	v3 =	vld [tilespmem:$0x780];
	_ =	sdelay $0x4  }
0x2a7: {  	v56 =	vadd.s32 $0x400, v3;
	vm8 =	veq.s32 v2, v3  }
0x2a8: {  	v3 =	vadd.s32 $0x800, v3;
	_ =	sdelay $0x2  }
0x2a9: {  	[tilespmem:v2+s5+$0x0] =	vst.idx.add.f32.msk $0xffff, v1  }
0x2aa: {  	[tilespmem:v56+s5+$0x0] =	vst.idx.add.f32.msk $0xffff, v1  }
0x2ab: {  	[tilespmem:v3+s5+$0x0] =	vst.idx.add.f32.msk vm8, v1  }
0x2ac: {  	v2 =	vld [tilespmem:$0x390]  }
0x2ad: {  	v3 =	vld [tilespmem:$0x790];
	_ =	sdelay $0x4  }
0x2ae: {  	v57 =	vadd.s32 $0x400, v3;
	vm9 =	veq.s32 v2, v3  }
0x2af: {  	v3 =	vadd.s32 $0x800, v3;
	_ =	sdelay $0x2  }
0x2b0: {  	[tilespmem:v2+s5+$0x0] =	vst.idx.add.f32.msk $0xffff, v1  }
0x2b1: {  	[tilespmem:v57+s5+$0x0] =	vst.idx.add.f32.msk $0xffff, v1  }
0x2b2: {  	[tilespmem:v3+s5+$0x0] =	vst.idx.add.f32.msk vm9, v1  }
0x2b3: {  	v2 =	vld [tilespmem:$0x3A0]  }
0x2b4: {  	v3 =	vld [tilespmem:$0x7A0];
	_ =	sdelay $0x4  }
0x2b5: {  	v58 =	vadd.s32 $0x400, v3;
	vm10 =	veq.s32 v2, v3  }
0x2b6: {  	v3 =	vadd.s32 $0x800, v3;
	_ =	sdelay $0x2  }
0x2b7: {  	[tilespmem:v2+s5+$0x0] =	vst.idx.add.f32.msk $0xffff, v1  }
0x2b8: {  	[tilespmem:v58+s5+$0x0] =	vst.idx.add.f32.msk $0xffff, v1  }
0x2b9: {  	[tilespmem:v3+s5+$0x0] =	vst.idx.add.f32.msk vm10, v1  }
0x2ba: {  	v2 =	vld [tilespmem:$0x3B0]  }
0x2bb: {  	v3 =	vld [tilespmem:$0x7B0];
	_ =	sdelay $0x4  }
0x2bc: {  	v59 =	vadd.s32 $0x400, v3;
	vm11 =	veq.s32 v2, v3  }
0x2bd: {  	v3 =	vadd.s32 $0x800, v3;
	_ =	sdelay $0x2  }
0x2be: {  	[tilespmem:v2+s5+$0x0] =	vst.idx.add.f32.msk $0xffff, v1  }
0x2bf: {  	[tilespmem:v59+s5+$0x0] =	vst.idx.add.f32.msk $0xffff, v1  }
0x2c0: {  	[tilespmem:v3+s5+$0x0] =	vst.idx.add.f32.msk vm11, v1  }
0x2c1: {  	v2 =	vld [tilespmem:$0x3C0]  }
0x2c2: {  	v3 =	vld [tilespmem:$0x7C0];
	_ =	sdelay $0x4  }
0x2c3: {  	v60 =	vadd.s32 $0x400, v3;
	vm12 =	veq.s32 v2, v3  }
0x2c4: {  	v3 =	vadd.s32 $0x800, v3;
	_ =	sdelay $0x2  }
0x2c5: {  	[tilespmem:v2+s5+$0x0] =	vst.idx.add.f32.msk $0xffff, v1  }
0x2c6: {  	[tilespmem:v60+s5+$0x0] =	vst.idx.add.f32.msk $0xffff, v1  }
0x2c7: {  	[tilespmem:v3+s5+$0x0] =	vst.idx.add.f32.msk vm12, v1  }
0x2c8: {  	v2 =	vld [tilespmem:$0x3D0]  }
0x2c9: {  	v3 =	vld [tilespmem:$0x7D0];
	_ =	sdelay $0x4  }
0x2ca: {  	v61 =	vadd.s32 $0x400, v3;
	vm13 =	veq.s32 v2, v3  }
0x2cb: {  	v3 =	vadd.s32 $0x800, v3;
	_ =	sdelay $0x2  }
0x2cc: {  	[tilespmem:v2+s5+$0x0] =	vst.idx.add.f32.msk $0xffff, v1  }
0x2cd: {  	[tilespmem:v61+s5+$0x0] =	vst.idx.add.f32.msk $0xffff, v1  }
0x2ce: {  	[tilespmem:v3+s5+$0x0] =	vst.idx.add.f32.msk vm13, v1  }
0x2cf: {  	v2 =	vld [tilespmem:$0x3E0]  }
0x2d0: {  	v3 =	vld [tilespmem:$0x7E0];
	_ =	sdelay $0x4  }
0x2d1: {  	v62 =	vadd.s32 $0x400, v3;
	vm14 =	veq.s32 v2, v3  }
0x2d2: {  	v3 =	vadd.s32 $0x800, v3;
	_ =	sdelay $0x2  }
0x2d3: {  	[tilespmem:v2+s5+$0x0] =	vst.idx.add.f32.msk $0xffff, v1  }
0x2d4: {  	[tilespmem:v62+s5+$0x0] =	vst.idx.add.f32.msk $0xffff, v1  }
0x2d5: {  	[tilespmem:v3+s5+$0x0] =	vst.idx.add.f32.msk vm14, v1  }
0x2d6: {  	v2 =	vld [tilespmem:$0x3F0]  }
0x2d7: {  	v3 =	vld [tilespmem:$0x7F0];
	_ =	sdelay $0x4  }
0x2d8: {  	v63 =	vadd.s32 $0x400, v3;
	vm15 =	veq.s32 v2, v3  }
0x2d9: {  	v3 =	vadd.s32 $0x800, v3;
	_ =	sdelay $0x2  }
0x2da: {  	[tilespmem:v2+s5+$0x0] =	vst.idx.add.f32.msk $0xffff, v1  }
0x2db: {  	[tilespmem:v63+s5+$0x0] =	vst.idx.add.f32.msk $0xffff, v1  }
0x2dc: {  	s30 =	simm.s32 $0x20;
	s31 =	simm.s32 $0x1800;
	[tilespmem:v3+s5+$0x0] =	vst.idx.add.f32.msk vm15, v1  }
0x2dd: {  	[spmem:s4] =	stream.indirect.scatter.add.f32 [tilespmem:s5], [sflag:$0x1], $0x80, s31, s30, $0xb8;
	[tilespmem:$0x1A00] =	vst v63  }
0x2de: {  	_ =	swait.ge [sflag:s3], $0x1000  }
0x2df: {  	[sflag:s3] =	ssyncset.done $0x0  }
0x2e0: {  	[sflag:s3] =	ssyncadd.s32 $0xFFFFF000  }
0x2e1: {  	[bflag:$0x0] =	sbarrier.arrive $0xFFFF  }
0x2e2: {  	_ =	sfence.sel @p0 $0x180000  }
0x2e3: {  	[bflag:$0x0] =	sbarrier.arrive @p0 $0xFFFF  }
0x2e4: {  	_ =	strace @p0 $0x90000047  }
0x2e5: {  	[bflag:$0x2] =	sbarrier.arrive @p0 $0xFFFF  }
0x2e6: {  	_ =	shalt @p0  }
.LBB2_1:
0x2e7: {  	[tilespmem:s5], [sflag:$0x1] =	stream.linear.gather [spmem:s4], $0x1000, $0x38;
	[tilespmem:$0x1A00] =	vst v63  }
0x2e8: {  	_ =	swait.ge [sflag:s3], $0x1000  }
0x2e9: {  	[sflag:s3] =	ssyncset.done $0x0  }
0x2ea: {  	[sflag:s3] =	ssyncadd.s32 $0xFFFFF000  }
0x2eb: {  	v1 =	vld [tilespmem:$0x800]  }
0x2ec: {  	v2 =	vld [tilespmem:$0xC00]  }
0x2ed: {  	v3 =	vld [tilespmem:$0x1000]  }
0x2ee: {  	v4 =	vld [tilespmem:$0x810]  }
0x2ef: {  	v5 =	vld [tilespmem:$0xC10]  }
0x2f0: {  	v6 =	vld [tilespmem:$0x1010]  }
0x2f1: {  	v7 =	vld [tilespmem:$0x820]  }
0x2f2: {  	v8 =	vld [tilespmem:$0xC20]  }
0x2f3: {  	v9 =	vld [tilespmem:$0x1020]  }
0x2f4: {  	v10 =	vld [tilespmem:$0x830]  }
0x2f5: {  	v11 =	vld [tilespmem:$0xC30]  }
0x2f6: {  	v12 =	vld [tilespmem:$0x1030]  }
0x2f7: {  	v13 =	vld [tilespmem:$0x840]  }
0x2f8: {  	v14 =	vld [tilespmem:$0xC40]  }
0x2f9: {  	v15 =	vld [tilespmem:$0x1040]  }
0x2fa: {  	v16 =	vld [tilespmem:$0x850]  }
0x2fb: {  	v17 =	vld [tilespmem:$0xC50]  }
0x2fc: {  	v18 =	vld [tilespmem:$0x1050]  }
0x2fd: {  	v19 =	vld [tilespmem:$0x860]  }
0x2fe: {  	v20 =	vld [tilespmem:$0xC60]  }
0x2ff: {  	v21 =	vld [tilespmem:$0x1060]  }
0x300: {  	v22 =	vld [tilespmem:$0x870]  }
0x301: {  	v23 =	vld [tilespmem:$0xC70]  }
0x302: {  	v24 =	vld [tilespmem:$0x1070]  }
0x303: {  	v58 =	vld [tilespmem:$0x880]  }
0x304: {  	v25 =	vld [tilespmem:$0xC80]  }
0x305: {  	v26 =	vld [tilespmem:$0x1080]  }
0x306: {  	v27 =	vld [tilespmem:$0x890];
	v2 =	vadd.f32 $1.000000010e-07, v2  }
0x307: {  	v28 =	vld [tilespmem:$0xC90];
	v1 =	vadd.f32 $1.000000010e-07, v1  }
0x308: {  	v61 =	vld [tilespmem:$0x8A0];
	v56 =	vadd.f32 $1.000000010e-07, v5;
	(erf) = vrcp.f32 v2  }
0x309: {  	v29 =	vld [tilespmem:$0xCA0];
	(erf) = vrcp.f32 v1  }
0x30a: {  	v30 =	vld [tilespmem:$0x8B0];
	v57 =	vadd.f32 $1.000000010e-07, v4;
	(erf) = vrcp.f32 v56  }
0x30b: {  	v31 =	vld [tilespmem:$0xCB0]  }
0x30c: {  	v59 =	vadd.f32 $1.000000010e-07, v8;
	v8 =	vld [tilespmem:$0x1090];
	(erf) = vrcp.f32 v57  }
0x30d: {  	v60 =	vadd.f32 $1.000000010e-07, v7;
	v5 =	vld [tilespmem:$0x10A0];
	v11 =	vadd.f32 $1.000000010e-07, v11  }
0x30e: {  	v10 =	vadd.f32 $1.000000010e-07, v10;
	v35 =	vadd.f32 $1.000000010e-07, v13;
	v13 =	vld [tilespmem:$0x8C0]  }
0x30f: {  	v34 =	vadd.f32 $1.000000010e-07, v14;
	v37 =	vadd.f32 $1.000000010e-07, v17;
	v17 =	vld [tilespmem:$0xCC0];
	(erf) = vrcp.f32 v59  }
0x310: {  	v38 =	vadd.f32 $1.000000010e-07, v16;
	v39 =	vadd.f32 $1.000000010e-07, v20;
	v16 =	vld [tilespmem:$0x8D0];
	(erf) = vrcp.f32 v60  }
0x311: {  	v41 =	vadd.f32 $1.000000010e-07, v19;
	v19 =	vld [tilespmem:$0xCD0];
	v44 =	vadd.f32 $1.000000010e-07, v23;
	v62 =	vpop (erf)  }
0x312: {  	v45 =	vadd.f32 $1.000000010e-07, v22;
	v22 =	vld [tilespmem:$0x8E0];
	v46 =	vadd.f32 $1.000000010e-07, v25;
	v63 =	vpop (erf);
	(erf) = vrcp.f32 v11  }
0x313: {  	v20 =	vld [tilespmem:$0xCE0];
	v48 =	vadd.f32 $1.000000010e-07, v58;
	v50 =	vadd.f32 $1.000000010e-07, v28;
	v33 =	vpop (erf);
	(erf) = vrcp.f32 v10  }
0x314: {  	v4 =	vld [tilespmem:$0x10E0];
	v52 =	vadd.f32 $1.000000010e-07, v27;
	v57 =	vadd.f32 $1.000000010e-07, v29;
	v1 =	vmul.f32 v62, v3  }
0x315: {  	v25 =	vld [tilespmem:$0x8F0];
	v17 =	vadd.f32 $1.000000010e-07, v17;
	v32 =	vmul.f32 v33, v6;
	v33 =	vpop (erf);
	(erf) = vrcp.f32 v34  }
0x316: {  	v27 =	vld [tilespmem:$0xCF0];
	v2 =	vmul.f32 v63, v3;
	v36 =	vadd.f32 $0.0e+00, v1;
	(erf) = vrcp.f32 v35  }
0x317: {  	v28 =	vld [tilespmem:$0xD00];
	v60 =	vadd.f32 $1.000000010e-07, v61;
	v6 =	vmul.f32 v33, v6;
	(erf) = vrcp.f32 v37  }
0x318: {  	v10 =	vld [tilespmem:$0x900];
	v2 =	vadd.f32 $0.0e+00, v2;
	v40 =	vpop (erf);
	v14 =	vadd.f32 v32, v36;
	(erf) = vrcp.f32 v38  }
0x319: {  	v7 =	vld [tilespmem:$0x1100];
	v42 =	vmul.f32 v40, v9;
	v43 =	vpop (erf);
	v36 =	vadd.f32 $1.000000010e-07, v31;
	(erf) = vrcp.f32 v39  }
0x31a: {  	v29 =	vld [tilespmem:$0x1110];
	v6 =	vadd.f32 v6, v2;
	v9 =	vmul.f32 v43, v9;
	(erf) = vrcp.f32 v41  }
0x31b: {  	v11 =	vld [tilespmem:$0x960];
	v14 =	vadd.f32 v42, v14;
	v39 =	vadd.f32 $1.000000010e-07, v30;
	(erf) = vrcp.f32 v44;
	v47 =	vpop (erf)  }
0x31c: {  	v3 =	vld [tilespmem:$0x10B0];
	v9 =	vadd.f32 v9, v6;
	(erf) = vrcp.f32 v45;
	v6 =	vmul.f32 v47, v12;
	v49 =	vpop (erf)  }
0x31d: {  	v1 =	vld [tilespmem:$0x10C0];
	v10 =	vadd.f32 $1.000000010e-07, v10;
	(erf) = vrcp.f32 v46;
	v12 =	vmul.f32 v49, v12  }
0x31e: {  	v33 =	vld [tilespmem:$0xD10];
	v51 =	vpop (erf);
	(erf) = vrcp.f32 v48;
	v49 =	vadd.f32 $1.000000010e-07, v13;
	v14 =	vadd.f32 v6, v14  }
0x31f: {  	v40 =	vld [tilespmem:$0x920];
	v23 =	vmul.f32 v51, v15;
	v53 =	vpop (erf);
	(erf) = vrcp.f32 v50;
	v51 =	vadd.f32 $1.000000010e-07, v19  }
0x320: {  	v2 =	vld [tilespmem:$0x10D0];
	v9 =	vadd.f32 v12, v9;
	v54 =	vmul.f32 v53, v15;
	v55 =	vpop (erf);
	(erf) = vrcp.f32 v52  }
0x321: {  	v43 =	vld [tilespmem:$0xD20];
	v53 =	vadd.f32 $1.000000010e-07, v16;
	v14 =	vadd.f32 v23, v14;
	v12 =	vmul.f32 v55, v18;
	v56 =	vpop (erf)  }
0x322: {  	v50 =	vld [tilespmem:$0xD30];
	v9 =	vadd.f32 v54, v9;
	v58 =	vmul.f32 v56, v18;
	v59 =	vpop (erf);
	(erf) = vrcp.f32 v57  }
0x323: {  	v30 =	vld [tilespmem:$0xDB0];
	v56 =	vadd.f32 $1.000000010e-07, v20;
	v12 =	vadd.f32 v12, v14;
	v61 =	vmul.f32 v59, v21  }
0x324: {  	v23 =	vld [tilespmem:$0x910];
	v62 =	vpop (erf);
	(erf) = vrcp.f32 v60;
	v59 =	vadd.f32 $1.000000010e-07, v27;
	v27 =	vadd.f32 $1.000000010e-07, v28  }
0x325: {  	v57 =	vld [tilespmem:$0xD40];
	v28 =	vadd.f32 $1.000000010e-07, v33;
	v9 =	vadd.f32 v58, v9;
	v63 =	vmul.f32 v62, v21;
	v32 =	vpop (erf)  }
0x326: {  	v20 =	vld [tilespmem:$0xD50];
	(erf) = vrcp.f32 v36;
	v58 =	vadd.f32 $1.000000010e-07, v22;
	v36 =	vadd.f32 $1.000000010e-07, v40;
	v35 =	vpop (erf)  }
0x327: {  	v48 =	vld [tilespmem:$0x930];
	v13 =	vadd.f32 $1.000000010e-07, v50;
	v12 =	vadd.f32 v61, v12;
	v34 =	vmul.f32 v32, v24;
	v38 =	vpop (erf)  }
0x328: {  	v6 =	vld [tilespmem:$0x10F0];
	(erf) = vrcp.f32 v39;
	v61 =	vadd.f32 $1.000000010e-07, v25;
	v9 =	vadd.f32 v63, v9;
	v42 =	vpop (erf)  }
0x329: {  	v15 =	vld [tilespmem:$0x1130];
	v37 =	vmul.f32 v35, v24;
	v32 =	vadd.f32 $1.000000010e-07, v23;
	v12 =	vadd.f32 v34, v12;
	v45 =	vpop (erf)  }
0x32a: {  	v16 =	vld [tilespmem:$0x940];
	v41 =	vmul.f32 v38, v26;
	(erf) = vrcp.f32 v17;
	v34 =	vadd.f32 $1.000000010e-07, v43;
	v47 =	vpop (erf)  }
0x32b: {  	v18 =	vld [tilespmem:$0xD60];
	v19 =	vadd.f32 $1.000000010e-07, v57;
	v20 =	vadd.f32 $1.000000010e-07, v20;
	v52 =	vpop (erf);
	(erf) = vrcp.f32 v49  }
0x32c: {  	v14 =	vld [tilespmem:$0x1170];
	v9 =	vadd.f32 v37, v9;
	v44 =	vmul.f32 v42, v26;
	v12 =	vadd.f32 v41, v12  }
0x32d: {  	v21 =	vld [tilespmem:$0x970];
	v46 =	vmul.f32 v45, v8;
	v45 =	vadd.f32 $1.000000010e-07, v48;
	v55 =	vpop (erf);
	(erf) = vrcp.f32 v51  }
0x32e: {  	v50 =	vld [tilespmem:$0xD90];
	v9 =	vadd.f32 v44, v9;
	v8 =	vmul.f32 v47, v8;
	(erf) = vrcp.f32 v53  }
0x32f: {  	v24 =	vld [tilespmem:$0x1120];
	v12 =	vadd.f32 v46, v12;
	v54 =	vmul.f32 v52, v5;
	(erf) = vrcp.f32 v56  }
0x330: {  	v17 =	vld [tilespmem:$0x950];
	v9 =	vadd.f32 v8, v9;
	v5 =	vmul.f32 v55, v5;
	v60 =	vpop (erf);
	(erf) = vrcp.f32 v58  }
0x331: {  	v37 =	vld [tilespmem:$0xD70];
	v12 =	vadd.f32 v54, v12;
	v62 =	vmul.f32 v60, v3;
	v63 =	vpop (erf);
	(erf) = vrcp.f32 v59  }
0x332: {  	v42 =	vld [tilespmem:$0xD80];
	v9 =	vadd.f32 v5, v9;
	v3 =	vmul.f32 v63, v3;
	(erf) = vrcp.f32 v61  }
0x333: {  	v26 =	vld [tilespmem:$0x1180];
	v54 =	vadd.f32 $1.000000010e-07, v16;
	v12 =	vadd.f32 v62, v12;
	v31 =	vpop (erf);
	(erf) = vrcp.f32 v27  }
0x334: {  	v47 =	vld [tilespmem:$0x990];
	v9 =	vadd.f32 v3, v9;
	v22 =	vmul.f32 v31, v1;
	(erf) = vrcp.f32 v10;
	v33 =	vpop (erf)  }
0x335: {  	v31 =	vadd.f32 $1.000000010e-07, v18;
	v10 =	vld [tilespmem:$0x980];
	(erf) = vrcp.f32 v28;
	v1 =	vmul.f32 v33, v1  }
0x336: {  	v55 =	vld [tilespmem:$0x9A0];
	v12 =	vadd.f32 v22, v12;
	v35 =	vpop (erf);
	(erf) = vrcp.f32 v32;
	v33 =	vadd.f32 $1.000000010e-07, v11  }
0x337: {  	v63 =	vld [tilespmem:$0x9B0];
	v38 =	vmul.f32 v35, v2;
	v39 =	vpop (erf);
	(erf) = vrcp.f32 v34;
	v1 =	vadd.f32 v1, v9  }
0x338: {  	v8 =	vld [tilespmem:$0x1140];
	v2 =	vmul.f32 v39, v2;
	v40 =	vpop (erf);
	(erf) = vrcp.f32 v36;
	v36 =	vadd.f32 $1.000000010e-07, v37  }
0x339: {  	v16 =	vld [tilespmem:$0x11E0];
	v39 =	vadd.f32 $1.000000010e-07, v42;
	v12 =	vadd.f32 v38, v12;
	v9 =	vmul.f32 v40, v4  }
0x33a: {  	v5 =	vld [tilespmem:$0x1150];
	v41 =	vpop (erf);
	(erf) = vrcp.f32 v13;
	v38 =	vadd.f32 $1.000000010e-07, v21;
	v42 =	vadd.f32 $1.000000010e-07, v10  }
0x33b: {  	v58 =	vld [tilespmem:$0xDA0];
	v1 =	vadd.f32 v2, v1;
	v44 =	vpop (erf);
	(erf) = vrcp.f32 v45;
	v45 =	vadd.f32 $1.000000010e-07, v50  }
0x33c: {  	v34 =	vld [tilespmem:$0x9C0];
	v43 =	vmul.f32 v41, v4;
	v50 =	vadd.f32 $1.000000010e-07, v55;
	v55 =	vadd.f32 $1.000000010e-07, v63  }
0x33d: {  	v40 =	vld [tilespmem:$0x9D0];
	v9 =	vadd.f32 v9, v12;
	v4 =	vmul.f32 v44, v6;
	v46 =	vpop (erf);
	(erf) = vrcp.f32 v19  }
0x33e: {  	v3 =	vld [tilespmem:$0x1160];
	v1 =	vadd.f32 v43, v1;
	v48 =	vmul.f32 v46, v6;
	v49 =	vpop (erf);
	(erf) = vrcp.f32 v54  }
0x33f: {  	v43 =	vld [tilespmem:$0xDD0];
	v46 =	vadd.f32 $1.000000010e-07, v47;
	v4 =	vadd.f32 v4, v9;
	v6 =	vmul.f32 v49, v7;
	v51 =	vpop (erf)  }
0x340: {  	v18 =	vld [tilespmem:$0x11B0];
	v47 =	vadd.f32 $1.000000010e-07, v58;
	v1 =	vadd.f32 v48, v1;
	v52 =	vmul.f32 v51, v7;
	v53 =	vpop (erf)  }
0x341: {  	v22 =	vld [tilespmem:$0x1190];
	v11 =	vadd.f32 $1.000000010e-07, v34;
	v4 =	vadd.f32 v6, v4;
	v56 =	vmul.f32 v53, v29  }
0x342: {  	v37 =	vld [tilespmem:$0xDC0];
	v57 =	vpop (erf);
	(erf) = vrcp.f32 v20;
	v6 =	vadd.f32 $1.000000010e-07, v40;
	v1 =	vadd.f32 v52, v1  }
0x343: {  	v13 =	vld [tilespmem:$0x9E0];
	v59 =	vmul.f32 v57, v29;
	v60 =	vpop (erf);
	v29 =	vadd.f32 $1.000000010e-07, v17;
	v52 =	vadd.f32 $1.000000010e-07, v30  }
0x344: {  	v21 =	vld [tilespmem:$0x1290];
	v4 =	vadd.f32 v56, v4;
	v61 =	vmul.f32 v60, v24;
	v62 =	vpop (erf);
	v10 =	vadd.f32 $1.000000010e-07, v43  }
0x345: {  	v60 =	vld [tilespmem:$0xA00];
	v1 =	vadd.f32 v59, v1;
	v28 =	vmul.f32 v62, v24;
	v32 =	vpop (erf);
	(erf) = vrcp.f32 v29  }
0x346: {  	v29 =	vld [tilespmem:$0xA10];
	v4 =	vadd.f32 v61, v4;
	v2 =	vmul.f32 v32, v15;
	v35 =	vpop (erf);
	(erf) = vrcp.f32 v31  }
0x347: {  	v48 =	vld [tilespmem:$0xDE0];
	v1 =	vadd.f32 v28, v1;
	v15 =	vmul.f32 v35, v15;
	(erf) = vrcp.f32 v33  }
0x348: {  	v62 =	vadd.f32 $1.000000010e-07, v37;
	v37 =	vld [tilespmem:$0xA20];
	v41 =	vpop (erf);
	v2 =	vadd.f32 v2, v4;
	(erf) = vrcp.f32 v36  }
0x349: {  	v63 =	vld [tilespmem:$0xE00];
	v44 =	vpop (erf);
	v1 =	vadd.f32 v15, v1;
	(erf) = vrcp.f32 v38;
	v15 =	vmul.f32 v41, v8  }
0x34a: {  	v56 =	vld [tilespmem:$0xDF0];
	v8 =	vmul.f32 v44, v8;
	v7 =	vadd.f32 $1.000000010e-07, v60;
	(erf) = vrcp.f32 v39  }
0x34b: {  	v53 =	vld [tilespmem:$0x9F0];
	v60 =	vadd.f32 $1.000000010e-07, v29;
	(erf) = vrcp.f32 v42;
	v2 =	vadd.f32 v15, v2;
	v49 =	vpop (erf)  }
0x34c: {  	v12 =	vld [tilespmem:$0x11D0];
	v1 =	vadd.f32 v8, v1;
	(erf) = vrcp.f32 v45;
	v8 =	vmul.f32 v49, v5  }
0x34d: {  	v40 =	vld [tilespmem:$0xE20];
	v23 =	vadd.f32 $1.000000010e-07, v37;
	v45 =	vadd.f32 $1.000000010e-07, v48;
	(erf) = vrcp.f32 v46  }
0x34e: {  	v32 =	vld [tilespmem:$0xE10];
	v48 =	vadd.f32 $1.000000010e-07, v13;
	v51 =	vpop (erf);
	(erf) = vrcp.f32 v47;
	v2 =	vadd.f32 v8, v2  }
0x34f: {  	v46 =	vld [tilespmem:$0xA30];
	v5 =	vmul.f32 v51, v5;
	v54 =	vpop (erf);
	(erf) = vrcp.f32 v50;
	v50 =	vadd.f32 $1.000000010e-07, v56  }
0x350: {  	v9 =	vld [tilespmem:$0x11A0];
	v57 =	vmul.f32 v54, v3;
	v58 =	vpop (erf);
	(erf) = vrcp.f32 v52;
	v52 =	vadd.f32 $1.000000010e-07, v53  }
0x351: {  	v20 =	vld [tilespmem:$0x11C0];
	v1 =	vadd.f32 v5, v1;
	v59 =	vpop (erf);
	(erf) = vrcp.f32 v55;
	v55 =	vadd.f32 $1.000000010e-07, v63  }
0x352: {  	v49 =	vld [tilespmem:$0xE30];
	v3 =	vmul.f32 v58, v3;
	v63 =	vadd.f32 $1.000000010e-07, v40;
	v2 =	vadd.f32 v57, v2  }
0x353: {  	v56 =	vld [tilespmem:$0xE40];
	v5 =	vmul.f32 v59, v14;
	v61 =	vpop (erf);
	(erf) = vrcp.f32 v62;
	v57 =	vadd.f32 $1.000000010e-07, v32  }
0x354: {  	v58 =	vld [tilespmem:$0xA50];
	v29 =	vadd.f32 $1.000000010e-07, v46;
	v1 =	vadd.f32 v3, v1;
	v24 =	vmul.f32 v61, v14;
	v25 =	vpop (erf)  }
0x355: {  	v53 =	vld [tilespmem:$0xA40];
	(erf) = vrcp.f32 v11;
	v2 =	vadd.f32 v5, v2;
	v27 =	vmul.f32 v25, v26;
	v28 =	vpop (erf)  }
0x356: {  	(erf) = vrcp.f32 v10;
	v25 =	vld [tilespmem:$0xA60];
	v1 =	vadd.f32 v24, v1;
	v30 =	vmul.f32 v28, v26  }
0x357: {  	v32 =	vld [tilespmem:$0xA70];
	v31 =	vpop (erf);
	(erf) = vrcp.f32 v6;
	v26 =	vadd.f32 $1.000000010e-07, v49;
	v2 =	vadd.f32 v27, v2  }
0x358: {  	v61 =	vld [tilespmem:$0xE50];
	v33 =	vmul.f32 v31, v22;
	v34 =	vpop (erf);
	(erf) = vrcp.f32 v45;
	v31 =	vadd.f32 $1.000000010e-07, v56  }
0x359: {  	v4 =	vld [tilespmem:$0x11F0];
	v5 =	vadd.f32 $1.000000010e-07, v58;
	v1 =	vadd.f32 v30, v1;
	v35 =	vmul.f32 v34, v22;
	v36 =	vpop (erf)  }
0x35a: {  	v13 =	vld [tilespmem:$0x1260];
	v34 =	vadd.f32 $1.000000010e-07, v53;
	v2 =	vadd.f32 v33, v2;
	v38 =	vmul.f32 v36, v9;
	v39 =	vpop (erf)  }
0x35b: {  	v8 =	vld [tilespmem:$0x1240];
	v1 =	vadd.f32 v35, v1;
	v42 =	vpop (erf);
	v56 =	vadd.f32 $1.000000010e-07, v25  }
0x35c: {  	v14 =	vld [tilespmem:$0x1200];
	v41 =	vmul.f32 v39, v9;
	v25 =	vadd.f32 $1.000000010e-07, v32;
	v2 =	vadd.f32 v38, v2;
	v44 =	vpop (erf)  }
0x35d: {  	v24 =	vld [tilespmem:$0x1210];
	v43 =	vmul.f32 v42, v18;
	v42 =	vadd.f32 $1.000000010e-07, v61;
	v51 =	vpop (erf);
	(erf) = vrcp.f32 v48  }
0x35e: {  	v35 =	vld [tilespmem:$0xE70];
	v1 =	vadd.f32 v41, v1;
	v47 =	vmul.f32 v44, v18;
	v54 =	vpop (erf);
	(erf) = vrcp.f32 v50  }
0x35f: {  	v27 =	vld [tilespmem:$0xE60];
	v2 =	vadd.f32 v43, v2;
	v3 =	vmul.f32 v51, v20;
	(erf) = vrcp.f32 v52  }
0x360: {  	v39 =	vld [tilespmem:$0xA80];
	v1 =	vadd.f32 v47, v1;
	v18 =	vmul.f32 v54, v20;
	v59 =	vpop (erf);
	(erf) = vrcp.f32 v55  }
0x361: {  	v43 =	vld [tilespmem:$0xE80];
	v2 =	vadd.f32 v3, v2;
	v11 =	vmul.f32 v59, v12;
	v62 =	vpop (erf);
	(erf) = vrcp.f32 v7  }
0x362: {  	v59 =	vld [tilespmem:$0xEA0];
	v1 =	vadd.f32 v18, v1;
	v12 =	vmul.f32 v62, v12;
	(erf) = vrcp.f32 v57  }
0x363: {  	v48 =	vld [tilespmem:$0xA90];
	v22 =	vadd.f32 $1.000000010e-07, v35;
	v28 =	vpop (erf);
	v2 =	vadd.f32 v11, v2;
	(erf) = vrcp.f32 v60  }
0x364: {  	v32 =	vld [tilespmem:$0xEC0];
	v1 =	vadd.f32 v12, v1;
	v12 =	vmul.f32 v28, v16;
	(erf) = vrcp.f32 v63  }
0x365: {  	v7 =	vadd.f32 $1.000000010e-07, v39;
	v11 =	vadd.f32 $1.000000010e-07, v27;
	v57 =	vld [tilespmem:$0xAA0];
	(erf) = vrcp.f32 v23  }
0x366: {  	v27 =	vadd.f32 $1.000000010e-07, v43;
	v2 =	vadd.f32 v12, v2;
	v23 =	vld [tilespmem:$0xAB0];
	v30 =	vpop (erf);
	(erf) = vrcp.f32 v26  }
0x367: {  	v51 =	vld [tilespmem:$0xE90];
	v35 =	vadd.f32 $1.000000010e-07, v59;
	v15 =	vmul.f32 v30, v16;
	v33 =	vpop (erf);
	(erf) = vrcp.f32 v29  }
0x368: {  	v26 =	vld [tilespmem:$0xEB0];
	v36 =	vmul.f32 v33, v4;
	v37 =	vpop (erf);
	(erf) = vrcp.f32 v31;
	v33 =	vadd.f32 $1.000000010e-07, v48  }
0x369: {  	v30 =	vld [tilespmem:$0xAC0];
	v1 =	vadd.f32 v15, v1;
	v4 =	vmul.f32 v37, v4;
	v38 =	vpop (erf);
	(erf) = vrcp.f32 v34  }
0x36a: {  	v6 =	vld [tilespmem:$0x1220];
	v2 =	vadd.f32 v36, v2;
	v40 =	vmul.f32 v38, v14;
	v41 =	vpop (erf);
	(erf) = vrcp.f32 v42  }
0x36b: {  	v9 =	vld [tilespmem:$0x1230];
	v38 =	vadd.f32 $1.000000010e-07, v57;
	v43 =	vadd.f32 $1.000000010e-07, v23;
	v45 =	vpop (erf);
	(erf) = vrcp.f32 v5  }
0x36c: {  	v39 =	vld [tilespmem:$0xED0];
	v1 =	vadd.f32 v4, v1;
	v44 =	vmul.f32 v41, v14;
	v5 =	vadd.f32 $1.000000010e-07, v51;
	v47 =	vpop (erf)  }
0x36d: {  	v41 =	vadd.f32 $1.000000010e-07, v26;
	v51 =	vld [tilespmem:$0xAF0];
	v2 =	vadd.f32 v40, v2;
	v46 =	vmul.f32 v45, v24;
	v50 =	vpop (erf)  }
0x36e: {  	v10 =	vld [tilespmem:$0x1250];
	(erf) = vrcp.f32 v11;
	v45 =	vadd.f32 $1.000000010e-07, v32;
	v48 =	vadd.f32 $1.000000010e-07, v30;
	v53 =	vpop (erf)  }
0x36f: {  	v3 =	vld [tilespmem:$0x1270];
	v1 =	vadd.f32 v44, v1;
	v49 =	vmul.f32 v47, v24;
	(erf) = vrcp.f32 v56;
	v55 =	vpop (erf)  }
0x370: {  	v18 =	vld [tilespmem:$0x1300];
	v2 =	vadd.f32 v46, v2;
	v52 =	vmul.f32 v50, v6;
	(erf) = vrcp.f32 v22;
	v58 =	vpop (erf)  }
0x371: {  	v44 =	vld [tilespmem:$0xAE0];
	v50 =	vadd.f32 $1.000000010e-07, v39;
	v1 =	vadd.f32 v49, v1;
	v54 =	vmul.f32 v53, v6;
	v61 =	vpop (erf)  }
0x372: {  	v28 =	vld [tilespmem:$0x12B0];
	v2 =	vadd.f32 v52, v2;
	v6 =	vmul.f32 v55, v9;
	v11 =	vadd.f32 $1.000000010e-07, v51;
	v63 =	vpop (erf)  }
0x373: {  	v46 =	vld [tilespmem:$0xEE0];
	v1 =	vadd.f32 v54, v1;
	v60 =	vmul.f32 v58, v9;
	v29 =	vpop (erf);
	(erf) = vrcp.f32 v25  }
0x374: {  	v12 =	vld [tilespmem:$0x12A0];
	v2 =	vadd.f32 v6, v2;
	v62 =	vmul.f32 v61, v8;
	v31 =	vpop (erf);
	(erf) = vrcp.f32 v27  }
0x375: {  	v53 =	vld [tilespmem:$0xEF0];
	v1 =	vadd.f32 v60, v1;
	v24 =	vmul.f32 v63, v8;
	(erf) = vrcp.f32 v7  }
0x376: {  	v15 =	vld [tilespmem:$0x1280];
	v17 =	vadd.f32 $1.000000010e-07, v44;
	v2 =	vadd.f32 v62, v2;
	v4 =	vmul.f32 v29, v10  }
0x377: {  	v36 =	vld [tilespmem:$0xAD0];
	v1 =	vadd.f32 v24, v1;
	v10 =	vmul.f32 v31, v10;
	(erf) = vrcp.f32 v5  }
0x378: {  	v30 =	vld [tilespmem:$0xB20];
	v6 =	vadd.f32 $1.000000010e-07, v46;
	v37 =	vpop (erf);
	v2 =	vadd.f32 v4, v2;
	(erf) = vrcp.f32 v33  }
0x379: {  	v39 =	vld [tilespmem:$0xB30];
	v40 =	vpop (erf);
	v1 =	vadd.f32 v10, v1;
	v10 =	vmul.f32 v37, v13;
	(erf) = vrcp.f32 v35  }
0x37a: {  	v58 =	vld [tilespmem:$0xB00];
	v7 =	vadd.f32 $1.000000010e-07, v53;
	v13 =	vmul.f32 v40, v13;
	v47 =	vpop (erf);
	(erf) = vrcp.f32 v38  }
0x37b: {  	v61 =	vld [tilespmem:$0xF00];
	v2 =	vadd.f32 v10, v2;
	v10 =	vmul.f32 v47, v3;
	(erf) = vrcp.f32 v41  }
0x37c: {  	v5 =	vadd.f32 $1.000000010e-07, v36;
	v1 =	vadd.f32 v13, v1;
	v41 =	vld [tilespmem:$0xF30];
	(erf) = vrcp.f32 v43;
	v49 =	vpop (erf)  }
0x37d: {  	v46 =	vld [tilespmem:$0xF40];
	v2 =	vadd.f32 v10, v2;
	(erf) = vrcp.f32 v45;
	v3 =	vmul.f32 v49, v3;
	v52 =	vpop (erf)  }
0x37e: {  	v34 =	vld [tilespmem:$0x12C0];
	(erf) = vrcp.f32 v48;
	v49 =	vadd.f32 $1.000000010e-07, v30;
	v54 =	vmul.f32 v52, v15;
	v55 =	vpop (erf)  }
0x37f: {  	v42 =	vld [tilespmem:$0x12D0];
	(erf) = vrcp.f32 v50;
	v1 =	vadd.f32 v3, v1;
	v56 =	vmul.f32 v55, v15  }
0x380: {  	v33 =	vld [tilespmem:$0xF20];
	v57 =	vpop (erf);
	(erf) = vrcp.f32 v5;
	v15 =	vadd.f32 $1.000000010e-07, v61;
	v5 =	vadd.f32 $1.000000010e-07, v58  }
0x381: {  	v8 =	vld [tilespmem:$0x12E0];
	v51 =	vadd.f32 $1.000000010e-07, v41;
	v2 =	vadd.f32 v54, v2;
	v59 =	vmul.f32 v57, v21  }
0x382: {  	v48 =	vld [tilespmem:$0xB40];
	v60 =	vpop (erf);
	(erf) = vrcp.f32 v6;
	v54 =	vadd.f32 $1.000000010e-07, v39;
	v57 =	vadd.f32 $1.000000010e-07, v46  }
0x383: {  	v27 =	vld [tilespmem:$0x1310];
	v1 =	vadd.f32 v56, v1;
	v62 =	vmul.f32 v60, v21;
	v63 =	vpop (erf);
	(erf) = vrcp.f32 v17  }
0x384: {  	v50 =	vld [tilespmem:$0xF50];
	v2 =	vadd.f32 v59, v2;
	v19 =	vmul.f32 v63, v12;
	v20 =	vpop (erf);
	(erf) = vrcp.f32 v7  }
0x385: {  	v21 =	vld [tilespmem:$0xB10];
	v7 =	vadd.f32 $1.000000010e-07, v33;
	v1 =	vadd.f32 v62, v1;
	v22 =	vmul.f32 v20, v12;
	v23 =	vpop (erf)  }
0x386: {  	v24 =	vld [tilespmem:$0xF10];
	(erf) = vrcp.f32 v11;
	v2 =	vadd.f32 v19, v2;
	v25 =	vmul.f32 v23, v28;
	v26 =	vpop (erf)  }
0x387: {  	v4 =	vld [tilespmem:$0x12F0];
	v10 =	vadd.f32 $1.000000010e-07, v48;
	v1 =	vadd.f32 v22, v1;
	v28 =	vmul.f32 v26, v28;
	v29 =	vpop (erf)  }
0x388: {  	v36 =	vld [tilespmem:$0x1320];
	(erf) = vrcp.f32 v15;
	v2 =	vadd.f32 v25, v2;
	v31 =	vmul.f32 v29, v34;
	v32 =	vpop (erf)  }
0x389: {  	v55 =	vld [tilespmem:$0xF60];
	v61 =	vadd.f32 $1.000000010e-07, v50;
	v1 =	vadd.f32 v28, v1;
	v34 =	vmul.f32 v32, v34;
	v35 =	vpop (erf)  }
0x38a: {  	v52 =	vld [tilespmem:$0xB50];
	v45 =	vadd.f32 $1.000000010e-07, v21;
	v2 =	vadd.f32 v31, v2;
	v37 =	vmul.f32 v35, v42;
	v38 =	vpop (erf)  }
0x38b: {  	v58 =	vld [tilespmem:$0xB60];
	v1 =	vadd.f32 v34, v1;
	v40 =	vmul.f32 v38, v42;
	v42 =	vadd.f32 $1.000000010e-07, v24;
	v44 =	vpop (erf)  }
0x38c: {  	v20 =	vld [tilespmem:$0xB70];
	(erf) = vrcp.f32 v5;
	v2 =	vadd.f32 v37, v2;
	v3 =	vmul.f32 v44, v8;
	v47 =	vpop (erf)  }
0x38d: {  	v63 =	vld [tilespmem:$0xF70];
	v1 =	vadd.f32 v40, v1;
	(erf) = vrcp.f32 v42;
	v8 =	vmul.f32 v47, v8  }
0x38e: {  	v19 =	vadd.f32 $1.000000010e-07, v55;
	v31 =	vld [tilespmem:$0xB80];
	v53 =	vpop (erf);
	(erf) = vrcp.f32 v45;
	v2 =	vadd.f32 v3, v2  }
0x38f: {  	v56 =	vpop (erf);
	v45 =	vld [tilespmem:$0xFA0];
	(erf) = vrcp.f32 v7;
	v1 =	vadd.f32 v8, v1;
	v8 =	vmul.f32 v53, v4  }
0x390: {  	v50 =	vld [tilespmem:$0xFB0];
	v6 =	vadd.f32 $1.000000010e-07, v58;
	v4 =	vmul.f32 v56, v4;
	(erf) = vrcp.f32 v49  }
0x391: {  	v9 =	vadd.f32 $1.000000010e-07, v20;
	v62 =	vpop (erf);
	v53 =	vld [tilespmem:$0xBB0];
	(erf) = vrcp.f32 v51;
	v2 =	vadd.f32 v8, v2  }
0x392: {  	v56 =	vld [tilespmem:$0xFC0];
	v1 =	vadd.f32 v4, v1;
	v4 =	vmul.f32 v62, v18;
	(erf) = vrcp.f32 v54  }
0x393: {  	v58 =	vld [tilespmem:$0xBC0];
	v7 =	vadd.f32 $1.000000010e-07, v52;
	v44 =	vadd.f32 $1.000000010e-07, v31;
	(erf) = vrcp.f32 v57  }
0x394: {  	v28 =	vld [tilespmem:$0xF80];
	v2 =	vadd.f32 v4, v2;
	v57 =	vadd.f32 $1.000000010e-07, v45;
	(erf) = vrcp.f32 v10  }
0x395: {  	v39 =	vld [tilespmem:$0xF90];
	v16 =	vpop (erf);
	v10 =	vadd.f32 $1.000000010e-07, v63;
	v63 =	vadd.f32 $1.000000010e-07, v50;
	(erf) = vrcp.f32 v61  }
0x396: {  	v17 =	vld [tilespmem:$0xFE0];
	v13 =	vmul.f32 v16, v18;
	v16 =	vadd.f32 $1.000000010e-07, v53;
	v21 =	vpop (erf);
	(erf) = vrcp.f32 v7  }
0x397: {  	v61 =	vld [tilespmem:$0xFD0];
	v18 =	vadd.f32 $1.000000010e-07, v56;
	v23 =	vmul.f32 v21, v27;
	v24 =	vpop (erf);
	(erf) = vrcp.f32 v19  }
0x398: {  	v43 =	vld [tilespmem:$0x1330];
	v1 =	vadd.f32 v13, v1;
	v26 =	vmul.f32 v24, v27;
	v27 =	vpop (erf);
	(erf) = vrcp.f32 v6  }
0x399: {  	v59 =	vld [tilespmem:$0x1340];
	v21 =	vadd.f32 $1.000000010e-07, v58;
	v6 =	vadd.f32 $1.000000010e-07, v28;
	v30 =	vpop (erf);
	(erf) = vrcp.f32 v10  }
0x39a: {  	v15 =	vld [tilespmem:$0xBD0];
	v2 =	vadd.f32 v23, v2;
	v29 =	vmul.f32 v27, v36;
	v32 =	vpop (erf);
	(erf) = vrcp.f32 v9  }
0x39b: {  	v27 =	vadd.f32 $1.000000010e-07, v17;
	v1 =	vadd.f32 v26, v1;
	v11 =	vmul.f32 v30, v36;
	v36 =	vld [tilespmem:$0xB90];
	v35 =	vpop (erf)  }
0x39c: {  	v60 =	vld [tilespmem:$0x1350];
	v9 =	vadd.f32 $1.000000010e-07, v39;
	v24 =	vadd.f32 $1.000000010e-07, v61;
	v38 =	vpop (erf)  }
0x39d: {  	v48 =	vld [tilespmem:$0xBA0];
	v2 =	vadd.f32 v29, v2;
	v34 =	vmul.f32 v32, v43;
	(erf) = vrcp.f32 v6;
	v41 =	vpop (erf)  }
0x39e: {  	v19 =	vld [tilespmem:$0xBE0];
	v1 =	vadd.f32 v11, v1;
	v37 =	vmul.f32 v35, v43;
	(erf) = vrcp.f32 v44;
	v43 =	vpop (erf)  }
0x39f: {  	v22 =	vld [tilespmem:$0x1360];
	v11 =	vadd.f32 $1.000000010e-07, v15;
	v2 =	vadd.f32 v34, v2;
	v40 =	vmul.f32 v38, v59;
	v47 =	vpop (erf)  }
0x3a0: {  	(erf) = vrcp.f32 v9;
	v1 =	vadd.f32 v37, v1;
	v55 =	vadd.f32 $1.000000010e-07, v36;
	v49 =	vpop (erf)  }
0x3a1: {  	v25 =	vld [tilespmem:$0x1370];
	v5 =	vmul.f32 v41, v59;
	v2 =	vadd.f32 v40, v2;
	v46 =	vmul.f32 v43, v60;
	v52 =	vpop (erf)  }
0x3a2: {  	v3 =	vmul.f32 v47, v60;
	v60 =	vadd.f32 $1.000000010e-07, v48;
	v59 =	vpop (erf);
	(erf) = vrcp.f32 v55  }
0x3a3: {  	v33 =	vld [tilespmem:$0x1380];
	v4 =	vadd.f32 $1.000000010e-07, v19;
	v1 =	vadd.f32 v5, v1;
	v62 =	vpop (erf);
	(erf) = vrcp.f32 v57  }
0x3a4: {  	v2 =	vadd.f32 v46, v2;
	v51 =	vmul.f32 v49, v22;
	(erf) = vrcp.f32 v60  }
0x3a5: {  	v42 =	vld [tilespmem:$0x1390];
	v1 =	vadd.f32 v3, v1;
	v54 =	vmul.f32 v52, v22;
	(erf) = vrcp.f32 v63  }
0x3a6: {  	v22 =	vld [tilespmem:$0xFF0];
	v2 =	vadd.f32 v51, v2;
	v3 =	vmul.f32 v59, v25;
	(erf) = vrcp.f32 v16  }
0x3a7: {  	v1 =	vadd.f32 v54, v1;
	v8 =	vmul.f32 v62, v25;
	v20 =	vpop (erf);
	v25 =	vld [tilespmem:$0xBF0];
	(erf) = vrcp.f32 v18  }
0x3a8: {  	v26 =	vld [tilespmem:$0x13A0];
	v2 =	vadd.f32 v3, v2;
	v7 =	vmul.f32 v20, v33;
	v23 =	vpop (erf);
	(erf) = vrcp.f32 v21  }
0x3a9: {  	v1 =	vadd.f32 v8, v1;
	v9 =	vmul.f32 v23, v33;
	v28 =	vpop (erf);
	(erf) = vrcp.f32 v24  }
0x3aa: {  	v29 =	vld [tilespmem:$0x13B0];
	v2 =	vadd.f32 v7, v2;
	v31 =	vmul.f32 v28, v42;
	(erf) = vrcp.f32 v11  }
0x3ab: {  	v32 =	vadd.f32 $1.000000010e-07, v22;
	v1 =	vadd.f32 v9, v1;
	v30 =	vpop (erf);
	(erf) = vrcp.f32 v27  }
0x3ac: {  	v35 =	vld [tilespmem:$0x13C0];
	v6 =	vadd.f32 $1.000000010e-07, v25;
	v33 =	vmul.f32 v30, v42;
	v34 =	vpop (erf);
	(erf) = vrcp.f32 v4  }
0x3ad: {  	v2 =	vadd.f32 v31, v2;
	v36 =	vpop (erf);
	(erf) = vrcp.f32 v32;
	v37 =	vmul.f32 v34, v26  }
0x3ae: {  	v39 =	vld [tilespmem:$0x13D0];
	v1 =	vadd.f32 v33, v1;
	v3 =	vmul.f32 v36, v26;
	v38 =	vpop (erf);
	(erf) = vrcp.f32 v6  }
0x3af: {  	v40 =	vpop (erf);
	v2 =	vadd.f32 v37, v2;
	v5 =	vmul.f32 v38, v29  }
0x3b0: {  	v43 =	vld [tilespmem:$0x13E0];
	v41 =	vpop (erf);
	v1 =	vadd.f32 v3, v1;
	v42 =	vmul.f32 v40, v29  }
0x3b1: {  	v44 =	vpop (erf);
	v2 =	vadd.f32 v5, v2;
	v45 =	vmul.f32 v41, v35  }
0x3b2: {  	v48 =	vld [tilespmem:$0x13F0];
	v46 =	vpop (erf);
	v1 =	vadd.f32 v42, v1;
	v47 =	vmul.f32 v44, v35  }
0x3b3: {  	v49 =	vpop (erf);
	v2 =	vadd.f32 v45, v2;
	v50 =	vmul.f32 v46, v39  }
0x3b4: {  	v51 =	vpop (erf);
	v1 =	vadd.f32 v47, v1;
	v52 =	vmul.f32 v49, v39  }
0x3b5: {  	v53 =	vpop (erf);
	v2 =	vadd.f32 v50, v2;
	v54 =	vmul.f32 v51, v43  }
0x3b6: {  	v55 =	vpop (erf);
	v1 =	vadd.f32 v52, v1;
	v56 =	vmul.f32 v53, v43  }
0x3b7: {  	v2 =	vadd.f32 v54, v2;
	v57 =	vmul.f32 v55, v48;
	v58 =	vpop (erf)  }
0x3b8: {  	v1 =	vadd.f32 v56, v1;
	v59 =	vmul.f32 v58, v48  }
0x3b9: {  	v2 =	vadd.f32 v57, v2  }
0x3ba: {  	v1 =	vadd.f32 v59, v1  }
0x3bb: {  	(xrf2) =	vadd.scan.msk.f32 $0xffff, v2  }
0x3bc: {  	(xrf2) =	vadd.scan.msk.f32 $0xffff, v1;
	_ =	sdelay $0x8  }
0x3bd: {  	v60, _, _ =	vpop (xrf2)  }
0x3be: {  	v61, _, _ =	vpop (xrf2)  }
0x3bf: {  	v1 =	vbroadcast v60, $0xF;
	v2 =	vbroadcast v61, $0xF;
	_ =	sdelay $0x1  }
0x3c0: {  	v1 =	vmul.f32 v1, v0;
	v62 =	vmul.f32 v2, v0;
	_ =	sdelay $0x1  }
0x3c1: {  	v2 =	vadd.f32 v1, v62;
	_ =	sdelay $0x1  }
0x3c2: {  	v2 =	vadd.f32 $1.000000010e-07, v2;
	_ =	sdelay $0x1  }
0x3c3: {  	(erf) = vrcp.f32 v2;
	_ =	sdelay $0x5  }
0x3c4: {  	v0 =	vadd.f32 v62, v62;
	_ =	sdelay $0x1  }
0x3c5: {  	v0 =	vmul.f32 v1, v0  }
0x3c6: {  	v63 =	vpop (erf)  }
0x3c7: {  	v0 =	vmul.f32 v63, v0;
	_ =	sdelay $0x1  }
0x3c8: {  	s31 =	simm.s32 $0x1880;
	[tilespmem:$0x1880] =	vst v0  }
0x3c9: {  	[hbm4b:s1+s2] =	stream.linear.scatter [tilespmem:s31], [sflag:$0x1], $0x80, $0x38;
	[tilespmem:$0x1A00] =	vst v63  }
0x3ca: {  	_ =	swait.ge [sflag:s3], $0x80  }
0x3cb: {  	[sflag:s3] =	ssyncset.done $0x0  }
0x3cc: {  	[sflag:s3] =	ssyncadd.s32 $0xFFFFFF80  }
0x3cd: {  	_ =	sfence.sel $0x180000  }
0x3ce: {  	[bflag:$0x0] =	sbarrier.arrive $0xFFFF  }
0x3cf: {  	_ =	strace $0x90000047  }
0x3d0: {  	s0 =	sadd.s32 $0x100000, s0;
	[bflag:$0x2] =	sbarrier.arrive $0xFFFF  }
0x3d1: {  	[sflag:s0] =	ssyncadd.tile.s32 $0x1;
	_ =	shalt  }
.Lfunc_end2:
_tile_overlayer_lowered:
.L_overlay_start_2:
0x3d2: {  	(tag) =	ssettag $0x2  }
0x3d3: {  	s0 =	rddreg [dreg:$0x0];
	s2 =	stileid.u32  }
0x3d4: {  	s1 =	rddreg [dreg:$0x1];
	p0 =	sne.s32 s2, $0x0  }
0x3d5: {  	s3 =	rddreg [dreg:$0x2];
	[bflag:$0x3] =	sbarrier.arrive $0xFFFF;
	s2 =	simm.s32 @!p0 $0x1C01  }
0x3d6: {  	[timem:s3], [sflag:s2] =	dma.local @!p0 [hbm:s0], s1  }
0x3d7: {  	s0 =	simm.s32 @!p0 $0x1  }
0x3d8: {  	_ =	swait.ge @!p0 [sflag:s0], s1  }
0x3d9: {  	s1 =	ssub.s32 @!p0 $0x0, s1;
	[sflag:s0] =	ssyncset.done @!p0 $0x0  }
0x3da: {  	[sflag:s0] =	ssyncadd.s32 @!p0 s1  }
0x3db: {  	[bflag:$0x3] =	sbarrier.arrive $0xFFFF  }
0x3dc: {  	_ =	shalt  }

</sc_bundles>
